<compile_context>
chip_gen: v7x
topology: tpu7x:2x2x1
jax: 0.10.2.dev20260603
libtpu: 0.0.44.dev20260713+nightly
codegen_flags: <defaults>
</compile_context>

<pallas_src>
import functools

import jax
import jax.numpy as jnp
from jax import lax
from jax.experimental import pallas as pl
from jax.experimental.pallas import tpu as pltpu
from jax.experimental.pallas import tpu_sc as plsc

N = 10000
E = 320000
D = 128

NC = 2
NS = 16
NW = NC * NS
EPW = E // NW
CHUNK = 100
NCHUNK = EPW // CHUNK
CHUNK_A = 40
NCHUNK_A = EPW // CHUNK_A
NPAD = 10112
RPW = NPAD // NS
DEGW = 128

_MESH = plsc.VectorSubcoreMesh(
    core_axis_name="c", subcore_axis_name="s", num_cores=NC, num_subcores=NS)


NBUF = 5


def _deg_body(dst3, ones_hbm, zeros_hbm, out_hbm, deg_sh, didx_v, ones_v, sem):
  cid = lax.axis_index("c")
  sid = lax.axis_index("s")
  wid = sid * NC + cid
  pltpu.sync_copy(zeros_hbm.at[pl.ds(sid * RPW, RPW)],
                  deg_sh.at[pl.ds(sid * RPW, RPW)])
  pltpu.sync_copy(ones_hbm, ones_v)
  pltpu.sync_copy(dst3.at[wid], didx_v)
  plsc.subcore_barrier()

  def group(g, carry):
    base = g * NBUF
    for b in range(NBUF):
      pltpu.async_copy(ones_v, deg_sh.at[didx_v.at[base + b]], sem, add=True)
    for b in range(NBUF):
      pltpu.make_async_copy(ones_hbm, ones_v, sem).wait()
    return carry

  lax.fori_loop(0, NCHUNK // NBUF, group, 0)
  plsc.subcore_barrier()
  pltpu.sync_copy(deg_sh.at[pl.ds(sid * RPW, RPW)],
                  out_hbm.at[cid, pl.ds(sid * RPW, RPW)])


_deg_kernel = pl.kernel(
    _deg_body,
    out_type=jax.ShapeDtypeStruct((NC, NPAD, DEGW), jnp.float32),
    mesh=_MESH,
    scratch_types=[
        pltpu.VMEM_SHARED((NPAD, DEGW), jnp.float32),
        pltpu.VMEM((NCHUNK, CHUNK), jnp.int32),
        pltpu.VMEM((CHUNK, DEGW), jnp.float32),
        pltpu.SemaphoreType.DMA,
    ],
)


NRING = 5
NGRP = 5
GCHUNK = NCHUNK_A // NGRP


def _agg_body(sd3, xs_hbm, zeros_hbm, out_hbm, s_sh,
              idxa_v, idxb_v, r0, r1, r2, r3, r4,
              sem0, sem1, sem2, sem3, sem4, isem):
  cid = lax.axis_index("c")
  sid = lax.axis_index("s")
  wid = sid * NC + cid
  pltpu.sync_copy(zeros_hbm.at[pl.ds(sid * RPW, RPW)],
                  s_sh.at[pl.ds(sid * RPW, RPW)])
  pltpu.sync_copy(sd3.at[wid, 0], idxa_v)
  plsc.subcore_barrier()

  bufs = (r0, r1, r2, r3, r4)
  sems = (sem0, sem1, sem2, sem3, sem4)
  idxbufs = (idxa_v, idxb_v)

  for g in range(NGRP):
    idx_v = idxbufs[g % 2]
    if g > 0:
      pltpu.make_async_copy(sd3.at[wid, 0], idx_v, isem).wait()
    if g < NGRP - 1:
      pltpu.async_copy(sd3.at[wid, g + 1], idxbufs[(g + 1) % 2], isem)

    def fire(k, b, idx_v=idx_v):
      pltpu.async_copy(xs_hbm.at[idx_v.at[k, pl.ds(0, CHUNK_A)]],
                       bufs[b], sems[b])

    def scat(k, b, idx_v=idx_v):
      pltpu.make_async_copy(xs_hbm.at[pl.ds(0, CHUNK_A)], bufs[b],
                            sems[b]).wait()
      pltpu.sync_copy(bufs[b],
                      s_sh.at[idx_v.at[k, pl.ds(CHUNK_A, CHUNK_A)]], add=True)

    for b in range(NRING - 1):
      fire(b, b)

    def step5(j, carry):
      k0 = NRING * j
      for u in range(NRING):
        fire(k0 + u + NRING - 1, (u + NRING - 1) % NRING)
        scat(k0 + u, u)
      return carry

    lax.fori_loop(0, GCHUNK // NRING - 1, step5, 0)
    fire(GCHUNK - 1, (GCHUNK - 1) % NRING)
    for u in range(NRING):
      scat(GCHUNK - NRING + u, (GCHUNK - NRING + u) % NRING)

  plsc.subcore_barrier()
  pltpu.sync_copy(s_sh.at[pl.ds(sid * RPW, RPW)],
                  out_hbm.at[cid, pl.ds(sid * RPW, RPW)])


_agg_kernel = pl.kernel(
    _agg_body,
    out_type=jax.ShapeDtypeStruct((NC, NPAD, D), jnp.float32),
    mesh=_MESH,
    scratch_types=[
        pltpu.VMEM_SHARED((NPAD, D), jnp.float32),
        pltpu.VMEM((GCHUNK, 2 * CHUNK_A), jnp.int32),
        pltpu.VMEM((GCHUNK, 2 * CHUNK_A), jnp.int32),
        pltpu.VMEM((CHUNK_A, D), jnp.float32),
        pltpu.VMEM((CHUNK_A, D), jnp.float32),
        pltpu.VMEM((CHUNK_A, D), jnp.float32),
        pltpu.VMEM((CHUNK_A, D), jnp.float32),
        pltpu.VMEM((CHUNK_A, D), jnp.float32),
        pltpu.SemaphoreType.DMA,
        pltpu.SemaphoreType.DMA,
        pltpu.SemaphoreType.DMA,
        pltpu.SemaphoreType.DMA,
        pltpu.SemaphoreType.DMA,
        pltpu.SemaphoreType.DMA,
    ],
)


def _scale_body(degp_ref, x_ref, xs_ref, dinv_ref):
  deg = degp_ref[0, :, 0] + degp_ref[1, :, 0] + 1.0
  dinv = lax.rsqrt(deg)
  xs_ref[...] = x_ref[...] * dinv[:, None]
  dinv_ref[...] = jnp.broadcast_to(dinv[:, None], dinv_ref.shape)


def _dense_body(s_ref, xs_ref, dinv_ref, w2_ref, b2_ref, wo_ref, bo_ref,
                out_ref):
  t = s_ref[0] + s_ref[1] + xs_ref[...]
  agg = t * dinv_ref[:, :1]
  z = jnp.dot(agg, w2_ref[...], preferred_element_type=jnp.float32)
  z = jnp.maximum(z + b2_ref[...], 0.0)
  out_ref[...] = (
      jnp.dot(z, wo_ref[...], preferred_element_type=jnp.float32)
      + bo_ref[...])


_BLK = 1000


def _tc_scale(degp, x):
  return pl.pallas_call(
      _scale_body,
      grid=(N // _BLK,),
      in_specs=[
          pl.BlockSpec((NC, _BLK, DEGW), lambda i: (0, i, 0)),
          pl.BlockSpec((_BLK, D), lambda i: (i, 0)),
      ],
      out_specs=[
          pl.BlockSpec((_BLK, D), lambda i: (i, 0)),
          pl.BlockSpec((_BLK, DEGW), lambda i: (i, 0)),
      ],
      out_shape=[
          jax.ShapeDtypeStruct((N, D), jnp.float32),
          jax.ShapeDtypeStruct((N, DEGW), jnp.float32),
      ],
  )(degp, x)


def _tc_dense(s, xs, dinv, W2, b2, Wo, bo):
  c = Wo.shape[1]
  return pl.pallas_call(
      _dense_body,
      grid=(N // _BLK,),
      in_specs=[
          pl.BlockSpec((NC, _BLK, D), lambda i: (0, i, 0)),
          pl.BlockSpec((_BLK, D), lambda i: (i, 0)),
          pl.BlockSpec((_BLK, DEGW), lambda i: (i, 0)),
          pl.BlockSpec((D, D), lambda i: (0, 0)),
          pl.BlockSpec((1, D), lambda i: (0, 0)),
          pl.BlockSpec((D, c), lambda i: (0, 0)),
          pl.BlockSpec((1, c), lambda i: (0, 0)),
      ],
      out_specs=pl.BlockSpec((_BLK, c), lambda i: (i, 0)),
      out_shape=jax.ShapeDtypeStruct((N, c), jnp.float32),
  )(s, xs, dinv, W2, b2.reshape(1, D), Wo, bo.reshape(1, c))


@jax.jit
def kernel(x_content, edge_index, edge_type, W1, b1, W2, b2, Wo, bo):
  del edge_type, W1, b1
  src3 = edge_index[0].reshape(NW, NCHUNK, CHUNK)
  dst3 = edge_index[1].reshape(NW, NCHUNK, CHUNK)
  sd3 = jnp.concatenate(
      [edge_index[0].reshape(NW, NCHUNK_A, CHUNK_A),
       edge_index[1].reshape(NW, NCHUNK_A, CHUNK_A)],
      axis=-1).reshape(NW, NGRP, GCHUNK, 2 * CHUNK_A)
  ones_rows = jnp.ones((CHUNK, DEGW), jnp.float32)
  zeros_deg = jnp.zeros((NPAD, DEGW), jnp.float32)
  zeros_rows = jnp.zeros((NPAD, D), jnp.float32)

  degp = _deg_kernel(dst3, ones_rows, zeros_deg)
  xs, dinv = _tc_scale(degp, x_content)
  s = _agg_kernel(sd3, xs, zeros_rows)
  return _tc_dense(s, xs, dinv, W2, b2, Wo, bo)

# --- scband reference (transcript-rebuilt; emitter-appended) ---
"""Pipeline reference for scband-fngcn-19567871001289 (READ-ONLY COPY).

The authoritative reference and input builder live on the scoring server;
editing this copy changes nothing except your own understanding.
"""

import jax, jax.numpy as jnp
import numpy as np

N = 10000
E = 320000
D = 128
H1 = 128
H2 = 128
C = 16


def setup_inputs(seed: int = 0) -> dict:
    key = jax.random.key(seed)
    ks = jax.random.split(key, 10)
    x_content = jax.random.normal(ks[0], (N, D), dtype=jnp.float32)
    edge_index = jax.random.randint(ks[1], (2, E), 0, N, dtype=jnp.int32)
    edge_type = jax.random.randint(ks[2], (E,), 0, 4, dtype=jnp.int32)
    # GCNConv params (glorot-style init for weights, zeros for bias)
    s1 = 1.0 / np.sqrt(D)
    s2 = 1.0 / np.sqrt(H1)
    so = 1.0 / np.sqrt(H2)
    W1 = jax.random.uniform(ks[3], (D, H1), jnp.float32, -s1, s1)
    b1 = jnp.zeros((H1,), jnp.float32)
    W2 = jax.random.uniform(ks[4], (H1, H2), jnp.float32, -s2, s2)
    b2 = jnp.zeros((H2,), jnp.float32)
    Wo = jax.random.uniform(ks[5], (H2, C), jnp.float32, -so, so)
    bo = jax.random.uniform(ks[6], (C,), jnp.float32, -so, so)
    return {"x_content": x_content, "edge_index": edge_index, "edge_type": edge_type,
            "W1": W1, "b1": b1, "W2": W2, "b2": b2, "Wo": Wo, "bo": bo}


def reference(x_content, edge_index, edge_type, W1, b1, W2, b2, Wo, bo):
    n = x_content.shape[0]
    # GCN normalization with self loops (PyG GCNConv default)
    loop = jnp.arange(n, dtype=edge_index.dtype)
    src = jnp.concatenate([edge_index[0], loop])
    dst = jnp.concatenate([edge_index[1], loop])
    deg = jnp.zeros((n,), dtype=x_content.dtype).at[dst].add(1.0)
    dinv = jnp.where(deg > 0, jax.lax.rsqrt(jnp.maximum(deg, 1e-12)), 0.0)
    norm = dinv[src] * dinv[dst]

    def gcn(x, W, b):
        h = x @ W
        msg = h[src] * norm[:, None]
        agg = jax.ops.segment_sum(msg, dst, num_segments=n)
        return agg + b

    # Faithful to original forward: every layer consumes x_content (not the
    # previous layer's output), dropout is a no-op in eval mode.
    x = x_content
    for (W, b) in ((W1, b1), (W2, b2)):
        x = jax.nn.relu(gcn(x_content, W, b))
    out = x @ Wo + bo
    return out

if __name__ == "__main__":
    import jax
    _d = setup_inputs()
    print(jax.jit(kernel)(*tuple(_d.values())))

</pallas_src>

<mosaic_0001>
#map = affine_map<(d0, d1) -> (0, 0, 0, 0)>
#map1 = affine_map<(d0, d1) -> (0, 0)>
#map2 = affine_map<(d0, d1) -> (0, 0, 0)>
module attributes {stable_mosaic.version = 14 : i64} {
  func.func @_agg_body(%arg0: i32, %arg1: i32, %arg2: memref<32x5x50x80xi32, #tpu.memory_space<hbm>>, %arg3: memref<10000x128xf32, #tpu.memory_space<hbm>>, %arg4: memref<10112x128xf32, #tpu.memory_space<hbm>>, %arg5: memref<2x10112x128xf32, #tpu.memory_space<hbm>>, %arg6: memref<10112x128xf32, #tpu.memory_space<vmem_shared>>, %arg7: memref<50x80xi32, #tpu.memory_space<vmem>>, %arg8: memref<50x80xi32, #tpu.memory_space<vmem>>, %arg9: memref<40x128xf32, #tpu.memory_space<vmem>>, %arg10: memref<40x128xf32, #tpu.memory_space<vmem>>, %arg11: memref<40x128xf32, #tpu.memory_space<vmem>>, %arg12: memref<40x128xf32, #tpu.memory_space<vmem>>, %arg13: memref<40x128xf32, #tpu.memory_space<vmem>>, %arg14: memref<!tpu.dma_semaphore, #tpu.memory_space<semaphore_mem>>, %arg15: memref<!tpu.dma_semaphore, #tpu.memory_space<semaphore_mem>>, %arg16: memref<!tpu.dma_semaphore, #tpu.memory_space<semaphore_mem>>, %arg17: memref<!tpu.dma_semaphore, #tpu.memory_space<semaphore_mem>>, %arg18: memref<!tpu.dma_semaphore, #tpu.memory_space<semaphore_mem>>, %arg19: memref<!tpu.dma_semaphore, #tpu.memory_space<semaphore_mem>>) attributes {dimension_semantics = [#tpu.dimension_semantics<core_parallel>, #tpu.dimension_semantics<subcore_parallel>], iteration_bounds = array<i64: 2, 16>, scalar_prefetch = 0 : i64, scratch_operands = 14 : i64, tpu.core_type = #tpu.core_type<sc_vector_subcore>, window_params = [{transform_indices = #map}, {transform_indices = #map1}, {transform_indices = #map1}, {transform_indices = #map2}]} {
    %mul3A = arith.constant 2 : i32
    %mul3A_0 = arith.muli %arg1, %mul3A : i32
    %add3A = arith.addi %mul3A_0, %arg0 : i32
    %mul3A_1 = arith.constant 632 : i32
    %mul3A_2 = arith.muli %arg1, %mul3A_1 : i32
    %mul3A_3 = arith.constant 632 : i32
    %mul3A_4 = arith.muli %arg1, %mul3A_3 : i32
    "tpu.region"() ({
      %run_scoped3A_459 = tpu.sem_alloc : memref<!tpu.dma_semaphore, #tpu.memory_space<semaphore_mem>>
      %dma_start3A_460 = arith.constant 0 : i32
      %dma_start3A_461 = tpu.memref_slice %arg6[%mul3A_4, %dma_start3A_460] : memref<10112x128xf32, #tpu.memory_space<vmem_shared>> -> memref<632x128xf32, #tpu.memory_space<vmem_shared>>
      %dma_start3A_462 = arith.constant 0 : i32
      %dma_start3A_463 = tpu.memref_slice %arg4[%mul3A_2, %dma_start3A_462] : memref<10112x128xf32, #tpu.memory_space<hbm>> -> memref<632x128xf32, #tpu.memory_space<hbm>>
      tpu.enqueue_dma source(%dma_start3A_463 : memref<632x128xf32, #tpu.memory_space<hbm>>) target(%dma_start3A_461 : memref<632x128xf32, #tpu.memory_space<vmem_shared>>) target_semaphore(%run_scoped3A_459 : memref<!tpu.dma_semaphore, #tpu.memory_space<semaphore_mem>>)
      %dma_wait3A_464 = arith.constant 0 : i32
      %dma_wait3A_465 = tpu.memref_slice %arg6[%mul3A_4, %dma_wait3A_464] : memref<10112x128xf32, #tpu.memory_space<vmem_shared>> -> memref<632x128xf32, #tpu.memory_space<vmem_shared>>
      %dma_wait3A_466 = arith.constant 0 : i32
      %dma_wait3A_467 = tpu.memref_slice %arg4[%mul3A_2, %dma_wait3A_466] : memref<10112x128xf32, #tpu.memory_space<hbm>> -> memref<632x128xf32, #tpu.memory_space<hbm>>
      tpu.wait_dma2 semaphore(%run_scoped3A_459 : memref<!tpu.dma_semaphore, #tpu.memory_space<semaphore_mem>>) src(%dma_wait3A_467 : memref<632x128xf32, #tpu.memory_space<hbm>>) dst(%dma_wait3A_465 : memref<632x128xf32, #tpu.memory_space<vmem_shared>>)
      tpu.yield
    }) : () -> ()
    %run_scoped3A = arith.constant 0 : i32
    "tpu.region"() ({
      %run_scoped3A_459 = tpu.sem_alloc : memref<!tpu.dma_semaphore, #tpu.memory_space<semaphore_mem>>
      %dma_start3A_460 = arith.constant 0 : i32
      %dma_start3A_461 = arith.constant 0 : i32
      %dma_start3A_462 = tpu.memref_slice %arg2[%add3A, %run_scoped3A, %dma_start3A_460, %dma_start3A_461] : memref<32x5x50x80xi32, #tpu.memory_space<hbm>> -> memref<1x1x50x80xi32, #tpu.memory_space<hbm>>
      %dma_start3A_463 = tpu.memref_squeeze %dma_start3A_462 : memref<1x1x50x80xi32, #tpu.memory_space<hbm>> -> memref<50x80xi32, #tpu.memory_space<hbm>>
      %dma_start3A_464 = arith.constant 0 : i32
      %dma_start3A_465 = arith.constant 0 : i32
      %dma_start3A_466 = tpu.memref_slice %arg2[%add3A, %run_scoped3A, %dma_start3A_464, %dma_start3A_465] : memref<32x5x50x80xi32, #tpu.memory_space<hbm>> -> memref<1x1x50x80xi32, #tpu.memory_space<hbm>>
      %dma_start3A_467 = tpu.memref_squeeze %dma_start3A_466 : memref<1x1x50x80xi32, #tpu.memory_space<hbm>> -> memref<50x80xi32, #tpu.memory_space<hbm>>
      tpu.enqueue_dma source(%dma_start3A_467 : memref<50x80xi32, #tpu.memory_space<hbm>>) target(%arg7 : memref<50x80xi32, #tpu.memory_space<vmem>>) target_semaphore(%run_scoped3A_459 : memref<!tpu.dma_semaphore, #tpu.memory_space<semaphore_mem>>)
      %dma_wait3A_468 = arith.constant 0 : i32
      %dma_wait3A_469 = arith.constant 0 : i32
      %dma_wait3A_470 = tpu.memref_slice %arg2[%add3A, %run_scoped3A, %dma_wait3A_468, %dma_wait3A_469] : memref<32x5x50x80xi32, #tpu.memory_space<hbm>> -> memref<1x1x50x80xi32, #tpu.memory_space<hbm>>
      %dma_wait3A_471 = tpu.memref_squeeze %dma_wait3A_470 : memref<1x1x50x80xi32, #tpu.memory_space<hbm>> -> memref<50x80xi32, #tpu.memory_space<hbm>>
      %dma_wait3A_472 = arith.constant 0 : i32
      %dma_wait3A_473 = arith.constant 0 : i32
      %dma_wait3A_474 = tpu.memref_slice %arg2[%add3A, %run_scoped3A, %dma_wait3A_472, %dma_wait3A_473] : memref<32x5x50x80xi32, #tpu.memory_space<hbm>> -> memref<1x1x50x80xi32, #tpu.memory_space<hbm>>
      %dma_wait3A_475 = tpu.memref_squeeze %dma_wait3A_474 : memref<1x1x50x80xi32, #tpu.memory_space<hbm>> -> memref<50x80xi32, #tpu.memory_space<hbm>>
      tpu.wait_dma2 semaphore(%run_scoped3A_459 : memref<!tpu.dma_semaphore, #tpu.memory_space<semaphore_mem>>) src(%dma_wait3A_475 : memref<50x80xi32, #tpu.memory_space<hbm>>) dst(%arg7 : memref<50x80xi32, #tpu.memory_space<vmem>>)
      tpu.yield
    }) : () -> ()
    %barrier3A = arith.constant 0 : index
    tpu.barrier barrier_id(%barrier3A)
    %dma_start3A = arith.constant 1 : i32
    %dma_start3A_5 = arith.constant 0 : i32
    %dma_start3A_6 = arith.constant 0 : i32
    %dma_start3A_7 = tpu.memref_slice %arg2[%add3A, %dma_start3A, %dma_start3A_5, %dma_start3A_6] : memref<32x5x50x80xi32, #tpu.memory_space<hbm>> -> memref<1x1x50x80xi32, #tpu.memory_space<hbm>>
    %dma_start3A_8 = tpu.memref_squeeze %dma_start3A_7 : memref<1x1x50x80xi32, #tpu.memory_space<hbm>> -> memref<50x80xi32, #tpu.memory_space<hbm>>
    %dma_start3A_9 = arith.constant 0 : i32
    %dma_start3A_10 = arith.constant 0 : i32
    %dma_start3A_11 = tpu.memref_slice %arg2[%add3A, %dma_start3A, %dma_start3A_9, %dma_start3A_10] : memref<32x5x50x80xi32, #tpu.memory_space<hbm>> -> memref<1x1x50x80xi32, #tpu.memory_space<hbm>>
    %dma_start3A_12 = tpu.memref_squeeze %dma_start3A_11 : memref<1x1x50x80xi32, #tpu.memory_space<hbm>> -> memref<50x80xi32, #tpu.memory_space<hbm>>
    tpu.enqueue_dma source(%dma_start3A_12 : memref<50x80xi32, #tpu.memory_space<hbm>>) target(%arg8 : memref<50x80xi32, #tpu.memory_space<vmem>>) target_semaphore(%arg19 : memref<!tpu.dma_semaphore, #tpu.memory_space<semaphore_mem>>)
    %dma_start3A_13 = arith.constant 0 : i32
    %dma_start3A_14 = arith.constant 0 : i32
    %dma_start3A_15 = tpu.memref_slice %arg7[%dma_start3A_13, %dma_start3A_14] : memref<50x80xi32, #tpu.memory_space<vmem>> -> memref<1x40xi32, #tpu.memory_space<vmem>>
    %dma_start3A_16 = tpu.memref_squeeze %dma_start3A_15 : memref<1x40xi32, #tpu.memory_space<vmem>> -> memref<40xi32, #tpu.memory_space<vmem>>
    %dma_start3A_17 = arith.constant 0 : i32
    %dma_start3A_18 = arith.constant 0 : i32
    %dma_start3A_19 = tpu.memref_slice %arg3[%dma_start3A_17, %dma_start3A_18] : memref<10000x128xf32, #tpu.memory_space<hbm>> -> memref<10000x128xf32, #tpu.memory_space<hbm>>
    tpu.enqueue_indirect_dma source(%dma_start3A_19 : memref<10000x128xf32, #tpu.memory_space<hbm>>) target(%arg9 : memref<40x128xf32, #tpu.memory_space<vmem>>) offsets(%dma_start3A_16 : memref<40xi32, #tpu.memory_space<vmem>>) semaphore(%arg14 : memref<!tpu.dma_semaphore, #tpu.memory_space<semaphore_mem>>)
    %dma_start3A_20 = arith.constant 1 : i32
    %dma_start3A_21 = arith.constant 0 : i32
    %dma_start3A_22 = tpu.memref_slice %arg7[%dma_start3A_20, %dma_start3A_21] : memref<50x80xi32, #tpu.memory_space<vmem>> -> memref<1x40xi32, #tpu.memory_space<vmem>>
    %dma_start3A_23 = tpu.memref_squeeze %dma_start3A_22 : memref<1x40xi32, #tpu.memory_space<vmem>> -> memref<40xi32, #tpu.memory_space<vmem>>
    %dma_start3A_24 = arith.constant 0 : i32
    %dma_start3A_25 = arith.constant 0 : i32
    %dma_start3A_26 = tpu.memref_slice %arg3[%dma_start3A_24, %dma_start3A_25] : memref<10000x128xf32, #tpu.memory_space<hbm>> -> memref<10000x128xf32, #tpu.memory_space<hbm>>
    tpu.enqueue_indirect_dma source(%dma_start3A_26 : memref<10000x128xf32, #tpu.memory_space<hbm>>) target(%arg10 : memref<40x128xf32, #tpu.memory_space<vmem>>) offsets(%dma_start3A_23 : memref<40xi32, #tpu.memory_space<vmem>>) semaphore(%arg15 : memref<!tpu.dma_semaphore, #tpu.memory_space<semaphore_mem>>)
    %dma_start3A_27 = arith.constant 2 : i32
    %dma_start3A_28 = arith.constant 0 : i32
    %dma_start3A_29 = tpu.memref_slice %arg7[%dma_start3A_27, %dma_start3A_28] : memref<50x80xi32, #tpu.memory_space<vmem>> -> memref<1x40xi32, #tpu.memory_space<vmem>>
    %dma_start3A_30 = tpu.memref_squeeze %dma_start3A_29 : memref<1x40xi32, #tpu.memory_space<vmem>> -> memref<40xi32, #tpu.memory_space<vmem>>
    %dma_start3A_31 = arith.constant 0 : i32
    %dma_start3A_32 = arith.constant 0 : i32
    %dma_start3A_33 = tpu.memref_slice %arg3[%dma_start3A_31, %dma_start3A_32] : memref<10000x128xf32, #tpu.memory_space<hbm>> -> memref<10000x128xf32, #tpu.memory_space<hbm>>
    tpu.enqueue_indirect_dma source(%dma_start3A_33 : memref<10000x128xf32, #tpu.memory_space<hbm>>) target(%arg11 : memref<40x128xf32, #tpu.memory_space<vmem>>) offsets(%dma_start3A_30 : memref<40xi32, #tpu.memory_space<vmem>>) semaphore(%arg16 : memref<!tpu.dma_semaphore, #tpu.memory_space<semaphore_mem>>)
    %dma_start3A_34 = arith.constant 3 : i32
    %dma_start3A_35 = arith.constant 0 : i32
    %dma_start3A_36 = tpu.memref_slice %arg7[%dma_start3A_34, %dma_start3A_35] : memref<50x80xi32, #tpu.memory_space<vmem>> -> memref<1x40xi32, #tpu.memory_space<vmem>>
    %dma_start3A_37 = tpu.memref_squeeze %dma_start3A_36 : memref<1x40xi32, #tpu.memory_space<vmem>> -> memref<40xi32, #tpu.memory_space<vmem>>
    %dma_start3A_38 = arith.constant 0 : i32
    %dma_start3A_39 = arith.constant 0 : i32
    %dma_start3A_40 = tpu.memref_slice %arg3[%dma_start3A_38, %dma_start3A_39] : memref<10000x128xf32, #tpu.memory_space<hbm>> -> memref<10000x128xf32, #tpu.memory_space<hbm>>
    tpu.enqueue_indirect_dma source(%dma_start3A_40 : memref<10000x128xf32, #tpu.memory_space<hbm>>) target(%arg12 : memref<40x128xf32, #tpu.memory_space<vmem>>) offsets(%dma_start3A_37 : memref<40xi32, #tpu.memory_space<vmem>>) semaphore(%arg17 : memref<!tpu.dma_semaphore, #tpu.memory_space<semaphore_mem>>)
    %scan3A = arith.constant 0 : i32
    %scan3A_41 = arith.constant 0 : i32
    %scan3A_42 = arith.constant 9 : i32
    %scan3A_43 = arith.addi %scan3A_41, %scan3A_42 : i32
    %scan3A_44 = arith.constant 1 : i32
    scf.for %scan3A_459 = %scan3A_41 to %scan3A_43 step %scan3A_44  : i32 {
      %mul3A_460 = arith.constant 5 : i32
      %mul3A_461 = arith.muli %mul3A_460, %scan3A_459 : i32
      %add3A_462 = arith.constant 0 : i32
      %add3A_463 = arith.addi %mul3A_461, %add3A_462 : i32
      %add3A_464 = arith.constant 5 : i32
      %add3A_465 = arith.addi %add3A_463, %add3A_464 : i32
      %sub3A = arith.constant 1 : i32
      %sub3A_466 = arith.subi %add3A_465, %sub3A : i32
      %dma_start3A_467 = arith.constant 0 : i32
      %dma_start3A_468 = tpu.memref_slice %arg7[%sub3A_466, %dma_start3A_467] : memref<50x80xi32, #tpu.memory_space<vmem>> -> memref<1x40xi32, #tpu.memory_space<vmem>>
      %dma_start3A_469 = tpu.memref_squeeze %dma_start3A_468 : memref<1x40xi32, #tpu.memory_space<vmem>> -> memref<40xi32, #tpu.memory_space<vmem>>
      %dma_start3A_470 = arith.constant 0 : i32
      %dma_start3A_471 = arith.constant 0 : i32
      %dma_start3A_472 = tpu.memref_slice %arg3[%dma_start3A_470, %dma_start3A_471] : memref<10000x128xf32, #tpu.memory_space<hbm>> -> memref<10000x128xf32, #tpu.memory_space<hbm>>
      tpu.enqueue_indirect_dma source(%dma_start3A_472 : memref<10000x128xf32, #tpu.memory_space<hbm>>) target(%arg13 : memref<40x128xf32, #tpu.memory_space<vmem>>) offsets(%dma_start3A_469 : memref<40xi32, #tpu.memory_space<vmem>>) semaphore(%arg18 : memref<!tpu.dma_semaphore, #tpu.memory_space<semaphore_mem>>)
      %add3A_473 = arith.constant 0 : i32
      %add3A_474 = arith.addi %mul3A_461, %add3A_473 : i32
      %dma_wait3A_475 = arith.constant 0 : i32
      %dma_wait3A_476 = arith.constant 0 : i32
      %dma_wait3A_477 = tpu.memref_slice %arg3[%dma_wait3A_475, %dma_wait3A_476] : memref<10000x128xf32, #tpu.memory_space<hbm>> -> memref<40x128xf32, #tpu.memory_space<hbm>>
      %dma_wait3A_478 = arith.constant 0 : i32
      %dma_wait3A_479 = arith.constant 0 : i32
      %dma_wait3A_480 = tpu.memref_slice %arg3[%dma_wait3A_478, %dma_wait3A_479] : memref<10000x128xf32, #tpu.memory_space<hbm>> -> memref<40x128xf32, #tpu.memory_space<hbm>>
      tpu.wait_dma2 semaphore(%arg14 : memref<!tpu.dma_semaphore, #tpu.memory_space<semaphore_mem>>) src(%dma_wait3A_480 : memref<40x128xf32, #tpu.memory_space<hbm>>) dst(%arg9 : memref<40x128xf32, #tpu.memory_space<vmem>>)
      "tpu.region"() ({
        %run_scoped3A_561 = tpu.sem_alloc : memref<!tpu.dma_semaphore, #tpu.memory_space<semaphore_mem>>
        %dma_start3A_562 = arith.constant 40 : i32
        %dma_start3A_563 = tpu.memref_slice %arg7[%add3A_474, %dma_start3A_562] : memref<50x80xi32, #tpu.memory_space<vmem>> -> memref<1x40xi32, #tpu.memory_space<vmem>>
        %dma_start3A_564 = tpu.memref_squeeze %dma_start3A_563 : memref<1x40xi32, #tpu.memory_space<vmem>> -> memref<40xi32, #tpu.memory_space<vmem>>
        %dma_start3A_565 = arith.constant 0 : i32
        %dma_start3A_566 = arith.constant 0 : i32
        %dma_start3A_567 = tpu.memref_slice %arg6[%dma_start3A_565, %dma_start3A_566] : memref<10112x128xf32, #tpu.memory_space<vmem_shared>> -> memref<10112x128xf32, #tpu.memory_space<vmem_shared>>
        tpu.enqueue_indirect_dma source(%arg9 : memref<40x128xf32, #tpu.memory_space<vmem>>) target(%dma_start3A_567 : memref<10112x128xf32, #tpu.memory_space<vmem_shared>>) offsets(%dma_start3A_564 : memref<40xi32, #tpu.memory_space<vmem>>) semaphore(%run_scoped3A_561 : memref<!tpu.dma_semaphore, #tpu.memory_space<semaphore_mem>>) {add = true}
        %dma_wait3A_568 = arith.constant 40 : i32
        %dma_wait3A_569 = tpu.memref_slice %arg7[%add3A_474, %dma_wait3A_568] : memref<50x80xi32, #tpu.memory_space<vmem>> -> memref<1x40xi32, #tpu.memory_space<vmem>>
        %dma_wait3A_570 = tpu.memref_squeeze %dma_wait3A_569 : memref<1x40xi32, #tpu.memory_space<vmem>> -> memref<40xi32, #tpu.memory_space<vmem>>
        %dma_wait3A_571 = arith.constant 0 : i32
        %dma_wait3A_572 = arith.constant 0 : i32
        %dma_wait3A_573 = tpu.memref_slice %arg6[%dma_wait3A_571, %dma_wait3A_572] : memref<10112x128xf32, #tpu.memory_space<vmem_shared>> -> memref<10112x128xf32, #tpu.memory_space<vmem_shared>>
        tpu.wait_indirect_dma semaphore(%run_scoped3A_561 : memref<!tpu.dma_semaphore, #tpu.memory_space<semaphore_mem>>) src(%arg9 : memref<40x128xf32, #tpu.memory_space<vmem>>) dst(%dma_wait3A_573 : memref<10112x128xf32, #tpu.memory_space<vmem_shared>>)
        tpu.yield
      }) : () -> ()
      %add3A_481 = arith.constant 1 : i32
      %add3A_482 = arith.addi %mul3A_461, %add3A_481 : i32
      %add3A_483 = arith.constant 5 : i32
      %add3A_484 = arith.addi %add3A_482, %add3A_483 : i32
      %sub3A_485 = arith.constant 1 : i32
      %sub3A_486 = arith.subi %add3A_484, %sub3A_485 : i32
      %dma_start3A_487 = arith.constant 0 : i32
      %dma_start3A_488 = tpu.memref_slice %arg7[%sub3A_486, %dma_start3A_487] : memref<50x80xi32, #tpu.memory_space<vmem>> -> memref<1x40xi32, #tpu.memory_space<vmem>>
      %dma_start3A_489 = tpu.memref_squeeze %dma_start3A_488 : memref<1x40xi32, #tpu.memory_space<vmem>> -> memref<40xi32, #tpu.memory_space<vmem>>
      %dma_start3A_490 = arith.constant 0 : i32
      %dma_start3A_491 = arith.constant 0 : i32
      %dma_start3A_492 = tpu.memref_slice %arg3[%dma_start3A_490, %dma_start3A_491] : memref<10000x128xf32, #tpu.memory_space<hbm>> -> memref<10000x128xf32, #tpu.memory_space<hbm>>
      tpu.enqueue_indirect_dma source(%dma_start3A_492 : memref<10000x128xf32, #tpu.memory_space<hbm>>) target(%arg9 : memref<40x128xf32, #tpu.memory_space<vmem>>) offsets(%dma_start3A_489 : memref<40xi32, #tpu.memory_space<vmem>>) semaphore(%arg14 : memref<!tpu.dma_semaphore, #tpu.memory_space<semaphore_mem>>)
      %add3A_493 = arith.constant 1 : i32
      %add3A_494 = arith.addi %mul3A_461, %add3A_493 : i32
      %dma_wait3A_495 = arith.constant 0 : i32
      %dma_wait3A_496 = arith.constant 0 : i32
      %dma_wait3A_497 = tpu.memref_slice %arg3[%dma_wait3A_495, %dma_wait3A_496] : memref<10000x128xf32, #tpu.memory_space<hbm>> -> memref<40x128xf32, #tpu.memory_space<hbm>>
      %dma_wait3A_498 = arith.constant 0 : i32
      %dma_wait3A_499 = arith.constant 0 : i32
      %dma_wait3A_500 = tpu.memref_slice %arg3[%dma_wait3A_498, %dma_wait3A_499] : memref<10000x128xf32, #tpu.memory_space<hbm>> -> memref<40x128xf32, #tpu.memory_space<hbm>>
      tpu.wait_dma2 semaphore(%arg15 : memref<!tpu.dma_semaphore, #tpu.memory_space<semaphore_mem>>) src(%dma_wait3A_500 : memref<40x128xf32, #tpu.memory_space<hbm>>) dst(%arg10 : memref<40x128xf32, #tpu.memory_space<vmem>>)
      "tpu.region"() ({
        %run_scoped3A_561 = tpu.sem_alloc : memref<!tpu.dma_semaphore, #tpu.memory_space<semaphore_mem>>
        %dma_start3A_562 = arith.constant 40 : i32
        %dma_start3A_563 = tpu.memref_slice %arg7[%add3A_494, %dma_start3A_562] : memref<50x80xi32, #tpu.memory_space<vmem>> -> memref<1x40xi32, #tpu.memory_space<vmem>>
        %dma_start3A_564 = tpu.memref_squeeze %dma_start3A_563 : memref<1x40xi32, #tpu.memory_space<vmem>> -> memref<40xi32, #tpu.memory_space<vmem>>
        %dma_start3A_565 = arith.constant 0 : i32
        %dma_start3A_566 = arith.constant 0 : i32
        %dma_start3A_567 = tpu.memref_slice %arg6[%dma_start3A_565, %dma_start3A_566] : memref<10112x128xf32, #tpu.memory_space<vmem_shared>> -> memref<10112x128xf32, #tpu.memory_space<vmem_shared>>
        tpu.enqueue_indirect_dma source(%arg10 : memref<40x128xf32, #tpu.memory_space<vmem>>) target(%dma_start3A_567 : memref<10112x128xf32, #tpu.memory_space<vmem_shared>>) offsets(%dma_start3A_564 : memref<40xi32, #tpu.memory_space<vmem>>) semaphore(%run_scoped3A_561 : memref<!tpu.dma_semaphore, #tpu.memory_space<semaphore_mem>>) {add = true}
        %dma_wait3A_568 = arith.constant 40 : i32
        %dma_wait3A_569 = tpu.memref_slice %arg7[%add3A_494, %dma_wait3A_568] : memref<50x80xi32, #tpu.memory_space<vmem>> -> memref<1x40xi32, #tpu.memory_space<vmem>>
        %dma_wait3A_570 = tpu.memref_squeeze %dma_wait3A_569 : memref<1x40xi32, #tpu.memory_space<vmem>> -> memref<40xi32, #tpu.memory_space<vmem>>
        %dma_wait3A_571 = arith.constant 0 : i32
        %dma_wait3A_572 = arith.constant 0 : i32
        %dma_wait3A_573 = tpu.memref_slice %arg6[%dma_wait3A_571, %dma_wait3A_572] : memref<10112x128xf32, #tpu.memory_space<vmem_shared>> -> memref<10112x128xf32, #tpu.memory_space<vmem_shared>>
        tpu.wait_indirect_dma semaphore(%run_scoped3A_561 : memref<!tpu.dma_semaphore, #tpu.memory_space<semaphore_mem>>) src(%arg10 : memref<40x128xf32, #tpu.memory_space<vmem>>) dst(%dma_wait3A_573 : memref<10112x128xf32, #tpu.memory_space<vmem_shared>>)
        tpu.yield
      }) : () -> ()
      %add3A_501 = arith.constant 2 : i32
      %add3A_502 = arith.addi %mul3A_461, %add3A_501 : i32
      %add3A_503 = arith.constant 5 : i32
      %add3A_504 = arith.addi %add3A_502, %add3A_503 : i32
      %sub3A_505 = arith.constant 1 : i32
      %sub3A_506 = arith.subi %add3A_504, %sub3A_505 : i32
      %dma_start3A_507 = arith.constant 0 : i32
      %dma_start3A_508 = tpu.memref_slice %arg7[%sub3A_506, %dma_start3A_507] : memref<50x80xi32, #tpu.memory_space<vmem>> -> memref<1x40xi32, #tpu.memory_space<vmem>>
      %dma_start3A_509 = tpu.memref_squeeze %dma_start3A_508 : memref<1x40xi32, #tpu.memory_space<vmem>> -> memref<40xi32, #tpu.memory_space<vmem>>
      %dma_start3A_510 = arith.constant 0 : i32
      %dma_start3A_511 = arith.constant 0 : i32
      %dma_start3A_512 = tpu.memref_slice %arg3[%dma_start3A_510, %dma_start3A_511] : memref<10000x128xf32, #tpu.memory_space<hbm>> -> memref<10000x128xf32, #tpu.memory_space<hbm>>
      tpu.enqueue_indirect_dma source(%dma_start3A_512 : memref<10000x128xf32, #tpu.memory_space<hbm>>) target(%arg10 : memref<40x128xf32, #tpu.memory_space<vmem>>) offsets(%dma_start3A_509 : memref<40xi32, #tpu.memory_space<vmem>>) semaphore(%arg15 : memref<!tpu.dma_semaphore, #tpu.memory_space<semaphore_mem>>)
      %add3A_513 = arith.constant 2 : i32
      %add3A_514 = arith.addi %mul3A_461, %add3A_513 : i32
      %dma_wait3A_515 = arith.constant 0 : i32
      %dma_wait3A_516 = arith.constant 0 : i32
      %dma_wait3A_517 = tpu.memref_slice %arg3[%dma_wait3A_515, %dma_wait3A_516] : memref<10000x128xf32, #tpu.memory_space<hbm>> -> memref<40x128xf32, #tpu.memory_space<hbm>>
      %dma_wait3A_518 = arith.constant 0 : i32
      %dma_wait3A_519 = arith.constant 0 : i32
      %dma_wait3A_520 = tpu.memref_slice %arg3[%dma_wait3A_518, %dma_wait3A_519] : memref<10000x128xf32, #tpu.memory_space<hbm>> -> memref<40x128xf32, #tpu.memory_space<hbm>>
      tpu.wait_dma2 semaphore(%arg16 : memref<!tpu.dma_semaphore, #tpu.memory_space<semaphore_mem>>) src(%dma_wait3A_520 : memref<40x128xf32, #tpu.memory_space<hbm>>) dst(%arg11 : memref<40x128xf32, #tpu.memory_space<vmem>>)
      "tpu.region"() ({
        %run_scoped3A_561 = tpu.sem_alloc : memref<!tpu.dma_semaphore, #tpu.memory_space<semaphore_mem>>
        %dma_start3A_562 = arith.constant 40 : i32
        %dma_start3A_563 = tpu.memref_slice %arg7[%add3A_514, %dma_start3A_562] : memref<50x80xi32, #tpu.memory_space<vmem>> -> memref<1x40xi32, #tpu.memory_space<vmem>>
        %dma_start3A_564 = tpu.memref_squeeze %dma_start3A_563 : memref<1x40xi32, #tpu.memory_space<vmem>> -> memref<40xi32, #tpu.memory_space<vmem>>
        %dma_start3A_565 = arith.constant 0 : i32
        %dma_start3A_566 = arith.constant 0 : i32
        %dma_start3A_567 = tpu.memref_slice %arg6[%dma_start3A_565, %dma_start3A_566] : memref<10112x128xf32, #tpu.memory_space<vmem_shared>> -> memref<10112x128xf32, #tpu.memory_space<vmem_shared>>
        tpu.enqueue_indirect_dma source(%arg11 : memref<40x128xf32, #tpu.memory_space<vmem>>) target(%dma_start3A_567 : memref<10112x128xf32, #tpu.memory_space<vmem_shared>>) offsets(%dma_start3A_564 : memref<40xi32, #tpu.memory_space<vmem>>) semaphore(%run_scoped3A_561 : memref<!tpu.dma_semaphore, #tpu.memory_space<semaphore_mem>>) {add = true}
        %dma_wait3A_568 = arith.constant 40 : i32
        %dma_wait3A_569 = tpu.memref_slice %arg7[%add3A_514, %dma_wait3A_568] : memref<50x80xi32, #tpu.memory_space<vmem>> -> memref<1x40xi32, #tpu.memory_space<vmem>>
        %dma_wait3A_570 = tpu.memref_squeeze %dma_wait3A_569 : memref<1x40xi32, #tpu.memory_space<vmem>> -> memref<40xi32, #tpu.memory_space<vmem>>
        %dma_wait3A_571 = arith.constant 0 : i32
        %dma_wait3A_572 = arith.constant 0 : i32
        %dma_wait3A_573 = tpu.memref_slice %arg6[%dma_wait3A_571, %dma_wait3A_572] : memref<10112x128xf32, #tpu.memory_space<vmem_shared>> -> memref<10112x128xf32, #tpu.memory_space<vmem_shared>>
        tpu.wait_indirect_dma semaphore(%run_scoped3A_561 : memref<!tpu.dma_semaphore, #tpu.memory_space<semaphore_mem>>) src(%arg11 : memref<40x128xf32, #tpu.memory_space<vmem>>) dst(%dma_wait3A_573 : memref<10112x128xf32, #tpu.memory_space<vmem_shared>>)
        tpu.yield
      }) : () -> ()
      %add3A_521 = arith.constant 3 : i32
      %add3A_522 = arith.addi %mul3A_461, %add3A_521 : i32
      %add3A_523 = arith.constant 5 : i32
      %add3A_524 = arith.addi %add3A_522, %add3A_523 : i32
      %sub3A_525 = arith.constant 1 : i32
      %sub3A_526 = arith.subi %add3A_524, %sub3A_525 : i32
      %dma_start3A_527 = arith.constant 0 : i32
      %dma_start3A_528 = tpu.memref_slice %arg7[%sub3A_526, %dma_start3A_527] : memref<50x80xi32, #tpu.memory_space<vmem>> -> memref<1x40xi32, #tpu.memory_space<vmem>>
      %dma_start3A_529 = tpu.memref_squeeze %dma_start3A_528 : memref<1x40xi32, #tpu.memory_space<vmem>> -> memref<40xi32, #tpu.memory_space<vmem>>
      %dma_start3A_530 = arith.constant 0 : i32
      %dma_start3A_531 = arith.constant 0 : i32
      %dma_start3A_532 = tpu.memref_slice %arg3[%dma_start3A_530, %dma_start3A_531] : memref<10000x128xf32, #tpu.memory_space<hbm>> -> memref<10000x128xf32, #tpu.memory_space<hbm>>
      tpu.enqueue_indirect_dma source(%dma_start3A_532 : memref<10000x128xf32, #tpu.memory_space<hbm>>) target(%arg11 : memref<40x128xf32, #tpu.memory_space<vmem>>) offsets(%dma_start3A_529 : memref<40xi32, #tpu.memory_space<vmem>>) semaphore(%arg16 : memref<!tpu.dma_semaphore, #tpu.memory_space<semaphore_mem>>)
      %add3A_533 = arith.constant 3 : i32
      %add3A_534 = arith.addi %mul3A_461, %add3A_533 : i32
      %dma_wait3A_535 = arith.constant 0 : i32
      %dma_wait3A_536 = arith.constant 0 : i32
      %dma_wait3A_537 = tpu.memref_slice %arg3[%dma_wait3A_535, %dma_wait3A_536] : memref<10000x128xf32, #tpu.memory_space<hbm>> -> memref<40x128xf32, #tpu.memory_space<hbm>>
      %dma_wait3A_538 = arith.constant 0 : i32
      %dma_wait3A_539 = arith.constant 0 : i32
      %dma_wait3A_540 = tpu.memref_slice %arg3[%dma_wait3A_538, %dma_wait3A_539] : memref<10000x128xf32, #tpu.memory_space<hbm>> -> memref<40x128xf32, #tpu.memory_space<hbm>>
      tpu.wait_dma2 semaphore(%arg17 : memref<!tpu.dma_semaphore, #tpu.memory_space<semaphore_mem>>) src(%dma_wait3A_540 : memref<40x128xf32, #tpu.memory_space<hbm>>) dst(%arg12 : memref<40x128xf32, #tpu.memory_space<vmem>>)
      "tpu.region"() ({
        %run_scoped3A_561 = tpu.sem_alloc : memref<!tpu.dma_semaphore, #tpu.memory_space<semaphore_mem>>
        %dma_start3A_562 = arith.constant 40 : i32
        %dma_start3A_563 = tpu.memref_slice %arg7[%add3A_534, %dma_start3A_562] : memref<50x80xi32, #tpu.memory_space<vmem>> -> memref<1x40xi32, #tpu.memory_space<vmem>>
        %dma_start3A_564 = tpu.memref_squeeze %dma_start3A_563 : memref<1x40xi32, #tpu.memory_space<vmem>> -> memref<40xi32, #tpu.memory_space<vmem>>
        %dma_start3A_565 = arith.constant 0 : i32
        %dma_start3A_566 = arith.constant 0 : i32
        %dma_start3A_567 = tpu.memref_slice %arg6[%dma_start3A_565, %dma_start3A_566] : memref<10112x128xf32, #tpu.memory_space<vmem_shared>> -> memref<10112x128xf32, #tpu.memory_space<vmem_shared>>
        tpu.enqueue_indirect_dma source(%arg12 : memref<40x128xf32, #tpu.memory_space<vmem>>) target(%dma_start3A_567 : memref<10112x128xf32, #tpu.memory_space<vmem_shared>>) offsets(%dma_start3A_564 : memref<40xi32, #tpu.memory_space<vmem>>) semaphore(%run_scoped3A_561 : memref<!tpu.dma_semaphore, #tpu.memory_space<semaphore_mem>>) {add = true}
        %dma_wait3A_568 = arith.constant 40 : i32
        %dma_wait3A_569 = tpu.memref_slice %arg7[%add3A_534, %dma_wait3A_568] : memref<50x80xi32, #tpu.memory_space<vmem>> -> memref<1x40xi32, #tpu.memory_space<vmem>>
        %dma_wait3A_570 = tpu.memref_squeeze %dma_wait3A_569 : memref<1x40xi32, #tpu.memory_space<vmem>> -> memref<40xi32, #tpu.memory_space<vmem>>
        %dma_wait3A_571 = arith.constant 0 : i32
        %dma_wait3A_572 = arith.constant 0 : i32
        %dma_wait3A_573 = tpu.memref_slice %arg6[%dma_wait3A_571, %dma_wait3A_572] : memref<10112x128xf32, #tpu.memory_space<vmem_shared>> -> memref<10112x128xf32, #tpu.memory_space<vmem_shared>>
        tpu.wait_indirect_dma semaphore(%run_scoped3A_561 : memref<!tpu.dma_semaphore, #tpu.memory_space<semaphore_mem>>) src(%arg12 : memref<40x128xf32, #tpu.memory_space<vmem>>) dst(%dma_wait3A_573 : memref<10112x128xf32, #tpu.memory_space<vmem_shared>>)
        tpu.yield
      }) : () -> ()
      %add3A_541 = arith.constant 4 : i32
      %add3A_542 = arith.addi %mul3A_461, %add3A_541 : i32
      %add3A_543 = arith.constant 5 : i32
      %add3A_544 = arith.addi %add3A_542, %add3A_543 : i32
      %sub3A_545 = arith.constant 1 : i32
      %sub3A_546 = arith.subi %add3A_544, %sub3A_545 : i32
      %dma_start3A_547 = arith.constant 0 : i32
      %dma_start3A_548 = tpu.memref_slice %arg7[%sub3A_546, %dma_start3A_547] : memref<50x80xi32, #tpu.memory_space<vmem>> -> memref<1x40xi32, #tpu.memory_space<vmem>>
      %dma_start3A_549 = tpu.memref_squeeze %dma_start3A_548 : memref<1x40xi32, #tpu.memory_space<vmem>> -> memref<40xi32, #tpu.memory_space<vmem>>
      %dma_start3A_550 = arith.constant 0 : i32
      %dma_start3A_551 = arith.constant 0 : i32
      %dma_start3A_552 = tpu.memref_slice %arg3[%dma_start3A_550, %dma_start3A_551] : memref<10000x128xf32, #tpu.memory_space<hbm>> -> memref<10000x128xf32, #tpu.memory_space<hbm>>
      tpu.enqueue_indirect_dma source(%dma_start3A_552 : memref<10000x128xf32, #tpu.memory_space<hbm>>) target(%arg12 : memref<40x128xf32, #tpu.memory_space<vmem>>) offsets(%dma_start3A_549 : memref<40xi32, #tpu.memory_space<vmem>>) semaphore(%arg17 : memref<!tpu.dma_semaphore, #tpu.memory_space<semaphore_mem>>)
      %add3A_553 = arith.constant 4 : i32
      %add3A_554 = arith.addi %mul3A_461, %add3A_553 : i32
      %dma_wait3A_555 = arith.constant 0 : i32
      %dma_wait3A_556 = arith.constant 0 : i32
      %dma_wait3A_557 = tpu.memref_slice %arg3[%dma_wait3A_555, %dma_wait3A_556] : memref<10000x128xf32, #tpu.memory_space<hbm>> -> memref<40x128xf32, #tpu.memory_space<hbm>>
      %dma_wait3A_558 = arith.constant 0 : i32
      %dma_wait3A_559 = arith.constant 0 : i32
      %dma_wait3A_560 = tpu.memref_slice %arg3[%dma_wait3A_558, %dma_wait3A_559] : memref<10000x128xf32, #tpu.memory_space<hbm>> -> memref<40x128xf32, #tpu.memory_space<hbm>>
      tpu.wait_dma2 semaphore(%arg18 : memref<!tpu.dma_semaphore, #tpu.memory_space<semaphore_mem>>) src(%dma_wait3A_560 : memref<40x128xf32, #tpu.memory_space<hbm>>) dst(%arg13 : memref<40x128xf32, #tpu.memory_space<vmem>>)
      "tpu.region"() ({
        %run_scoped3A_561 = tpu.sem_alloc : memref<!tpu.dma_semaphore, #tpu.memory_space<semaphore_mem>>
        %dma_start3A_562 = arith.constant 40 : i32
        %dma_start3A_563 = tpu.memref_slice %arg7[%add3A_554, %dma_start3A_562] : memref<50x80xi32, #tpu.memory_space<vmem>> -> memref<1x40xi32, #tpu.memory_space<vmem>>
        %dma_start3A_564 = tpu.memref_squeeze %dma_start3A_563 : memref<1x40xi32, #tpu.memory_space<vmem>> -> memref<40xi32, #tpu.memory_space<vmem>>
        %dma_start3A_565 = arith.constant 0 : i32
        %dma_start3A_566 = arith.constant 0 : i32
        %dma_start3A_567 = tpu.memref_slice %arg6[%dma_start3A_565, %dma_start3A_566] : memref<10112x128xf32, #tpu.memory_space<vmem_shared>> -> memref<10112x128xf32, #tpu.memory_space<vmem_shared>>
        tpu.enqueue_indirect_dma source(%arg13 : memref<40x128xf32, #tpu.memory_space<vmem>>) target(%dma_start3A_567 : memref<10112x128xf32, #tpu.memory_space<vmem_shared>>) offsets(%dma_start3A_564 : memref<40xi32, #tpu.memory_space<vmem>>) semaphore(%run_scoped3A_561 : memref<!tpu.dma_semaphore, #tpu.memory_space<semaphore_mem>>) {add = true}
        %dma_wait3A_568 = arith.constant 40 : i32
        %dma_wait3A_569 = tpu.memref_slice %arg7[%add3A_554, %dma_wait3A_568] : memref<50x80xi32, #tpu.memory_space<vmem>> -> memref<1x40xi32, #tpu.memory_space<vmem>>
        %dma_wait3A_570 = tpu.memref_squeeze %dma_wait3A_569 : memref<1x40xi32, #tpu.memory_space<vmem>> -> memref<40xi32, #tpu.memory_space<vmem>>
        %dma_wait3A_571 = arith.constant 0 : i32
        %dma_wait3A_572 = arith.constant 0 : i32
        %dma_wait3A_573 = tpu.memref_slice %arg6[%dma_wait3A_571, %dma_wait3A_572] : memref<10112x128xf32, #tpu.memory_space<vmem_shared>> -> memref<10112x128xf32, #tpu.memory_space<vmem_shared>>
        tpu.wait_indirect_dma semaphore(%run_scoped3A_561 : memref<!tpu.dma_semaphore, #tpu.memory_space<semaphore_mem>>) src(%arg13 : memref<40x128xf32, #tpu.memory_space<vmem>>) dst(%dma_wait3A_573 : memref<10112x128xf32, #tpu.memory_space<vmem_shared>>)
        tpu.yield
      }) : () -> ()
    }
    %scan3A_45 = arith.constant 9 : i32
    %dma_start3A_46 = arith.constant 49 : i32
    %dma_start3A_47 = arith.constant 0 : i32
    %dma_start3A_48 = tpu.memref_slice %arg7[%dma_start3A_46, %dma_start3A_47] : memref<50x80xi32, #tpu.memory_space<vmem>> -> memref<1x40xi32, #tpu.memory_space<vmem>>
    %dma_start3A_49 = tpu.memref_squeeze %dma_start3A_48 : memref<1x40xi32, #tpu.memory_space<vmem>> -> memref<40xi32, #tpu.memory_space<vmem>>
    %dma_start3A_50 = arith.constant 0 : i32
    %dma_start3A_51 = arith.constant 0 : i32
    %dma_start3A_52 = tpu.memref_slice %arg3[%dma_start3A_50, %dma_start3A_51] : memref<10000x128xf32, #tpu.memory_space<hbm>> -> memref<10000x128xf32, #tpu.memory_space<hbm>>
    tpu.enqueue_indirect_dma source(%dma_start3A_52 : memref<10000x128xf32, #tpu.memory_space<hbm>>) target(%arg13 : memref<40x128xf32, #tpu.memory_space<vmem>>) offsets(%dma_start3A_49 : memref<40xi32, #tpu.memory_space<vmem>>) semaphore(%arg18 : memref<!tpu.dma_semaphore, #tpu.memory_space<semaphore_mem>>)
    %dma_wait3A = arith.constant 0 : i32
    %dma_wait3A_53 = arith.constant 0 : i32
    %dma_wait3A_54 = tpu.memref_slice %arg3[%dma_wait3A, %dma_wait3A_53] : memref<10000x128xf32, #tpu.memory_space<hbm>> -> memref<40x128xf32, #tpu.memory_space<hbm>>
    %dma_wait3A_55 = arith.constant 0 : i32
    %dma_wait3A_56 = arith.constant 0 : i32
    %dma_wait3A_57 = tpu.memref_slice %arg3[%dma_wait3A_55, %dma_wait3A_56] : memref<10000x128xf32, #tpu.memory_space<hbm>> -> memref<40x128xf32, #tpu.memory_space<hbm>>
    tpu.wait_dma2 semaphore(%arg14 : memref<!tpu.dma_semaphore, #tpu.memory_space<semaphore_mem>>) src(%dma_wait3A_57 : memref<40x128xf32, #tpu.memory_space<hbm>>) dst(%arg9 : memref<40x128xf32, #tpu.memory_space<vmem>>)
    %run_scoped3A_58 = arith.constant 45 : i32
    "tpu.region"() ({
      %run_scoped3A_459 = tpu.sem_alloc : memref<!tpu.dma_semaphore, #tpu.memory_space<semaphore_mem>>
      %dma_start3A_460 = arith.constant 40 : i32
      %dma_start3A_461 = tpu.memref_slice %arg7[%run_scoped3A_58, %dma_start3A_460] : memref<50x80xi32, #tpu.memory_space<vmem>> -> memref<1x40xi32, #tpu.memory_space<vmem>>
      %dma_start3A_462 = tpu.memref_squeeze %dma_start3A_461 : memref<1x40xi32, #tpu.memory_space<vmem>> -> memref<40xi32, #tpu.memory_space<vmem>>
      %dma_start3A_463 = arith.constant 0 : i32
      %dma_start3A_464 = arith.constant 0 : i32
      %dma_start3A_465 = tpu.memref_slice %arg6[%dma_start3A_463, %dma_start3A_464] : memref<10112x128xf32, #tpu.memory_space<vmem_shared>> -> memref<10112x128xf32, #tpu.memory_space<vmem_shared>>
      tpu.enqueue_indirect_dma source(%arg9 : memref<40x128xf32, #tpu.memory_space<vmem>>) target(%dma_start3A_465 : memref<10112x128xf32, #tpu.memory_space<vmem_shared>>) offsets(%dma_start3A_462 : memref<40xi32, #tpu.memory_space<vmem>>) semaphore(%run_scoped3A_459 : memref<!tpu.dma_semaphore, #tpu.memory_space<semaphore_mem>>) {add = true}
      %dma_wait3A_466 = arith.constant 40 : i32
      %dma_wait3A_467 = tpu.memref_slice %arg7[%run_scoped3A_58, %dma_wait3A_466] : memref<50x80xi32, #tpu.memory_space<vmem>> -> memref<1x40xi32, #tpu.memory_space<vmem>>
      %dma_wait3A_468 = tpu.memref_squeeze %dma_wait3A_467 : memref<1x40xi32, #tpu.memory_space<vmem>> -> memref<40xi32, #tpu.memory_space<vmem>>
      %dma_wait3A_469 = arith.constant 0 : i32
      %dma_wait3A_470 = arith.constant 0 : i32
      %dma_wait3A_471 = tpu.memref_slice %arg6[%dma_wait3A_469, %dma_wait3A_470] : memref<10112x128xf32, #tpu.memory_space<vmem_shared>> -> memref<10112x128xf32, #tpu.memory_space<vmem_shared>>
      tpu.wait_indirect_dma semaphore(%run_scoped3A_459 : memref<!tpu.dma_semaphore, #tpu.memory_space<semaphore_mem>>) src(%arg9 : memref<40x128xf32, #tpu.memory_space<vmem>>) dst(%dma_wait3A_471 : memref<10112x128xf32, #tpu.memory_space<vmem_shared>>)
      tpu.yield
    }) : () -> ()
    %dma_wait3A_59 = arith.constant 0 : i32
    %dma_wait3A_60 = arith.constant 0 : i32
    %dma_wait3A_61 = tpu.memref_slice %arg3[%dma_wait3A_59, %dma_wait3A_60] : memref<10000x128xf32, #tpu.memory_space<hbm>> -> memref<40x128xf32, #tpu.memory_space<hbm>>
    %dma_wait3A_62 = arith.constant 0 : i32
    %dma_wait3A_63 = arith.constant 0 : i32
    %dma_wait3A_64 = tpu.memref_slice %arg3[%dma_wait3A_62, %dma_wait3A_63] : memref<10000x128xf32, #tpu.memory_space<hbm>> -> memref<40x128xf32, #tpu.memory_space<hbm>>
    tpu.wait_dma2 semaphore(%arg15 : memref<!tpu.dma_semaphore, #tpu.memory_space<semaphore_mem>>) src(%dma_wait3A_64 : memref<40x128xf32, #tpu.memory_space<hbm>>) dst(%arg10 : memref<40x128xf32, #tpu.memory_space<vmem>>)
    %run_scoped3A_65 = arith.constant 46 : i32
    "tpu.region"() ({
      %run_scoped3A_459 = tpu.sem_alloc : memref<!tpu.dma_semaphore, #tpu.memory_space<semaphore_mem>>
      %dma_start3A_460 = arith.constant 40 : i32
      %dma_start3A_461 = tpu.memref_slice %arg7[%run_scoped3A_65, %dma_start3A_460] : memref<50x80xi32, #tpu.memory_space<vmem>> -> memref<1x40xi32, #tpu.memory_space<vmem>>
      %dma_start3A_462 = tpu.memref_squeeze %dma_start3A_461 : memref<1x40xi32, #tpu.memory_space<vmem>> -> memref<40xi32, #tpu.memory_space<vmem>>
      %dma_start3A_463 = arith.constant 0 : i32
      %dma_start3A_464 = arith.constant 0 : i32
      %dma_start3A_465 = tpu.memref_slice %arg6[%dma_start3A_463, %dma_start3A_464] : memref<10112x128xf32, #tpu.memory_space<vmem_shared>> -> memref<10112x128xf32, #tpu.memory_space<vmem_shared>>
      tpu.enqueue_indirect_dma source(%arg10 : memref<40x128xf32, #tpu.memory_space<vmem>>) target(%dma_start3A_465 : memref<10112x128xf32, #tpu.memory_space<vmem_shared>>) offsets(%dma_start3A_462 : memref<40xi32, #tpu.memory_space<vmem>>) semaphore(%run_scoped3A_459 : memref<!tpu.dma_semaphore, #tpu.memory_space<semaphore_mem>>) {add = true}
      %dma_wait3A_466 = arith.constant 40 : i32
      %dma_wait3A_467 = tpu.memref_slice %arg7[%run_scoped3A_65, %dma_wait3A_466] : memref<50x80xi32, #tpu.memory_space<vmem>> -> memref<1x40xi32, #tpu.memory_space<vmem>>
      %dma_wait3A_468 = tpu.memref_squeeze %dma_wait3A_467 : memref<1x40xi32, #tpu.memory_space<vmem>> -> memref<40xi32, #tpu.memory_space<vmem>>
      %dma_wait3A_469 = arith.constant 0 : i32
      %dma_wait3A_470 = arith.constant 0 : i32
      %dma_wait3A_471 = tpu.memref_slice %arg6[%dma_wait3A_469, %dma_wait3A_470] : memref<10112x128xf32, #tpu.memory_space<vmem_shared>> -> memref<10112x128xf32, #tpu.memory_space<vmem_shared>>
      tpu.wait_indirect_dma semaphore(%run_scoped3A_459 : memref<!tpu.dma_semaphore, #tpu.memory_space<semaphore_mem>>) src(%arg10 : memref<40x128xf32, #tpu.memory_space<vmem>>) dst(%dma_wait3A_471 : memref<10112x128xf32, #tpu.memory_space<vmem_shared>>)
      tpu.yield
    }) : () -> ()
    %dma_wait3A_66 = arith.constant 0 : i32
    %dma_wait3A_67 = arith.constant 0 : i32
    %dma_wait3A_68 = tpu.memref_slice %arg3[%dma_wait3A_66, %dma_wait3A_67] : memref<10000x128xf32, #tpu.memory_space<hbm>> -> memref<40x128xf32, #tpu.memory_space<hbm>>
    %dma_wait3A_69 = arith.constant 0 : i32
    %dma_wait3A_70 = arith.constant 0 : i32
    %dma_wait3A_71 = tpu.memref_slice %arg3[%dma_wait3A_69, %dma_wait3A_70] : memref<10000x128xf32, #tpu.memory_space<hbm>> -> memref<40x128xf32, #tpu.memory_space<hbm>>
    tpu.wait_dma2 semaphore(%arg16 : memref<!tpu.dma_semaphore, #tpu.memory_space<semaphore_mem>>) src(%dma_wait3A_71 : memref<40x128xf32, #tpu.memory_space<hbm>>) dst(%arg11 : memref<40x128xf32, #tpu.memory_space<vmem>>)
    %run_scoped3A_72 = arith.constant 47 : i32
    "tpu.region"() ({
      %run_scoped3A_459 = tpu.sem_alloc : memref<!tpu.dma_semaphore, #tpu.memory_space<semaphore_mem>>
      %dma_start3A_460 = arith.constant 40 : i32
      %dma_start3A_461 = tpu.memref_slice %arg7[%run_scoped3A_72, %dma_start3A_460] : memref<50x80xi32, #tpu.memory_space<vmem>> -> memref<1x40xi32, #tpu.memory_space<vmem>>
      %dma_start3A_462 = tpu.memref_squeeze %dma_start3A_461 : memref<1x40xi32, #tpu.memory_space<vmem>> -> memref<40xi32, #tpu.memory_space<vmem>>
      %dma_start3A_463 = arith.constant 0 : i32
      %dma_start3A_464 = arith.constant 0 : i32
      %dma_start3A_465 = tpu.memref_slice %arg6[%dma_start3A_463, %dma_start3A_464] : memref<10112x128xf32, #tpu.memory_space<vmem_shared>> -> memref<10112x128xf32, #tpu.memory_space<vmem_shared>>
      tpu.enqueue_indirect_dma source(%arg11 : memref<40x128xf32, #tpu.memory_space<vmem>>) target(%dma_start3A_465 : memref<10112x128xf32, #tpu.memory_space<vmem_shared>>) offsets(%dma_start3A_462 : memref<40xi32, #tpu.memory_space<vmem>>) semaphore(%run_scoped3A_459 : memref<!tpu.dma_semaphore, #tpu.memory_space<semaphore_mem>>) {add = true}
      %dma_wait3A_466 = arith.constant 40 : i32
      %dma_wait3A_467 = tpu.memref_slice %arg7[%run_scoped3A_72, %dma_wait3A_466] : memref<50x80xi32, #tpu.memory_space<vmem>> -> memref<1x40xi32, #tpu.memory_space<vmem>>
      %dma_wait3A_468 = tpu.memref_squeeze %dma_wait3A_467 : memref<1x40xi32, #tpu.memory_space<vmem>> -> memref<40xi32, #tpu.memory_space<vmem>>
      %dma_wait3A_469 = arith.constant 0 : i32
      %dma_wait3A_470 = arith.constant 0 : i32
      %dma_wait3A_471 = tpu.memref_slice %arg6[%dma_wait3A_469, %dma_wait3A_470] : memref<10112x128xf32, #tpu.memory_space<vmem_shared>> -> memref<10112x128xf32, #tpu.memory_space<vmem_shared>>
      tpu.wait_indirect_dma semaphore(%run_scoped3A_459 : memref<!tpu.dma_semaphore, #tpu.memory_space<semaphore_mem>>) src(%arg11 : memref<40x128xf32, #tpu.memory_space<vmem>>) dst(%dma_wait3A_471 : memref<10112x128xf32, #tpu.memory_space<vmem_shared>>)
      tpu.yield
    }) : () -> ()
    %dma_wait3A_73 = arith.constant 0 : i32
    %dma_wait3A_74 = arith.constant 0 : i32
    %dma_wait3A_75 = tpu.memref_slice %arg3[%dma_wait3A_73, %dma_wait3A_74] : memref<10000x128xf32, #tpu.memory_space<hbm>> -> memref<40x128xf32, #tpu.memory_space<hbm>>
    %dma_wait3A_76 = arith.constant 0 : i32
    %dma_wait3A_77 = arith.constant 0 : i32
    %dma_wait3A_78 = tpu.memref_slice %arg3[%dma_wait3A_76, %dma_wait3A_77] : memref<10000x128xf32, #tpu.memory_space<hbm>> -> memref<40x128xf32, #tpu.memory_space<hbm>>
    tpu.wait_dma2 semaphore(%arg17 : memref<!tpu.dma_semaphore, #tpu.memory_space<semaphore_mem>>) src(%dma_wait3A_78 : memref<40x128xf32, #tpu.memory_space<hbm>>) dst(%arg12 : memref<40x128xf32, #tpu.memory_space<vmem>>)
    %run_scoped3A_79 = arith.constant 48 : i32
    "tpu.region"() ({
      %run_scoped3A_459 = tpu.sem_alloc : memref<!tpu.dma_semaphore, #tpu.memory_space<semaphore_mem>>
      %dma_start3A_460 = arith.constant 40 : i32
      %dma_start3A_461 = tpu.memref_slice %arg7[%run_scoped3A_79, %dma_start3A_460] : memref<50x80xi32, #tpu.memory_space<vmem>> -> memref<1x40xi32, #tpu.memory_space<vmem>>
      %dma_start3A_462 = tpu.memref_squeeze %dma_start3A_461 : memref<1x40xi32, #tpu.memory_space<vmem>> -> memref<40xi32, #tpu.memory_space<vmem>>
      %dma_start3A_463 = arith.constant 0 : i32
      %dma_start3A_464 = arith.constant 0 : i32
      %dma_start3A_465 = tpu.memref_slice %arg6[%dma_start3A_463, %dma_start3A_464] : memref<10112x128xf32, #tpu.memory_space<vmem_shared>> -> memref<10112x128xf32, #tpu.memory_space<vmem_shared>>
      tpu.enqueue_indirect_dma source(%arg12 : memref<40x128xf32, #tpu.memory_space<vmem>>) target(%dma_start3A_465 : memref<10112x128xf32, #tpu.memory_space<vmem_shared>>) offsets(%dma_start3A_462 : memref<40xi32, #tpu.memory_space<vmem>>) semaphore(%run_scoped3A_459 : memref<!tpu.dma_semaphore, #tpu.memory_space<semaphore_mem>>) {add = true}
      %dma_wait3A_466 = arith.constant 40 : i32
      %dma_wait3A_467 = tpu.memref_slice %arg7[%run_scoped3A_79, %dma_wait3A_466] : memref<50x80xi32, #tpu.memory_space<vmem>> -> memref<1x40xi32, #tpu.memory_space<vmem>>
      %dma_wait3A_468 = tpu.memref_squeeze %dma_wait3A_467 : memref<1x40xi32, #tpu.memory_space<vmem>> -> memref<40xi32, #tpu.memory_space<vmem>>
      %dma_wait3A_469 = arith.constant 0 : i32
      %dma_wait3A_470 = arith.constant 0 : i32
      %dma_wait3A_471 = tpu.memref_slice %arg6[%dma_wait3A_469, %dma_wait3A_470] : memref<10112x128xf32, #tpu.memory_space<vmem_shared>> -> memref<10112x128xf32, #tpu.memory_space<vmem_shared>>
      tpu.wait_indirect_dma semaphore(%run_scoped3A_459 : memref<!tpu.dma_semaphore, #tpu.memory_space<semaphore_mem>>) src(%arg12 : memref<40x128xf32, #tpu.memory_space<vmem>>) dst(%dma_wait3A_471 : memref<10112x128xf32, #tpu.memory_space<vmem_shared>>)
      tpu.yield
    }) : () -> ()
    %dma_wait3A_80 = arith.constant 0 : i32
    %dma_wait3A_81 = arith.constant 0 : i32
    %dma_wait3A_82 = tpu.memref_slice %arg3[%dma_wait3A_80, %dma_wait3A_81] : memref<10000x128xf32, #tpu.memory_space<hbm>> -> memref<40x128xf32, #tpu.memory_space<hbm>>
    %dma_wait3A_83 = arith.constant 0 : i32
    %dma_wait3A_84 = arith.constant 0 : i32
    %dma_wait3A_85 = tpu.memref_slice %arg3[%dma_wait3A_83, %dma_wait3A_84] : memref<10000x128xf32, #tpu.memory_space<hbm>> -> memref<40x128xf32, #tpu.memory_space<hbm>>
    tpu.wait_dma2 semaphore(%arg18 : memref<!tpu.dma_semaphore, #tpu.memory_space<semaphore_mem>>) src(%dma_wait3A_85 : memref<40x128xf32, #tpu.memory_space<hbm>>) dst(%arg13 : memref<40x128xf32, #tpu.memory_space<vmem>>)
    %run_scoped3A_86 = arith.constant 49 : i32
    "tpu.region"() ({
      %run_scoped3A_459 = tpu.sem_alloc : memref<!tpu.dma_semaphore, #tpu.memory_space<semaphore_mem>>
      %dma_start3A_460 = arith.constant 40 : i32
      %dma_start3A_461 = tpu.memref_slice %arg7[%run_scoped3A_86, %dma_start3A_460] : memref<50x80xi32, #tpu.memory_space<vmem>> -> memref<1x40xi32, #tpu.memory_space<vmem>>
      %dma_start3A_462 = tpu.memref_squeeze %dma_start3A_461 : memref<1x40xi32, #tpu.memory_space<vmem>> -> memref<40xi32, #tpu.memory_space<vmem>>
      %dma_start3A_463 = arith.constant 0 : i32
      %dma_start3A_464 = arith.constant 0 : i32
      %dma_start3A_465 = tpu.memref_slice %arg6[%dma_start3A_463, %dma_start3A_464] : memref<10112x128xf32, #tpu.memory_space<vmem_shared>> -> memref<10112x128xf32, #tpu.memory_space<vmem_shared>>
      tpu.enqueue_indirect_dma source(%arg13 : memref<40x128xf32, #tpu.memory_space<vmem>>) target(%dma_start3A_465 : memref<10112x128xf32, #tpu.memory_space<vmem_shared>>) offsets(%dma_start3A_462 : memref<40xi32, #tpu.memory_space<vmem>>) semaphore(%run_scoped3A_459 : memref<!tpu.dma_semaphore, #tpu.memory_space<semaphore_mem>>) {add = true}
      %dma_wait3A_466 = arith.constant 40 : i32
      %dma_wait3A_467 = tpu.memref_slice %arg7[%run_scoped3A_86, %dma_wait3A_466] : memref<50x80xi32, #tpu.memory_space<vmem>> -> memref<1x40xi32, #tpu.memory_space<vmem>>
      %dma_wait3A_468 = tpu.memref_squeeze %dma_wait3A_467 : memref<1x40xi32, #tpu.memory_space<vmem>> -> memref<40xi32, #tpu.memory_space<vmem>>
      %dma_wait3A_469 = arith.constant 0 : i32
      %dma_wait3A_470 = arith.constant 0 : i32
      %dma_wait3A_471 = tpu.memref_slice %arg6[%dma_wait3A_469, %dma_wait3A_470] : memref<10112x128xf32, #tpu.memory_space<vmem_shared>> -> memref<10112x128xf32, #tpu.memory_space<vmem_shared>>
      tpu.wait_indirect_dma semaphore(%run_scoped3A_459 : memref<!tpu.dma_semaphore, #tpu.memory_space<semaphore_mem>>) src(%arg13 : memref<40x128xf32, #tpu.memory_space<vmem>>) dst(%dma_wait3A_471 : memref<10112x128xf32, #tpu.memory_space<vmem_shared>>)
      tpu.yield
    }) : () -> ()
    %dma_wait3A_87 = arith.constant 0 : i32
    %dma_wait3A_88 = arith.constant 0 : i32
    %dma_wait3A_89 = arith.constant 0 : i32
    %dma_wait3A_90 = tpu.memref_slice %arg2[%add3A, %dma_wait3A_87, %dma_wait3A_88, %dma_wait3A_89] : memref<32x5x50x80xi32, #tpu.memory_space<hbm>> -> memref<1x1x50x80xi32, #tpu.memory_space<hbm>>
    %dma_wait3A_91 = tpu.memref_squeeze %dma_wait3A_90 : memref<1x1x50x80xi32, #tpu.memory_space<hbm>> -> memref<50x80xi32, #tpu.memory_space<hbm>>
    %dma_wait3A_92 = arith.constant 0 : i32
    %dma_wait3A_93 = arith.constant 0 : i32
    %dma_wait3A_94 = tpu.memref_slice %arg2[%add3A, %dma_wait3A_87, %dma_wait3A_92, %dma_wait3A_93] : memref<32x5x50x80xi32, #tpu.memory_space<hbm>> -> memref<1x1x50x80xi32, #tpu.memory_space<hbm>>
    %dma_wait3A_95 = tpu.memref_squeeze %dma_wait3A_94 : memref<1x1x50x80xi32, #tpu.memory_space<hbm>> -> memref<50x80xi32, #tpu.memory_space<hbm>>
    tpu.wait_dma2 semaphore(%arg19 : memref<!tpu.dma_semaphore, #tpu.memory_space<semaphore_mem>>) src(%dma_wait3A_95 : memref<50x80xi32, #tpu.memory_space<hbm>>) dst(%arg8 : memref<50x80xi32, #tpu.memory_space<vmem>>)
    %dma_start3A_96 = arith.constant 2 : i32
    %dma_start3A_97 = arith.constant 0 : i32
    %dma_start3A_98 = arith.constant 0 : i32
    %dma_start3A_99 = tpu.memref_slice %arg2[%add3A, %dma_start3A_96, %dma_start3A_97, %dma_start3A_98] : memref<32x5x50x80xi32, #tpu.memory_space<hbm>> -> memref<1x1x50x80xi32, #tpu.memory_space<hbm>>
    %dma_start3A_100 = tpu.memref_squeeze %dma_start3A_99 : memref<1x1x50x80xi32, #tpu.memory_space<hbm>> -> memref<50x80xi32, #tpu.memory_space<hbm>>
    %dma_start3A_101 = arith.constant 0 : i32
    %dma_start3A_102 = arith.constant 0 : i32
    %dma_start3A_103 = tpu.memref_slice %arg2[%add3A, %dma_start3A_96, %dma_start3A_101, %dma_start3A_102] : memref<32x5x50x80xi32, #tpu.memory_space<hbm>> -> memref<1x1x50x80xi32, #tpu.memory_space<hbm>>
    %dma_start3A_104 = tpu.memref_squeeze %dma_start3A_103 : memref<1x1x50x80xi32, #tpu.memory_space<hbm>> -> memref<50x80xi32, #tpu.memory_space<hbm>>
    tpu.enqueue_dma source(%dma_start3A_104 : memref<50x80xi32, #tpu.memory_space<hbm>>) target(%arg7 : memref<50x80xi32, #tpu.memory_space<vmem>>) target_semaphore(%arg19 : memref<!tpu.dma_semaphore, #tpu.memory_space<semaphore_mem>>)
    %dma_start3A_105 = arith.constant 0 : i32
    %dma_start3A_106 = arith.constant 0 : i32
    %dma_start3A_107 = tpu.memref_slice %arg8[%dma_start3A_105, %dma_start3A_106] : memref<50x80xi32, #tpu.memory_space<vmem>> -> memref<1x40xi32, #tpu.memory_space<vmem>>
    %dma_start3A_108 = tpu.memref_squeeze %dma_start3A_107 : memref<1x40xi32, #tpu.memory_space<vmem>> -> memref<40xi32, #tpu.memory_space<vmem>>
    %dma_start3A_109 = arith.constant 0 : i32
    %dma_start3A_110 = arith.constant 0 : i32
    %dma_start3A_111 = tpu.memref_slice %arg3[%dma_start3A_109, %dma_start3A_110] : memref<10000x128xf32, #tpu.memory_space<hbm>> -> memref<10000x128xf32, #tpu.memory_space<hbm>>
    tpu.enqueue_indirect_dma source(%dma_start3A_111 : memref<10000x128xf32, #tpu.memory_space<hbm>>) target(%arg9 : memref<40x128xf32, #tpu.memory_space<vmem>>) offsets(%dma_start3A_108 : memref<40xi32, #tpu.memory_space<vmem>>) semaphore(%arg14 : memref<!tpu.dma_semaphore, #tpu.memory_space<semaphore_mem>>)
    %dma_start3A_112 = arith.constant 1 : i32
    %dma_start3A_113 = arith.constant 0 : i32
    %dma_start3A_114 = tpu.memref_slice %arg8[%dma_start3A_112, %dma_start3A_113] : memref<50x80xi32, #tpu.memory_space<vmem>> -> memref<1x40xi32, #tpu.memory_space<vmem>>
    %dma_start3A_115 = tpu.memref_squeeze %dma_start3A_114 : memref<1x40xi32, #tpu.memory_space<vmem>> -> memref<40xi32, #tpu.memory_space<vmem>>
    %dma_start3A_116 = arith.constant 0 : i32
    %dma_start3A_117 = arith.constant 0 : i32
    %dma_start3A_118 = tpu.memref_slice %arg3[%dma_start3A_116, %dma_start3A_117] : memref<10000x128xf32, #tpu.memory_space<hbm>> -> memref<10000x128xf32, #tpu.memory_space<hbm>>
    tpu.enqueue_indirect_dma source(%dma_start3A_118 : memref<10000x128xf32, #tpu.memory_space<hbm>>) target(%arg10 : memref<40x128xf32, #tpu.memory_space<vmem>>) offsets(%dma_start3A_115 : memref<40xi32, #tpu.memory_space<vmem>>) semaphore(%arg15 : memref<!tpu.dma_semaphore, #tpu.memory_space<semaphore_mem>>)
    %dma_start3A_119 = arith.constant 2 : i32
    %dma_start3A_120 = arith.constant 0 : i32
    %dma_start3A_121 = tpu.memref_slice %arg8[%dma_start3A_119, %dma_start3A_120] : memref<50x80xi32, #tpu.memory_space<vmem>> -> memref<1x40xi32, #tpu.memory_space<vmem>>
    %dma_start3A_122 = tpu.memref_squeeze %dma_start3A_121 : memref<1x40xi32, #tpu.memory_space<vmem>> -> memref<40xi32, #tpu.memory_space<vmem>>
    %dma_start3A_123 = arith.constant 0 : i32
    %dma_start3A_124 = arith.constant 0 : i32
    %dma_start3A_125 = tpu.memref_slice %arg3[%dma_start3A_123, %dma_start3A_124] : memref<10000x128xf32, #tpu.memory_space<hbm>> -> memref<10000x128xf32, #tpu.memory_space<hbm>>
    tpu.enqueue_indirect_dma source(%dma_start3A_125 : memref<10000x128xf32, #tpu.memory_space<hbm>>) target(%arg11 : memref<40x128xf32, #tpu.memory_space<vmem>>) offsets(%dma_start3A_122 : memref<40xi32, #tpu.memory_space<vmem>>) semaphore(%arg16 : memref<!tpu.dma_semaphore, #tpu.memory_space<semaphore_mem>>)
    %dma_start3A_126 = arith.constant 3 : i32
    %dma_start3A_127 = arith.constant 0 : i32
    %dma_start3A_128 = tpu.memref_slice %arg8[%dma_start3A_126, %dma_start3A_127] : memref<50x80xi32, #tpu.memory_space<vmem>> -> memref<1x40xi32, #tpu.memory_space<vmem>>
    %dma_start3A_129 = tpu.memref_squeeze %dma_start3A_128 : memref<1x40xi32, #tpu.memory_space<vmem>> -> memref<40xi32, #tpu.memory_space<vmem>>
    %dma_start3A_130 = arith.constant 0 : i32
    %dma_start3A_131 = arith.constant 0 : i32
    %dma_start3A_132 = tpu.memref_slice %arg3[%dma_start3A_130, %dma_start3A_131] : memref<10000x128xf32, #tpu.memory_space<hbm>> -> memref<10000x128xf32, #tpu.memory_space<hbm>>
    tpu.enqueue_indirect_dma source(%dma_start3A_132 : memref<10000x128xf32, #tpu.memory_space<hbm>>) target(%arg12 : memref<40x128xf32, #tpu.memory_space<vmem>>) offsets(%dma_start3A_129 : memref<40xi32, #tpu.memory_space<vmem>>) semaphore(%arg17 : memref<!tpu.dma_semaphore, #tpu.memory_space<semaphore_mem>>)
    %scan3A_133 = arith.constant 0 : i32
    %scan3A_134 = arith.constant 0 : i32
    %scan3A_135 = arith.constant 9 : i32
    %scan3A_136 = arith.addi %scan3A_134, %scan3A_135 : i32
    %scan3A_137 = arith.constant 1 : i32
    scf.for %scan3A_459 = %scan3A_134 to %scan3A_136 step %scan3A_137  : i32 {
      %mul3A_460 = arith.constant 5 : i32
      %mul3A_461 = arith.muli %mul3A_460, %scan3A_459 : i32
      %add3A_462 = arith.constant 0 : i32
      %add3A_463 = arith.addi %mul3A_461, %add3A_462 : i32
      %add3A_464 = arith.constant 5 : i32
      %add3A_465 = arith.addi %add3A_463, %add3A_464 : i32
      %sub3A = arith.constant 1 : i32
      %sub3A_466 = arith.subi %add3A_465, %sub3A : i32
      %dma_start3A_467 = arith.constant 0 : i32
      %dma_start3A_468 = tpu.memref_slice %arg8[%sub3A_466, %dma_start3A_467] : memref<50x80xi32, #tpu.memory_space<vmem>> -> memref<1x40xi32, #tpu.memory_space<vmem>>
      %dma_start3A_469 = tpu.memref_squeeze %dma_start3A_468 : memref<1x40xi32, #tpu.memory_space<vmem>> -> memref<40xi32, #tpu.memory_space<vmem>>
      %dma_start3A_470 = arith.constant 0 : i32
      %dma_start3A_471 = arith.constant 0 : i32
      %dma_start3A_472 = tpu.memref_slice %arg3[%dma_start3A_470, %dma_start3A_471] : memref<10000x128xf32, #tpu.memory_space<hbm>> -> memref<10000x128xf32, #tpu.memory_space<hbm>>
      tpu.enqueue_indirect_dma source(%dma_start3A_472 : memref<10000x128xf32, #tpu.memory_space<hbm>>) target(%arg13 : memref<40x128xf32, #tpu.memory_space<vmem>>) offsets(%dma_start3A_469 : memref<40xi32, #tpu.memory_space<vmem>>) semaphore(%arg18 : memref<!tpu.dma_semaphore, #tpu.memory_space<semaphore_mem>>)
      %add3A_473 = arith.constant 0 : i32
      %add3A_474 = arith.addi %mul3A_461, %add3A_473 : i32
      %dma_wait3A_475 = arith.constant 0 : i32
      %dma_wait3A_476 = arith.constant 0 : i32
      %dma_wait3A_477 = tpu.memref_slice %arg3[%dma_wait3A_475, %dma_wait3A_476] : memref<10000x128xf32, #tpu.memory_space<hbm>> -> memref<40x128xf32, #tpu.memory_space<hbm>>
      %dma_wait3A_478 = arith.constant 0 : i32
      %dma_wait3A_479 = arith.constant 0 : i32
      %dma_wait3A_480 = tpu.memref_slice %arg3[%dma_wait3A_478, %dma_wait3A_479] : memref<10000x128xf32, #tpu.memory_space<hbm>> -> memref<40x128xf32, #tpu.memory_space<hbm>>
      tpu.wait_dma2 semaphore(%arg14 : memref<!tpu.dma_semaphore, #tpu.memory_space<semaphore_mem>>) src(%dma_wait3A_480 : memref<40x128xf32, #tpu.memory_space<hbm>>) dst(%arg9 : memref<40x128xf32, #tpu.memory_space<vmem>>)
      "tpu.region"() ({
        %run_scoped3A_561 = tpu.sem_alloc : memref<!tpu.dma_semaphore, #tpu.memory_space<semaphore_mem>>
        %dma_start3A_562 = arith.constant 40 : i32
        %dma_start3A_563 = tpu.memref_slice %arg8[%add3A_474, %dma_start3A_562] : memref<50x80xi32, #tpu.memory_space<vmem>> -> memref<1x40xi32, #tpu.memory_space<vmem>>
        %dma_start3A_564 = tpu.memref_squeeze %dma_start3A_563 : memref<1x40xi32, #tpu.memory_space<vmem>> -> memref<40xi32, #tpu.memory_space<vmem>>
        %dma_start3A_565 = arith.constant 0 : i32
        %dma_start3A_566 = arith.constant 0 : i32
        %dma_start3A_567 = tpu.memref_slice %arg6[%dma_start3A_565, %dma_start3A_566] : memref<10112x128xf32, #tpu.memory_space<vmem_shared>> -> memref<10112x128xf32, #tpu.memory_space<vmem_shared>>
        tpu.enqueue_indirect_dma source(%arg9 : memref<40x128xf32, #tpu.memory_space<vmem>>) target(%dma_start3A_567 : memref<10112x128xf32, #tpu.memory_space<vmem_shared>>) offsets(%dma_start3A_564 : memref<40xi32, #tpu.memory_space<vmem>>) semaphore(%run_scoped3A_561 : memref<!tpu.dma_semaphore, #tpu.memory_space<semaphore_mem>>) {add = true}
        %dma_wait3A_568 = arith.constant 40 : i32
        %dma_wait3A_569 = tpu.memref_slice %arg8[%add3A_474, %dma_wait3A_568] : memref<50x80xi32, #tpu.memory_space<vmem>> -> memref<1x40xi32, #tpu.memory_space<vmem>>
        %dma_wait3A_570 = tpu.memref_squeeze %dma_wait3A_569 : memref<1x40xi32, #tpu.memory_space<vmem>> -> memref<40xi32, #tpu.memory_space<vmem>>
        %dma_wait3A_571 = arith.constant 0 : i32
        %dma_wait3A_572 = arith.constant 0 : i32
        %dma_wait3A_573 = tpu.memref_slice %arg6[%dma_wait3A_571, %dma_wait3A_572] : memref<10112x128xf32, #tpu.memory_space<vmem_shared>> -> memref<10112x128xf32, #tpu.memory_space<vmem_shared>>
        tpu.wait_indirect_dma semaphore(%run_scoped3A_561 : memref<!tpu.dma_semaphore, #tpu.memory_space<semaphore_mem>>) src(%arg9 : memref<40x128xf32, #tpu.memory_space<vmem>>) dst(%dma_wait3A_573 : memref<10112x128xf32, #tpu.memory_space<vmem_shared>>)
        tpu.yield
      }) : () -> ()
      %add3A_481 = arith.constant 1 : i32
      %add3A_482 = arith.addi %mul3A_461, %add3A_481 : i32
      %add3A_483 = arith.constant 5 : i32
      %add3A_484 = arith.addi %add3A_482, %add3A_483 : i32
      %sub3A_485 = arith.constant 1 : i32
      %sub3A_486 = arith.subi %add3A_484, %sub3A_485 : i32
      %dma_start3A_487 = arith.constant 0 : i32
      %dma_start3A_488 = tpu.memref_slice %arg8[%sub3A_486, %dma_start3A_487] : memref<50x80xi32, #tpu.memory_space<vmem>> -> memref<1x40xi32, #tpu.memory_space<vmem>>
      %dma_start3A_489 = tpu.memref_squeeze %dma_start3A_488 : memref<1x40xi32, #tpu.memory_space<vmem>> -> memref<40xi32, #tpu.memory_space<vmem>>
      %dma_start3A_490 = arith.constant 0 : i32
      %dma_start3A_491 = arith.constant 0 : i32
      %dma_start3A_492 = tpu.memref_slice %arg3[%dma_start3A_490, %dma_start3A_491] : memref<10000x128xf32, #tpu.memory_space<hbm>> -> memref<10000x128xf32, #tpu.memory_space<hbm>>
      tpu.enqueue_indirect_dma source(%dma_start3A_492 : memref<10000x128xf32, #tpu.memory_space<hbm>>) target(%arg9 : memref<40x128xf32, #tpu.memory_space<vmem>>) offsets(%dma_start3A_489 : memref<40xi32, #tpu.memory_space<vmem>>) semaphore(%arg14 : memref<!tpu.dma_semaphore, #tpu.memory_space<semaphore_mem>>)
      %add3A_493 = arith.constant 1 : i32
      %add3A_494 = arith.addi %mul3A_461, %add3A_493 : i32
      %dma_wait3A_495 = arith.constant 0 : i32
      %dma_wait3A_496 = arith.constant 0 : i32
      %dma_wait3A_497 = tpu.memref_slice %arg3[%dma_wait3A_495, %dma_wait3A_496] : memref<10000x128xf32, #tpu.memory_space<hbm>> -> memref<40x128xf32, #tpu.memory_space<hbm>>
      %dma_wait3A_498 = arith.constant 0 : i32
      %dma_wait3A_499 = arith.constant 0 : i32
      %dma_wait3A_500 = tpu.memref_slice %arg3[%dma_wait3A_498, %dma_wait3A_499] : memref<10000x128xf32, #tpu.memory_space<hbm>> -> memref<40x128xf32, #tpu.memory_space<hbm>>
      tpu.wait_dma2 semaphore(%arg15 : memref<!tpu.dma_semaphore, #tpu.memory_space<semaphore_mem>>) src(%dma_wait3A_500 : memref<40x128xf32, #tpu.memory_space<hbm>>) dst(%arg10 : memref<40x128xf32, #tpu.memory_space<vmem>>)
      "tpu.region"() ({
        %run_scoped3A_561 = tpu.sem_alloc : memref<!tpu.dma_semaphore, #tpu.memory_space<semaphore_mem>>
        %dma_start3A_562 = arith.constant 40 : i32
        %dma_start3A_563 = tpu.memref_slice %arg8[%add3A_494, %dma_start3A_562] : memref<50x80xi32, #tpu.memory_space<vmem>> -> memref<1x40xi32, #tpu.memory_space<vmem>>
        %dma_start3A_564 = tpu.memref_squeeze %dma_start3A_563 : memref<1x40xi32, #tpu.memory_space<vmem>> -> memref<40xi32, #tpu.memory_space<vmem>>
        %dma_start3A_565 = arith.constant 0 : i32
        %dma_start3A_566 = arith.constant 0 : i32
        %dma_start3A_567 = tpu.memref_slice %arg6[%dma_start3A_565, %dma_start3A_566] : memref<10112x128xf32, #tpu.memory_space<vmem_shared>> -> memref<10112x128xf32, #tpu.memory_space<vmem_shared>>
        tpu.enqueue_indirect_dma source(%arg10 : memref<40x128xf32, #tpu.memory_space<vmem>>) target(%dma_start3A_567 : memref<10112x128xf32, #tpu.memory_space<vmem_shared>>) offsets(%dma_start3A_564 : memref<40xi32, #tpu.memory_space<vmem>>) semaphore(%run_scoped3A_561 : memref<!tpu.dma_semaphore, #tpu.memory_space<semaphore_mem>>) {add = true}
        %dma_wait3A_568 = arith.constant 40 : i32
        %dma_wait3A_569 = tpu.memref_slice %arg8[%add3A_494, %dma_wait3A_568] : memref<50x80xi32, #tpu.memory_space<vmem>> -> memref<1x40xi32, #tpu.memory_space<vmem>>
        %dma_wait3A_570 = tpu.memref_squeeze %dma_wait3A_569 : memref<1x40xi32, #tpu.memory_space<vmem>> -> memref<40xi32, #tpu.memory_space<vmem>>
        %dma_wait3A_571 = arith.constant 0 : i32
        %dma_wait3A_572 = arith.constant 0 : i32
        %dma_wait3A_573 = tpu.memref_slice %arg6[%dma_wait3A_571, %dma_wait3A_572] : memref<10112x128xf32, #tpu.memory_space<vmem_shared>> -> memref<10112x128xf32, #tpu.memory_space<vmem_shared>>
        tpu.wait_indirect_dma semaphore(%run_scoped3A_561 : memref<!tpu.dma_semaphore, #tpu.memory_space<semaphore_mem>>) src(%arg10 : memref<40x128xf32, #tpu.memory_space<vmem>>) dst(%dma_wait3A_573 : memref<10112x128xf32, #tpu.memory_space<vmem_shared>>)
        tpu.yield
      }) : () -> ()
      %add3A_501 = arith.constant 2 : i32
      %add3A_502 = arith.addi %mul3A_461, %add3A_501 : i32
      %add3A_503 = arith.constant 5 : i32
      %add3A_504 = arith.addi %add3A_502, %add3A_503 : i32
      %sub3A_505 = arith.constant 1 : i32
      %sub3A_506 = arith.subi %add3A_504, %sub3A_505 : i32
      %dma_start3A_507 = arith.constant 0 : i32
      %dma_start3A_508 = tpu.memref_slice %arg8[%sub3A_506, %dma_start3A_507] : memref<50x80xi32, #tpu.memory_space<vmem>> -> memref<1x40xi32, #tpu.memory_space<vmem>>
      %dma_start3A_509 = tpu.memref_squeeze %dma_start3A_508 : memref<1x40xi32, #tpu.memory_space<vmem>> -> memref<40xi32, #tpu.memory_space<vmem>>
      %dma_start3A_510 = arith.constant 0 : i32
      %dma_start3A_511 = arith.constant 0 : i32
      %dma_start3A_512 = tpu.memref_slice %arg3[%dma_start3A_510, %dma_start3A_511] : memref<10000x128xf32, #tpu.memory_space<hbm>> -> memref<10000x128xf32, #tpu.memory_space<hbm>>
      tpu.enqueue_indirect_dma source(%dma_start3A_512 : memref<10000x128xf32, #tpu.memory_space<hbm>>) target(%arg10 : memref<40x128xf32, #tpu.memory_space<vmem>>) offsets(%dma_start3A_509 : memref<40xi32, #tpu.memory_space<vmem>>) semaphore(%arg15 : memref<!tpu.dma_semaphore, #tpu.memory_space<semaphore_mem>>)
      %add3A_513 = arith.constant 2 : i32
      %add3A_514 = arith.addi %mul3A_461, %add3A_513 : i32
      %dma_wait3A_515 = arith.constant 0 : i32
      %dma_wait3A_516 = arith.constant 0 : i32
      %dma_wait3A_517 = tpu.memref_slice %arg3[%dma_wait3A_515, %dma_wait3A_516] : memref<10000x128xf32, #tpu.memory_space<hbm>> -> memref<40x128xf32, #tpu.memory_space<hbm>>
      %dma_wait3A_518 = arith.constant 0 : i32
      %dma_wait3A_519 = arith.constant 0 : i32
      %dma_wait3A_520 = tpu.memref_slice %arg3[%dma_wait3A_518, %dma_wait3A_519] : memref<10000x128xf32, #tpu.memory_space<hbm>> -> memref<40x128xf32, #tpu.memory_space<hbm>>
      tpu.wait_dma2 semaphore(%arg16 : memref<!tpu.dma_semaphore, #tpu.memory_space<semaphore_mem>>) src(%dma_wait3A_520 : memref<40x128xf32, #tpu.memory_space<hbm>>) dst(%arg11 : memref<40x128xf32, #tpu.memory_space<vmem>>)
      "tpu.region"() ({
        %run_scoped3A_561 = tpu.sem_alloc : memref<!tpu.dma_semaphore, #tpu.memory_space<semaphore_mem>>
        %dma_start3A_562 = arith.constant 40 : i32
        %dma_start3A_563 = tpu.memref_slice %arg8[%add3A_514, %dma_start3A_562] : memref<50x80xi32, #tpu.memory_space<vmem>> -> memref<1x40xi32, #tpu.memory_space<vmem>>
        %dma_start3A_564 = tpu.memref_squeeze %dma_start3A_563 : memref<1x40xi32, #tpu.memory_space<vmem>> -> memref<40xi32, #tpu.memory_space<vmem>>
        %dma_start3A_565 = arith.constant 0 : i32
        %dma_start3A_566 = arith.constant 0 : i32
        %dma_start3A_567 = tpu.memref_slice %arg6[%dma_start3A_565, %dma_start3A_566] : memref<10112x128xf32, #tpu.memory_space<vmem_shared>> -> memref<10112x128xf32, #tpu.memory_space<vmem_shared>>
        tpu.enqueue_indirect_dma source(%arg11 : memref<40x128xf32, #tpu.memory_space<vmem>>) target(%dma_start3A_567 : memref<10112x128xf32, #tpu.memory_space<vmem_shared>>) offsets(%dma_start3A_564 : memref<40xi32, #tpu.memory_space<vmem>>) semaphore(%run_scoped3A_561 : memref<!tpu.dma_semaphore, #tpu.memory_space<semaphore_mem>>) {add = true}
        %dma_wait3A_568 = arith.constant 40 : i32
        %dma_wait3A_569 = tpu.memref_slice %arg8[%add3A_514, %dma_wait3A_568] : memref<50x80xi32, #tpu.memory_space<vmem>> -> memref<1x40xi32, #tpu.memory_space<vmem>>
        %dma_wait3A_570 = tpu.memref_squeeze %dma_wait3A_569 : memref<1x40xi32, #tpu.memory_space<vmem>> -> memref<40xi32, #tpu.memory_space<vmem>>
        %dma_wait3A_571 = arith.constant 0 : i32
        %dma_wait3A_572 = arith.constant 0 : i32
        %dma_wait3A_573 = tpu.memref_slice %arg6[%dma_wait3A_571, %dma_wait3A_572] : memref<10112x128xf32, #tpu.memory_space<vmem_shared>> -> memref<10112x128xf32, #tpu.memory_space<vmem_shared>>
        tpu.wait_indirect_dma semaphore(%run_scoped3A_561 : memref<!tpu.dma_semaphore, #tpu.memory_space<semaphore_mem>>) src(%arg11 : memref<40x128xf32, #tpu.memory_space<vmem>>) dst(%dma_wait3A_573 : memref<10112x128xf32, #tpu.memory_space<vmem_shared>>)
        tpu.yield
      }) : () -> ()
      %add3A_521 = arith.constant 3 : i32
      %add3A_522 = arith.addi %mul3A_461, %add3A_521 : i32
      %add3A_523 = arith.constant 5 : i32
      %add3A_524 = arith.addi %add3A_522, %add3A_523 : i32
      %sub3A_525 = arith.constant 1 : i32
      %sub3A_526 = arith.subi %add3A_524, %sub3A_525 : i32
      %dma_start3A_527 = arith.constant 0 : i32
      %dma_start3A_528 = tpu.memref_slice %arg8[%sub3A_526, %dma_start3A_527] : memref<50x80xi32, #tpu.memory_space<vmem>> -> memref<1x40xi32, #tpu.memory_space<vmem>>
      %dma_start3A_529 = tpu.memref_squeeze %dma_start3A_528 : memref<1x40xi32, #tpu.memory_space<vmem>> -> memref<40xi32, #tpu.memory_space<vmem>>
      %dma_start3A_530 = arith.constant 0 : i32
      %dma_start3A_531 = arith.constant 0 : i32
      %dma_start3A_532 = tpu.memref_slice %arg3[%dma_start3A_530, %dma_start3A_531] : memref<10000x128xf32, #tpu.memory_space<hbm>> -> memref<10000x128xf32, #tpu.memory_space<hbm>>
      tpu.enqueue_indirect_dma source(%dma_start3A_532 : memref<10000x128xf32, #tpu.memory_space<hbm>>) target(%arg11 : memref<40x128xf32, #tpu.memory_space<vmem>>) offsets(%dma_start3A_529 : memref<40xi32, #tpu.memory_space<vmem>>) semaphore(%arg16 : memref<!tpu.dma_semaphore, #tpu.memory_space<semaphore_mem>>)
      %add3A_533 = arith.constant 3 : i32
      %add3A_534 = arith.addi %mul3A_461, %add3A_533 : i32
      %dma_wait3A_535 = arith.constant 0 : i32
      %dma_wait3A_536 = arith.constant 0 : i32
      %dma_wait3A_537 = tpu.memref_slice %arg3[%dma_wait3A_535, %dma_wait3A_536] : memref<10000x128xf32, #tpu.memory_space<hbm>> -> memref<40x128xf32, #tpu.memory_space<hbm>>
      %dma_wait3A_538 = arith.constant 0 : i32
      %dma_wait3A_539 = arith.constant 0 : i32
      %dma_wait3A_540 = tpu.memref_slice %arg3[%dma_wait3A_538, %dma_wait3A_539] : memref<10000x128xf32, #tpu.memory_space<hbm>> -> memref<40x128xf32, #tpu.memory_space<hbm>>
      tpu.wait_dma2 semaphore(%arg17 : memref<!tpu.dma_semaphore, #tpu.memory_space<semaphore_mem>>) src(%dma_wait3A_540 : memref<40x128xf32, #tpu.memory_space<hbm>>) dst(%arg12 : memref<40x128xf32, #tpu.memory_space<vmem>>)
      "tpu.region"() ({
        %run_scoped3A_561 = tpu.sem_alloc : memref<!tpu.dma_semaphore, #tpu.memory_space<semaphore_mem>>
        %dma_start3A_562 = arith.constant 40 : i32
        %dma_start3A_563 = tpu.memref_slice %arg8[%add3A_534, %dma_start3A_562] : memref<50x80xi32, #tpu.memory_space<vmem>> -> memref<1x40xi32, #tpu.memory_space<vmem>>
        %dma_start3A_564 = tpu.memref_squeeze %dma_start3A_563 : memref<1x40xi32, #tpu.memory_space<vmem>> -> memref<40xi32, #tpu.memory_space<vmem>>
        %dma_start3A_565 = arith.constant 0 : i32
        %dma_start3A_566 = arith.constant 0 : i32
        %dma_start3A_567 = tpu.memref_slice %arg6[%dma_start3A_565, %dma_start3A_566] : memref<10112x128xf32, #tpu.memory_space<vmem_shared>> -> memref<10112x128xf32, #tpu.memory_space<vmem_shared>>
        tpu.enqueue_indirect_dma source(%arg12 : memref<40x128xf32, #tpu.memory_space<vmem>>) target(%dma_start3A_567 : memref<10112x128xf32, #tpu.memory_space<vmem_shared>>) offsets(%dma_start3A_564 : memref<40xi32, #tpu.memory_space<vmem>>) semaphore(%run_scoped3A_561 : memref<!tpu.dma_semaphore, #tpu.memory_space<semaphore_mem>>) {add = true}
        %dma_wait3A_568 = arith.constant 40 : i32
        %dma_wait3A_569 = tpu.memref_slice %arg8[%add3A_534, %dma_wait3A_568] : memref<50x80xi32, #tpu.memory_space<vmem>> -> memref<1x40xi32, #tpu.memory_space<vmem>>
        %dma_wait3A_570 = tpu.memref_squeeze %dma_wait3A_569 : memref<1x40xi32, #tpu.memory_space<vmem>> -> memref<40xi32, #tpu.memory_space<vmem>>
        %dma_wait3A_571 = arith.constant 0 : i32
        %dma_wait3A_572 = arith.constant 0 : i32
        %dma_wait3A_573 = tpu.memref_slice %arg6[%dma_wait3A_571, %dma_wait3A_572] : memref<10112x128xf32, #tpu.memory_space<vmem_shared>> -> memref<10112x128xf32, #tpu.memory_space<vmem_shared>>
        tpu.wait_indirect_dma semaphore(%run_scoped3A_561 : memref<!tpu.dma_semaphore, #tpu.memory_space<semaphore_mem>>) src(%arg12 : memref<40x128xf32, #tpu.memory_space<vmem>>) dst(%dma_wait3A_573 : memref<10112x128xf32, #tpu.memory_space<vmem_shared>>)
        tpu.yield
      }) : () -> ()
      %add3A_541 = arith.constant 4 : i32
      %add3A_542 = arith.addi %mul3A_461, %add3A_541 : i32
      %add3A_543 = arith.constant 5 : i32
      %add3A_544 = arith.addi %add3A_542, %add3A_543 : i32
      %sub3A_545 = arith.constant 1 : i32
      %sub3A_546 = arith.subi %add3A_544, %sub3A_545 : i32
      %dma_start3A_547 = arith.constant 0 : i32
      %dma_start3A_548 = tpu.memref_slice %arg8[%sub3A_546, %dma_start3A_547] : memref<50x80xi32, #tpu.memory_space<vmem>> -> memref<1x40xi32, #tpu.memory_space<vmem>>
      %dma_start3A_549 = tpu.memref_squeeze %dma_start3A_548 : memref<1x40xi32, #tpu.memory_space<vmem>> -> memref<40xi32, #tpu.memory_space<vmem>>
      %dma_start3A_550 = arith.constant 0 : i32
      %dma_start3A_551 = arith.constant 0 : i32
      %dma_start3A_552 = tpu.memref_slice %arg3[%dma_start3A_550, %dma_start3A_551] : memref<10000x128xf32, #tpu.memory_space<hbm>> -> memref<10000x128xf32, #tpu.memory_space<hbm>>
      tpu.enqueue_indirect_dma source(%dma_start3A_552 : memref<10000x128xf32, #tpu.memory_space<hbm>>) target(%arg12 : memref<40x128xf32, #tpu.memory_space<vmem>>) offsets(%dma_start3A_549 : memref<40xi32, #tpu.memory_space<vmem>>) semaphore(%arg17 : memref<!tpu.dma_semaphore, #tpu.memory_space<semaphore_mem>>)
      %add3A_553 = arith.constant 4 : i32
      %add3A_554 = arith.addi %mul3A_461, %add3A_553 : i32
      %dma_wait3A_555 = arith.constant 0 : i32
      %dma_wait3A_556 = arith.constant 0 : i32
      %dma_wait3A_557 = tpu.memref_slice %arg3[%dma_wait3A_555, %dma_wait3A_556] : memref<10000x128xf32, #tpu.memory_space<hbm>> -> memref<40x128xf32, #tpu.memory_space<hbm>>
      %dma_wait3A_558 = arith.constant 0 : i32
      %dma_wait3A_559 = arith.constant 0 : i32
      %dma_wait3A_560 = tpu.memref_slice %arg3[%dma_wait3A_558, %dma_wait3A_559] : memref<10000x128xf32, #tpu.memory_space<hbm>> -> memref<40x128xf32, #tpu.memory_space<hbm>>
      tpu.wait_dma2 semaphore(%arg18 : memref<!tpu.dma_semaphore, #tpu.memory_space<semaphore_mem>>) src(%dma_wait3A_560 : memref<40x128xf32, #tpu.memory_space<hbm>>) dst(%arg13 : memref<40x128xf32, #tpu.memory_space<vmem>>)
      "tpu.region"() ({
        %run_scoped3A_561 = tpu.sem_alloc : memref<!tpu.dma_semaphore, #tpu.memory_space<semaphore_mem>>
        %dma_start3A_562 = arith.constant 40 : i32
        %dma_start3A_563 = tpu.memref_slice %arg8[%add3A_554, %dma_start3A_562] : memref<50x80xi32, #tpu.memory_space<vmem>> -> memref<1x40xi32, #tpu.memory_space<vmem>>
        %dma_start3A_564 = tpu.memref_squeeze %dma_start3A_563 : memref<1x40xi32, #tpu.memory_space<vmem>> -> memref<40xi32, #tpu.memory_space<vmem>>
        %dma_start3A_565 = arith.constant 0 : i32
        %dma_start3A_566 = arith.constant 0 : i32
        %dma_start3A_567 = tpu.memref_slice %arg6[%dma_start3A_565, %dma_start3A_566] : memref<10112x128xf32, #tpu.memory_space<vmem_shared>> -> memref<10112x128xf32, #tpu.memory_space<vmem_shared>>
        tpu.enqueue_indirect_dma source(%arg13 : memref<40x128xf32, #tpu.memory_space<vmem>>) target(%dma_start3A_567 : memref<10112x128xf32, #tpu.memory_space<vmem_shared>>) offsets(%dma_start3A_564 : memref<40xi32, #tpu.memory_space<vmem>>) semaphore(%run_scoped3A_561 : memref<!tpu.dma_semaphore, #tpu.memory_space<semaphore_mem>>) {add = true}
        %dma_wait3A_568 = arith.constant 40 : i32
        %dma_wait3A_569 = tpu.memref_slice %arg8[%add3A_554, %dma_wait3A_568] : memref<50x80xi32, #tpu.memory_space<vmem>> -> memref<1x40xi32, #tpu.memory_space<vmem>>
        %dma_wait3A_570 = tpu.memref_squeeze %dma_wait3A_569 : memref<1x40xi32, #tpu.memory_space<vmem>> -> memref<40xi32, #tpu.memory_space<vmem>>
        %dma_wait3A_571 = arith.constant 0 : i32
        %dma_wait3A_572 = arith.constant 0 : i32
        %dma_wait3A_573 = tpu.memref_slice %arg6[%dma_wait3A_571, %dma_wait3A_572] : memref<10112x128xf32, #tpu.memory_space<vmem_shared>> -> memref<10112x128xf32, #tpu.memory_space<vmem_shared>>
        tpu.wait_indirect_dma semaphore(%run_scoped3A_561 : memref<!tpu.dma_semaphore, #tpu.memory_space<semaphore_mem>>) src(%arg13 : memref<40x128xf32, #tpu.memory_space<vmem>>) dst(%dma_wait3A_573 : memref<10112x128xf32, #tpu.memory_space<vmem_shared>>)
        tpu.yield
      }) : () -> ()
    }
    %scan3A_138 = arith.constant 9 : i32
    %dma_start3A_139 = arith.constant 49 : i32
    %dma_start3A_140 = arith.constant 0 : i32
    %dma_start3A_141 = tpu.memref_slice %arg8[%dma_start3A_139, %dma_start3A_140] : memref<50x80xi32, #tpu.memory_space<vmem>> -> memref<1x40xi32, #tpu.memory_space<vmem>>
    %dma_start3A_142 = tpu.memref_squeeze %dma_start3A_141 : memref<1x40xi32, #tpu.memory_space<vmem>> -> memref<40xi32, #tpu.memory_space<vmem>>
    %dma_start3A_143 = arith.constant 0 : i32
    %dma_start3A_144 = arith.constant 0 : i32
    %dma_start3A_145 = tpu.memref_slice %arg3[%dma_start3A_143, %dma_start3A_144] : memref<10000x128xf32, #tpu.memory_space<hbm>> -> memref<10000x128xf32, #tpu.memory_space<hbm>>
    tpu.enqueue_indirect_dma source(%dma_start3A_145 : memref<10000x128xf32, #tpu.memory_space<hbm>>) target(%arg13 : memref<40x128xf32, #tpu.memory_space<vmem>>) offsets(%dma_start3A_142 : memref<40xi32, #tpu.memory_space<vmem>>) semaphore(%arg18 : memref<!tpu.dma_semaphore, #tpu.memory_space<semaphore_mem>>)
    %dma_wait3A_146 = arith.constant 0 : i32
    %dma_wait3A_147 = arith.constant 0 : i32
    %dma_wait3A_148 = tpu.memref_slice %arg3[%dma_wait3A_146, %dma_wait3A_147] : memref<10000x128xf32, #tpu.memory_space<hbm>> -> memref<40x128xf32, #tpu.memory_space<hbm>>
    %dma_wait3A_149 = arith.constant 0 : i32
    %dma_wait3A_150 = arith.constant 0 : i32
    %dma_wait3A_151 = tpu.memref_slice %arg3[%dma_wait3A_149, %dma_wait3A_150] : memref<10000x128xf32, #tpu.memory_space<hbm>> -> memref<40x128xf32, #tpu.memory_space<hbm>>
    tpu.wait_dma2 semaphore(%arg14 : memref<!tpu.dma_semaphore, #tpu.memory_space<semaphore_mem>>) src(%dma_wait3A_151 : memref<40x128xf32, #tpu.memory_space<hbm>>) dst(%arg9 : memref<40x128xf32, #tpu.memory_space<vmem>>)
    %run_scoped3A_152 = arith.constant 45 : i32
    "tpu.region"() ({
      %run_scoped3A_459 = tpu.sem_alloc : memref<!tpu.dma_semaphore, #tpu.memory_space<semaphore_mem>>
      %dma_start3A_460 = arith.constant 40 : i32
      %dma_start3A_461 = tpu.memref_slice %arg8[%run_scoped3A_152, %dma_start3A_460] : memref<50x80xi32, #tpu.memory_space<vmem>> -> memref<1x40xi32, #tpu.memory_space<vmem>>
      %dma_start3A_462 = tpu.memref_squeeze %dma_start3A_461 : memref<1x40xi32, #tpu.memory_space<vmem>> -> memref<40xi32, #tpu.memory_space<vmem>>
      %dma_start3A_463 = arith.constant 0 : i32
      %dma_start3A_464 = arith.constant 0 : i32
      %dma_start3A_465 = tpu.memref_slice %arg6[%dma_start3A_463, %dma_start3A_464] : memref<10112x128xf32, #tpu.memory_space<vmem_shared>> -> memref<10112x128xf32, #tpu.memory_space<vmem_shared>>
      tpu.enqueue_indirect_dma source(%arg9 : memref<40x128xf32, #tpu.memory_space<vmem>>) target(%dma_start3A_465 : memref<10112x128xf32, #tpu.memory_space<vmem_shared>>) offsets(%dma_start3A_462 : memref<40xi32, #tpu.memory_space<vmem>>) semaphore(%run_scoped3A_459 : memref<!tpu.dma_semaphore, #tpu.memory_space<semaphore_mem>>) {add = true}
      %dma_wait3A_466 = arith.constant 40 : i32
      %dma_wait3A_467 = tpu.memref_slice %arg8[%run_scoped3A_152, %dma_wait3A_466] : memref<50x80xi32, #tpu.memory_space<vmem>> -> memref<1x40xi32, #tpu.memory_space<vmem>>
      %dma_wait3A_468 = tpu.memref_squeeze %dma_wait3A_467 : memref<1x40xi32, #tpu.memory_space<vmem>> -> memref<40xi32, #tpu.memory_space<vmem>>
      %dma_wait3A_469 = arith.constant 0 : i32
      %dma_wait3A_470 = arith.constant 0 : i32
      %dma_wait3A_471 = tpu.memref_slice %arg6[%dma_wait3A_469, %dma_wait3A_470] : memref<10112x128xf32, #tpu.memory_space<vmem_shared>> -> memref<10112x128xf32, #tpu.memory_space<vmem_shared>>
      tpu.wait_indirect_dma semaphore(%run_scoped3A_459 : memref<!tpu.dma_semaphore, #tpu.memory_space<semaphore_mem>>) src(%arg9 : memref<40x128xf32, #tpu.memory_space<vmem>>) dst(%dma_wait3A_471 : memref<10112x128xf32, #tpu.memory_space<vmem_shared>>)
      tpu.yield
    }) : () -> ()
    %dma_wait3A_153 = arith.constant 0 : i32
    %dma_wait3A_154 = arith.constant 0 : i32
    %dma_wait3A_155 = tpu.memref_slice %arg3[%dma_wait3A_153, %dma_wait3A_154] : memref<10000x128xf32, #tpu.memory_space<hbm>> -> memref<40x128xf32, #tpu.memory_space<hbm>>
    %dma_wait3A_156 = arith.constant 0 : i32
    %dma_wait3A_157 = arith.constant 0 : i32
    %dma_wait3A_158 = tpu.memref_slice %arg3[%dma_wait3A_156, %dma_wait3A_157] : memref<10000x128xf32, #tpu.memory_space<hbm>> -> memref<40x128xf32, #tpu.memory_space<hbm>>
    tpu.wait_dma2 semaphore(%arg15 : memref<!tpu.dma_semaphore, #tpu.memory_space<semaphore_mem>>) src(%dma_wait3A_158 : memref<40x128xf32, #tpu.memory_space<hbm>>) dst(%arg10 : memref<40x128xf32, #tpu.memory_space<vmem>>)
    %run_scoped3A_159 = arith.constant 46 : i32
    "tpu.region"() ({
      %run_scoped3A_459 = tpu.sem_alloc : memref<!tpu.dma_semaphore, #tpu.memory_space<semaphore_mem>>
      %dma_start3A_460 = arith.constant 40 : i32
      %dma_start3A_461 = tpu.memref_slice %arg8[%run_scoped3A_159, %dma_start3A_460] : memref<50x80xi32, #tpu.memory_space<vmem>> -> memref<1x40xi32, #tpu.memory_space<vmem>>
      %dma_start3A_462 = tpu.memref_squeeze %dma_start3A_461 : memref<1x40xi32, #tpu.memory_space<vmem>> -> memref<40xi32, #tpu.memory_space<vmem>>
      %dma_start3A_463 = arith.constant 0 : i32
      %dma_start3A_464 = arith.constant 0 : i32
      %dma_start3A_465 = tpu.memref_slice %arg6[%dma_start3A_463, %dma_start3A_464] : memref<10112x128xf32, #tpu.memory_space<vmem_shared>> -> memref<10112x128xf32, #tpu.memory_space<vmem_shared>>
      tpu.enqueue_indirect_dma source(%arg10 : memref<40x128xf32, #tpu.memory_space<vmem>>) target(%dma_start3A_465 : memref<10112x128xf32, #tpu.memory_space<vmem_shared>>) offsets(%dma_start3A_462 : memref<40xi32, #tpu.memory_space<vmem>>) semaphore(%run_scoped3A_459 : memref<!tpu.dma_semaphore, #tpu.memory_space<semaphore_mem>>) {add = true}
      %dma_wait3A_466 = arith.constant 40 : i32
      %dma_wait3A_467 = tpu.memref_slice %arg8[%run_scoped3A_159, %dma_wait3A_466] : memref<50x80xi32, #tpu.memory_space<vmem>> -> memref<1x40xi32, #tpu.memory_space<vmem>>
      %dma_wait3A_468 = tpu.memref_squeeze %dma_wait3A_467 : memref<1x40xi32, #tpu.memory_space<vmem>> -> memref<40xi32, #tpu.memory_space<vmem>>
      %dma_wait3A_469 = arith.constant 0 : i32
      %dma_wait3A_470 = arith.constant 0 : i32
      %dma_wait3A_471 = tpu.memref_slice %arg6[%dma_wait3A_469, %dma_wait3A_470] : memref<10112x128xf32, #tpu.memory_space<vmem_shared>> -> memref<10112x128xf32, #tpu.memory_space<vmem_shared>>
      tpu.wait_indirect_dma semaphore(%run_scoped3A_459 : memref<!tpu.dma_semaphore, #tpu.memory_space<semaphore_mem>>) src(%arg10 : memref<40x128xf32, #tpu.memory_space<vmem>>) dst(%dma_wait3A_471 : memref<10112x128xf32, #tpu.memory_space<vmem_shared>>)
      tpu.yield
    }) : () -> ()
    %dma_wait3A_160 = arith.constant 0 : i32
    %dma_wait3A_161 = arith.constant 0 : i32
    %dma_wait3A_162 = tpu.memref_slice %arg3[%dma_wait3A_160, %dma_wait3A_161] : memref<10000x128xf32, #tpu.memory_space<hbm>> -> memref<40x128xf32, #tpu.memory_space<hbm>>
    %dma_wait3A_163 = arith.constant 0 : i32
    %dma_wait3A_164 = arith.constant 0 : i32
    %dma_wait3A_165 = tpu.memref_slice %arg3[%dma_wait3A_163, %dma_wait3A_164] : memref<10000x128xf32, #tpu.memory_space<hbm>> -> memref<40x128xf32, #tpu.memory_space<hbm>>
    tpu.wait_dma2 semaphore(%arg16 : memref<!tpu.dma_semaphore, #tpu.memory_space<semaphore_mem>>) src(%dma_wait3A_165 : memref<40x128xf32, #tpu.memory_space<hbm>>) dst(%arg11 : memref<40x128xf32, #tpu.memory_space<vmem>>)
    %run_scoped3A_166 = arith.constant 47 : i32
    "tpu.region"() ({
      %run_scoped3A_459 = tpu.sem_alloc : memref<!tpu.dma_semaphore, #tpu.memory_space<semaphore_mem>>
      %dma_start3A_460 = arith.constant 40 : i32
      %dma_start3A_461 = tpu.memref_slice %arg8[%run_scoped3A_166, %dma_start3A_460] : memref<50x80xi32, #tpu.memory_space<vmem>> -> memref<1x40xi32, #tpu.memory_space<vmem>>
      %dma_start3A_462 = tpu.memref_squeeze %dma_start3A_461 : memref<1x40xi32, #tpu.memory_space<vmem>> -> memref<40xi32, #tpu.memory_space<vmem>>
      %dma_start3A_463 = arith.constant 0 : i32
      %dma_start3A_464 = arith.constant 0 : i32
      %dma_start3A_465 = tpu.memref_slice %arg6[%dma_start3A_463, %dma_start3A_464] : memref<10112x128xf32, #tpu.memory_space<vmem_shared>> -> memref<10112x128xf32, #tpu.memory_space<vmem_shared>>
      tpu.enqueue_indirect_dma source(%arg11 : memref<40x128xf32, #tpu.memory_space<vmem>>) target(%dma_start3A_465 : memref<10112x128xf32, #tpu.memory_space<vmem_shared>>) offsets(%dma_start3A_462 : memref<40xi32, #tpu.memory_space<vmem>>) semaphore(%run_scoped3A_459 : memref<!tpu.dma_semaphore, #tpu.memory_space<semaphore_mem>>) {add = true}
      %dma_wait3A_466 = arith.constant 40 : i32
      %dma_wait3A_467 = tpu.memref_slice %arg8[%run_scoped3A_166, %dma_wait3A_466] : memref<50x80xi32, #tpu.memory_space<vmem>> -> memref<1x40xi32, #tpu.memory_space<vmem>>
      %dma_wait3A_468 = tpu.memref_squeeze %dma_wait3A_467 : memref<1x40xi32, #tpu.memory_space<vmem>> -> memref<40xi32, #tpu.memory_space<vmem>>
      %dma_wait3A_469 = arith.constant 0 : i32
      %dma_wait3A_470 = arith.constant 0 : i32
      %dma_wait3A_471 = tpu.memref_slice %arg6[%dma_wait3A_469, %dma_wait3A_470] : memref<10112x128xf32, #tpu.memory_space<vmem_shared>> -> memref<10112x128xf32, #tpu.memory_space<vmem_shared>>
      tpu.wait_indirect_dma semaphore(%run_scoped3A_459 : memref<!tpu.dma_semaphore, #tpu.memory_space<semaphore_mem>>) src(%arg11 : memref<40x128xf32, #tpu.memory_space<vmem>>) dst(%dma_wait3A_471 : memref<10112x128xf32, #tpu.memory_space<vmem_shared>>)
      tpu.yield
    }) : () -> ()
    %dma_wait3A_167 = arith.constant 0 : i32
    %dma_wait3A_168 = arith.constant 0 : i32
    %dma_wait3A_169 = tpu.memref_slice %arg3[%dma_wait3A_167, %dma_wait3A_168] : memref<10000x128xf32, #tpu.memory_space<hbm>> -> memref<40x128xf32, #tpu.memory_space<hbm>>
    %dma_wait3A_170 = arith.constant 0 : i32
    %dma_wait3A_171 = arith.constant 0 : i32
    %dma_wait3A_172 = tpu.memref_slice %arg3[%dma_wait3A_170, %dma_wait3A_171] : memref<10000x128xf32, #tpu.memory_space<hbm>> -> memref<40x128xf32, #tpu.memory_space<hbm>>
    tpu.wait_dma2 semaphore(%arg17 : memref<!tpu.dma_semaphore, #tpu.memory_space<semaphore_mem>>) src(%dma_wait3A_172 : memref<40x128xf32, #tpu.memory_space<hbm>>) dst(%arg12 : memref<40x128xf32, #tpu.memory_space<vmem>>)
    %run_scoped3A_173 = arith.constant 48 : i32
    "tpu.region"() ({
      %run_scoped3A_459 = tpu.sem_alloc : memref<!tpu.dma_semaphore, #tpu.memory_space<semaphore_mem>>
      %dma_start3A_460 = arith.constant 40 : i32
      %dma_start3A_461 = tpu.memref_slice %arg8[%run_scoped3A_173, %dma_start3A_460] : memref<50x80xi32, #tpu.memory_space<vmem>> -> memref<1x40xi32, #tpu.memory_space<vmem>>
      %dma_start3A_462 = tpu.memref_squeeze %dma_start3A_461 : memref<1x40xi32, #tpu.memory_space<vmem>> -> memref<40xi32, #tpu.memory_space<vmem>>
      %dma_start3A_463 = arith.constant 0 : i32
      %dma_start3A_464 = arith.constant 0 : i32
      %dma_start3A_465 = tpu.memref_slice %arg6[%dma_start3A_463, %dma_start3A_464] : memref<10112x128xf32, #tpu.memory_space<vmem_shared>> -> memref<10112x128xf32, #tpu.memory_space<vmem_shared>>
      tpu.enqueue_indirect_dma source(%arg12 : memref<40x128xf32, #tpu.memory_space<vmem>>) target(%dma_start3A_465 : memref<10112x128xf32, #tpu.memory_space<vmem_shared>>) offsets(%dma_start3A_462 : memref<40xi32, #tpu.memory_space<vmem>>) semaphore(%run_scoped3A_459 : memref<!tpu.dma_semaphore, #tpu.memory_space<semaphore_mem>>) {add = true}
      %dma_wait3A_466 = arith.constant 40 : i32
      %dma_wait3A_467 = tpu.memref_slice %arg8[%run_scoped3A_173, %dma_wait3A_466] : memref<50x80xi32, #tpu.memory_space<vmem>> -> memref<1x40xi32, #tpu.memory_space<vmem>>
      %dma_wait3A_468 = tpu.memref_squeeze %dma_wait3A_467 : memref<1x40xi32, #tpu.memory_space<vmem>> -> memref<40xi32, #tpu.memory_space<vmem>>
      %dma_wait3A_469 = arith.constant 0 : i32
      %dma_wait3A_470 = arith.constant 0 : i32
      %dma_wait3A_471 = tpu.memref_slice %arg6[%dma_wait3A_469, %dma_wait3A_470] : memref<10112x128xf32, #tpu.memory_space<vmem_shared>> -> memref<10112x128xf32, #tpu.memory_space<vmem_shared>>
      tpu.wait_indirect_dma semaphore(%run_scoped3A_459 : memref<!tpu.dma_semaphore, #tpu.memory_space<semaphore_mem>>) src(%arg12 : memref<40x128xf32, #tpu.memory_space<vmem>>) dst(%dma_wait3A_471 : memref<10112x128xf32, #tpu.memory_space<vmem_shared>>)
      tpu.yield
    }) : () -> ()
    %dma_wait3A_174 = arith.constant 0 : i32
    %dma_wait3A_175 = arith.constant 0 : i32
    %dma_wait3A_176 = tpu.memref_slice %arg3[%dma_wait3A_174, %dma_wait3A_175] : memref<10000x128xf32, #tpu.memory_space<hbm>> -> memref<40x128xf32, #tpu.memory_space<hbm>>
    %dma_wait3A_177 = arith.constant 0 : i32
    %dma_wait3A_178 = arith.constant 0 : i32
    %dma_wait3A_179 = tpu.memref_slice %arg3[%dma_wait3A_177, %dma_wait3A_178] : memref<10000x128xf32, #tpu.memory_space<hbm>> -> memref<40x128xf32, #tpu.memory_space<hbm>>
    tpu.wait_dma2 semaphore(%arg18 : memref<!tpu.dma_semaphore, #tpu.memory_space<semaphore_mem>>) src(%dma_wait3A_179 : memref<40x128xf32, #tpu.memory_space<hbm>>) dst(%arg13 : memref<40x128xf32, #tpu.memory_space<vmem>>)
    %run_scoped3A_180 = arith.constant 49 : i32
    "tpu.region"() ({
      %run_scoped3A_459 = tpu.sem_alloc : memref<!tpu.dma_semaphore, #tpu.memory_space<semaphore_mem>>
      %dma_start3A_460 = arith.constant 40 : i32
      %dma_start3A_461 = tpu.memref_slice %arg8[%run_scoped3A_180, %dma_start3A_460] : memref<50x80xi32, #tpu.memory_space<vmem>> -> memref<1x40xi32, #tpu.memory_space<vmem>>
      %dma_start3A_462 = tpu.memref_squeeze %dma_start3A_461 : memref<1x40xi32, #tpu.memory_space<vmem>> -> memref<40xi32, #tpu.memory_space<vmem>>
      %dma_start3A_463 = arith.constant 0 : i32
      %dma_start3A_464 = arith.constant 0 : i32
      %dma_start3A_465 = tpu.memref_slice %arg6[%dma_start3A_463, %dma_start3A_464] : memref<10112x128xf32, #tpu.memory_space<vmem_shared>> -> memref<10112x128xf32, #tpu.memory_space<vmem_shared>>
      tpu.enqueue_indirect_dma source(%arg13 : memref<40x128xf32, #tpu.memory_space<vmem>>) target(%dma_start3A_465 : memref<10112x128xf32, #tpu.memory_space<vmem_shared>>) offsets(%dma_start3A_462 : memref<40xi32, #tpu.memory_space<vmem>>) semaphore(%run_scoped3A_459 : memref<!tpu.dma_semaphore, #tpu.memory_space<semaphore_mem>>) {add = true}
      %dma_wait3A_466 = arith.constant 40 : i32
      %dma_wait3A_467 = tpu.memref_slice %arg8[%run_scoped3A_180, %dma_wait3A_466] : memref<50x80xi32, #tpu.memory_space<vmem>> -> memref<1x40xi32, #tpu.memory_space<vmem>>
      %dma_wait3A_468 = tpu.memref_squeeze %dma_wait3A_467 : memref<1x40xi32, #tpu.memory_space<vmem>> -> memref<40xi32, #tpu.memory_space<vmem>>
      %dma_wait3A_469 = arith.constant 0 : i32
      %dma_wait3A_470 = arith.constant 0 : i32
      %dma_wait3A_471 = tpu.memref_slice %arg6[%dma_wait3A_469, %dma_wait3A_470] : memref<10112x128xf32, #tpu.memory_space<vmem_shared>> -> memref<10112x128xf32, #tpu.memory_space<vmem_shared>>
      tpu.wait_indirect_dma semaphore(%run_scoped3A_459 : memref<!tpu.dma_semaphore, #tpu.memory_space<semaphore_mem>>) src(%arg13 : memref<40x128xf32, #tpu.memory_space<vmem>>) dst(%dma_wait3A_471 : memref<10112x128xf32, #tpu.memory_space<vmem_shared>>)
      tpu.yield
    }) : () -> ()
    %dma_wait3A_181 = arith.constant 0 : i32
    %dma_wait3A_182 = arith.constant 0 : i32
    %dma_wait3A_183 = arith.constant 0 : i32
    %dma_wait3A_184 = tpu.memref_slice %arg2[%add3A, %dma_wait3A_181, %dma_wait3A_182, %dma_wait3A_183] : memref<32x5x50x80xi32, #tpu.memory_space<hbm>> -> memref<1x1x50x80xi32, #tpu.memory_space<hbm>>
    %dma_wait3A_185 = tpu.memref_squeeze %dma_wait3A_184 : memref<1x1x50x80xi32, #tpu.memory_space<hbm>> -> memref<50x80xi32, #tpu.memory_space<hbm>>
    %dma_wait3A_186 = arith.constant 0 : i32
    %dma_wait3A_187 = arith.constant 0 : i32
    %dma_wait3A_188 = tpu.memref_slice %arg2[%add3A, %dma_wait3A_181, %dma_wait3A_186, %dma_wait3A_187] : memref<32x5x50x80xi32, #tpu.memory_space<hbm>> -> memref<1x1x50x80xi32, #tpu.memory_space<hbm>>
    %dma_wait3A_189 = tpu.memref_squeeze %dma_wait3A_188 : memref<1x1x50x80xi32, #tpu.memory_space<hbm>> -> memref<50x80xi32, #tpu.memory_space<hbm>>
    tpu.wait_dma2 semaphore(%arg19 : memref<!tpu.dma_semaphore, #tpu.memory_space<semaphore_mem>>) src(%dma_wait3A_189 : memref<50x80xi32, #tpu.memory_space<hbm>>) dst(%arg7 : memref<50x80xi32, #tpu.memory_space<vmem>>)
    %dma_start3A_190 = arith.constant 3 : i32
    %dma_start3A_191 = arith.constant 0 : i32
    %dma_start3A_192 = arith.constant 0 : i32
    %dma_start3A_193 = tpu.memref_slice %arg2[%add3A, %dma_start3A_190, %dma_start3A_191, %dma_start3A_192] : memref<32x5x50x80xi32, #tpu.memory_space<hbm>> -> memref<1x1x50x80xi32, #tpu.memory_space<hbm>>
    %dma_start3A_194 = tpu.memref_squeeze %dma_start3A_193 : memref<1x1x50x80xi32, #tpu.memory_space<hbm>> -> memref<50x80xi32, #tpu.memory_space<hbm>>
    %dma_start3A_195 = arith.constant 0 : i32
    %dma_start3A_196 = arith.constant 0 : i32
    %dma_start3A_197 = tpu.memref_slice %arg2[%add3A, %dma_start3A_190, %dma_start3A_195, %dma_start3A_196] : memref<32x5x50x80xi32, #tpu.memory_space<hbm>> -> memref<1x1x50x80xi32, #tpu.memory_space<hbm>>
    %dma_start3A_198 = tpu.memref_squeeze %dma_start3A_197 : memref<1x1x50x80xi32, #tpu.memory_space<hbm>> -> memref<50x80xi32, #tpu.memory_space<hbm>>
    tpu.enqueue_dma source(%dma_start3A_198 : memref<50x80xi32, #tpu.memory_space<hbm>>) target(%arg8 : memref<50x80xi32, #tpu.memory_space<vmem>>) target_semaphore(%arg19 : memref<!tpu.dma_semaphore, #tpu.memory_space<semaphore_mem>>)
    %dma_start3A_199 = arith.constant 0 : i32
    %dma_start3A_200 = arith.constant 0 : i32
    %dma_start3A_201 = tpu.memref_slice %arg7[%dma_start3A_199, %dma_start3A_200] : memref<50x80xi32, #tpu.memory_space<vmem>> -> memref<1x40xi32, #tpu.memory_space<vmem>>
    %dma_start3A_202 = tpu.memref_squeeze %dma_start3A_201 : memref<1x40xi32, #tpu.memory_space<vmem>> -> memref<40xi32, #tpu.memory_space<vmem>>
    %dma_start3A_203 = arith.constant 0 : i32
    %dma_start3A_204 = arith.constant 0 : i32
    %dma_start3A_205 = tpu.memref_slice %arg3[%dma_start3A_203, %dma_start3A_204] : memref<10000x128xf32, #tpu.memory_space<hbm>> -> memref<10000x128xf32, #tpu.memory_space<hbm>>
    tpu.enqueue_indirect_dma source(%dma_start3A_205 : memref<10000x128xf32, #tpu.memory_space<hbm>>) target(%arg9 : memref<40x128xf32, #tpu.memory_space<vmem>>) offsets(%dma_start3A_202 : memref<40xi32, #tpu.memory_space<vmem>>) semaphore(%arg14 : memref<!tpu.dma_semaphore, #tpu.memory_space<semaphore_mem>>)
    %dma_start3A_206 = arith.constant 1 : i32
    %dma_start3A_207 = arith.constant 0 : i32
    %dma_start3A_208 = tpu.memref_slice %arg7[%dma_start3A_206, %dma_start3A_207] : memref<50x80xi32, #tpu.memory_space<vmem>> -> memref<1x40xi32, #tpu.memory_space<vmem>>
    %dma_start3A_209 = tpu.memref_squeeze %dma_start3A_208 : memref<1x40xi32, #tpu.memory_space<vmem>> -> memref<40xi32, #tpu.memory_space<vmem>>
    %dma_start3A_210 = arith.constant 0 : i32
    %dma_start3A_211 = arith.constant 0 : i32
    %dma_start3A_212 = tpu.memref_slice %arg3[%dma_start3A_210, %dma_start3A_211] : memref<10000x128xf32, #tpu.memory_space<hbm>> -> memref<10000x128xf32, #tpu.memory_space<hbm>>
    tpu.enqueue_indirect_dma source(%dma_start3A_212 : memref<10000x128xf32, #tpu.memory_space<hbm>>) target(%arg10 : memref<40x128xf32, #tpu.memory_space<vmem>>) offsets(%dma_start3A_209 : memref<40xi32, #tpu.memory_space<vmem>>) semaphore(%arg15 : memref<!tpu.dma_semaphore, #tpu.memory_space<semaphore_mem>>)
    %dma_start3A_213 = arith.constant 2 : i32
    %dma_start3A_214 = arith.constant 0 : i32
    %dma_start3A_215 = tpu.memref_slice %arg7[%dma_start3A_213, %dma_start3A_214] : memref<50x80xi32, #tpu.memory_space<vmem>> -> memref<1x40xi32, #tpu.memory_space<vmem>>
    %dma_start3A_216 = tpu.memref_squeeze %dma_start3A_215 : memref<1x40xi32, #tpu.memory_space<vmem>> -> memref<40xi32, #tpu.memory_space<vmem>>
    %dma_start3A_217 = arith.constant 0 : i32
    %dma_start3A_218 = arith.constant 0 : i32
    %dma_start3A_219 = tpu.memref_slice %arg3[%dma_start3A_217, %dma_start3A_218] : memref<10000x128xf32, #tpu.memory_space<hbm>> -> memref<10000x128xf32, #tpu.memory_space<hbm>>
    tpu.enqueue_indirect_dma source(%dma_start3A_219 : memref<10000x128xf32, #tpu.memory_space<hbm>>) target(%arg11 : memref<40x128xf32, #tpu.memory_space<vmem>>) offsets(%dma_start3A_216 : memref<40xi32, #tpu.memory_space<vmem>>) semaphore(%arg16 : memref<!tpu.dma_semaphore, #tpu.memory_space<semaphore_mem>>)
    %dma_start3A_220 = arith.constant 3 : i32
    %dma_start3A_221 = arith.constant 0 : i32
    %dma_start3A_222 = tpu.memref_slice %arg7[%dma_start3A_220, %dma_start3A_221] : memref<50x80xi32, #tpu.memory_space<vmem>> -> memref<1x40xi32, #tpu.memory_space<vmem>>
    %dma_start3A_223 = tpu.memref_squeeze %dma_start3A_222 : memref<1x40xi32, #tpu.memory_space<vmem>> -> memref<40xi32, #tpu.memory_space<vmem>>
    %dma_start3A_224 = arith.constant 0 : i32
    %dma_start3A_225 = arith.constant 0 : i32
    %dma_start3A_226 = tpu.memref_slice %arg3[%dma_start3A_224, %dma_start3A_225] : memref<10000x128xf32, #tpu.memory_space<hbm>> -> memref<10000x128xf32, #tpu.memory_space<hbm>>
    tpu.enqueue_indirect_dma source(%dma_start3A_226 : memref<10000x128xf32, #tpu.memory_space<hbm>>) target(%arg12 : memref<40x128xf32, #tpu.memory_space<vmem>>) offsets(%dma_start3A_223 : memref<40xi32, #tpu.memory_space<vmem>>) semaphore(%arg17 : memref<!tpu.dma_semaphore, #tpu.memory_space<semaphore_mem>>)
    %scan3A_227 = arith.constant 0 : i32
    %scan3A_228 = arith.constant 0 : i32
    %scan3A_229 = arith.constant 9 : i32
    %scan3A_230 = arith.addi %scan3A_228, %scan3A_229 : i32
    %scan3A_231 = arith.constant 1 : i32
    scf.for %scan3A_459 = %scan3A_228 to %scan3A_230 step %scan3A_231  : i32 {
      %mul3A_460 = arith.constant 5 : i32
      %mul3A_461 = arith.muli %mul3A_460, %scan3A_459 : i32
      %add3A_462 = arith.constant 0 : i32
      %add3A_463 = arith.addi %mul3A_461, %add3A_462 : i32
      %add3A_464 = arith.constant 5 : i32
      %add3A_465 = arith.addi %add3A_463, %add3A_464 : i32
      %sub3A = arith.constant 1 : i32
      %sub3A_466 = arith.subi %add3A_465, %sub3A : i32
      %dma_start3A_467 = arith.constant 0 : i32
      %dma_start3A_468 = tpu.memref_slice %arg7[%sub3A_466, %dma_start3A_467] : memref<50x80xi32, #tpu.memory_space<vmem>> -> memref<1x40xi32, #tpu.memory_space<vmem>>
      %dma_start3A_469 = tpu.memref_squeeze %dma_start3A_468 : memref<1x40xi32, #tpu.memory_space<vmem>> -> memref<40xi32, #tpu.memory_space<vmem>>
      %dma_start3A_470 = arith.constant 0 : i32
      %dma_start3A_471 = arith.constant 0 : i32
      %dma_start3A_472 = tpu.memref_slice %arg3[%dma_start3A_470, %dma_start3A_471] : memref<10000x128xf32, #tpu.memory_space<hbm>> -> memref<10000x128xf32, #tpu.memory_space<hbm>>
      tpu.enqueue_indirect_dma source(%dma_start3A_472 : memref<10000x128xf32, #tpu.memory_space<hbm>>) target(%arg13 : memref<40x128xf32, #tpu.memory_space<vmem>>) offsets(%dma_start3A_469 : memref<40xi32, #tpu.memory_space<vmem>>) semaphore(%arg18 : memref<!tpu.dma_semaphore, #tpu.memory_space<semaphore_mem>>)
      %add3A_473 = arith.constant 0 : i32
      %add3A_474 = arith.addi %mul3A_461, %add3A_473 : i32
      %dma_wait3A_475 = arith.constant 0 : i32
      %dma_wait3A_476 = arith.constant 0 : i32
      %dma_wait3A_477 = tpu.memref_slice %arg3[%dma_wait3A_475, %dma_wait3A_476] : memref<10000x128xf32, #tpu.memory_space<hbm>> -> memref<40x128xf32, #tpu.memory_space<hbm>>
      %dma_wait3A_478 = arith.constant 0 : i32
      %dma_wait3A_479 = arith.constant 0 : i32
      %dma_wait3A_480 = tpu.memref_slice %arg3[%dma_wait3A_478, %dma_wait3A_479] : memref<10000x128xf32, #tpu.memory_space<hbm>> -> memref<40x128xf32, #tpu.memory_space<hbm>>
      tpu.wait_dma2 semaphore(%arg14 : memref<!tpu.dma_semaphore, #tpu.memory_space<semaphore_mem>>) src(%dma_wait3A_480 : memref<40x128xf32, #tpu.memory_space<hbm>>) dst(%arg9 : memref<40x128xf32, #tpu.memory_space<vmem>>)
      "tpu.region"() ({
        %run_scoped3A_561 = tpu.sem_alloc : memref<!tpu.dma_semaphore, #tpu.memory_space<semaphore_mem>>
        %dma_start3A_562 = arith.constant 40 : i32
        %dma_start3A_563 = tpu.memref_slice %arg7[%add3A_474, %dma_start3A_562] : memref<50x80xi32, #tpu.memory_space<vmem>> -> memref<1x40xi32, #tpu.memory_space<vmem>>
        %dma_start3A_564 = tpu.memref_squeeze %dma_start3A_563 : memref<1x40xi32, #tpu.memory_space<vmem>> -> memref<40xi32, #tpu.memory_space<vmem>>
        %dma_start3A_565 = arith.constant 0 : i32
        %dma_start3A_566 = arith.constant 0 : i32
        %dma_start3A_567 = tpu.memref_slice %arg6[%dma_start3A_565, %dma_start3A_566] : memref<10112x128xf32, #tpu.memory_space<vmem_shared>> -> memref<10112x128xf32, #tpu.memory_space<vmem_shared>>
        tpu.enqueue_indirect_dma source(%arg9 : memref<40x128xf32, #tpu.memory_space<vmem>>) target(%dma_start3A_567 : memref<10112x128xf32, #tpu.memory_space<vmem_shared>>) offsets(%dma_start3A_564 : memref<40xi32, #tpu.memory_space<vmem>>) semaphore(%run_scoped3A_561 : memref<!tpu.dma_semaphore, #tpu.memory_space<semaphore_mem>>) {add = true}
        %dma_wait3A_568 = arith.constant 40 : i32
        %dma_wait3A_569 = tpu.memref_slice %arg7[%add3A_474, %dma_wait3A_568] : memref<50x80xi32, #tpu.memory_space<vmem>> -> memref<1x40xi32, #tpu.memory_space<vmem>>
        %dma_wait3A_570 = tpu.memref_squeeze %dma_wait3A_569 : memref<1x40xi32, #tpu.memory_space<vmem>> -> memref<40xi32, #tpu.memory_space<vmem>>
        %dma_wait3A_571 = arith.constant 0 : i32
        %dma_wait3A_572 = arith.constant 0 : i32
        %dma_wait3A_573 = tpu.memref_slice %arg6[%dma_wait3A_571, %dma_wait3A_572] : memref<10112x128xf32, #tpu.memory_space<vmem_shared>> -> memref<10112x128xf32, #tpu.memory_space<vmem_shared>>
        tpu.wait_indirect_dma semaphore(%run_scoped3A_561 : memref<!tpu.dma_semaphore, #tpu.memory_space<semaphore_mem>>) src(%arg9 : memref<40x128xf32, #tpu.memory_space<vmem>>) dst(%dma_wait3A_573 : memref<10112x128xf32, #tpu.memory_space<vmem_shared>>)
        tpu.yield
      }) : () -> ()
      %add3A_481 = arith.constant 1 : i32
      %add3A_482 = arith.addi %mul3A_461, %add3A_481 : i32
      %add3A_483 = arith.constant 5 : i32
      %add3A_484 = arith.addi %add3A_482, %add3A_483 : i32
      %sub3A_485 = arith.constant 1 : i32
      %sub3A_486 = arith.subi %add3A_484, %sub3A_485 : i32
      %dma_start3A_487 = arith.constant 0 : i32
      %dma_start3A_488 = tpu.memref_slice %arg7[%sub3A_486, %dma_start3A_487] : memref<50x80xi32, #tpu.memory_space<vmem>> -> memref<1x40xi32, #tpu.memory_space<vmem>>
      %dma_start3A_489 = tpu.memref_squeeze %dma_start3A_488 : memref<1x40xi32, #tpu.memory_space<vmem>> -> memref<40xi32, #tpu.memory_space<vmem>>
      %dma_start3A_490 = arith.constant 0 : i32
      %dma_start3A_491 = arith.constant 0 : i32
      %dma_start3A_492 = tpu.memref_slice %arg3[%dma_start3A_490, %dma_start3A_491] : memref<10000x128xf32, #tpu.memory_space<hbm>> -> memref<10000x128xf32, #tpu.memory_space<hbm>>
      tpu.enqueue_indirect_dma source(%dma_start3A_492 : memref<10000x128xf32, #tpu.memory_space<hbm>>) target(%arg9 : memref<40x128xf32, #tpu.memory_space<vmem>>) offsets(%dma_start3A_489 : memref<40xi32, #tpu.memory_space<vmem>>) semaphore(%arg14 : memref<!tpu.dma_semaphore, #tpu.memory_space<semaphore_mem>>)
      %add3A_493 = arith.constant 1 : i32
      %add3A_494 = arith.addi %mul3A_461, %add3A_493 : i32
      %dma_wait3A_495 = arith.constant 0 : i32
      %dma_wait3A_496 = arith.constant 0 : i32
      %dma_wait3A_497 = tpu.memref_slice %arg3[%dma_wait3A_495, %dma_wait3A_496] : memref<10000x128xf32, #tpu.memory_space<hbm>> -> memref<40x128xf32, #tpu.memory_space<hbm>>
      %dma_wait3A_498 = arith.constant 0 : i32
      %dma_wait3A_499 = arith.constant 0 : i32
      %dma_wait3A_500 = tpu.memref_slice %arg3[%dma_wait3A_498, %dma_wait3A_499] : memref<10000x128xf32, #tpu.memory_space<hbm>> -> memref<40x128xf32, #tpu.memory_space<hbm>>
      tpu.wait_dma2 semaphore(%arg15 : memref<!tpu.dma_semaphore, #tpu.memory_space<semaphore_mem>>) src(%dma_wait3A_500 : memref<40x128xf32, #tpu.memory_space<hbm>>) dst(%arg10 : memref<40x128xf32, #tpu.memory_space<vmem>>)
      "tpu.region"() ({
        %run_scoped3A_561 = tpu.sem_alloc : memref<!tpu.dma_semaphore, #tpu.memory_space<semaphore_mem>>
        %dma_start3A_562 = arith.constant 40 : i32
        %dma_start3A_563 = tpu.memref_slice %arg7[%add3A_494, %dma_start3A_562] : memref<50x80xi32, #tpu.memory_space<vmem>> -> memref<1x40xi32, #tpu.memory_space<vmem>>
        %dma_start3A_564 = tpu.memref_squeeze %dma_start3A_563 : memref<1x40xi32, #tpu.memory_space<vmem>> -> memref<40xi32, #tpu.memory_space<vmem>>
        %dma_start3A_565 = arith.constant 0 : i32
        %dma_start3A_566 = arith.constant 0 : i32
        %dma_start3A_567 = tpu.memref_slice %arg6[%dma_start3A_565, %dma_start3A_566] : memref<10112x128xf32, #tpu.memory_space<vmem_shared>> -> memref<10112x128xf32, #tpu.memory_space<vmem_shared>>
        tpu.enqueue_indirect_dma source(%arg10 : memref<40x128xf32, #tpu.memory_space<vmem>>) target(%dma_start3A_567 : memref<10112x128xf32, #tpu.memory_space<vmem_shared>>) offsets(%dma_start3A_564 : memref<40xi32, #tpu.memory_space<vmem>>) semaphore(%run_scoped3A_561 : memref<!tpu.dma_semaphore, #tpu.memory_space<semaphore_mem>>) {add = true}
        %dma_wait3A_568 = arith.constant 40 : i32
        %dma_wait3A_569 = tpu.memref_slice %arg7[%add3A_494, %dma_wait3A_568] : memref<50x80xi32, #tpu.memory_space<vmem>> -> memref<1x40xi32, #tpu.memory_space<vmem>>
        %dma_wait3A_570 = tpu.memref_squeeze %dma_wait3A_569 : memref<1x40xi32, #tpu.memory_space<vmem>> -> memref<40xi32, #tpu.memory_space<vmem>>
        %dma_wait3A_571 = arith.constant 0 : i32
        %dma_wait3A_572 = arith.constant 0 : i32
        %dma_wait3A_573 = tpu.memref_slice %arg6[%dma_wait3A_571, %dma_wait3A_572] : memref<10112x128xf32, #tpu.memory_space<vmem_shared>> -> memref<10112x128xf32, #tpu.memory_space<vmem_shared>>
        tpu.wait_indirect_dma semaphore(%run_scoped3A_561 : memref<!tpu.dma_semaphore, #tpu.memory_space<semaphore_mem>>) src(%arg10 : memref<40x128xf32, #tpu.memory_space<vmem>>) dst(%dma_wait3A_573 : memref<10112x128xf32, #tpu.memory_space<vmem_shared>>)
        tpu.yield
      }) : () -> ()
      %add3A_501 = arith.constant 2 : i32
      %add3A_502 = arith.addi %mul3A_461, %add3A_501 : i32
      %add3A_503 = arith.constant 5 : i32
      %add3A_504 = arith.addi %add3A_502, %add3A_503 : i32
      %sub3A_505 = arith.constant 1 : i32
      %sub3A_506 = arith.subi %add3A_504, %sub3A_505 : i32
      %dma_start3A_507 = arith.constant 0 : i32
      %dma_start3A_508 = tpu.memref_slice %arg7[%sub3A_506, %dma_start3A_507] : memref<50x80xi32, #tpu.memory_space<vmem>> -> memref<1x40xi32, #tpu.memory_space<vmem>>
      %dma_start3A_509 = tpu.memref_squeeze %dma_start3A_508 : memref<1x40xi32, #tpu.memory_space<vmem>> -> memref<40xi32, #tpu.memory_space<vmem>>
      %dma_start3A_510 = arith.constant 0 : i32
      %dma_start3A_511 = arith.constant 0 : i32
      %dma_start3A_512 = tpu.memref_slice %arg3[%dma_start3A_510, %dma_start3A_511] : memref<10000x128xf32, #tpu.memory_space<hbm>> -> memref<10000x128xf32, #tpu.memory_space<hbm>>
      tpu.enqueue_indirect_dma source(%dma_start3A_512 : memref<10000x128xf32, #tpu.memory_space<hbm>>) target(%arg10 : memref<40x128xf32, #tpu.memory_space<vmem>>) offsets(%dma_start3A_509 : memref<40xi32, #tpu.memory_space<vmem>>) semaphore(%arg15 : memref<!tpu.dma_semaphore, #tpu.memory_space<semaphore_mem>>)
      %add3A_513 = arith.constant 2 : i32
      %add3A_514 = arith.addi %mul3A_461, %add3A_513 : i32
      %dma_wait3A_515 = arith.constant 0 : i32
      %dma_wait3A_516 = arith.constant 0 : i32
      %dma_wait3A_517 = tpu.memref_slice %arg3[%dma_wait3A_515, %dma_wait3A_516] : memref<10000x128xf32, #tpu.memory_space<hbm>> -> memref<40x128xf32, #tpu.memory_space<hbm>>
      %dma_wait3A_518 = arith.constant 0 : i32
      %dma_wait3A_519 = arith.constant 0 : i32
      %dma_wait3A_520 = tpu.memref_slice %arg3[%dma_wait3A_518, %dma_wait3A_519] : memref<10000x128xf32, #tpu.memory_space<hbm>> -> memref<40x128xf32, #tpu.memory_space<hbm>>
      tpu.wait_dma2 semaphore(%arg16 : memref<!tpu.dma_semaphore, #tpu.memory_space<semaphore_mem>>) src(%dma_wait3A_520 : memref<40x128xf32, #tpu.memory_space<hbm>>) dst(%arg11 : memref<40x128xf32, #tpu.memory_space<vmem>>)
      "tpu.region"() ({
        %run_scoped3A_561 = tpu.sem_alloc : memref<!tpu.dma_semaphore, #tpu.memory_space<semaphore_mem>>
        %dma_start3A_562 = arith.constant 40 : i32
        %dma_start3A_563 = tpu.memref_slice %arg7[%add3A_514, %dma_start3A_562] : memref<50x80xi32, #tpu.memory_space<vmem>> -> memref<1x40xi32, #tpu.memory_space<vmem>>
        %dma_start3A_564 = tpu.memref_squeeze %dma_start3A_563 : memref<1x40xi32, #tpu.memory_space<vmem>> -> memref<40xi32, #tpu.memory_space<vmem>>
        %dma_start3A_565 = arith.constant 0 : i32
        %dma_start3A_566 = arith.constant 0 : i32
        %dma_start3A_567 = tpu.memref_slice %arg6[%dma_start3A_565, %dma_start3A_566] : memref<10112x128xf32, #tpu.memory_space<vmem_shared>> -> memref<10112x128xf32, #tpu.memory_space<vmem_shared>>
        tpu.enqueue_indirect_dma source(%arg11 : memref<40x128xf32, #tpu.memory_space<vmem>>) target(%dma_start3A_567 : memref<10112x128xf32, #tpu.memory_space<vmem_shared>>) offsets(%dma_start3A_564 : memref<40xi32, #tpu.memory_space<vmem>>) semaphore(%run_scoped3A_561 : memref<!tpu.dma_semaphore, #tpu.memory_space<semaphore_mem>>) {add = true}
        %dma_wait3A_568 = arith.constant 40 : i32
        %dma_wait3A_569 = tpu.memref_slice %arg7[%add3A_514, %dma_wait3A_568] : memref<50x80xi32, #tpu.memory_space<vmem>> -> memref<1x40xi32, #tpu.memory_space<vmem>>
        %dma_wait3A_570 = tpu.memref_squeeze %dma_wait3A_569 : memref<1x40xi32, #tpu.memory_space<vmem>> -> memref<40xi32, #tpu.memory_space<vmem>>
        %dma_wait3A_571 = arith.constant 0 : i32
        %dma_wait3A_572 = arith.constant 0 : i32
        %dma_wait3A_573 = tpu.memref_slice %arg6[%dma_wait3A_571, %dma_wait3A_572] : memref<10112x128xf32, #tpu.memory_space<vmem_shared>> -> memref<10112x128xf32, #tpu.memory_space<vmem_shared>>
        tpu.wait_indirect_dma semaphore(%run_scoped3A_561 : memref<!tpu.dma_semaphore, #tpu.memory_space<semaphore_mem>>) src(%arg11 : memref<40x128xf32, #tpu.memory_space<vmem>>) dst(%dma_wait3A_573 : memref<10112x128xf32, #tpu.memory_space<vmem_shared>>)
        tpu.yield
      }) : () -> ()
      %add3A_521 = arith.constant 3 : i32
      %add3A_522 = arith.addi %mul3A_461, %add3A_521 : i32
      %add3A_523 = arith.constant 5 : i32
      %add3A_524 = arith.addi %add3A_522, %add3A_523 : i32
      %sub3A_525 = arith.constant 1 : i32
      %sub3A_526 = arith.subi %add3A_524, %sub3A_525 : i32
      %dma_start3A_527 = arith.constant 0 : i32
      %dma_start3A_528 = tpu.memref_slice %arg7[%sub3A_526, %dma_start3A_527] : memref<50x80xi32, #tpu.memory_space<vmem>> -> memref<1x40xi32, #tpu.memory_space<vmem>>
      %dma_start3A_529 = tpu.memref_squeeze %dma_start3A_528 : memref<1x40xi32, #tpu.memory_space<vmem>> -> memref<40xi32, #tpu.memory_space<vmem>>
      %dma_start3A_530 = arith.constant 0 : i32
      %dma_start3A_531 = arith.constant 0 : i32
      %dma_start3A_532 = tpu.memref_slice %arg3[%dma_start3A_530, %dma_start3A_531] : memref<10000x128xf32, #tpu.memory_space<hbm>> -> memref<10000x128xf32, #tpu.memory_space<hbm>>
      tpu.enqueue_indirect_dma source(%dma_start3A_532 : memref<10000x128xf32, #tpu.memory_space<hbm>>) target(%arg11 : memref<40x128xf32, #tpu.memory_space<vmem>>) offsets(%dma_start3A_529 : memref<40xi32, #tpu.memory_space<vmem>>) semaphore(%arg16 : memref<!tpu.dma_semaphore, #tpu.memory_space<semaphore_mem>>)
      %add3A_533 = arith.constant 3 : i32
      %add3A_534 = arith.addi %mul3A_461, %add3A_533 : i32
      %dma_wait3A_535 = arith.constant 0 : i32
      %dma_wait3A_536 = arith.constant 0 : i32
      %dma_wait3A_537 = tpu.memref_slice %arg3[%dma_wait3A_535, %dma_wait3A_536] : memref<10000x128xf32, #tpu.memory_space<hbm>> -> memref<40x128xf32, #tpu.memory_space<hbm>>
      %dma_wait3A_538 = arith.constant 0 : i32
      %dma_wait3A_539 = arith.constant 0 : i32
      %dma_wait3A_540 = tpu.memref_slice %arg3[%dma_wait3A_538, %dma_wait3A_539] : memref<10000x128xf32, #tpu.memory_space<hbm>> -> memref<40x128xf32, #tpu.memory_space<hbm>>
      tpu.wait_dma2 semaphore(%arg17 : memref<!tpu.dma_semaphore, #tpu.memory_space<semaphore_mem>>) src(%dma_wait3A_540 : memref<40x128xf32, #tpu.memory_space<hbm>>) dst(%arg12 : memref<40x128xf32, #tpu.memory_space<vmem>>)
      "tpu.region"() ({
        %run_scoped3A_561 = tpu.sem_alloc : memref<!tpu.dma_semaphore, #tpu.memory_space<semaphore_mem>>
        %dma_start3A_562 = arith.constant 40 : i32
        %dma_start3A_563 = tpu.memref_slice %arg7[%add3A_534, %dma_start3A_562] : memref<50x80xi32, #tpu.memory_space<vmem>> -> memref<1x40xi32, #tpu.memory_space<vmem>>
        %dma_start3A_564 = tpu.memref_squeeze %dma_start3A_563 : memref<1x40xi32, #tpu.memory_space<vmem>> -> memref<40xi32, #tpu.memory_space<vmem>>
        %dma_start3A_565 = arith.constant 0 : i32
        %dma_start3A_566 = arith.constant 0 : i32
        %dma_start3A_567 = tpu.memref_slice %arg6[%dma_start3A_565, %dma_start3A_566] : memref<10112x128xf32, #tpu.memory_space<vmem_shared>> -> memref<10112x128xf32, #tpu.memory_space<vmem_shared>>
        tpu.enqueue_indirect_dma source(%arg12 : memref<40x128xf32, #tpu.memory_space<vmem>>) target(%dma_start3A_567 : memref<10112x128xf32, #tpu.memory_space<vmem_shared>>) offsets(%dma_start3A_564 : memref<40xi32, #tpu.memory_space<vmem>>) semaphore(%run_scoped3A_561 : memref<!tpu.dma_semaphore, #tpu.memory_space<semaphore_mem>>) {add = true}
        %dma_wait3A_568 = arith.constant 40 : i32
        %dma_wait3A_569 = tpu.memref_slice %arg7[%add3A_534, %dma_wait3A_568] : memref<50x80xi32, #tpu.memory_space<vmem>> -> memref<1x40xi32, #tpu.memory_space<vmem>>
        %dma_wait3A_570 = tpu.memref_squeeze %dma_wait3A_569 : memref<1x40xi32, #tpu.memory_space<vmem>> -> memref<40xi32, #tpu.memory_space<vmem>>
        %dma_wait3A_571 = arith.constant 0 : i32
        %dma_wait3A_572 = arith.constant 0 : i32
        %dma_wait3A_573 = tpu.memref_slice %arg6[%dma_wait3A_571, %dma_wait3A_572] : memref<10112x128xf32, #tpu.memory_space<vmem_shared>> -> memref<10112x128xf32, #tpu.memory_space<vmem_shared>>
        tpu.wait_indirect_dma semaphore(%run_scoped3A_561 : memref<!tpu.dma_semaphore, #tpu.memory_space<semaphore_mem>>) src(%arg12 : memref<40x128xf32, #tpu.memory_space<vmem>>) dst(%dma_wait3A_573 : memref<10112x128xf32, #tpu.memory_space<vmem_shared>>)
        tpu.yield
      }) : () -> ()
      %add3A_541 = arith.constant 4 : i32
      %add3A_542 = arith.addi %mul3A_461, %add3A_541 : i32
      %add3A_543 = arith.constant 5 : i32
      %add3A_544 = arith.addi %add3A_542, %add3A_543 : i32
      %sub3A_545 = arith.constant 1 : i32
      %sub3A_546 = arith.subi %add3A_544, %sub3A_545 : i32
      %dma_start3A_547 = arith.constant 0 : i32
      %dma_start3A_548 = tpu.memref_slice %arg7[%sub3A_546, %dma_start3A_547] : memref<50x80xi32, #tpu.memory_space<vmem>> -> memref<1x40xi32, #tpu.memory_space<vmem>>
      %dma_start3A_549 = tpu.memref_squeeze %dma_start3A_548 : memref<1x40xi32, #tpu.memory_space<vmem>> -> memref<40xi32, #tpu.memory_space<vmem>>
      %dma_start3A_550 = arith.constant 0 : i32
      %dma_start3A_551 = arith.constant 0 : i32
      %dma_start3A_552 = tpu.memref_slice %arg3[%dma_start3A_550, %dma_start3A_551] : memref<10000x128xf32, #tpu.memory_space<hbm>> -> memref<10000x128xf32, #tpu.memory_space<hbm>>
      tpu.enqueue_indirect_dma source(%dma_start3A_552 : memref<10000x128xf32, #tpu.memory_space<hbm>>) target(%arg12 : memref<40x128xf32, #tpu.memory_space<vmem>>) offsets(%dma_start3A_549 : memref<40xi32, #tpu.memory_space<vmem>>) semaphore(%arg17 : memref<!tpu.dma_semaphore, #tpu.memory_space<semaphore_mem>>)
      %add3A_553 = arith.constant 4 : i32
      %add3A_554 = arith.addi %mul3A_461, %add3A_553 : i32
      %dma_wait3A_555 = arith.constant 0 : i32
      %dma_wait3A_556 = arith.constant 0 : i32
      %dma_wait3A_557 = tpu.memref_slice %arg3[%dma_wait3A_555, %dma_wait3A_556] : memref<10000x128xf32, #tpu.memory_space<hbm>> -> memref<40x128xf32, #tpu.memory_space<hbm>>
      %dma_wait3A_558 = arith.constant 0 : i32
      %dma_wait3A_559 = arith.constant 0 : i32
      %dma_wait3A_560 = tpu.memref_slice %arg3[%dma_wait3A_558, %dma_wait3A_559] : memref<10000x128xf32, #tpu.memory_space<hbm>> -> memref<40x128xf32, #tpu.memory_space<hbm>>
      tpu.wait_dma2 semaphore(%arg18 : memref<!tpu.dma_semaphore, #tpu.memory_space<semaphore_mem>>) src(%dma_wait3A_560 : memref<40x128xf32, #tpu.memory_space<hbm>>) dst(%arg13 : memref<40x128xf32, #tpu.memory_space<vmem>>)
      "tpu.region"() ({
        %run_scoped3A_561 = tpu.sem_alloc : memref<!tpu.dma_semaphore, #tpu.memory_space<semaphore_mem>>
        %dma_start3A_562 = arith.constant 40 : i32
        %dma_start3A_563 = tpu.memref_slice %arg7[%add3A_554, %dma_start3A_562] : memref<50x80xi32, #tpu.memory_space<vmem>> -> memref<1x40xi32, #tpu.memory_space<vmem>>
        %dma_start3A_564 = tpu.memref_squeeze %dma_start3A_563 : memref<1x40xi32, #tpu.memory_space<vmem>> -> memref<40xi32, #tpu.memory_space<vmem>>
        %dma_start3A_565 = arith.constant 0 : i32
        %dma_start3A_566 = arith.constant 0 : i32
        %dma_start3A_567 = tpu.memref_slice %arg6[%dma_start3A_565, %dma_start3A_566] : memref<10112x128xf32, #tpu.memory_space<vmem_shared>> -> memref<10112x128xf32, #tpu.memory_space<vmem_shared>>
        tpu.enqueue_indirect_dma source(%arg13 : memref<40x128xf32, #tpu.memory_space<vmem>>) target(%dma_start3A_567 : memref<10112x128xf32, #tpu.memory_space<vmem_shared>>) offsets(%dma_start3A_564 : memref<40xi32, #tpu.memory_space<vmem>>) semaphore(%run_scoped3A_561 : memref<!tpu.dma_semaphore, #tpu.memory_space<semaphore_mem>>) {add = true}
        %dma_wait3A_568 = arith.constant 40 : i32
        %dma_wait3A_569 = tpu.memref_slice %arg7[%add3A_554, %dma_wait3A_568] : memref<50x80xi32, #tpu.memory_space<vmem>> -> memref<1x40xi32, #tpu.memory_space<vmem>>
        %dma_wait3A_570 = tpu.memref_squeeze %dma_wait3A_569 : memref<1x40xi32, #tpu.memory_space<vmem>> -> memref<40xi32, #tpu.memory_space<vmem>>
        %dma_wait3A_571 = arith.constant 0 : i32
        %dma_wait3A_572 = arith.constant 0 : i32
        %dma_wait3A_573 = tpu.memref_slice %arg6[%dma_wait3A_571, %dma_wait3A_572] : memref<10112x128xf32, #tpu.memory_space<vmem_shared>> -> memref<10112x128xf32, #tpu.memory_space<vmem_shared>>
        tpu.wait_indirect_dma semaphore(%run_scoped3A_561 : memref<!tpu.dma_semaphore, #tpu.memory_space<semaphore_mem>>) src(%arg13 : memref<40x128xf32, #tpu.memory_space<vmem>>) dst(%dma_wait3A_573 : memref<10112x128xf32, #tpu.memory_space<vmem_shared>>)
        tpu.yield
      }) : () -> ()
    }
    %scan3A_232 = arith.constant 9 : i32
    %dma_start3A_233 = arith.constant 49 : i32
    %dma_start3A_234 = arith.constant 0 : i32
    %dma_start3A_235 = tpu.memref_slice %arg7[%dma_start3A_233, %dma_start3A_234] : memref<50x80xi32, #tpu.memory_space<vmem>> -> memref<1x40xi32, #tpu.memory_space<vmem>>
    %dma_start3A_236 = tpu.memref_squeeze %dma_start3A_235 : memref<1x40xi32, #tpu.memory_space<vmem>> -> memref<40xi32, #tpu.memory_space<vmem>>
    %dma_start3A_237 = arith.constant 0 : i32
    %dma_start3A_238 = arith.constant 0 : i32
    %dma_start3A_239 = tpu.memref_slice %arg3[%dma_start3A_237, %dma_start3A_238] : memref<10000x128xf32, #tpu.memory_space<hbm>> -> memref<10000x128xf32, #tpu.memory_space<hbm>>
    tpu.enqueue_indirect_dma source(%dma_start3A_239 : memref<10000x128xf32, #tpu.memory_space<hbm>>) target(%arg13 : memref<40x128xf32, #tpu.memory_space<vmem>>) offsets(%dma_start3A_236 : memref<40xi32, #tpu.memory_space<vmem>>) semaphore(%arg18 : memref<!tpu.dma_semaphore, #tpu.memory_space<semaphore_mem>>)
    %dma_wait3A_240 = arith.constant 0 : i32
    %dma_wait3A_241 = arith.constant 0 : i32
    %dma_wait3A_242 = tpu.memref_slice %arg3[%dma_wait3A_240, %dma_wait3A_241] : memref<10000x128xf32, #tpu.memory_space<hbm>> -> memref<40x128xf32, #tpu.memory_space<hbm>>
    %dma_wait3A_243 = arith.constant 0 : i32
    %dma_wait3A_244 = arith.constant 0 : i32
    %dma_wait3A_245 = tpu.memref_slice %arg3[%dma_wait3A_243, %dma_wait3A_244] : memref<10000x128xf32, #tpu.memory_space<hbm>> -> memref<40x128xf32, #tpu.memory_space<hbm>>
    tpu.wait_dma2 semaphore(%arg14 : memref<!tpu.dma_semaphore, #tpu.memory_space<semaphore_mem>>) src(%dma_wait3A_245 : memref<40x128xf32, #tpu.memory_space<hbm>>) dst(%arg9 : memref<40x128xf32, #tpu.memory_space<vmem>>)
    %run_scoped3A_246 = arith.constant 45 : i32
    "tpu.region"() ({
      %run_scoped3A_459 = tpu.sem_alloc : memref<!tpu.dma_semaphore, #tpu.memory_space<semaphore_mem>>
      %dma_start3A_460 = arith.constant 40 : i32
      %dma_start3A_461 = tpu.memref_slice %arg7[%run_scoped3A_246, %dma_start3A_460] : memref<50x80xi32, #tpu.memory_space<vmem>> -> memref<1x40xi32, #tpu.memory_space<vmem>>
      %dma_start3A_462 = tpu.memref_squeeze %dma_start3A_461 : memref<1x40xi32, #tpu.memory_space<vmem>> -> memref<40xi32, #tpu.memory_space<vmem>>
      %dma_start3A_463 = arith.constant 0 : i32
      %dma_start3A_464 = arith.constant 0 : i32
      %dma_start3A_465 = tpu.memref_slice %arg6[%dma_start3A_463, %dma_start3A_464] : memref<10112x128xf32, #tpu.memory_space<vmem_shared>> -> memref<10112x128xf32, #tpu.memory_space<vmem_shared>>
      tpu.enqueue_indirect_dma source(%arg9 : memref<40x128xf32, #tpu.memory_space<vmem>>) target(%dma_start3A_465 : memref<10112x128xf32, #tpu.memory_space<vmem_shared>>) offsets(%dma_start3A_462 : memref<40xi32, #tpu.memory_space<vmem>>) semaphore(%run_scoped3A_459 : memref<!tpu.dma_semaphore, #tpu.memory_space<semaphore_mem>>) {add = true}
      %dma_wait3A_466 = arith.constant 40 : i32
      %dma_wait3A_467 = tpu.memref_slice %arg7[%run_scoped3A_246, %dma_wait3A_466] : memref<50x80xi32, #tpu.memory_space<vmem>> -> memref<1x40xi32, #tpu.memory_space<vmem>>
      %dma_wait3A_468 = tpu.memref_squeeze %dma_wait3A_467 : memref<1x40xi32, #tpu.memory_space<vmem>> -> memref<40xi32, #tpu.memory_space<vmem>>
      %dma_wait3A_469 = arith.constant 0 : i32
      %dma_wait3A_470 = arith.constant 0 : i32
      %dma_wait3A_471 = tpu.memref_slice %arg6[%dma_wait3A_469, %dma_wait3A_470] : memref<10112x128xf32, #tpu.memory_space<vmem_shared>> -> memref<10112x128xf32, #tpu.memory_space<vmem_shared>>
      tpu.wait_indirect_dma semaphore(%run_scoped3A_459 : memref<!tpu.dma_semaphore, #tpu.memory_space<semaphore_mem>>) src(%arg9 : memref<40x128xf32, #tpu.memory_space<vmem>>) dst(%dma_wait3A_471 : memref<10112x128xf32, #tpu.memory_space<vmem_shared>>)
      tpu.yield
    }) : () -> ()
    %dma_wait3A_247 = arith.constant 0 : i32
    %dma_wait3A_248 = arith.constant 0 : i32
    %dma_wait3A_249 = tpu.memref_slice %arg3[%dma_wait3A_247, %dma_wait3A_248] : memref<10000x128xf32, #tpu.memory_space<hbm>> -> memref<40x128xf32, #tpu.memory_space<hbm>>
    %dma_wait3A_250 = arith.constant 0 : i32
    %dma_wait3A_251 = arith.constant 0 : i32
    %dma_wait3A_252 = tpu.memref_slice %arg3[%dma_wait3A_250, %dma_wait3A_251] : memref<10000x128xf32, #tpu.memory_space<hbm>> -> memref<40x128xf32, #tpu.memory_space<hbm>>
    tpu.wait_dma2 semaphore(%arg15 : memref<!tpu.dma_semaphore, #tpu.memory_space<semaphore_mem>>) src(%dma_wait3A_252 : memref<40x128xf32, #tpu.memory_space<hbm>>) dst(%arg10 : memref<40x128xf32, #tpu.memory_space<vmem>>)
    %run_scoped3A_253 = arith.constant 46 : i32
    "tpu.region"() ({
      %run_scoped3A_459 = tpu.sem_alloc : memref<!tpu.dma_semaphore, #tpu.memory_space<semaphore_mem>>
      %dma_start3A_460 = arith.constant 40 : i32
      %dma_start3A_461 = tpu.memref_slice %arg7[%run_scoped3A_253, %dma_start3A_460] : memref<50x80xi32, #tpu.memory_space<vmem>> -> memref<1x40xi32, #tpu.memory_space<vmem>>
      %dma_start3A_462 = tpu.memref_squeeze %dma_start3A_461 : memref<1x40xi32, #tpu.memory_space<vmem>> -> memref<40xi32, #tpu.memory_space<vmem>>
      %dma_start3A_463 = arith.constant 0 : i32
      %dma_start3A_464 = arith.constant 0 : i32
      %dma_start3A_465 = tpu.memref_slice %arg6[%dma_start3A_463, %dma_start3A_464] : memref<10112x128xf32, #tpu.memory_space<vmem_shared>> -> memref<10112x128xf32, #tpu.memory_space<vmem_shared>>
      tpu.enqueue_indirect_dma source(%arg10 : memref<40x128xf32, #tpu.memory_space<vmem>>) target(%dma_start3A_465 : memref<10112x128xf32, #tpu.memory_space<vmem_shared>>) offsets(%dma_start3A_462 : memref<40xi32, #tpu.memory_space<vmem>>) semaphore(%run_scoped3A_459 : memref<!tpu.dma_semaphore, #tpu.memory_space<semaphore_mem>>) {add = true}
      %dma_wait3A_466 = arith.constant 40 : i32
      %dma_wait3A_467 = tpu.memref_slice %arg7[%run_scoped3A_253, %dma_wait3A_466] : memref<50x80xi32, #tpu.memory_space<vmem>> -> memref<1x40xi32, #tpu.memory_space<vmem>>
      %dma_wait3A_468 = tpu.memref_squeeze %dma_wait3A_467 : memref<1x40xi32, #tpu.memory_space<vmem>> -> memref<40xi32, #tpu.memory_space<vmem>>
      %dma_wait3A_469 = arith.constant 0 : i32
      %dma_wait3A_470 = arith.constant 0 : i32
      %dma_wait3A_471 = tpu.memref_slice %arg6[%dma_wait3A_469, %dma_wait3A_470] : memref<10112x128xf32, #tpu.memory_space<vmem_shared>> -> memref<10112x128xf32, #tpu.memory_space<vmem_shared>>
      tpu.wait_indirect_dma semaphore(%run_scoped3A_459 : memref<!tpu.dma_semaphore, #tpu.memory_space<semaphore_mem>>) src(%arg10 : memref<40x128xf32, #tpu.memory_space<vmem>>) dst(%dma_wait3A_471 : memref<10112x128xf32, #tpu.memory_space<vmem_shared>>)
      tpu.yield
    }) : () -> ()
    %dma_wait3A_254 = arith.constant 0 : i32
    %dma_wait3A_255 = arith.constant 0 : i32
    %dma_wait3A_256 = tpu.memref_slice %arg3[%dma_wait3A_254, %dma_wait3A_255] : memref<10000x128xf32, #tpu.memory_space<hbm>> -> memref<40x128xf32, #tpu.memory_space<hbm>>
    %dma_wait3A_257 = arith.constant 0 : i32
    %dma_wait3A_258 = arith.constant 0 : i32
    %dma_wait3A_259 = tpu.memref_slice %arg3[%dma_wait3A_257, %dma_wait3A_258] : memref<10000x128xf32, #tpu.memory_space<hbm>> -> memref<40x128xf32, #tpu.memory_space<hbm>>
    tpu.wait_dma2 semaphore(%arg16 : memref<!tpu.dma_semaphore, #tpu.memory_space<semaphore_mem>>) src(%dma_wait3A_259 : memref<40x128xf32, #tpu.memory_space<hbm>>) dst(%arg11 : memref<40x128xf32, #tpu.memory_space<vmem>>)
    %run_scoped3A_260 = arith.constant 47 : i32
    "tpu.region"() ({
      %run_scoped3A_459 = tpu.sem_alloc : memref<!tpu.dma_semaphore, #tpu.memory_space<semaphore_mem>>
      %dma_start3A_460 = arith.constant 40 : i32
      %dma_start3A_461 = tpu.memref_slice %arg7[%run_scoped3A_260, %dma_start3A_460] : memref<50x80xi32, #tpu.memory_space<vmem>> -> memref<1x40xi32, #tpu.memory_space<vmem>>
      %dma_start3A_462 = tpu.memref_squeeze %dma_start3A_461 : memref<1x40xi32, #tpu.memory_space<vmem>> -> memref<40xi32, #tpu.memory_space<vmem>>
      %dma_start3A_463 = arith.constant 0 : i32
      %dma_start3A_464 = arith.constant 0 : i32
      %dma_start3A_465 = tpu.memref_slice %arg6[%dma_start3A_463, %dma_start3A_464] : memref<10112x128xf32, #tpu.memory_space<vmem_shared>> -> memref<10112x128xf32, #tpu.memory_space<vmem_shared>>
      tpu.enqueue_indirect_dma source(%arg11 : memref<40x128xf32, #tpu.memory_space<vmem>>) target(%dma_start3A_465 : memref<10112x128xf32, #tpu.memory_space<vmem_shared>>) offsets(%dma_start3A_462 : memref<40xi32, #tpu.memory_space<vmem>>) semaphore(%run_scoped3A_459 : memref<!tpu.dma_semaphore, #tpu.memory_space<semaphore_mem>>) {add = true}
      %dma_wait3A_466 = arith.constant 40 : i32
      %dma_wait3A_467 = tpu.memref_slice %arg7[%run_scoped3A_260, %dma_wait3A_466] : memref<50x80xi32, #tpu.memory_space<vmem>> -> memref<1x40xi32, #tpu.memory_space<vmem>>
      %dma_wait3A_468 = tpu.memref_squeeze %dma_wait3A_467 : memref<1x40xi32, #tpu.memory_space<vmem>> -> memref<40xi32, #tpu.memory_space<vmem>>
      %dma_wait3A_469 = arith.constant 0 : i32
      %dma_wait3A_470 = arith.constant 0 : i32
      %dma_wait3A_471 = tpu.memref_slice %arg6[%dma_wait3A_469, %dma_wait3A_470] : memref<10112x128xf32, #tpu.memory_space<vmem_shared>> -> memref<10112x128xf32, #tpu.memory_space<vmem_shared>>
      tpu.wait_indirect_dma semaphore(%run_scoped3A_459 : memref<!tpu.dma_semaphore, #tpu.memory_space<semaphore_mem>>) src(%arg11 : memref<40x128xf32, #tpu.memory_space<vmem>>) dst(%dma_wait3A_471 : memref<10112x128xf32, #tpu.memory_space<vmem_shared>>)
      tpu.yield
    }) : () -> ()
    %dma_wait3A_261 = arith.constant 0 : i32
    %dma_wait3A_262 = arith.constant 0 : i32
    %dma_wait3A_263 = tpu.memref_slice %arg3[%dma_wait3A_261, %dma_wait3A_262] : memref<10000x128xf32, #tpu.memory_space<hbm>> -> memref<40x128xf32, #tpu.memory_space<hbm>>
    %dma_wait3A_264 = arith.constant 0 : i32
    %dma_wait3A_265 = arith.constant 0 : i32
    %dma_wait3A_266 = tpu.memref_slice %arg3[%dma_wait3A_264, %dma_wait3A_265] : memref<10000x128xf32, #tpu.memory_space<hbm>> -> memref<40x128xf32, #tpu.memory_space<hbm>>
    tpu.wait_dma2 semaphore(%arg17 : memref<!tpu.dma_semaphore, #tpu.memory_space<semaphore_mem>>) src(%dma_wait3A_266 : memref<40x128xf32, #tpu.memory_space<hbm>>) dst(%arg12 : memref<40x128xf32, #tpu.memory_space<vmem>>)
    %run_scoped3A_267 = arith.constant 48 : i32
    "tpu.region"() ({
      %run_scoped3A_459 = tpu.sem_alloc : memref<!tpu.dma_semaphore, #tpu.memory_space<semaphore_mem>>
      %dma_start3A_460 = arith.constant 40 : i32
      %dma_start3A_461 = tpu.memref_slice %arg7[%run_scoped3A_267, %dma_start3A_460] : memref<50x80xi32, #tpu.memory_space<vmem>> -> memref<1x40xi32, #tpu.memory_space<vmem>>
      %dma_start3A_462 = tpu.memref_squeeze %dma_start3A_461 : memref<1x40xi32, #tpu.memory_space<vmem>> -> memref<40xi32, #tpu.memory_space<vmem>>
      %dma_start3A_463 = arith.constant 0 : i32
      %dma_start3A_464 = arith.constant 0 : i32
      %dma_start3A_465 = tpu.memref_slice %arg6[%dma_start3A_463, %dma_start3A_464] : memref<10112x128xf32, #tpu.memory_space<vmem_shared>> -> memref<10112x128xf32, #tpu.memory_space<vmem_shared>>
      tpu.enqueue_indirect_dma source(%arg12 : memref<40x128xf32, #tpu.memory_space<vmem>>) target(%dma_start3A_465 : memref<10112x128xf32, #tpu.memory_space<vmem_shared>>) offsets(%dma_start3A_462 : memref<40xi32, #tpu.memory_space<vmem>>) semaphore(%run_scoped3A_459 : memref<!tpu.dma_semaphore, #tpu.memory_space<semaphore_mem>>) {add = true}
      %dma_wait3A_466 = arith.constant 40 : i32
      %dma_wait3A_467 = tpu.memref_slice %arg7[%run_scoped3A_267, %dma_wait3A_466] : memref<50x80xi32, #tpu.memory_space<vmem>> -> memref<1x40xi32, #tpu.memory_space<vmem>>
      %dma_wait3A_468 = tpu.memref_squeeze %dma_wait3A_467 : memref<1x40xi32, #tpu.memory_space<vmem>> -> memref<40xi32, #tpu.memory_space<vmem>>
      %dma_wait3A_469 = arith.constant 0 : i32
      %dma_wait3A_470 = arith.constant 0 : i32
      %dma_wait3A_471 = tpu.memref_slice %arg6[%dma_wait3A_469, %dma_wait3A_470] : memref<10112x128xf32, #tpu.memory_space<vmem_shared>> -> memref<10112x128xf32, #tpu.memory_space<vmem_shared>>
      tpu.wait_indirect_dma semaphore(%run_scoped3A_459 : memref<!tpu.dma_semaphore, #tpu.memory_space<semaphore_mem>>) src(%arg12 : memref<40x128xf32, #tpu.memory_space<vmem>>) dst(%dma_wait3A_471 : memref<10112x128xf32, #tpu.memory_space<vmem_shared>>)
      tpu.yield
    }) : () -> ()
    %dma_wait3A_268 = arith.constant 0 : i32
    %dma_wait3A_269 = arith.constant 0 : i32
    %dma_wait3A_270 = tpu.memref_slice %arg3[%dma_wait3A_268, %dma_wait3A_269] : memref<10000x128xf32, #tpu.memory_space<hbm>> -> memref<40x128xf32, #tpu.memory_space<hbm>>
    %dma_wait3A_271 = arith.constant 0 : i32
    %dma_wait3A_272 = arith.constant 0 : i32
    %dma_wait3A_273 = tpu.memref_slice %arg3[%dma_wait3A_271, %dma_wait3A_272] : memref<10000x128xf32, #tpu.memory_space<hbm>> -> memref<40x128xf32, #tpu.memory_space<hbm>>
    tpu.wait_dma2 semaphore(%arg18 : memref<!tpu.dma_semaphore, #tpu.memory_space<semaphore_mem>>) src(%dma_wait3A_273 : memref<40x128xf32, #tpu.memory_space<hbm>>) dst(%arg13 : memref<40x128xf32, #tpu.memory_space<vmem>>)
    %run_scoped3A_274 = arith.constant 49 : i32
    "tpu.region"() ({
      %run_scoped3A_459 = tpu.sem_alloc : memref<!tpu.dma_semaphore, #tpu.memory_space<semaphore_mem>>
      %dma_start3A_460 = arith.constant 40 : i32
      %dma_start3A_461 = tpu.memref_slice %arg7[%run_scoped3A_274, %dma_start3A_460] : memref<50x80xi32, #tpu.memory_space<vmem>> -> memref<1x40xi32, #tpu.memory_space<vmem>>
      %dma_start3A_462 = tpu.memref_squeeze %dma_start3A_461 : memref<1x40xi32, #tpu.memory_space<vmem>> -> memref<40xi32, #tpu.memory_space<vmem>>
      %dma_start3A_463 = arith.constant 0 : i32
      %dma_start3A_464 = arith.constant 0 : i32
      %dma_start3A_465 = tpu.memref_slice %arg6[%dma_start3A_463, %dma_start3A_464] : memref<10112x128xf32, #tpu.memory_space<vmem_shared>> -> memref<10112x128xf32, #tpu.memory_space<vmem_shared>>
      tpu.enqueue_indirect_dma source(%arg13 : memref<40x128xf32, #tpu.memory_space<vmem>>) target(%dma_start3A_465 : memref<10112x128xf32, #tpu.memory_space<vmem_shared>>) offsets(%dma_start3A_462 : memref<40xi32, #tpu.memory_space<vmem>>) semaphore(%run_scoped3A_459 : memref<!tpu.dma_semaphore, #tpu.memory_space<semaphore_mem>>) {add = true}
      %dma_wait3A_466 = arith.constant 40 : i32
      %dma_wait3A_467 = tpu.memref_slice %arg7[%run_scoped3A_274, %dma_wait3A_466] : memref<50x80xi32, #tpu.memory_space<vmem>> -> memref<1x40xi32, #tpu.memory_space<vmem>>
      %dma_wait3A_468 = tpu.memref_squeeze %dma_wait3A_467 : memref<1x40xi32, #tpu.memory_space<vmem>> -> memref<40xi32, #tpu.memory_space<vmem>>
      %dma_wait3A_469 = arith.constant 0 : i32
      %dma_wait3A_470 = arith.constant 0 : i32
      %dma_wait3A_471 = tpu.memref_slice %arg6[%dma_wait3A_469, %dma_wait3A_470] : memref<10112x128xf32, #tpu.memory_space<vmem_shared>> -> memref<10112x128xf32, #tpu.memory_space<vmem_shared>>
      tpu.wait_indirect_dma semaphore(%run_scoped3A_459 : memref<!tpu.dma_semaphore, #tpu.memory_space<semaphore_mem>>) src(%arg13 : memref<40x128xf32, #tpu.memory_space<vmem>>) dst(%dma_wait3A_471 : memref<10112x128xf32, #tpu.memory_space<vmem_shared>>)
      tpu.yield
    }) : () -> ()
    %dma_wait3A_275 = arith.constant 0 : i32
    %dma_wait3A_276 = arith.constant 0 : i32
    %dma_wait3A_277 = arith.constant 0 : i32
    %dma_wait3A_278 = tpu.memref_slice %arg2[%add3A, %dma_wait3A_275, %dma_wait3A_276, %dma_wait3A_277] : memref<32x5x50x80xi32, #tpu.memory_space<hbm>> -> memref<1x1x50x80xi32, #tpu.memory_space<hbm>>
    %dma_wait3A_279 = tpu.memref_squeeze %dma_wait3A_278 : memref<1x1x50x80xi32, #tpu.memory_space<hbm>> -> memref<50x80xi32, #tpu.memory_space<hbm>>
    %dma_wait3A_280 = arith.constant 0 : i32
    %dma_wait3A_281 = arith.constant 0 : i32
    %dma_wait3A_282 = tpu.memref_slice %arg2[%add3A, %dma_wait3A_275, %dma_wait3A_280, %dma_wait3A_281] : memref<32x5x50x80xi32, #tpu.memory_space<hbm>> -> memref<1x1x50x80xi32, #tpu.memory_space<hbm>>
    %dma_wait3A_283 = tpu.memref_squeeze %dma_wait3A_282 : memref<1x1x50x80xi32, #tpu.memory_space<hbm>> -> memref<50x80xi32, #tpu.memory_space<hbm>>
    tpu.wait_dma2 semaphore(%arg19 : memref<!tpu.dma_semaphore, #tpu.memory_space<semaphore_mem>>) src(%dma_wait3A_283 : memref<50x80xi32, #tpu.memory_space<hbm>>) dst(%arg8 : memref<50x80xi32, #tpu.memory_space<vmem>>)
    %dma_start3A_284 = arith.constant 4 : i32
    %dma_start3A_285 = arith.constant 0 : i32
    %dma_start3A_286 = arith.constant 0 : i32
    %dma_start3A_287 = tpu.memref_slice %arg2[%add3A, %dma_start3A_284, %dma_start3A_285, %dma_start3A_286] : memref<32x5x50x80xi32, #tpu.memory_space<hbm>> -> memref<1x1x50x80xi32, #tpu.memory_space<hbm>>
    %dma_start3A_288 = tpu.memref_squeeze %dma_start3A_287 : memref<1x1x50x80xi32, #tpu.memory_space<hbm>> -> memref<50x80xi32, #tpu.memory_space<hbm>>
    %dma_start3A_289 = arith.constant 0 : i32
    %dma_start3A_290 = arith.constant 0 : i32
    %dma_start3A_291 = tpu.memref_slice %arg2[%add3A, %dma_start3A_284, %dma_start3A_289, %dma_start3A_290] : memref<32x5x50x80xi32, #tpu.memory_space<hbm>> -> memref<1x1x50x80xi32, #tpu.memory_space<hbm>>
    %dma_start3A_292 = tpu.memref_squeeze %dma_start3A_291 : memref<1x1x50x80xi32, #tpu.memory_space<hbm>> -> memref<50x80xi32, #tpu.memory_space<hbm>>
    tpu.enqueue_dma source(%dma_start3A_292 : memref<50x80xi32, #tpu.memory_space<hbm>>) target(%arg7 : memref<50x80xi32, #tpu.memory_space<vmem>>) target_semaphore(%arg19 : memref<!tpu.dma_semaphore, #tpu.memory_space<semaphore_mem>>)
    %dma_start3A_293 = arith.constant 0 : i32
    %dma_start3A_294 = arith.constant 0 : i32
    %dma_start3A_295 = tpu.memref_slice %arg8[%dma_start3A_293, %dma_start3A_294] : memref<50x80xi32, #tpu.memory_space<vmem>> -> memref<1x40xi32, #tpu.memory_space<vmem>>
    %dma_start3A_296 = tpu.memref_squeeze %dma_start3A_295 : memref<1x40xi32, #tpu.memory_space<vmem>> -> memref<40xi32, #tpu.memory_space<vmem>>
    %dma_start3A_297 = arith.constant 0 : i32
    %dma_start3A_298 = arith.constant 0 : i32
    %dma_start3A_299 = tpu.memref_slice %arg3[%dma_start3A_297, %dma_start3A_298] : memref<10000x128xf32, #tpu.memory_space<hbm>> -> memref<10000x128xf32, #tpu.memory_space<hbm>>
    tpu.enqueue_indirect_dma source(%dma_start3A_299 : memref<10000x128xf32, #tpu.memory_space<hbm>>) target(%arg9 : memref<40x128xf32, #tpu.memory_space<vmem>>) offsets(%dma_start3A_296 : memref<40xi32, #tpu.memory_space<vmem>>) semaphore(%arg14 : memref<!tpu.dma_semaphore, #tpu.memory_space<semaphore_mem>>)
    %dma_start3A_300 = arith.constant 1 : i32
    %dma_start3A_301 = arith.constant 0 : i32
    %dma_start3A_302 = tpu.memref_slice %arg8[%dma_start3A_300, %dma_start3A_301] : memref<50x80xi32, #tpu.memory_space<vmem>> -> memref<1x40xi32, #tpu.memory_space<vmem>>
    %dma_start3A_303 = tpu.memref_squeeze %dma_start3A_302 : memref<1x40xi32, #tpu.memory_space<vmem>> -> memref<40xi32, #tpu.memory_space<vmem>>
    %dma_start3A_304 = arith.constant 0 : i32
    %dma_start3A_305 = arith.constant 0 : i32
    %dma_start3A_306 = tpu.memref_slice %arg3[%dma_start3A_304, %dma_start3A_305] : memref<10000x128xf32, #tpu.memory_space<hbm>> -> memref<10000x128xf32, #tpu.memory_space<hbm>>
    tpu.enqueue_indirect_dma source(%dma_start3A_306 : memref<10000x128xf32, #tpu.memory_space<hbm>>) target(%arg10 : memref<40x128xf32, #tpu.memory_space<vmem>>) offsets(%dma_start3A_303 : memref<40xi32, #tpu.memory_space<vmem>>) semaphore(%arg15 : memref<!tpu.dma_semaphore, #tpu.memory_space<semaphore_mem>>)
    %dma_start3A_307 = arith.constant 2 : i32
    %dma_start3A_308 = arith.constant 0 : i32
    %dma_start3A_309 = tpu.memref_slice %arg8[%dma_start3A_307, %dma_start3A_308] : memref<50x80xi32, #tpu.memory_space<vmem>> -> memref<1x40xi32, #tpu.memory_space<vmem>>
    %dma_start3A_310 = tpu.memref_squeeze %dma_start3A_309 : memref<1x40xi32, #tpu.memory_space<vmem>> -> memref<40xi32, #tpu.memory_space<vmem>>
    %dma_start3A_311 = arith.constant 0 : i32
    %dma_start3A_312 = arith.constant 0 : i32
    %dma_start3A_313 = tpu.memref_slice %arg3[%dma_start3A_311, %dma_start3A_312] : memref<10000x128xf32, #tpu.memory_space<hbm>> -> memref<10000x128xf32, #tpu.memory_space<hbm>>
    tpu.enqueue_indirect_dma source(%dma_start3A_313 : memref<10000x128xf32, #tpu.memory_space<hbm>>) target(%arg11 : memref<40x128xf32, #tpu.memory_space<vmem>>) offsets(%dma_start3A_310 : memref<40xi32, #tpu.memory_space<vmem>>) semaphore(%arg16 : memref<!tpu.dma_semaphore, #tpu.memory_space<semaphore_mem>>)
    %dma_start3A_314 = arith.constant 3 : i32
    %dma_start3A_315 = arith.constant 0 : i32
    %dma_start3A_316 = tpu.memref_slice %arg8[%dma_start3A_314, %dma_start3A_315] : memref<50x80xi32, #tpu.memory_space<vmem>> -> memref<1x40xi32, #tpu.memory_space<vmem>>
    %dma_start3A_317 = tpu.memref_squeeze %dma_start3A_316 : memref<1x40xi32, #tpu.memory_space<vmem>> -> memref<40xi32, #tpu.memory_space<vmem>>
    %dma_start3A_318 = arith.constant 0 : i32
    %dma_start3A_319 = arith.constant 0 : i32
    %dma_start3A_320 = tpu.memref_slice %arg3[%dma_start3A_318, %dma_start3A_319] : memref<10000x128xf32, #tpu.memory_space<hbm>> -> memref<10000x128xf32, #tpu.memory_space<hbm>>
    tpu.enqueue_indirect_dma source(%dma_start3A_320 : memref<10000x128xf32, #tpu.memory_space<hbm>>) target(%arg12 : memref<40x128xf32, #tpu.memory_space<vmem>>) offsets(%dma_start3A_317 : memref<40xi32, #tpu.memory_space<vmem>>) semaphore(%arg17 : memref<!tpu.dma_semaphore, #tpu.memory_space<semaphore_mem>>)
    %scan3A_321 = arith.constant 0 : i32
    %scan3A_322 = arith.constant 0 : i32
    %scan3A_323 = arith.constant 9 : i32
    %scan3A_324 = arith.addi %scan3A_322, %scan3A_323 : i32
    %scan3A_325 = arith.constant 1 : i32
    scf.for %scan3A_459 = %scan3A_322 to %scan3A_324 step %scan3A_325  : i32 {
      %mul3A_460 = arith.constant 5 : i32
      %mul3A_461 = arith.muli %mul3A_460, %scan3A_459 : i32
      %add3A_462 = arith.constant 0 : i32
      %add3A_463 = arith.addi %mul3A_461, %add3A_462 : i32
      %add3A_464 = arith.constant 5 : i32
      %add3A_465 = arith.addi %add3A_463, %add3A_464 : i32
      %sub3A = arith.constant 1 : i32
      %sub3A_466 = arith.subi %add3A_465, %sub3A : i32
      %dma_start3A_467 = arith.constant 0 : i32
      %dma_start3A_468 = tpu.memref_slice %arg8[%sub3A_466, %dma_start3A_467] : memref<50x80xi32, #tpu.memory_space<vmem>> -> memref<1x40xi32, #tpu.memory_space<vmem>>
      %dma_start3A_469 = tpu.memref_squeeze %dma_start3A_468 : memref<1x40xi32, #tpu.memory_space<vmem>> -> memref<40xi32, #tpu.memory_space<vmem>>
      %dma_start3A_470 = arith.constant 0 : i32
      %dma_start3A_471 = arith.constant 0 : i32
      %dma_start3A_472 = tpu.memref_slice %arg3[%dma_start3A_470, %dma_start3A_471] : memref<10000x128xf32, #tpu.memory_space<hbm>> -> memref<10000x128xf32, #tpu.memory_space<hbm>>
      tpu.enqueue_indirect_dma source(%dma_start3A_472 : memref<10000x128xf32, #tpu.memory_space<hbm>>) target(%arg13 : memref<40x128xf32, #tpu.memory_space<vmem>>) offsets(%dma_start3A_469 : memref<40xi32, #tpu.memory_space<vmem>>) semaphore(%arg18 : memref<!tpu.dma_semaphore, #tpu.memory_space<semaphore_mem>>)
      %add3A_473 = arith.constant 0 : i32
      %add3A_474 = arith.addi %mul3A_461, %add3A_473 : i32
      %dma_wait3A_475 = arith.constant 0 : i32
      %dma_wait3A_476 = arith.constant 0 : i32
      %dma_wait3A_477 = tpu.memref_slice %arg3[%dma_wait3A_475, %dma_wait3A_476] : memref<10000x128xf32, #tpu.memory_space<hbm>> -> memref<40x128xf32, #tpu.memory_space<hbm>>
      %dma_wait3A_478 = arith.constant 0 : i32
      %dma_wait3A_479 = arith.constant 0 : i32
      %dma_wait3A_480 = tpu.memref_slice %arg3[%dma_wait3A_478, %dma_wait3A_479] : memref<10000x128xf32, #tpu.memory_space<hbm>> -> memref<40x128xf32, #tpu.memory_space<hbm>>
      tpu.wait_dma2 semaphore(%arg14 : memref<!tpu.dma_semaphore, #tpu.memory_space<semaphore_mem>>) src(%dma_wait3A_480 : memref<40x128xf32, #tpu.memory_space<hbm>>) dst(%arg9 : memref<40x128xf32, #tpu.memory_space<vmem>>)
      "tpu.region"() ({
        %run_scoped3A_561 = tpu.sem_alloc : memref<!tpu.dma_semaphore, #tpu.memory_space<semaphore_mem>>
        %dma_start3A_562 = arith.constant 40 : i32
        %dma_start3A_563 = tpu.memref_slice %arg8[%add3A_474, %dma_start3A_562] : memref<50x80xi32, #tpu.memory_space<vmem>> -> memref<1x40xi32, #tpu.memory_space<vmem>>
        %dma_start3A_564 = tpu.memref_squeeze %dma_start3A_563 : memref<1x40xi32, #tpu.memory_space<vmem>> -> memref<40xi32, #tpu.memory_space<vmem>>
        %dma_start3A_565 = arith.constant 0 : i32
        %dma_start3A_566 = arith.constant 0 : i32
        %dma_start3A_567 = tpu.memref_slice %arg6[%dma_start3A_565, %dma_start3A_566] : memref<10112x128xf32, #tpu.memory_space<vmem_shared>> -> memref<10112x128xf32, #tpu.memory_space<vmem_shared>>
        tpu.enqueue_indirect_dma source(%arg9 : memref<40x128xf32, #tpu.memory_space<vmem>>) target(%dma_start3A_567 : memref<10112x128xf32, #tpu.memory_space<vmem_shared>>) offsets(%dma_start3A_564 : memref<40xi32, #tpu.memory_space<vmem>>) semaphore(%run_scoped3A_561 : memref<!tpu.dma_semaphore, #tpu.memory_space<semaphore_mem>>) {add = true}
        %dma_wait3A_568 = arith.constant 40 : i32
        %dma_wait3A_569 = tpu.memref_slice %arg8[%add3A_474, %dma_wait3A_568] : memref<50x80xi32, #tpu.memory_space<vmem>> -> memref<1x40xi32, #tpu.memory_space<vmem>>
        %dma_wait3A_570 = tpu.memref_squeeze %dma_wait3A_569 : memref<1x40xi32, #tpu.memory_space<vmem>> -> memref<40xi32, #tpu.memory_space<vmem>>
        %dma_wait3A_571 = arith.constant 0 : i32
        %dma_wait3A_572 = arith.constant 0 : i32
        %dma_wait3A_573 = tpu.memref_slice %arg6[%dma_wait3A_571, %dma_wait3A_572] : memref<10112x128xf32, #tpu.memory_space<vmem_shared>> -> memref<10112x128xf32, #tpu.memory_space<vmem_shared>>
        tpu.wait_indirect_dma semaphore(%run_scoped3A_561 : memref<!tpu.dma_semaphore, #tpu.memory_space<semaphore_mem>>) src(%arg9 : memref<40x128xf32, #tpu.memory_space<vmem>>) dst(%dma_wait3A_573 : memref<10112x128xf32, #tpu.memory_space<vmem_shared>>)
        tpu.yield
      }) : () -> ()
      %add3A_481 = arith.constant 1 : i32
      %add3A_482 = arith.addi %mul3A_461, %add3A_481 : i32
      %add3A_483 = arith.constant 5 : i32
      %add3A_484 = arith.addi %add3A_482, %add3A_483 : i32
      %sub3A_485 = arith.constant 1 : i32
      %sub3A_486 = arith.subi %add3A_484, %sub3A_485 : i32
      %dma_start3A_487 = arith.constant 0 : i32
      %dma_start3A_488 = tpu.memref_slice %arg8[%sub3A_486, %dma_start3A_487] : memref<50x80xi32, #tpu.memory_space<vmem>> -> memref<1x40xi32, #tpu.memory_space<vmem>>
      %dma_start3A_489 = tpu.memref_squeeze %dma_start3A_488 : memref<1x40xi32, #tpu.memory_space<vmem>> -> memref<40xi32, #tpu.memory_space<vmem>>
      %dma_start3A_490 = arith.constant 0 : i32
      %dma_start3A_491 = arith.constant 0 : i32
      %dma_start3A_492 = tpu.memref_slice %arg3[%dma_start3A_490, %dma_start3A_491] : memref<10000x128xf32, #tpu.memory_space<hbm>> -> memref<10000x128xf32, #tpu.memory_space<hbm>>
      tpu.enqueue_indirect_dma source(%dma_start3A_492 : memref<10000x128xf32, #tpu.memory_space<hbm>>) target(%arg9 : memref<40x128xf32, #tpu.memory_space<vmem>>) offsets(%dma_start3A_489 : memref<40xi32, #tpu.memory_space<vmem>>) semaphore(%arg14 : memref<!tpu.dma_semaphore, #tpu.memory_space<semaphore_mem>>)
      %add3A_493 = arith.constant 1 : i32
      %add3A_494 = arith.addi %mul3A_461, %add3A_493 : i32
      %dma_wait3A_495 = arith.constant 0 : i32
      %dma_wait3A_496 = arith.constant 0 : i32
      %dma_wait3A_497 = tpu.memref_slice %arg3[%dma_wait3A_495, %dma_wait3A_496] : memref<10000x128xf32, #tpu.memory_space<hbm>> -> memref<40x128xf32, #tpu.memory_space<hbm>>
      %dma_wait3A_498 = arith.constant 0 : i32
      %dma_wait3A_499 = arith.constant 0 : i32
      %dma_wait3A_500 = tpu.memref_slice %arg3[%dma_wait3A_498, %dma_wait3A_499] : memref<10000x128xf32, #tpu.memory_space<hbm>> -> memref<40x128xf32, #tpu.memory_space<hbm>>
      tpu.wait_dma2 semaphore(%arg15 : memref<!tpu.dma_semaphore, #tpu.memory_space<semaphore_mem>>) src(%dma_wait3A_500 : memref<40x128xf32, #tpu.memory_space<hbm>>) dst(%arg10 : memref<40x128xf32, #tpu.memory_space<vmem>>)
      "tpu.region"() ({
        %run_scoped3A_561 = tpu.sem_alloc : memref<!tpu.dma_semaphore, #tpu.memory_space<semaphore_mem>>
        %dma_start3A_562 = arith.constant 40 : i32
        %dma_start3A_563 = tpu.memref_slice %arg8[%add3A_494, %dma_start3A_562] : memref<50x80xi32, #tpu.memory_space<vmem>> -> memref<1x40xi32, #tpu.memory_space<vmem>>
        %dma_start3A_564 = tpu.memref_squeeze %dma_start3A_563 : memref<1x40xi32, #tpu.memory_space<vmem>> -> memref<40xi32, #tpu.memory_space<vmem>>
        %dma_start3A_565 = arith.constant 0 : i32
        %dma_start3A_566 = arith.constant 0 : i32
        %dma_start3A_567 = tpu.memref_slice %arg6[%dma_start3A_565, %dma_start3A_566] : memref<10112x128xf32, #tpu.memory_space<vmem_shared>> -> memref<10112x128xf32, #tpu.memory_space<vmem_shared>>
        tpu.enqueue_indirect_dma source(%arg10 : memref<40x128xf32, #tpu.memory_space<vmem>>) target(%dma_start3A_567 : memref<10112x128xf32, #tpu.memory_space<vmem_shared>>) offsets(%dma_start3A_564 : memref<40xi32, #tpu.memory_space<vmem>>) semaphore(%run_scoped3A_561 : memref<!tpu.dma_semaphore, #tpu.memory_space<semaphore_mem>>) {add = true}
        %dma_wait3A_568 = arith.constant 40 : i32
        %dma_wait3A_569 = tpu.memref_slice %arg8[%add3A_494, %dma_wait3A_568] : memref<50x80xi32, #tpu.memory_space<vmem>> -> memref<1x40xi32, #tpu.memory_space<vmem>>
        %dma_wait3A_570 = tpu.memref_squeeze %dma_wait3A_569 : memref<1x40xi32, #tpu.memory_space<vmem>> -> memref<40xi32, #tpu.memory_space<vmem>>
        %dma_wait3A_571 = arith.constant 0 : i32
        %dma_wait3A_572 = arith.constant 0 : i32
        %dma_wait3A_573 = tpu.memref_slice %arg6[%dma_wait3A_571, %dma_wait3A_572] : memref<10112x128xf32, #tpu.memory_space<vmem_shared>> -> memref<10112x128xf32, #tpu.memory_space<vmem_shared>>
        tpu.wait_indirect_dma semaphore(%run_scoped3A_561 : memref<!tpu.dma_semaphore, #tpu.memory_space<semaphore_mem>>) src(%arg10 : memref<40x128xf32, #tpu.memory_space<vmem>>) dst(%dma_wait3A_573 : memref<10112x128xf32, #tpu.memory_space<vmem_shared>>)
        tpu.yield
      }) : () -> ()
      %add3A_501 = arith.constant 2 : i32
      %add3A_502 = arith.addi %mul3A_461, %add3A_501 : i32
      %add3A_503 = arith.constant 5 : i32
      %add3A_504 = arith.addi %add3A_502, %add3A_503 : i32
      %sub3A_505 = arith.constant 1 : i32
      %sub3A_506 = arith.subi %add3A_504, %sub3A_505 : i32
      %dma_start3A_507 = arith.constant 0 : i32
      %dma_start3A_508 = tpu.memref_slice %arg8[%sub3A_506, %dma_start3A_507] : memref<50x80xi32, #tpu.memory_space<vmem>> -> memref<1x40xi32, #tpu.memory_space<vmem>>
      %dma_start3A_509 = tpu.memref_squeeze %dma_start3A_508 : memref<1x40xi32, #tpu.memory_space<vmem>> -> memref<40xi32, #tpu.memory_space<vmem>>
      %dma_start3A_510 = arith.constant 0 : i32
      %dma_start3A_511 = arith.constant 0 : i32
      %dma_start3A_512 = tpu.memref_slice %arg3[%dma_start3A_510, %dma_start3A_511] : memref<10000x128xf32, #tpu.memory_space<hbm>> -> memref<10000x128xf32, #tpu.memory_space<hbm>>
      tpu.enqueue_indirect_dma source(%dma_start3A_512 : memref<10000x128xf32, #tpu.memory_space<hbm>>) target(%arg10 : memref<40x128xf32, #tpu.memory_space<vmem>>) offsets(%dma_start3A_509 : memref<40xi32, #tpu.memory_space<vmem>>) semaphore(%arg15 : memref<!tpu.dma_semaphore, #tpu.memory_space<semaphore_mem>>)
      %add3A_513 = arith.constant 2 : i32
      %add3A_514 = arith.addi %mul3A_461, %add3A_513 : i32
      %dma_wait3A_515 = arith.constant 0 : i32
      %dma_wait3A_516 = arith.constant 0 : i32
      %dma_wait3A_517 = tpu.memref_slice %arg3[%dma_wait3A_515, %dma_wait3A_516] : memref<10000x128xf32, #tpu.memory_space<hbm>> -> memref<40x128xf32, #tpu.memory_space<hbm>>
      %dma_wait3A_518 = arith.constant 0 : i32
      %dma_wait3A_519 = arith.constant 0 : i32
      %dma_wait3A_520 = tpu.memref_slice %arg3[%dma_wait3A_518, %dma_wait3A_519] : memref<10000x128xf32, #tpu.memory_space<hbm>> -> memref<40x128xf32, #tpu.memory_space<hbm>>
      tpu.wait_dma2 semaphore(%arg16 : memref<!tpu.dma_semaphore, #tpu.memory_space<semaphore_mem>>) src(%dma_wait3A_520 : memref<40x128xf32, #tpu.memory_space<hbm>>) dst(%arg11 : memref<40x128xf32, #tpu.memory_space<vmem>>)
      "tpu.region"() ({
        %run_scoped3A_561 = tpu.sem_alloc : memref<!tpu.dma_semaphore, #tpu.memory_space<semaphore_mem>>
        %dma_start3A_562 = arith.constant 40 : i32
        %dma_start3A_563 = tpu.memref_slice %arg8[%add3A_514, %dma_start3A_562] : memref<50x80xi32, #tpu.memory_space<vmem>> -> memref<1x40xi32, #tpu.memory_space<vmem>>
        %dma_start3A_564 = tpu.memref_squeeze %dma_start3A_563 : memref<1x40xi32, #tpu.memory_space<vmem>> -> memref<40xi32, #tpu.memory_space<vmem>>
        %dma_start3A_565 = arith.constant 0 : i32
        %dma_start3A_566 = arith.constant 0 : i32
        %dma_start3A_567 = tpu.memref_slice %arg6[%dma_start3A_565, %dma_start3A_566] : memref<10112x128xf32, #tpu.memory_space<vmem_shared>> -> memref<10112x128xf32, #tpu.memory_space<vmem_shared>>
        tpu.enqueue_indirect_dma source(%arg11 : memref<40x128xf32, #tpu.memory_space<vmem>>) target(%dma_start3A_567 : memref<10112x128xf32, #tpu.memory_space<vmem_shared>>) offsets(%dma_start3A_564 : memref<40xi32, #tpu.memory_space<vmem>>) semaphore(%run_scoped3A_561 : memref<!tpu.dma_semaphore, #tpu.memory_space<semaphore_mem>>) {add = true}
        %dma_wait3A_568 = arith.constant 40 : i32
        %dma_wait3A_569 = tpu.memref_slice %arg8[%add3A_514, %dma_wait3A_568] : memref<50x80xi32, #tpu.memory_space<vmem>> -> memref<1x40xi32, #tpu.memory_space<vmem>>
        %dma_wait3A_570 = tpu.memref_squeeze %dma_wait3A_569 : memref<1x40xi32, #tpu.memory_space<vmem>> -> memref<40xi32, #tpu.memory_space<vmem>>
        %dma_wait3A_571 = arith.constant 0 : i32
        %dma_wait3A_572 = arith.constant 0 : i32
        %dma_wait3A_573 = tpu.memref_slice %arg6[%dma_wait3A_571, %dma_wait3A_572] : memref<10112x128xf32, #tpu.memory_space<vmem_shared>> -> memref<10112x128xf32, #tpu.memory_space<vmem_shared>>
        tpu.wait_indirect_dma semaphore(%run_scoped3A_561 : memref<!tpu.dma_semaphore, #tpu.memory_space<semaphore_mem>>) src(%arg11 : memref<40x128xf32, #tpu.memory_space<vmem>>) dst(%dma_wait3A_573 : memref<10112x128xf32, #tpu.memory_space<vmem_shared>>)
        tpu.yield
      }) : () -> ()
      %add3A_521 = arith.constant 3 : i32
      %add3A_522 = arith.addi %mul3A_461, %add3A_521 : i32
      %add3A_523 = arith.constant 5 : i32
      %add3A_524 = arith.addi %add3A_522, %add3A_523 : i32
      %sub3A_525 = arith.constant 1 : i32
      %sub3A_526 = arith.subi %add3A_524, %sub3A_525 : i32
      %dma_start3A_527 = arith.constant 0 : i32
      %dma_start3A_528 = tpu.memref_slice %arg8[%sub3A_526, %dma_start3A_527] : memref<50x80xi32, #tpu.memory_space<vmem>> -> memref<1x40xi32, #tpu.memory_space<vmem>>
      %dma_start3A_529 = tpu.memref_squeeze %dma_start3A_528 : memref<1x40xi32, #tpu.memory_space<vmem>> -> memref<40xi32, #tpu.memory_space<vmem>>
      %dma_start3A_530 = arith.constant 0 : i32
      %dma_start3A_531 = arith.constant 0 : i32
      %dma_start3A_532 = tpu.memref_slice %arg3[%dma_start3A_530, %dma_start3A_531] : memref<10000x128xf32, #tpu.memory_space<hbm>> -> memref<10000x128xf32, #tpu.memory_space<hbm>>
      tpu.enqueue_indirect_dma source(%dma_start3A_532 : memref<10000x128xf32, #tpu.memory_space<hbm>>) target(%arg11 : memref<40x128xf32, #tpu.memory_space<vmem>>) offsets(%dma_start3A_529 : memref<40xi32, #tpu.memory_space<vmem>>) semaphore(%arg16 : memref<!tpu.dma_semaphore, #tpu.memory_space<semaphore_mem>>)
      %add3A_533 = arith.constant 3 : i32
      %add3A_534 = arith.addi %mul3A_461, %add3A_533 : i32
      %dma_wait3A_535 = arith.constant 0 : i32
      %dma_wait3A_536 = arith.constant 0 : i32
      %dma_wait3A_537 = tpu.memref_slice %arg3[%dma_wait3A_535, %dma_wait3A_536] : memref<10000x128xf32, #tpu.memory_space<hbm>> -> memref<40x128xf32, #tpu.memory_space<hbm>>
      %dma_wait3A_538 = arith.constant 0 : i32
      %dma_wait3A_539 = arith.constant 0 : i32
      %dma_wait3A_540 = tpu.memref_slice %arg3[%dma_wait3A_538, %dma_wait3A_539] : memref<10000x128xf32, #tpu.memory_space<hbm>> -> memref<40x128xf32, #tpu.memory_space<hbm>>
      tpu.wait_dma2 semaphore(%arg17 : memref<!tpu.dma_semaphore, #tpu.memory_space<semaphore_mem>>) src(%dma_wait3A_540 : memref<40x128xf32, #tpu.memory_space<hbm>>) dst(%arg12 : memref<40x128xf32, #tpu.memory_space<vmem>>)
      "tpu.region"() ({
        %run_scoped3A_561 = tpu.sem_alloc : memref<!tpu.dma_semaphore, #tpu.memory_space<semaphore_mem>>
        %dma_start3A_562 = arith.constant 40 : i32
        %dma_start3A_563 = tpu.memref_slice %arg8[%add3A_534, %dma_start3A_562] : memref<50x80xi32, #tpu.memory_space<vmem>> -> memref<1x40xi32, #tpu.memory_space<vmem>>
        %dma_start3A_564 = tpu.memref_squeeze %dma_start3A_563 : memref<1x40xi32, #tpu.memory_space<vmem>> -> memref<40xi32, #tpu.memory_space<vmem>>
        %dma_start3A_565 = arith.constant 0 : i32
        %dma_start3A_566 = arith.constant 0 : i32
        %dma_start3A_567 = tpu.memref_slice %arg6[%dma_start3A_565, %dma_start3A_566] : memref<10112x128xf32, #tpu.memory_space<vmem_shared>> -> memref<10112x128xf32, #tpu.memory_space<vmem_shared>>
        tpu.enqueue_indirect_dma source(%arg12 : memref<40x128xf32, #tpu.memory_space<vmem>>) target(%dma_start3A_567 : memref<10112x128xf32, #tpu.memory_space<vmem_shared>>) offsets(%dma_start3A_564 : memref<40xi32, #tpu.memory_space<vmem>>) semaphore(%run_scoped3A_561 : memref<!tpu.dma_semaphore, #tpu.memory_space<semaphore_mem>>) {add = true}
        %dma_wait3A_568 = arith.constant 40 : i32
        %dma_wait3A_569 = tpu.memref_slice %arg8[%add3A_534, %dma_wait3A_568] : memref<50x80xi32, #tpu.memory_space<vmem>> -> memref<1x40xi32, #tpu.memory_space<vmem>>
        %dma_wait3A_570 = tpu.memref_squeeze %dma_wait3A_569 : memref<1x40xi32, #tpu.memory_space<vmem>> -> memref<40xi32, #tpu.memory_space<vmem>>
        %dma_wait3A_571 = arith.constant 0 : i32
        %dma_wait3A_572 = arith.constant 0 : i32
        %dma_wait3A_573 = tpu.memref_slice %arg6[%dma_wait3A_571, %dma_wait3A_572] : memref<10112x128xf32, #tpu.memory_space<vmem_shared>> -> memref<10112x128xf32, #tpu.memory_space<vmem_shared>>
        tpu.wait_indirect_dma semaphore(%run_scoped3A_561 : memref<!tpu.dma_semaphore, #tpu.memory_space<semaphore_mem>>) src(%arg12 : memref<40x128xf32, #tpu.memory_space<vmem>>) dst(%dma_wait3A_573 : memref<10112x128xf32, #tpu.memory_space<vmem_shared>>)
        tpu.yield
      }) : () -> ()
      %add3A_541 = arith.constant 4 : i32
      %add3A_542 = arith.addi %mul3A_461, %add3A_541 : i32
      %add3A_543 = arith.constant 5 : i32
      %add3A_544 = arith.addi %add3A_542, %add3A_543 : i32
      %sub3A_545 = arith.constant 1 : i32
      %sub3A_546 = arith.subi %add3A_544, %sub3A_545 : i32
      %dma_start3A_547 = arith.constant 0 : i32
      %dma_start3A_548 = tpu.memref_slice %arg8[%sub3A_546, %dma_start3A_547] : memref<50x80xi32, #tpu.memory_space<vmem>> -> memref<1x40xi32, #tpu.memory_space<vmem>>
      %dma_start3A_549 = tpu.memref_squeeze %dma_start3A_548 : memref<1x40xi32, #tpu.memory_space<vmem>> -> memref<40xi32, #tpu.memory_space<vmem>>
      %dma_start3A_550 = arith.constant 0 : i32
      %dma_start3A_551 = arith.constant 0 : i32
      %dma_start3A_552 = tpu.memref_slice %arg3[%dma_start3A_550, %dma_start3A_551] : memref<10000x128xf32, #tpu.memory_space<hbm>> -> memref<10000x128xf32, #tpu.memory_space<hbm>>
      tpu.enqueue_indirect_dma source(%dma_start3A_552 : memref<10000x128xf32, #tpu.memory_space<hbm>>) target(%arg12 : memref<40x128xf32, #tpu.memory_space<vmem>>) offsets(%dma_start3A_549 : memref<40xi32, #tpu.memory_space<vmem>>) semaphore(%arg17 : memref<!tpu.dma_semaphore, #tpu.memory_space<semaphore_mem>>)
      %add3A_553 = arith.constant 4 : i32
      %add3A_554 = arith.addi %mul3A_461, %add3A_553 : i32
      %dma_wait3A_555 = arith.constant 0 : i32
      %dma_wait3A_556 = arith.constant 0 : i32
      %dma_wait3A_557 = tpu.memref_slice %arg3[%dma_wait3A_555, %dma_wait3A_556] : memref<10000x128xf32, #tpu.memory_space<hbm>> -> memref<40x128xf32, #tpu.memory_space<hbm>>
      %dma_wait3A_558 = arith.constant 0 : i32
      %dma_wait3A_559 = arith.constant 0 : i32
      %dma_wait3A_560 = tpu.memref_slice %arg3[%dma_wait3A_558, %dma_wait3A_559] : memref<10000x128xf32, #tpu.memory_space<hbm>> -> memref<40x128xf32, #tpu.memory_space<hbm>>
      tpu.wait_dma2 semaphore(%arg18 : memref<!tpu.dma_semaphore, #tpu.memory_space<semaphore_mem>>) src(%dma_wait3A_560 : memref<40x128xf32, #tpu.memory_space<hbm>>) dst(%arg13 : memref<40x128xf32, #tpu.memory_space<vmem>>)
      "tpu.region"() ({
        %run_scoped3A_561 = tpu.sem_alloc : memref<!tpu.dma_semaphore, #tpu.memory_space<semaphore_mem>>
        %dma_start3A_562 = arith.constant 40 : i32
        %dma_start3A_563 = tpu.memref_slice %arg8[%add3A_554, %dma_start3A_562] : memref<50x80xi32, #tpu.memory_space<vmem>> -> memref<1x40xi32, #tpu.memory_space<vmem>>
        %dma_start3A_564 = tpu.memref_squeeze %dma_start3A_563 : memref<1x40xi32, #tpu.memory_space<vmem>> -> memref<40xi32, #tpu.memory_space<vmem>>
        %dma_start3A_565 = arith.constant 0 : i32
        %dma_start3A_566 = arith.constant 0 : i32
        %dma_start3A_567 = tpu.memref_slice %arg6[%dma_start3A_565, %dma_start3A_566] : memref<10112x128xf32, #tpu.memory_space<vmem_shared>> -> memref<10112x128xf32, #tpu.memory_space<vmem_shared>>
        tpu.enqueue_indirect_dma source(%arg13 : memref<40x128xf32, #tpu.memory_space<vmem>>) target(%dma_start3A_567 : memref<10112x128xf32, #tpu.memory_space<vmem_shared>>) offsets(%dma_start3A_564 : memref<40xi32, #tpu.memory_space<vmem>>) semaphore(%run_scoped3A_561 : memref<!tpu.dma_semaphore, #tpu.memory_space<semaphore_mem>>) {add = true}
        %dma_wait3A_568 = arith.constant 40 : i32
        %dma_wait3A_569 = tpu.memref_slice %arg8[%add3A_554, %dma_wait3A_568] : memref<50x80xi32, #tpu.memory_space<vmem>> -> memref<1x40xi32, #tpu.memory_space<vmem>>
        %dma_wait3A_570 = tpu.memref_squeeze %dma_wait3A_569 : memref<1x40xi32, #tpu.memory_space<vmem>> -> memref<40xi32, #tpu.memory_space<vmem>>
        %dma_wait3A_571 = arith.constant 0 : i32
        %dma_wait3A_572 = arith.constant 0 : i32
        %dma_wait3A_573 = tpu.memref_slice %arg6[%dma_wait3A_571, %dma_wait3A_572] : memref<10112x128xf32, #tpu.memory_space<vmem_shared>> -> memref<10112x128xf32, #tpu.memory_space<vmem_shared>>
        tpu.wait_indirect_dma semaphore(%run_scoped3A_561 : memref<!tpu.dma_semaphore, #tpu.memory_space<semaphore_mem>>) src(%arg13 : memref<40x128xf32, #tpu.memory_space<vmem>>) dst(%dma_wait3A_573 : memref<10112x128xf32, #tpu.memory_space<vmem_shared>>)
        tpu.yield
      }) : () -> ()
    }
    %scan3A_326 = arith.constant 9 : i32
    %dma_start3A_327 = arith.constant 49 : i32
    %dma_start3A_328 = arith.constant 0 : i32
    %dma_start3A_329 = tpu.memref_slice %arg8[%dma_start3A_327, %dma_start3A_328] : memref<50x80xi32, #tpu.memory_space<vmem>> -> memref<1x40xi32, #tpu.memory_space<vmem>>
    %dma_start3A_330 = tpu.memref_squeeze %dma_start3A_329 : memref<1x40xi32, #tpu.memory_space<vmem>> -> memref<40xi32, #tpu.memory_space<vmem>>
    %dma_start3A_331 = arith.constant 0 : i32
    %dma_start3A_332 = arith.constant 0 : i32
    %dma_start3A_333 = tpu.memref_slice %arg3[%dma_start3A_331, %dma_start3A_332] : memref<10000x128xf32, #tpu.memory_space<hbm>> -> memref<10000x128xf32, #tpu.memory_space<hbm>>
    tpu.enqueue_indirect_dma source(%dma_start3A_333 : memref<10000x128xf32, #tpu.memory_space<hbm>>) target(%arg13 : memref<40x128xf32, #tpu.memory_space<vmem>>) offsets(%dma_start3A_330 : memref<40xi32, #tpu.memory_space<vmem>>) semaphore(%arg18 : memref<!tpu.dma_semaphore, #tpu.memory_space<semaphore_mem>>)
    %dma_wait3A_334 = arith.constant 0 : i32
    %dma_wait3A_335 = arith.constant 0 : i32
    %dma_wait3A_336 = tpu.memref_slice %arg3[%dma_wait3A_334, %dma_wait3A_335] : memref<10000x128xf32, #tpu.memory_space<hbm>> -> memref<40x128xf32, #tpu.memory_space<hbm>>
    %dma_wait3A_337 = arith.constant 0 : i32
    %dma_wait3A_338 = arith.constant 0 : i32
    %dma_wait3A_339 = tpu.memref_slice %arg3[%dma_wait3A_337, %dma_wait3A_338] : memref<10000x128xf32, #tpu.memory_space<hbm>> -> memref<40x128xf32, #tpu.memory_space<hbm>>
    tpu.wait_dma2 semaphore(%arg14 : memref<!tpu.dma_semaphore, #tpu.memory_space<semaphore_mem>>) src(%dma_wait3A_339 : memref<40x128xf32, #tpu.memory_space<hbm>>) dst(%arg9 : memref<40x128xf32, #tpu.memory_space<vmem>>)
    %run_scoped3A_340 = arith.constant 45 : i32
    "tpu.region"() ({
      %run_scoped3A_459 = tpu.sem_alloc : memref<!tpu.dma_semaphore, #tpu.memory_space<semaphore_mem>>
      %dma_start3A_460 = arith.constant 40 : i32
      %dma_start3A_461 = tpu.memref_slice %arg8[%run_scoped3A_340, %dma_start3A_460] : memref<50x80xi32, #tpu.memory_space<vmem>> -> memref<1x40xi32, #tpu.memory_space<vmem>>
      %dma_start3A_462 = tpu.memref_squeeze %dma_start3A_461 : memref<1x40xi32, #tpu.memory_space<vmem>> -> memref<40xi32, #tpu.memory_space<vmem>>
      %dma_start3A_463 = arith.constant 0 : i32
      %dma_start3A_464 = arith.constant 0 : i32
      %dma_start3A_465 = tpu.memref_slice %arg6[%dma_start3A_463, %dma_start3A_464] : memref<10112x128xf32, #tpu.memory_space<vmem_shared>> -> memref<10112x128xf32, #tpu.memory_space<vmem_shared>>
      tpu.enqueue_indirect_dma source(%arg9 : memref<40x128xf32, #tpu.memory_space<vmem>>) target(%dma_start3A_465 : memref<10112x128xf32, #tpu.memory_space<vmem_shared>>) offsets(%dma_start3A_462 : memref<40xi32, #tpu.memory_space<vmem>>) semaphore(%run_scoped3A_459 : memref<!tpu.dma_semaphore, #tpu.memory_space<semaphore_mem>>) {add = true}
      %dma_wait3A_466 = arith.constant 40 : i32
      %dma_wait3A_467 = tpu.memref_slice %arg8[%run_scoped3A_340, %dma_wait3A_466] : memref<50x80xi32, #tpu.memory_space<vmem>> -> memref<1x40xi32, #tpu.memory_space<vmem>>
      %dma_wait3A_468 = tpu.memref_squeeze %dma_wait3A_467 : memref<1x40xi32, #tpu.memory_space<vmem>> -> memref<40xi32, #tpu.memory_space<vmem>>
      %dma_wait3A_469 = arith.constant 0 : i32
      %dma_wait3A_470 = arith.constant 0 : i32
      %dma_wait3A_471 = tpu.memref_slice %arg6[%dma_wait3A_469, %dma_wait3A_470] : memref<10112x128xf32, #tpu.memory_space<vmem_shared>> -> memref<10112x128xf32, #tpu.memory_space<vmem_shared>>
      tpu.wait_indirect_dma semaphore(%run_scoped3A_459 : memref<!tpu.dma_semaphore, #tpu.memory_space<semaphore_mem>>) src(%arg9 : memref<40x128xf32, #tpu.memory_space<vmem>>) dst(%dma_wait3A_471 : memref<10112x128xf32, #tpu.memory_space<vmem_shared>>)
      tpu.yield
    }) : () -> ()
    %dma_wait3A_341 = arith.constant 0 : i32
    %dma_wait3A_342 = arith.constant 0 : i32
    %dma_wait3A_343 = tpu.memref_slice %arg3[%dma_wait3A_341, %dma_wait3A_342] : memref<10000x128xf32, #tpu.memory_space<hbm>> -> memref<40x128xf32, #tpu.memory_space<hbm>>
    %dma_wait3A_344 = arith.constant 0 : i32
    %dma_wait3A_345 = arith.constant 0 : i32
    %dma_wait3A_346 = tpu.memref_slice %arg3[%dma_wait3A_344, %dma_wait3A_345] : memref<10000x128xf32, #tpu.memory_space<hbm>> -> memref<40x128xf32, #tpu.memory_space<hbm>>
    tpu.wait_dma2 semaphore(%arg15 : memref<!tpu.dma_semaphore, #tpu.memory_space<semaphore_mem>>) src(%dma_wait3A_346 : memref<40x128xf32, #tpu.memory_space<hbm>>) dst(%arg10 : memref<40x128xf32, #tpu.memory_space<vmem>>)
    %run_scoped3A_347 = arith.constant 46 : i32
    "tpu.region"() ({
      %run_scoped3A_459 = tpu.sem_alloc : memref<!tpu.dma_semaphore, #tpu.memory_space<semaphore_mem>>
      %dma_start3A_460 = arith.constant 40 : i32
      %dma_start3A_461 = tpu.memref_slice %arg8[%run_scoped3A_347, %dma_start3A_460] : memref<50x80xi32, #tpu.memory_space<vmem>> -> memref<1x40xi32, #tpu.memory_space<vmem>>
      %dma_start3A_462 = tpu.memref_squeeze %dma_start3A_461 : memref<1x40xi32, #tpu.memory_space<vmem>> -> memref<40xi32, #tpu.memory_space<vmem>>
      %dma_start3A_463 = arith.constant 0 : i32
      %dma_start3A_464 = arith.constant 0 : i32
      %dma_start3A_465 = tpu.memref_slice %arg6[%dma_start3A_463, %dma_start3A_464] : memref<10112x128xf32, #tpu.memory_space<vmem_shared>> -> memref<10112x128xf32, #tpu.memory_space<vmem_shared>>
      tpu.enqueue_indirect_dma source(%arg10 : memref<40x128xf32, #tpu.memory_space<vmem>>) target(%dma_start3A_465 : memref<10112x128xf32, #tpu.memory_space<vmem_shared>>) offsets(%dma_start3A_462 : memref<40xi32, #tpu.memory_space<vmem>>) semaphore(%run_scoped3A_459 : memref<!tpu.dma_semaphore, #tpu.memory_space<semaphore_mem>>) {add = true}
      %dma_wait3A_466 = arith.constant 40 : i32
      %dma_wait3A_467 = tpu.memref_slice %arg8[%run_scoped3A_347, %dma_wait3A_466] : memref<50x80xi32, #tpu.memory_space<vmem>> -> memref<1x40xi32, #tpu.memory_space<vmem>>
      %dma_wait3A_468 = tpu.memref_squeeze %dma_wait3A_467 : memref<1x40xi32, #tpu.memory_space<vmem>> -> memref<40xi32, #tpu.memory_space<vmem>>
      %dma_wait3A_469 = arith.constant 0 : i32
      %dma_wait3A_470 = arith.constant 0 : i32
      %dma_wait3A_471 = tpu.memref_slice %arg6[%dma_wait3A_469, %dma_wait3A_470] : memref<10112x128xf32, #tpu.memory_space<vmem_shared>> -> memref<10112x128xf32, #tpu.memory_space<vmem_shared>>
      tpu.wait_indirect_dma semaphore(%run_scoped3A_459 : memref<!tpu.dma_semaphore, #tpu.memory_space<semaphore_mem>>) src(%arg10 : memref<40x128xf32, #tpu.memory_space<vmem>>) dst(%dma_wait3A_471 : memref<10112x128xf32, #tpu.memory_space<vmem_shared>>)
      tpu.yield
    }) : () -> ()
    %dma_wait3A_348 = arith.constant 0 : i32
    %dma_wait3A_349 = arith.constant 0 : i32
    %dma_wait3A_350 = tpu.memref_slice %arg3[%dma_wait3A_348, %dma_wait3A_349] : memref<10000x128xf32, #tpu.memory_space<hbm>> -> memref<40x128xf32, #tpu.memory_space<hbm>>
    %dma_wait3A_351 = arith.constant 0 : i32
    %dma_wait3A_352 = arith.constant 0 : i32
    %dma_wait3A_353 = tpu.memref_slice %arg3[%dma_wait3A_351, %dma_wait3A_352] : memref<10000x128xf32, #tpu.memory_space<hbm>> -> memref<40x128xf32, #tpu.memory_space<hbm>>
    tpu.wait_dma2 semaphore(%arg16 : memref<!tpu.dma_semaphore, #tpu.memory_space<semaphore_mem>>) src(%dma_wait3A_353 : memref<40x128xf32, #tpu.memory_space<hbm>>) dst(%arg11 : memref<40x128xf32, #tpu.memory_space<vmem>>)
    %run_scoped3A_354 = arith.constant 47 : i32
    "tpu.region"() ({
      %run_scoped3A_459 = tpu.sem_alloc : memref<!tpu.dma_semaphore, #tpu.memory_space<semaphore_mem>>
      %dma_start3A_460 = arith.constant 40 : i32
      %dma_start3A_461 = tpu.memref_slice %arg8[%run_scoped3A_354, %dma_start3A_460] : memref<50x80xi32, #tpu.memory_space<vmem>> -> memref<1x40xi32, #tpu.memory_space<vmem>>
      %dma_start3A_462 = tpu.memref_squeeze %dma_start3A_461 : memref<1x40xi32, #tpu.memory_space<vmem>> -> memref<40xi32, #tpu.memory_space<vmem>>
      %dma_start3A_463 = arith.constant 0 : i32
      %dma_start3A_464 = arith.constant 0 : i32
      %dma_start3A_465 = tpu.memref_slice %arg6[%dma_start3A_463, %dma_start3A_464] : memref<10112x128xf32, #tpu.memory_space<vmem_shared>> -> memref<10112x128xf32, #tpu.memory_space<vmem_shared>>
      tpu.enqueue_indirect_dma source(%arg11 : memref<40x128xf32, #tpu.memory_space<vmem>>) target(%dma_start3A_465 : memref<10112x128xf32, #tpu.memory_space<vmem_shared>>) offsets(%dma_start3A_462 : memref<40xi32, #tpu.memory_space<vmem>>) semaphore(%run_scoped3A_459 : memref<!tpu.dma_semaphore, #tpu.memory_space<semaphore_mem>>) {add = true}
      %dma_wait3A_466 = arith.constant 40 : i32
      %dma_wait3A_467 = tpu.memref_slice %arg8[%run_scoped3A_354, %dma_wait3A_466] : memref<50x80xi32, #tpu.memory_space<vmem>> -> memref<1x40xi32, #tpu.memory_space<vmem>>
      %dma_wait3A_468 = tpu.memref_squeeze %dma_wait3A_467 : memref<1x40xi32, #tpu.memory_space<vmem>> -> memref<40xi32, #tpu.memory_space<vmem>>
      %dma_wait3A_469 = arith.constant 0 : i32
      %dma_wait3A_470 = arith.constant 0 : i32
      %dma_wait3A_471 = tpu.memref_slice %arg6[%dma_wait3A_469, %dma_wait3A_470] : memref<10112x128xf32, #tpu.memory_space<vmem_shared>> -> memref<10112x128xf32, #tpu.memory_space<vmem_shared>>
      tpu.wait_indirect_dma semaphore(%run_scoped3A_459 : memref<!tpu.dma_semaphore, #tpu.memory_space<semaphore_mem>>) src(%arg11 : memref<40x128xf32, #tpu.memory_space<vmem>>) dst(%dma_wait3A_471 : memref<10112x128xf32, #tpu.memory_space<vmem_shared>>)
      tpu.yield
    }) : () -> ()
    %dma_wait3A_355 = arith.constant 0 : i32
    %dma_wait3A_356 = arith.constant 0 : i32
    %dma_wait3A_357 = tpu.memref_slice %arg3[%dma_wait3A_355, %dma_wait3A_356] : memref<10000x128xf32, #tpu.memory_space<hbm>> -> memref<40x128xf32, #tpu.memory_space<hbm>>
    %dma_wait3A_358 = arith.constant 0 : i32
    %dma_wait3A_359 = arith.constant 0 : i32
    %dma_wait3A_360 = tpu.memref_slice %arg3[%dma_wait3A_358, %dma_wait3A_359] : memref<10000x128xf32, #tpu.memory_space<hbm>> -> memref<40x128xf32, #tpu.memory_space<hbm>>
    tpu.wait_dma2 semaphore(%arg17 : memref<!tpu.dma_semaphore, #tpu.memory_space<semaphore_mem>>) src(%dma_wait3A_360 : memref<40x128xf32, #tpu.memory_space<hbm>>) dst(%arg12 : memref<40x128xf32, #tpu.memory_space<vmem>>)
    %run_scoped3A_361 = arith.constant 48 : i32
    "tpu.region"() ({
      %run_scoped3A_459 = tpu.sem_alloc : memref<!tpu.dma_semaphore, #tpu.memory_space<semaphore_mem>>
      %dma_start3A_460 = arith.constant 40 : i32
      %dma_start3A_461 = tpu.memref_slice %arg8[%run_scoped3A_361, %dma_start3A_460] : memref<50x80xi32, #tpu.memory_space<vmem>> -> memref<1x40xi32, #tpu.memory_space<vmem>>
      %dma_start3A_462 = tpu.memref_squeeze %dma_start3A_461 : memref<1x40xi32, #tpu.memory_space<vmem>> -> memref<40xi32, #tpu.memory_space<vmem>>
      %dma_start3A_463 = arith.constant 0 : i32
      %dma_start3A_464 = arith.constant 0 : i32
      %dma_start3A_465 = tpu.memref_slice %arg6[%dma_start3A_463, %dma_start3A_464] : memref<10112x128xf32, #tpu.memory_space<vmem_shared>> -> memref<10112x128xf32, #tpu.memory_space<vmem_shared>>
      tpu.enqueue_indirect_dma source(%arg12 : memref<40x128xf32, #tpu.memory_space<vmem>>) target(%dma_start3A_465 : memref<10112x128xf32, #tpu.memory_space<vmem_shared>>) offsets(%dma_start3A_462 : memref<40xi32, #tpu.memory_space<vmem>>) semaphore(%run_scoped3A_459 : memref<!tpu.dma_semaphore, #tpu.memory_space<semaphore_mem>>) {add = true}
      %dma_wait3A_466 = arith.constant 40 : i32
      %dma_wait3A_467 = tpu.memref_slice %arg8[%run_scoped3A_361, %dma_wait3A_466] : memref<50x80xi32, #tpu.memory_space<vmem>> -> memref<1x40xi32, #tpu.memory_space<vmem>>
      %dma_wait3A_468 = tpu.memref_squeeze %dma_wait3A_467 : memref<1x40xi32, #tpu.memory_space<vmem>> -> memref<40xi32, #tpu.memory_space<vmem>>
      %dma_wait3A_469 = arith.constant 0 : i32
      %dma_wait3A_470 = arith.constant 0 : i32
      %dma_wait3A_471 = tpu.memref_slice %arg6[%dma_wait3A_469, %dma_wait3A_470] : memref<10112x128xf32, #tpu.memory_space<vmem_shared>> -> memref<10112x128xf32, #tpu.memory_space<vmem_shared>>
      tpu.wait_indirect_dma semaphore(%run_scoped3A_459 : memref<!tpu.dma_semaphore, #tpu.memory_space<semaphore_mem>>) src(%arg12 : memref<40x128xf32, #tpu.memory_space<vmem>>) dst(%dma_wait3A_471 : memref<10112x128xf32, #tpu.memory_space<vmem_shared>>)
      tpu.yield
    }) : () -> ()
    %dma_wait3A_362 = arith.constant 0 : i32
    %dma_wait3A_363 = arith.constant 0 : i32
    %dma_wait3A_364 = tpu.memref_slice %arg3[%dma_wait3A_362, %dma_wait3A_363] : memref<10000x128xf32, #tpu.memory_space<hbm>> -> memref<40x128xf32, #tpu.memory_space<hbm>>
    %dma_wait3A_365 = arith.constant 0 : i32
    %dma_wait3A_366 = arith.constant 0 : i32
    %dma_wait3A_367 = tpu.memref_slice %arg3[%dma_wait3A_365, %dma_wait3A_366] : memref<10000x128xf32, #tpu.memory_space<hbm>> -> memref<40x128xf32, #tpu.memory_space<hbm>>
    tpu.wait_dma2 semaphore(%arg18 : memref<!tpu.dma_semaphore, #tpu.memory_space<semaphore_mem>>) src(%dma_wait3A_367 : memref<40x128xf32, #tpu.memory_space<hbm>>) dst(%arg13 : memref<40x128xf32, #tpu.memory_space<vmem>>)
    %run_scoped3A_368 = arith.constant 49 : i32
    "tpu.region"() ({
      %run_scoped3A_459 = tpu.sem_alloc : memref<!tpu.dma_semaphore, #tpu.memory_space<semaphore_mem>>
      %dma_start3A_460 = arith.constant 40 : i32
      %dma_start3A_461 = tpu.memref_slice %arg8[%run_scoped3A_368, %dma_start3A_460] : memref<50x80xi32, #tpu.memory_space<vmem>> -> memref<1x40xi32, #tpu.memory_space<vmem>>
      %dma_start3A_462 = tpu.memref_squeeze %dma_start3A_461 : memref<1x40xi32, #tpu.memory_space<vmem>> -> memref<40xi32, #tpu.memory_space<vmem>>
      %dma_start3A_463 = arith.constant 0 : i32
      %dma_start3A_464 = arith.constant 0 : i32
      %dma_start3A_465 = tpu.memref_slice %arg6[%dma_start3A_463, %dma_start3A_464] : memref<10112x128xf32, #tpu.memory_space<vmem_shared>> -> memref<10112x128xf32, #tpu.memory_space<vmem_shared>>
      tpu.enqueue_indirect_dma source(%arg13 : memref<40x128xf32, #tpu.memory_space<vmem>>) target(%dma_start3A_465 : memref<10112x128xf32, #tpu.memory_space<vmem_shared>>) offsets(%dma_start3A_462 : memref<40xi32, #tpu.memory_space<vmem>>) semaphore(%run_scoped3A_459 : memref<!tpu.dma_semaphore, #tpu.memory_space<semaphore_mem>>) {add = true}
      %dma_wait3A_466 = arith.constant 40 : i32
      %dma_wait3A_467 = tpu.memref_slice %arg8[%run_scoped3A_368, %dma_wait3A_466] : memref<50x80xi32, #tpu.memory_space<vmem>> -> memref<1x40xi32, #tpu.memory_space<vmem>>
      %dma_wait3A_468 = tpu.memref_squeeze %dma_wait3A_467 : memref<1x40xi32, #tpu.memory_space<vmem>> -> memref<40xi32, #tpu.memory_space<vmem>>
      %dma_wait3A_469 = arith.constant 0 : i32
      %dma_wait3A_470 = arith.constant 0 : i32
      %dma_wait3A_471 = tpu.memref_slice %arg6[%dma_wait3A_469, %dma_wait3A_470] : memref<10112x128xf32, #tpu.memory_space<vmem_shared>> -> memref<10112x128xf32, #tpu.memory_space<vmem_shared>>
      tpu.wait_indirect_dma semaphore(%run_scoped3A_459 : memref<!tpu.dma_semaphore, #tpu.memory_space<semaphore_mem>>) src(%arg13 : memref<40x128xf32, #tpu.memory_space<vmem>>) dst(%dma_wait3A_471 : memref<10112x128xf32, #tpu.memory_space<vmem_shared>>)
      tpu.yield
    }) : () -> ()
    %dma_wait3A_369 = arith.constant 0 : i32
    %dma_wait3A_370 = arith.constant 0 : i32
    %dma_wait3A_371 = arith.constant 0 : i32
    %dma_wait3A_372 = tpu.memref_slice %arg2[%add3A, %dma_wait3A_369, %dma_wait3A_370, %dma_wait3A_371] : memref<32x5x50x80xi32, #tpu.memory_space<hbm>> -> memref<1x1x50x80xi32, #tpu.memory_space<hbm>>
    %dma_wait3A_373 = tpu.memref_squeeze %dma_wait3A_372 : memref<1x1x50x80xi32, #tpu.memory_space<hbm>> -> memref<50x80xi32, #tpu.memory_space<hbm>>
    %dma_wait3A_374 = arith.constant 0 : i32
    %dma_wait3A_375 = arith.constant 0 : i32
    %dma_wait3A_376 = tpu.memref_slice %arg2[%add3A, %dma_wait3A_369, %dma_wait3A_374, %dma_wait3A_375] : memref<32x5x50x80xi32, #tpu.memory_space<hbm>> -> memref<1x1x50x80xi32, #tpu.memory_space<hbm>>
    %dma_wait3A_377 = tpu.memref_squeeze %dma_wait3A_376 : memref<1x1x50x80xi32, #tpu.memory_space<hbm>> -> memref<50x80xi32, #tpu.memory_space<hbm>>
    tpu.wait_dma2 semaphore(%arg19 : memref<!tpu.dma_semaphore, #tpu.memory_space<semaphore_mem>>) src(%dma_wait3A_377 : memref<50x80xi32, #tpu.memory_space<hbm>>) dst(%arg7 : memref<50x80xi32, #tpu.memory_space<vmem>>)
    %dma_start3A_378 = arith.constant 0 : i32
    %dma_start3A_379 = arith.constant 0 : i32
    %dma_start3A_380 = tpu.memref_slice %arg7[%dma_start3A_378, %dma_start3A_379] : memref<50x80xi32, #tpu.memory_space<vmem>> -> memref<1x40xi32, #tpu.memory_space<vmem>>
    %dma_start3A_381 = tpu.memref_squeeze %dma_start3A_380 : memref<1x40xi32, #tpu.memory_space<vmem>> -> memref<40xi32, #tpu.memory_space<vmem>>
    %dma_start3A_382 = arith.constant 0 : i32
    %dma_start3A_383 = arith.constant 0 : i32
    %dma_start3A_384 = tpu.memref_slice %arg3[%dma_start3A_382, %dma_start3A_383] : memref<10000x128xf32, #tpu.memory_space<hbm>> -> memref<10000x128xf32, #tpu.memory_space<hbm>>
    tpu.enqueue_indirect_dma source(%dma_start3A_384 : memref<10000x128xf32, #tpu.memory_space<hbm>>) target(%arg9 : memref<40x128xf32, #tpu.memory_space<vmem>>) offsets(%dma_start3A_381 : memref<40xi32, #tpu.memory_space<vmem>>) semaphore(%arg14 : memref<!tpu.dma_semaphore, #tpu.memory_space<semaphore_mem>>)
    %dma_start3A_385 = arith.constant 1 : i32
    %dma_start3A_386 = arith.constant 0 : i32
    %dma_start3A_387 = tpu.memref_slice %arg7[%dma_start3A_385, %dma_start3A_386] : memref<50x80xi32, #tpu.memory_space<vmem>> -> memref<1x40xi32, #tpu.memory_space<vmem>>
    %dma_start3A_388 = tpu.memref_squeeze %dma_start3A_387 : memref<1x40xi32, #tpu.memory_space<vmem>> -> memref<40xi32, #tpu.memory_space<vmem>>
    %dma_start3A_389 = arith.constant 0 : i32
    %dma_start3A_390 = arith.constant 0 : i32
    %dma_start3A_391 = tpu.memref_slice %arg3[%dma_start3A_389, %dma_start3A_390] : memref<10000x128xf32, #tpu.memory_space<hbm>> -> memref<10000x128xf32, #tpu.memory_space<hbm>>
    tpu.enqueue_indirect_dma source(%dma_start3A_391 : memref<10000x128xf32, #tpu.memory_space<hbm>>) target(%arg10 : memref<40x128xf32, #tpu.memory_space<vmem>>) offsets(%dma_start3A_388 : memref<40xi32, #tpu.memory_space<vmem>>) semaphore(%arg15 : memref<!tpu.dma_semaphore, #tpu.memory_space<semaphore_mem>>)
    %dma_start3A_392 = arith.constant 2 : i32
    %dma_start3A_393 = arith.constant 0 : i32
    %dma_start3A_394 = tpu.memref_slice %arg7[%dma_start3A_392, %dma_start3A_393] : memref<50x80xi32, #tpu.memory_space<vmem>> -> memref<1x40xi32, #tpu.memory_space<vmem>>
    %dma_start3A_395 = tpu.memref_squeeze %dma_start3A_394 : memref<1x40xi32, #tpu.memory_space<vmem>> -> memref<40xi32, #tpu.memory_space<vmem>>
    %dma_start3A_396 = arith.constant 0 : i32
    %dma_start3A_397 = arith.constant 0 : i32
    %dma_start3A_398 = tpu.memref_slice %arg3[%dma_start3A_396, %dma_start3A_397] : memref<10000x128xf32, #tpu.memory_space<hbm>> -> memref<10000x128xf32, #tpu.memory_space<hbm>>
    tpu.enqueue_indirect_dma source(%dma_start3A_398 : memref<10000x128xf32, #tpu.memory_space<hbm>>) target(%arg11 : memref<40x128xf32, #tpu.memory_space<vmem>>) offsets(%dma_start3A_395 : memref<40xi32, #tpu.memory_space<vmem>>) semaphore(%arg16 : memref<!tpu.dma_semaphore, #tpu.memory_space<semaphore_mem>>)
    %dma_start3A_399 = arith.constant 3 : i32
    %dma_start3A_400 = arith.constant 0 : i32
    %dma_start3A_401 = tpu.memref_slice %arg7[%dma_start3A_399, %dma_start3A_400] : memref<50x80xi32, #tpu.memory_space<vmem>> -> memref<1x40xi32, #tpu.memory_space<vmem>>
    %dma_start3A_402 = tpu.memref_squeeze %dma_start3A_401 : memref<1x40xi32, #tpu.memory_space<vmem>> -> memref<40xi32, #tpu.memory_space<vmem>>
    %dma_start3A_403 = arith.constant 0 : i32
    %dma_start3A_404 = arith.constant 0 : i32
    %dma_start3A_405 = tpu.memref_slice %arg3[%dma_start3A_403, %dma_start3A_404] : memref<10000x128xf32, #tpu.memory_space<hbm>> -> memref<10000x128xf32, #tpu.memory_space<hbm>>
    tpu.enqueue_indirect_dma source(%dma_start3A_405 : memref<10000x128xf32, #tpu.memory_space<hbm>>) target(%arg12 : memref<40x128xf32, #tpu.memory_space<vmem>>) offsets(%dma_start3A_402 : memref<40xi32, #tpu.memory_space<vmem>>) semaphore(%arg17 : memref<!tpu.dma_semaphore, #tpu.memory_space<semaphore_mem>>)
    %scan3A_406 = arith.constant 0 : i32
    %scan3A_407 = arith.constant 0 : i32
    %scan3A_408 = arith.constant 9 : i32
    %scan3A_409 = arith.addi %scan3A_407, %scan3A_408 : i32
    %scan3A_410 = arith.constant 1 : i32
    scf.for %scan3A_459 = %scan3A_407 to %scan3A_409 step %scan3A_410  : i32 {
      %mul3A_460 = arith.constant 5 : i32
      %mul3A_461 = arith.muli %mul3A_460, %scan3A_459 : i32
      %add3A_462 = arith.constant 0 : i32
      %add3A_463 = arith.addi %mul3A_461, %add3A_462 : i32
      %add3A_464 = arith.constant 5 : i32
      %add3A_465 = arith.addi %add3A_463, %add3A_464 : i32
      %sub3A = arith.constant 1 : i32
      %sub3A_466 = arith.subi %add3A_465, %sub3A : i32
      %dma_start3A_467 = arith.constant 0 : i32
      %dma_start3A_468 = tpu.memref_slice %arg7[%sub3A_466, %dma_start3A_467] : memref<50x80xi32, #tpu.memory_space<vmem>> -> memref<1x40xi32, #tpu.memory_space<vmem>>
      %dma_start3A_469 = tpu.memref_squeeze %dma_start3A_468 : memref<1x40xi32, #tpu.memory_space<vmem>> -> memref<40xi32, #tpu.memory_space<vmem>>
      %dma_start3A_470 = arith.constant 0 : i32
      %dma_start3A_471 = arith.constant 0 : i32
      %dma_start3A_472 = tpu.memref_slice %arg3[%dma_start3A_470, %dma_start3A_471] : memref<10000x128xf32, #tpu.memory_space<hbm>> -> memref<10000x128xf32, #tpu.memory_space<hbm>>
      tpu.enqueue_indirect_dma source(%dma_start3A_472 : memref<10000x128xf32, #tpu.memory_space<hbm>>) target(%arg13 : memref<40x128xf32, #tpu.memory_space<vmem>>) offsets(%dma_start3A_469 : memref<40xi32, #tpu.memory_space<vmem>>) semaphore(%arg18 : memref<!tpu.dma_semaphore, #tpu.memory_space<semaphore_mem>>)
      %add3A_473 = arith.constant 0 : i32
      %add3A_474 = arith.addi %mul3A_461, %add3A_473 : i32
      %dma_wait3A_475 = arith.constant 0 : i32
      %dma_wait3A_476 = arith.constant 0 : i32
      %dma_wait3A_477 = tpu.memref_slice %arg3[%dma_wait3A_475, %dma_wait3A_476] : memref<10000x128xf32, #tpu.memory_space<hbm>> -> memref<40x128xf32, #tpu.memory_space<hbm>>
      %dma_wait3A_478 = arith.constant 0 : i32
      %dma_wait3A_479 = arith.constant 0 : i32
      %dma_wait3A_480 = tpu.memref_slice %arg3[%dma_wait3A_478, %dma_wait3A_479] : memref<10000x128xf32, #tpu.memory_space<hbm>> -> memref<40x128xf32, #tpu.memory_space<hbm>>
      tpu.wait_dma2 semaphore(%arg14 : memref<!tpu.dma_semaphore, #tpu.memory_space<semaphore_mem>>) src(%dma_wait3A_480 : memref<40x128xf32, #tpu.memory_space<hbm>>) dst(%arg9 : memref<40x128xf32, #tpu.memory_space<vmem>>)
      "tpu.region"() ({
        %run_scoped3A_561 = tpu.sem_alloc : memref<!tpu.dma_semaphore, #tpu.memory_space<semaphore_mem>>
        %dma_start3A_562 = arith.constant 40 : i32
        %dma_start3A_563 = tpu.memref_slice %arg7[%add3A_474, %dma_start3A_562] : memref<50x80xi32, #tpu.memory_space<vmem>> -> memref<1x40xi32, #tpu.memory_space<vmem>>
        %dma_start3A_564 = tpu.memref_squeeze %dma_start3A_563 : memref<1x40xi32, #tpu.memory_space<vmem>> -> memref<40xi32, #tpu.memory_space<vmem>>
        %dma_start3A_565 = arith.constant 0 : i32
        %dma_start3A_566 = arith.constant 0 : i32
        %dma_start3A_567 = tpu.memref_slice %arg6[%dma_start3A_565, %dma_start3A_566] : memref<10112x128xf32, #tpu.memory_space<vmem_shared>> -> memref<10112x128xf32, #tpu.memory_space<vmem_shared>>
        tpu.enqueue_indirect_dma source(%arg9 : memref<40x128xf32, #tpu.memory_space<vmem>>) target(%dma_start3A_567 : memref<10112x128xf32, #tpu.memory_space<vmem_shared>>) offsets(%dma_start3A_564 : memref<40xi32, #tpu.memory_space<vmem>>) semaphore(%run_scoped3A_561 : memref<!tpu.dma_semaphore, #tpu.memory_space<semaphore_mem>>) {add = true}
        %dma_wait3A_568 = arith.constant 40 : i32
        %dma_wait3A_569 = tpu.memref_slice %arg7[%add3A_474, %dma_wait3A_568] : memref<50x80xi32, #tpu.memory_space<vmem>> -> memref<1x40xi32, #tpu.memory_space<vmem>>
        %dma_wait3A_570 = tpu.memref_squeeze %dma_wait3A_569 : memref<1x40xi32, #tpu.memory_space<vmem>> -> memref<40xi32, #tpu.memory_space<vmem>>
        %dma_wait3A_571 = arith.constant 0 : i32
        %dma_wait3A_572 = arith.constant 0 : i32
        %dma_wait3A_573 = tpu.memref_slice %arg6[%dma_wait3A_571, %dma_wait3A_572] : memref<10112x128xf32, #tpu.memory_space<vmem_shared>> -> memref<10112x128xf32, #tpu.memory_space<vmem_shared>>
        tpu.wait_indirect_dma semaphore(%run_scoped3A_561 : memref<!tpu.dma_semaphore, #tpu.memory_space<semaphore_mem>>) src(%arg9 : memref<40x128xf32, #tpu.memory_space<vmem>>) dst(%dma_wait3A_573 : memref<10112x128xf32, #tpu.memory_space<vmem_shared>>)
        tpu.yield
      }) : () -> ()
      %add3A_481 = arith.constant 1 : i32
      %add3A_482 = arith.addi %mul3A_461, %add3A_481 : i32
      %add3A_483 = arith.constant 5 : i32
      %add3A_484 = arith.addi %add3A_482, %add3A_483 : i32
      %sub3A_485 = arith.constant 1 : i32
      %sub3A_486 = arith.subi %add3A_484, %sub3A_485 : i32
      %dma_start3A_487 = arith.constant 0 : i32
      %dma_start3A_488 = tpu.memref_slice %arg7[%sub3A_486, %dma_start3A_487] : memref<50x80xi32, #tpu.memory_space<vmem>> -> memref<1x40xi32, #tpu.memory_space<vmem>>
      %dma_start3A_489 = tpu.memref_squeeze %dma_start3A_488 : memref<1x40xi32, #tpu.memory_space<vmem>> -> memref<40xi32, #tpu.memory_space<vmem>>
      %dma_start3A_490 = arith.constant 0 : i32
      %dma_start3A_491 = arith.constant 0 : i32
      %dma_start3A_492 = tpu.memref_slice %arg3[%dma_start3A_490, %dma_start3A_491] : memref<10000x128xf32, #tpu.memory_space<hbm>> -> memref<10000x128xf32, #tpu.memory_space<hbm>>
      tpu.enqueue_indirect_dma source(%dma_start3A_492 : memref<10000x128xf32, #tpu.memory_space<hbm>>) target(%arg9 : memref<40x128xf32, #tpu.memory_space<vmem>>) offsets(%dma_start3A_489 : memref<40xi32, #tpu.memory_space<vmem>>) semaphore(%arg14 : memref<!tpu.dma_semaphore, #tpu.memory_space<semaphore_mem>>)
      %add3A_493 = arith.constant 1 : i32
      %add3A_494 = arith.addi %mul3A_461, %add3A_493 : i32
      %dma_wait3A_495 = arith.constant 0 : i32
      %dma_wait3A_496 = arith.constant 0 : i32
      %dma_wait3A_497 = tpu.memref_slice %arg3[%dma_wait3A_495, %dma_wait3A_496] : memref<10000x128xf32, #tpu.memory_space<hbm>> -> memref<40x128xf32, #tpu.memory_space<hbm>>
      %dma_wait3A_498 = arith.constant 0 : i32
      %dma_wait3A_499 = arith.constant 0 : i32
      %dma_wait3A_500 = tpu.memref_slice %arg3[%dma_wait3A_498, %dma_wait3A_499] : memref<10000x128xf32, #tpu.memory_space<hbm>> -> memref<40x128xf32, #tpu.memory_space<hbm>>
      tpu.wait_dma2 semaphore(%arg15 : memref<!tpu.dma_semaphore, #tpu.memory_space<semaphore_mem>>) src(%dma_wait3A_500 : memref<40x128xf32, #tpu.memory_space<hbm>>) dst(%arg10 : memref<40x128xf32, #tpu.memory_space<vmem>>)
      "tpu.region"() ({
        %run_scoped3A_561 = tpu.sem_alloc : memref<!tpu.dma_semaphore, #tpu.memory_space<semaphore_mem>>
        %dma_start3A_562 = arith.constant 40 : i32
        %dma_start3A_563 = tpu.memref_slice %arg7[%add3A_494, %dma_start3A_562] : memref<50x80xi32, #tpu.memory_space<vmem>> -> memref<1x40xi32, #tpu.memory_space<vmem>>
        %dma_start3A_564 = tpu.memref_squeeze %dma_start3A_563 : memref<1x40xi32, #tpu.memory_space<vmem>> -> memref<40xi32, #tpu.memory_space<vmem>>
        %dma_start3A_565 = arith.constant 0 : i32
        %dma_start3A_566 = arith.constant 0 : i32
        %dma_start3A_567 = tpu.memref_slice %arg6[%dma_start3A_565, %dma_start3A_566] : memref<10112x128xf32, #tpu.memory_space<vmem_shared>> -> memref<10112x128xf32, #tpu.memory_space<vmem_shared>>
        tpu.enqueue_indirect_dma source(%arg10 : memref<40x128xf32, #tpu.memory_space<vmem>>) target(%dma_start3A_567 : memref<10112x128xf32, #tpu.memory_space<vmem_shared>>) offsets(%dma_start3A_564 : memref<40xi32, #tpu.memory_space<vmem>>) semaphore(%run_scoped3A_561 : memref<!tpu.dma_semaphore, #tpu.memory_space<semaphore_mem>>) {add = true}
        %dma_wait3A_568 = arith.constant 40 : i32
        %dma_wait3A_569 = tpu.memref_slice %arg7[%add3A_494, %dma_wait3A_568] : memref<50x80xi32, #tpu.memory_space<vmem>> -> memref<1x40xi32, #tpu.memory_space<vmem>>
        %dma_wait3A_570 = tpu.memref_squeeze %dma_wait3A_569 : memref<1x40xi32, #tpu.memory_space<vmem>> -> memref<40xi32, #tpu.memory_space<vmem>>
        %dma_wait3A_571 = arith.constant 0 : i32
        %dma_wait3A_572 = arith.constant 0 : i32
        %dma_wait3A_573 = tpu.memref_slice %arg6[%dma_wait3A_571, %dma_wait3A_572] : memref<10112x128xf32, #tpu.memory_space<vmem_shared>> -> memref<10112x128xf32, #tpu.memory_space<vmem_shared>>
        tpu.wait_indirect_dma semaphore(%run_scoped3A_561 : memref<!tpu.dma_semaphore, #tpu.memory_space<semaphore_mem>>) src(%arg10 : memref<40x128xf32, #tpu.memory_space<vmem>>) dst(%dma_wait3A_573 : memref<10112x128xf32, #tpu.memory_space<vmem_shared>>)
        tpu.yield
      }) : () -> ()
      %add3A_501 = arith.constant 2 : i32
      %add3A_502 = arith.addi %mul3A_461, %add3A_501 : i32
      %add3A_503 = arith.constant 5 : i32
      %add3A_504 = arith.addi %add3A_502, %add3A_503 : i32
      %sub3A_505 = arith.constant 1 : i32
      %sub3A_506 = arith.subi %add3A_504, %sub3A_505 : i32
      %dma_start3A_507 = arith.constant 0 : i32
      %dma_start3A_508 = tpu.memref_slice %arg7[%sub3A_506, %dma_start3A_507] : memref<50x80xi32, #tpu.memory_space<vmem>> -> memref<1x40xi32, #tpu.memory_space<vmem>>
      %dma_start3A_509 = tpu.memref_squeeze %dma_start3A_508 : memref<1x40xi32, #tpu.memory_space<vmem>> -> memref<40xi32, #tpu.memory_space<vmem>>
      %dma_start3A_510 = arith.constant 0 : i32
      %dma_start3A_511 = arith.constant 0 : i32
      %dma_start3A_512 = tpu.memref_slice %arg3[%dma_start3A_510, %dma_start3A_511] : memref<10000x128xf32, #tpu.memory_space<hbm>> -> memref<10000x128xf32, #tpu.memory_space<hbm>>
      tpu.enqueue_indirect_dma source(%dma_start3A_512 : memref<10000x128xf32, #tpu.memory_space<hbm>>) target(%arg10 : memref<40x128xf32, #tpu.memory_space<vmem>>) offsets(%dma_start3A_509 : memref<40xi32, #tpu.memory_space<vmem>>) semaphore(%arg15 : memref<!tpu.dma_semaphore, #tpu.memory_space<semaphore_mem>>)
      %add3A_513 = arith.constant 2 : i32
      %add3A_514 = arith.addi %mul3A_461, %add3A_513 : i32
      %dma_wait3A_515 = arith.constant 0 : i32
      %dma_wait3A_516 = arith.constant 0 : i32
      %dma_wait3A_517 = tpu.memref_slice %arg3[%dma_wait3A_515, %dma_wait3A_516] : memref<10000x128xf32, #tpu.memory_space<hbm>> -> memref<40x128xf32, #tpu.memory_space<hbm>>
      %dma_wait3A_518 = arith.constant 0 : i32
      %dma_wait3A_519 = arith.constant 0 : i32
      %dma_wait3A_520 = tpu.memref_slice %arg3[%dma_wait3A_518, %dma_wait3A_519] : memref<10000x128xf32, #tpu.memory_space<hbm>> -> memref<40x128xf32, #tpu.memory_space<hbm>>
      tpu.wait_dma2 semaphore(%arg16 : memref<!tpu.dma_semaphore, #tpu.memory_space<semaphore_mem>>) src(%dma_wait3A_520 : memref<40x128xf32, #tpu.memory_space<hbm>>) dst(%arg11 : memref<40x128xf32, #tpu.memory_space<vmem>>)
      "tpu.region"() ({
        %run_scoped3A_561 = tpu.sem_alloc : memref<!tpu.dma_semaphore, #tpu.memory_space<semaphore_mem>>
        %dma_start3A_562 = arith.constant 40 : i32
        %dma_start3A_563 = tpu.memref_slice %arg7[%add3A_514, %dma_start3A_562] : memref<50x80xi32, #tpu.memory_space<vmem>> -> memref<1x40xi32, #tpu.memory_space<vmem>>
        %dma_start3A_564 = tpu.memref_squeeze %dma_start3A_563 : memref<1x40xi32, #tpu.memory_space<vmem>> -> memref<40xi32, #tpu.memory_space<vmem>>
        %dma_start3A_565 = arith.constant 0 : i32
        %dma_start3A_566 = arith.constant 0 : i32
        %dma_start3A_567 = tpu.memref_slice %arg6[%dma_start3A_565, %dma_start3A_566] : memref<10112x128xf32, #tpu.memory_space<vmem_shared>> -> memref<10112x128xf32, #tpu.memory_space<vmem_shared>>
        tpu.enqueue_indirect_dma source(%arg11 : memref<40x128xf32, #tpu.memory_space<vmem>>) target(%dma_start3A_567 : memref<10112x128xf32, #tpu.memory_space<vmem_shared>>) offsets(%dma_start3A_564 : memref<40xi32, #tpu.memory_space<vmem>>) semaphore(%run_scoped3A_561 : memref<!tpu.dma_semaphore, #tpu.memory_space<semaphore_mem>>) {add = true}
        %dma_wait3A_568 = arith.constant 40 : i32
        %dma_wait3A_569 = tpu.memref_slice %arg7[%add3A_514, %dma_wait3A_568] : memref<50x80xi32, #tpu.memory_space<vmem>> -> memref<1x40xi32, #tpu.memory_space<vmem>>
        %dma_wait3A_570 = tpu.memref_squeeze %dma_wait3A_569 : memref<1x40xi32, #tpu.memory_space<vmem>> -> memref<40xi32, #tpu.memory_space<vmem>>
        %dma_wait3A_571 = arith.constant 0 : i32
        %dma_wait3A_572 = arith.constant 0 : i32
        %dma_wait3A_573 = tpu.memref_slice %arg6[%dma_wait3A_571, %dma_wait3A_572] : memref<10112x128xf32, #tpu.memory_space<vmem_shared>> -> memref<10112x128xf32, #tpu.memory_space<vmem_shared>>
        tpu.wait_indirect_dma semaphore(%run_scoped3A_561 : memref<!tpu.dma_semaphore, #tpu.memory_space<semaphore_mem>>) src(%arg11 : memref<40x128xf32, #tpu.memory_space<vmem>>) dst(%dma_wait3A_573 : memref<10112x128xf32, #tpu.memory_space<vmem_shared>>)
        tpu.yield
      }) : () -> ()
      %add3A_521 = arith.constant 3 : i32
      %add3A_522 = arith.addi %mul3A_461, %add3A_521 : i32
      %add3A_523 = arith.constant 5 : i32
      %add3A_524 = arith.addi %add3A_522, %add3A_523 : i32
      %sub3A_525 = arith.constant 1 : i32
      %sub3A_526 = arith.subi %add3A_524, %sub3A_525 : i32
      %dma_start3A_527 = arith.constant 0 : i32
      %dma_start3A_528 = tpu.memref_slice %arg7[%sub3A_526, %dma_start3A_527] : memref<50x80xi32, #tpu.memory_space<vmem>> -> memref<1x40xi32, #tpu.memory_space<vmem>>
      %dma_start3A_529 = tpu.memref_squeeze %dma_start3A_528 : memref<1x40xi32, #tpu.memory_space<vmem>> -> memref<40xi32, #tpu.memory_space<vmem>>
      %dma_start3A_530 = arith.constant 0 : i32
      %dma_start3A_531 = arith.constant 0 : i32
      %dma_start3A_532 = tpu.memref_slice %arg3[%dma_start3A_530, %dma_start3A_531] : memref<10000x128xf32, #tpu.memory_space<hbm>> -> memref<10000x128xf32, #tpu.memory_space<hbm>>
      tpu.enqueue_indirect_dma source(%dma_start3A_532 : memref<10000x128xf32, #tpu.memory_space<hbm>>) target(%arg11 : memref<40x128xf32, #tpu.memory_space<vmem>>) offsets(%dma_start3A_529 : memref<40xi32, #tpu.memory_space<vmem>>) semaphore(%arg16 : memref<!tpu.dma_semaphore, #tpu.memory_space<semaphore_mem>>)
      %add3A_533 = arith.constant 3 : i32
      %add3A_534 = arith.addi %mul3A_461, %add3A_533 : i32
      %dma_wait3A_535 = arith.constant 0 : i32
      %dma_wait3A_536 = arith.constant 0 : i32
      %dma_wait3A_537 = tpu.memref_slice %arg3[%dma_wait3A_535, %dma_wait3A_536] : memref<10000x128xf32, #tpu.memory_space<hbm>> -> memref<40x128xf32, #tpu.memory_space<hbm>>
      %dma_wait3A_538 = arith.constant 0 : i32
      %dma_wait3A_539 = arith.constant 0 : i32
      %dma_wait3A_540 = tpu.memref_slice %arg3[%dma_wait3A_538, %dma_wait3A_539] : memref<10000x128xf32, #tpu.memory_space<hbm>> -> memref<40x128xf32, #tpu.memory_space<hbm>>
      tpu.wait_dma2 semaphore(%arg17 : memref<!tpu.dma_semaphore, #tpu.memory_space<semaphore_mem>>) src(%dma_wait3A_540 : memref<40x128xf32, #tpu.memory_space<hbm>>) dst(%arg12 : memref<40x128xf32, #tpu.memory_space<vmem>>)
      "tpu.region"() ({
        %run_scoped3A_561 = tpu.sem_alloc : memref<!tpu.dma_semaphore, #tpu.memory_space<semaphore_mem>>
        %dma_start3A_562 = arith.constant 40 : i32
        %dma_start3A_563 = tpu.memref_slice %arg7[%add3A_534, %dma_start3A_562] : memref<50x80xi32, #tpu.memory_space<vmem>> -> memref<1x40xi32, #tpu.memory_space<vmem>>
        %dma_start3A_564 = tpu.memref_squeeze %dma_start3A_563 : memref<1x40xi32, #tpu.memory_space<vmem>> -> memref<40xi32, #tpu.memory_space<vmem>>
        %dma_start3A_565 = arith.constant 0 : i32
        %dma_start3A_566 = arith.constant 0 : i32
        %dma_start3A_567 = tpu.memref_slice %arg6[%dma_start3A_565, %dma_start3A_566] : memref<10112x128xf32, #tpu.memory_space<vmem_shared>> -> memref<10112x128xf32, #tpu.memory_space<vmem_shared>>
        tpu.enqueue_indirect_dma source(%arg12 : memref<40x128xf32, #tpu.memory_space<vmem>>) target(%dma_start3A_567 : memref<10112x128xf32, #tpu.memory_space<vmem_shared>>) offsets(%dma_start3A_564 : memref<40xi32, #tpu.memory_space<vmem>>) semaphore(%run_scoped3A_561 : memref<!tpu.dma_semaphore, #tpu.memory_space<semaphore_mem>>) {add = true}
        %dma_wait3A_568 = arith.constant 40 : i32
        %dma_wait3A_569 = tpu.memref_slice %arg7[%add3A_534, %dma_wait3A_568] : memref<50x80xi32, #tpu.memory_space<vmem>> -> memref<1x40xi32, #tpu.memory_space<vmem>>
        %dma_wait3A_570 = tpu.memref_squeeze %dma_wait3A_569 : memref<1x40xi32, #tpu.memory_space<vmem>> -> memref<40xi32, #tpu.memory_space<vmem>>
        %dma_wait3A_571 = arith.constant 0 : i32
        %dma_wait3A_572 = arith.constant 0 : i32
        %dma_wait3A_573 = tpu.memref_slice %arg6[%dma_wait3A_571, %dma_wait3A_572] : memref<10112x128xf32, #tpu.memory_space<vmem_shared>> -> memref<10112x128xf32, #tpu.memory_space<vmem_shared>>
        tpu.wait_indirect_dma semaphore(%run_scoped3A_561 : memref<!tpu.dma_semaphore, #tpu.memory_space<semaphore_mem>>) src(%arg12 : memref<40x128xf32, #tpu.memory_space<vmem>>) dst(%dma_wait3A_573 : memref<10112x128xf32, #tpu.memory_space<vmem_shared>>)
        tpu.yield
      }) : () -> ()
      %add3A_541 = arith.constant 4 : i32
      %add3A_542 = arith.addi %mul3A_461, %add3A_541 : i32
      %add3A_543 = arith.constant 5 : i32
      %add3A_544 = arith.addi %add3A_542, %add3A_543 : i32
      %sub3A_545 = arith.constant 1 : i32
      %sub3A_546 = arith.subi %add3A_544, %sub3A_545 : i32
      %dma_start3A_547 = arith.constant 0 : i32
      %dma_start3A_548 = tpu.memref_slice %arg7[%sub3A_546, %dma_start3A_547] : memref<50x80xi32, #tpu.memory_space<vmem>> -> memref<1x40xi32, #tpu.memory_space<vmem>>
      %dma_start3A_549 = tpu.memref_squeeze %dma_start3A_548 : memref<1x40xi32, #tpu.memory_space<vmem>> -> memref<40xi32, #tpu.memory_space<vmem>>
      %dma_start3A_550 = arith.constant 0 : i32
      %dma_start3A_551 = arith.constant 0 : i32
      %dma_start3A_552 = tpu.memref_slice %arg3[%dma_start3A_550, %dma_start3A_551] : memref<10000x128xf32, #tpu.memory_space<hbm>> -> memref<10000x128xf32, #tpu.memory_space<hbm>>
      tpu.enqueue_indirect_dma source(%dma_start3A_552 : memref<10000x128xf32, #tpu.memory_space<hbm>>) target(%arg12 : memref<40x128xf32, #tpu.memory_space<vmem>>) offsets(%dma_start3A_549 : memref<40xi32, #tpu.memory_space<vmem>>) semaphore(%arg17 : memref<!tpu.dma_semaphore, #tpu.memory_space<semaphore_mem>>)
      %add3A_553 = arith.constant 4 : i32
      %add3A_554 = arith.addi %mul3A_461, %add3A_553 : i32
      %dma_wait3A_555 = arith.constant 0 : i32
      %dma_wait3A_556 = arith.constant 0 : i32
      %dma_wait3A_557 = tpu.memref_slice %arg3[%dma_wait3A_555, %dma_wait3A_556] : memref<10000x128xf32, #tpu.memory_space<hbm>> -> memref<40x128xf32, #tpu.memory_space<hbm>>
      %dma_wait3A_558 = arith.constant 0 : i32
      %dma_wait3A_559 = arith.constant 0 : i32
      %dma_wait3A_560 = tpu.memref_slice %arg3[%dma_wait3A_558, %dma_wait3A_559] : memref<10000x128xf32, #tpu.memory_space<hbm>> -> memref<40x128xf32, #tpu.memory_space<hbm>>
      tpu.wait_dma2 semaphore(%arg18 : memref<!tpu.dma_semaphore, #tpu.memory_space<semaphore_mem>>) src(%dma_wait3A_560 : memref<40x128xf32, #tpu.memory_space<hbm>>) dst(%arg13 : memref<40x128xf32, #tpu.memory_space<vmem>>)
      "tpu.region"() ({
        %run_scoped3A_561 = tpu.sem_alloc : memref<!tpu.dma_semaphore, #tpu.memory_space<semaphore_mem>>
        %dma_start3A_562 = arith.constant 40 : i32
        %dma_start3A_563 = tpu.memref_slice %arg7[%add3A_554, %dma_start3A_562] : memref<50x80xi32, #tpu.memory_space<vmem>> -> memref<1x40xi32, #tpu.memory_space<vmem>>
        %dma_start3A_564 = tpu.memref_squeeze %dma_start3A_563 : memref<1x40xi32, #tpu.memory_space<vmem>> -> memref<40xi32, #tpu.memory_space<vmem>>
        %dma_start3A_565 = arith.constant 0 : i32
        %dma_start3A_566 = arith.constant 0 : i32
        %dma_start3A_567 = tpu.memref_slice %arg6[%dma_start3A_565, %dma_start3A_566] : memref<10112x128xf32, #tpu.memory_space<vmem_shared>> -> memref<10112x128xf32, #tpu.memory_space<vmem_shared>>
        tpu.enqueue_indirect_dma source(%arg13 : memref<40x128xf32, #tpu.memory_space<vmem>>) target(%dma_start3A_567 : memref<10112x128xf32, #tpu.memory_space<vmem_shared>>) offsets(%dma_start3A_564 : memref<40xi32, #tpu.memory_space<vmem>>) semaphore(%run_scoped3A_561 : memref<!tpu.dma_semaphore, #tpu.memory_space<semaphore_mem>>) {add = true}
        %dma_wait3A_568 = arith.constant 40 : i32
        %dma_wait3A_569 = tpu.memref_slice %arg7[%add3A_554, %dma_wait3A_568] : memref<50x80xi32, #tpu.memory_space<vmem>> -> memref<1x40xi32, #tpu.memory_space<vmem>>
        %dma_wait3A_570 = tpu.memref_squeeze %dma_wait3A_569 : memref<1x40xi32, #tpu.memory_space<vmem>> -> memref<40xi32, #tpu.memory_space<vmem>>
        %dma_wait3A_571 = arith.constant 0 : i32
        %dma_wait3A_572 = arith.constant 0 : i32
        %dma_wait3A_573 = tpu.memref_slice %arg6[%dma_wait3A_571, %dma_wait3A_572] : memref<10112x128xf32, #tpu.memory_space<vmem_shared>> -> memref<10112x128xf32, #tpu.memory_space<vmem_shared>>
        tpu.wait_indirect_dma semaphore(%run_scoped3A_561 : memref<!tpu.dma_semaphore, #tpu.memory_space<semaphore_mem>>) src(%arg13 : memref<40x128xf32, #tpu.memory_space<vmem>>) dst(%dma_wait3A_573 : memref<10112x128xf32, #tpu.memory_space<vmem_shared>>)
        tpu.yield
      }) : () -> ()
    }
    %scan3A_411 = arith.constant 9 : i32
    %dma_start3A_412 = arith.constant 49 : i32
    %dma_start3A_413 = arith.constant 0 : i32
    %dma_start3A_414 = tpu.memref_slice %arg7[%dma_start3A_412, %dma_start3A_413] : memref<50x80xi32, #tpu.memory_space<vmem>> -> memref<1x40xi32, #tpu.memory_space<vmem>>
    %dma_start3A_415 = tpu.memref_squeeze %dma_start3A_414 : memref<1x40xi32, #tpu.memory_space<vmem>> -> memref<40xi32, #tpu.memory_space<vmem>>
    %dma_start3A_416 = arith.constant 0 : i32
    %dma_start3A_417 = arith.constant 0 : i32
    %dma_start3A_418 = tpu.memref_slice %arg3[%dma_start3A_416, %dma_start3A_417] : memref<10000x128xf32, #tpu.memory_space<hbm>> -> memref<10000x128xf32, #tpu.memory_space<hbm>>
    tpu.enqueue_indirect_dma source(%dma_start3A_418 : memref<10000x128xf32, #tpu.memory_space<hbm>>) target(%arg13 : memref<40x128xf32, #tpu.memory_space<vmem>>) offsets(%dma_start3A_415 : memref<40xi32, #tpu.memory_space<vmem>>) semaphore(%arg18 : memref<!tpu.dma_semaphore, #tpu.memory_space<semaphore_mem>>)
    %dma_wait3A_419 = arith.constant 0 : i32
    %dma_wait3A_420 = arith.constant 0 : i32
    %dma_wait3A_421 = tpu.memref_slice %arg3[%dma_wait3A_419, %dma_wait3A_420] : memref<10000x128xf32, #tpu.memory_space<hbm>> -> memref<40x128xf32, #tpu.memory_space<hbm>>
    %dma_wait3A_422 = arith.constant 0 : i32
    %dma_wait3A_423 = arith.constant 0 : i32
    %dma_wait3A_424 = tpu.memref_slice %arg3[%dma_wait3A_422, %dma_wait3A_423] : memref<10000x128xf32, #tpu.memory_space<hbm>> -> memref<40x128xf32, #tpu.memory_space<hbm>>
    tpu.wait_dma2 semaphore(%arg14 : memref<!tpu.dma_semaphore, #tpu.memory_space<semaphore_mem>>) src(%dma_wait3A_424 : memref<40x128xf32, #tpu.memory_space<hbm>>) dst(%arg9 : memref<40x128xf32, #tpu.memory_space<vmem>>)
    %run_scoped3A_425 = arith.constant 45 : i32
    "tpu.region"() ({
      %run_scoped3A_459 = tpu.sem_alloc : memref<!tpu.dma_semaphore, #tpu.memory_space<semaphore_mem>>
      %dma_start3A_460 = arith.constant 40 : i32
      %dma_start3A_461 = tpu.memref_slice %arg7[%run_scoped3A_425, %dma_start3A_460] : memref<50x80xi32, #tpu.memory_space<vmem>> -> memref<1x40xi32, #tpu.memory_space<vmem>>
      %dma_start3A_462 = tpu.memref_squeeze %dma_start3A_461 : memref<1x40xi32, #tpu.memory_space<vmem>> -> memref<40xi32, #tpu.memory_space<vmem>>
      %dma_start3A_463 = arith.constant 0 : i32
      %dma_start3A_464 = arith.constant 0 : i32
      %dma_start3A_465 = tpu.memref_slice %arg6[%dma_start3A_463, %dma_start3A_464] : memref<10112x128xf32, #tpu.memory_space<vmem_shared>> -> memref<10112x128xf32, #tpu.memory_space<vmem_shared>>
      tpu.enqueue_indirect_dma source(%arg9 : memref<40x128xf32, #tpu.memory_space<vmem>>) target(%dma_start3A_465 : memref<10112x128xf32, #tpu.memory_space<vmem_shared>>) offsets(%dma_start3A_462 : memref<40xi32, #tpu.memory_space<vmem>>) semaphore(%run_scoped3A_459 : memref<!tpu.dma_semaphore, #tpu.memory_space<semaphore_mem>>) {add = true}
      %dma_wait3A_466 = arith.constant 40 : i32
      %dma_wait3A_467 = tpu.memref_slice %arg7[%run_scoped3A_425, %dma_wait3A_466] : memref<50x80xi32, #tpu.memory_space<vmem>> -> memref<1x40xi32, #tpu.memory_space<vmem>>
      %dma_wait3A_468 = tpu.memref_squeeze %dma_wait3A_467 : memref<1x40xi32, #tpu.memory_space<vmem>> -> memref<40xi32, #tpu.memory_space<vmem>>
      %dma_wait3A_469 = arith.constant 0 : i32
      %dma_wait3A_470 = arith.constant 0 : i32
      %dma_wait3A_471 = tpu.memref_slice %arg6[%dma_wait3A_469, %dma_wait3A_470] : memref<10112x128xf32, #tpu.memory_space<vmem_shared>> -> memref<10112x128xf32, #tpu.memory_space<vmem_shared>>
      tpu.wait_indirect_dma semaphore(%run_scoped3A_459 : memref<!tpu.dma_semaphore, #tpu.memory_space<semaphore_mem>>) src(%arg9 : memref<40x128xf32, #tpu.memory_space<vmem>>) dst(%dma_wait3A_471 : memref<10112x128xf32, #tpu.memory_space<vmem_shared>>)
      tpu.yield
    }) : () -> ()
    %dma_wait3A_426 = arith.constant 0 : i32
    %dma_wait3A_427 = arith.constant 0 : i32
    %dma_wait3A_428 = tpu.memref_slice %arg3[%dma_wait3A_426, %dma_wait3A_427] : memref<10000x128xf32, #tpu.memory_space<hbm>> -> memref<40x128xf32, #tpu.memory_space<hbm>>
    %dma_wait3A_429 = arith.constant 0 : i32
    %dma_wait3A_430 = arith.constant 0 : i32
    %dma_wait3A_431 = tpu.memref_slice %arg3[%dma_wait3A_429, %dma_wait3A_430] : memref<10000x128xf32, #tpu.memory_space<hbm>> -> memref<40x128xf32, #tpu.memory_space<hbm>>
    tpu.wait_dma2 semaphore(%arg15 : memref<!tpu.dma_semaphore, #tpu.memory_space<semaphore_mem>>) src(%dma_wait3A_431 : memref<40x128xf32, #tpu.memory_space<hbm>>) dst(%arg10 : memref<40x128xf32, #tpu.memory_space<vmem>>)
    %run_scoped3A_432 = arith.constant 46 : i32
    "tpu.region"() ({
      %run_scoped3A_459 = tpu.sem_alloc : memref<!tpu.dma_semaphore, #tpu.memory_space<semaphore_mem>>
      %dma_start3A_460 = arith.constant 40 : i32
      %dma_start3A_461 = tpu.memref_slice %arg7[%run_scoped3A_432, %dma_start3A_460] : memref<50x80xi32, #tpu.memory_space<vmem>> -> memref<1x40xi32, #tpu.memory_space<vmem>>
      %dma_start3A_462 = tpu.memref_squeeze %dma_start3A_461 : memref<1x40xi32, #tpu.memory_space<vmem>> -> memref<40xi32, #tpu.memory_space<vmem>>
      %dma_start3A_463 = arith.constant 0 : i32
      %dma_start3A_464 = arith.constant 0 : i32
      %dma_start3A_465 = tpu.memref_slice %arg6[%dma_start3A_463, %dma_start3A_464] : memref<10112x128xf32, #tpu.memory_space<vmem_shared>> -> memref<10112x128xf32, #tpu.memory_space<vmem_shared>>
      tpu.enqueue_indirect_dma source(%arg10 : memref<40x128xf32, #tpu.memory_space<vmem>>) target(%dma_start3A_465 : memref<10112x128xf32, #tpu.memory_space<vmem_shared>>) offsets(%dma_start3A_462 : memref<40xi32, #tpu.memory_space<vmem>>) semaphore(%run_scoped3A_459 : memref<!tpu.dma_semaphore, #tpu.memory_space<semaphore_mem>>) {add = true}
      %dma_wait3A_466 = arith.constant 40 : i32
      %dma_wait3A_467 = tpu.memref_slice %arg7[%run_scoped3A_432, %dma_wait3A_466] : memref<50x80xi32, #tpu.memory_space<vmem>> -> memref<1x40xi32, #tpu.memory_space<vmem>>
      %dma_wait3A_468 = tpu.memref_squeeze %dma_wait3A_467 : memref<1x40xi32, #tpu.memory_space<vmem>> -> memref<40xi32, #tpu.memory_space<vmem>>
      %dma_wait3A_469 = arith.constant 0 : i32
      %dma_wait3A_470 = arith.constant 0 : i32
      %dma_wait3A_471 = tpu.memref_slice %arg6[%dma_wait3A_469, %dma_wait3A_470] : memref<10112x128xf32, #tpu.memory_space<vmem_shared>> -> memref<10112x128xf32, #tpu.memory_space<vmem_shared>>
      tpu.wait_indirect_dma semaphore(%run_scoped3A_459 : memref<!tpu.dma_semaphore, #tpu.memory_space<semaphore_mem>>) src(%arg10 : memref<40x128xf32, #tpu.memory_space<vmem>>) dst(%dma_wait3A_471 : memref<10112x128xf32, #tpu.memory_space<vmem_shared>>)
      tpu.yield
    }) : () -> ()
    %dma_wait3A_433 = arith.constant 0 : i32
    %dma_wait3A_434 = arith.constant 0 : i32
    %dma_wait3A_435 = tpu.memref_slice %arg3[%dma_wait3A_433, %dma_wait3A_434] : memref<10000x128xf32, #tpu.memory_space<hbm>> -> memref<40x128xf32, #tpu.memory_space<hbm>>
    %dma_wait3A_436 = arith.constant 0 : i32
    %dma_wait3A_437 = arith.constant 0 : i32
    %dma_wait3A_438 = tpu.memref_slice %arg3[%dma_wait3A_436, %dma_wait3A_437] : memref<10000x128xf32, #tpu.memory_space<hbm>> -> memref<40x128xf32, #tpu.memory_space<hbm>>
    tpu.wait_dma2 semaphore(%arg16 : memref<!tpu.dma_semaphore, #tpu.memory_space<semaphore_mem>>) src(%dma_wait3A_438 : memref<40x128xf32, #tpu.memory_space<hbm>>) dst(%arg11 : memref<40x128xf32, #tpu.memory_space<vmem>>)
    %run_scoped3A_439 = arith.constant 47 : i32
    "tpu.region"() ({
      %run_scoped3A_459 = tpu.sem_alloc : memref<!tpu.dma_semaphore, #tpu.memory_space<semaphore_mem>>
      %dma_start3A_460 = arith.constant 40 : i32
      %dma_start3A_461 = tpu.memref_slice %arg7[%run_scoped3A_439, %dma_start3A_460] : memref<50x80xi32, #tpu.memory_space<vmem>> -> memref<1x40xi32, #tpu.memory_space<vmem>>
      %dma_start3A_462 = tpu.memref_squeeze %dma_start3A_461 : memref<1x40xi32, #tpu.memory_space<vmem>> -> memref<40xi32, #tpu.memory_space<vmem>>
      %dma_start3A_463 = arith.constant 0 : i32
      %dma_start3A_464 = arith.constant 0 : i32
      %dma_start3A_465 = tpu.memref_slice %arg6[%dma_start3A_463, %dma_start3A_464] : memref<10112x128xf32, #tpu.memory_space<vmem_shared>> -> memref<10112x128xf32, #tpu.memory_space<vmem_shared>>
      tpu.enqueue_indirect_dma source(%arg11 : memref<40x128xf32, #tpu.memory_space<vmem>>) target(%dma_start3A_465 : memref<10112x128xf32, #tpu.memory_space<vmem_shared>>) offsets(%dma_start3A_462 : memref<40xi32, #tpu.memory_space<vmem>>) semaphore(%run_scoped3A_459 : memref<!tpu.dma_semaphore, #tpu.memory_space<semaphore_mem>>) {add = true}
      %dma_wait3A_466 = arith.constant 40 : i32
      %dma_wait3A_467 = tpu.memref_slice %arg7[%run_scoped3A_439, %dma_wait3A_466] : memref<50x80xi32, #tpu.memory_space<vmem>> -> memref<1x40xi32, #tpu.memory_space<vmem>>
      %dma_wait3A_468 = tpu.memref_squeeze %dma_wait3A_467 : memref<1x40xi32, #tpu.memory_space<vmem>> -> memref<40xi32, #tpu.memory_space<vmem>>
      %dma_wait3A_469 = arith.constant 0 : i32
      %dma_wait3A_470 = arith.constant 0 : i32
      %dma_wait3A_471 = tpu.memref_slice %arg6[%dma_wait3A_469, %dma_wait3A_470] : memref<10112x128xf32, #tpu.memory_space<vmem_shared>> -> memref<10112x128xf32, #tpu.memory_space<vmem_shared>>
      tpu.wait_indirect_dma semaphore(%run_scoped3A_459 : memref<!tpu.dma_semaphore, #tpu.memory_space<semaphore_mem>>) src(%arg11 : memref<40x128xf32, #tpu.memory_space<vmem>>) dst(%dma_wait3A_471 : memref<10112x128xf32, #tpu.memory_space<vmem_shared>>)
      tpu.yield
    }) : () -> ()
    %dma_wait3A_440 = arith.constant 0 : i32
    %dma_wait3A_441 = arith.constant 0 : i32
    %dma_wait3A_442 = tpu.memref_slice %arg3[%dma_wait3A_440, %dma_wait3A_441] : memref<10000x128xf32, #tpu.memory_space<hbm>> -> memref<40x128xf32, #tpu.memory_space<hbm>>
    %dma_wait3A_443 = arith.constant 0 : i32
    %dma_wait3A_444 = arith.constant 0 : i32
    %dma_wait3A_445 = tpu.memref_slice %arg3[%dma_wait3A_443, %dma_wait3A_444] : memref<10000x128xf32, #tpu.memory_space<hbm>> -> memref<40x128xf32, #tpu.memory_space<hbm>>
    tpu.wait_dma2 semaphore(%arg17 : memref<!tpu.dma_semaphore, #tpu.memory_space<semaphore_mem>>) src(%dma_wait3A_445 : memref<40x128xf32, #tpu.memory_space<hbm>>) dst(%arg12 : memref<40x128xf32, #tpu.memory_space<vmem>>)
    %run_scoped3A_446 = arith.constant 48 : i32
    "tpu.region"() ({
      %run_scoped3A_459 = tpu.sem_alloc : memref<!tpu.dma_semaphore, #tpu.memory_space<semaphore_mem>>
      %dma_start3A_460 = arith.constant 40 : i32
      %dma_start3A_461 = tpu.memref_slice %arg7[%run_scoped3A_446, %dma_start3A_460] : memref<50x80xi32, #tpu.memory_space<vmem>> -> memref<1x40xi32, #tpu.memory_space<vmem>>
      %dma_start3A_462 = tpu.memref_squeeze %dma_start3A_461 : memref<1x40xi32, #tpu.memory_space<vmem>> -> memref<40xi32, #tpu.memory_space<vmem>>
      %dma_start3A_463 = arith.constant 0 : i32
      %dma_start3A_464 = arith.constant 0 : i32
      %dma_start3A_465 = tpu.memref_slice %arg6[%dma_start3A_463, %dma_start3A_464] : memref<10112x128xf32, #tpu.memory_space<vmem_shared>> -> memref<10112x128xf32, #tpu.memory_space<vmem_shared>>
      tpu.enqueue_indirect_dma source(%arg12 : memref<40x128xf32, #tpu.memory_space<vmem>>) target(%dma_start3A_465 : memref<10112x128xf32, #tpu.memory_space<vmem_shared>>) offsets(%dma_start3A_462 : memref<40xi32, #tpu.memory_space<vmem>>) semaphore(%run_scoped3A_459 : memref<!tpu.dma_semaphore, #tpu.memory_space<semaphore_mem>>) {add = true}
      %dma_wait3A_466 = arith.constant 40 : i32
      %dma_wait3A_467 = tpu.memref_slice %arg7[%run_scoped3A_446, %dma_wait3A_466] : memref<50x80xi32, #tpu.memory_space<vmem>> -> memref<1x40xi32, #tpu.memory_space<vmem>>
      %dma_wait3A_468 = tpu.memref_squeeze %dma_wait3A_467 : memref<1x40xi32, #tpu.memory_space<vmem>> -> memref<40xi32, #tpu.memory_space<vmem>>
      %dma_wait3A_469 = arith.constant 0 : i32
      %dma_wait3A_470 = arith.constant 0 : i32
      %dma_wait3A_471 = tpu.memref_slice %arg6[%dma_wait3A_469, %dma_wait3A_470] : memref<10112x128xf32, #tpu.memory_space<vmem_shared>> -> memref<10112x128xf32, #tpu.memory_space<vmem_shared>>
      tpu.wait_indirect_dma semaphore(%run_scoped3A_459 : memref<!tpu.dma_semaphore, #tpu.memory_space<semaphore_mem>>) src(%arg12 : memref<40x128xf32, #tpu.memory_space<vmem>>) dst(%dma_wait3A_471 : memref<10112x128xf32, #tpu.memory_space<vmem_shared>>)
      tpu.yield
    }) : () -> ()
    %dma_wait3A_447 = arith.constant 0 : i32
    %dma_wait3A_448 = arith.constant 0 : i32
    %dma_wait3A_449 = tpu.memref_slice %arg3[%dma_wait3A_447, %dma_wait3A_448] : memref<10000x128xf32, #tpu.memory_space<hbm>> -> memref<40x128xf32, #tpu.memory_space<hbm>>
    %dma_wait3A_450 = arith.constant 0 : i32
    %dma_wait3A_451 = arith.constant 0 : i32
    %dma_wait3A_452 = tpu.memref_slice %arg3[%dma_wait3A_450, %dma_wait3A_451] : memref<10000x128xf32, #tpu.memory_space<hbm>> -> memref<40x128xf32, #tpu.memory_space<hbm>>
    tpu.wait_dma2 semaphore(%arg18 : memref<!tpu.dma_semaphore, #tpu.memory_space<semaphore_mem>>) src(%dma_wait3A_452 : memref<40x128xf32, #tpu.memory_space<hbm>>) dst(%arg13 : memref<40x128xf32, #tpu.memory_space<vmem>>)
    %run_scoped3A_453 = arith.constant 49 : i32
    "tpu.region"() ({
      %run_scoped3A_459 = tpu.sem_alloc : memref<!tpu.dma_semaphore, #tpu.memory_space<semaphore_mem>>
      %dma_start3A_460 = arith.constant 40 : i32
      %dma_start3A_461 = tpu.memref_slice %arg7[%run_scoped3A_453, %dma_start3A_460] : memref<50x80xi32, #tpu.memory_space<vmem>> -> memref<1x40xi32, #tpu.memory_space<vmem>>
      %dma_start3A_462 = tpu.memref_squeeze %dma_start3A_461 : memref<1x40xi32, #tpu.memory_space<vmem>> -> memref<40xi32, #tpu.memory_space<vmem>>
      %dma_start3A_463 = arith.constant 0 : i32
      %dma_start3A_464 = arith.constant 0 : i32
      %dma_start3A_465 = tpu.memref_slice %arg6[%dma_start3A_463, %dma_start3A_464] : memref<10112x128xf32, #tpu.memory_space<vmem_shared>> -> memref<10112x128xf32, #tpu.memory_space<vmem_shared>>
      tpu.enqueue_indirect_dma source(%arg13 : memref<40x128xf32, #tpu.memory_space<vmem>>) target(%dma_start3A_465 : memref<10112x128xf32, #tpu.memory_space<vmem_shared>>) offsets(%dma_start3A_462 : memref<40xi32, #tpu.memory_space<vmem>>) semaphore(%run_scoped3A_459 : memref<!tpu.dma_semaphore, #tpu.memory_space<semaphore_mem>>) {add = true}
      %dma_wait3A_466 = arith.constant 40 : i32
      %dma_wait3A_467 = tpu.memref_slice %arg7[%run_scoped3A_453, %dma_wait3A_466] : memref<50x80xi32, #tpu.memory_space<vmem>> -> memref<1x40xi32, #tpu.memory_space<vmem>>
      %dma_wait3A_468 = tpu.memref_squeeze %dma_wait3A_467 : memref<1x40xi32, #tpu.memory_space<vmem>> -> memref<40xi32, #tpu.memory_space<vmem>>
      %dma_wait3A_469 = arith.constant 0 : i32
      %dma_wait3A_470 = arith.constant 0 : i32
      %dma_wait3A_471 = tpu.memref_slice %arg6[%dma_wait3A_469, %dma_wait3A_470] : memref<10112x128xf32, #tpu.memory_space<vmem_shared>> -> memref<10112x128xf32, #tpu.memory_space<vmem_shared>>
      tpu.wait_indirect_dma semaphore(%run_scoped3A_459 : memref<!tpu.dma_semaphore, #tpu.memory_space<semaphore_mem>>) src(%arg13 : memref<40x128xf32, #tpu.memory_space<vmem>>) dst(%dma_wait3A_471 : memref<10112x128xf32, #tpu.memory_space<vmem_shared>>)
      tpu.yield
    }) : () -> ()
    %barrier3A_454 = arith.constant 0 : index
    tpu.barrier barrier_id(%barrier3A_454)
    %mul3A_455 = arith.constant 632 : i32
    %mul3A_456 = arith.muli %arg1, %mul3A_455 : i32
    %mul3A_457 = arith.constant 632 : i32
    %mul3A_458 = arith.muli %arg1, %mul3A_457 : i32
    "tpu.region"() ({
      %run_scoped3A_459 = tpu.sem_alloc : memref<!tpu.dma_semaphore, #tpu.memory_space<semaphore_mem>>
      %dma_start3A_460 = arith.constant 0 : i32
      %dma_start3A_461 = tpu.memref_slice %arg5[%arg0, %mul3A_458, %dma_start3A_460] : memref<2x10112x128xf32, #tpu.memory_space<hbm>> -> memref<1x632x128xf32, #tpu.memory_space<hbm>>
      %dma_start3A_462 = tpu.memref_squeeze %dma_start3A_461 : memref<1x632x128xf32, #tpu.memory_space<hbm>> -> memref<632x128xf32, #tpu.memory_space<hbm>>
      %dma_start3A_463 = arith.constant 0 : i32
      %dma_start3A_464 = tpu.memref_slice %arg6[%mul3A_456, %dma_start3A_463] : memref<10112x128xf32, #tpu.memory_space<vmem_shared>> -> memref<632x128xf32, #tpu.memory_space<vmem_shared>>
      tpu.enqueue_dma source(%dma_start3A_464 : memref<632x128xf32, #tpu.memory_space<vmem_shared>>) target(%dma_start3A_462 : memref<632x128xf32, #tpu.memory_space<hbm>>) target_semaphore(%run_scoped3A_459 : memref<!tpu.dma_semaphore, #tpu.memory_space<semaphore_mem>>)
      %dma_wait3A_465 = arith.constant 0 : i32
      %dma_wait3A_466 = tpu.memref_slice %arg5[%arg0, %mul3A_458, %dma_wait3A_465] : memref<2x10112x128xf32, #tpu.memory_space<hbm>> -> memref<1x632x128xf32, #tpu.memory_space<hbm>>
      %dma_wait3A_467 = tpu.memref_squeeze %dma_wait3A_466 : memref<1x632x128xf32, #tpu.memory_space<hbm>> -> memref<632x128xf32, #tpu.memory_space<hbm>>
      %dma_wait3A_468 = arith.constant 0 : i32
      %dma_wait3A_469 = tpu.memref_slice %arg6[%mul3A_456, %dma_wait3A_468] : memref<10112x128xf32, #tpu.memory_space<vmem_shared>> -> memref<632x128xf32, #tpu.memory_space<vmem_shared>>
      tpu.wait_dma2 semaphore(%run_scoped3A_459 : memref<!tpu.dma_semaphore, #tpu.memory_space<semaphore_mem>>) src(%dma_wait3A_469 : memref<632x128xf32, #tpu.memory_space<vmem_shared>>) dst(%dma_wait3A_467 : memref<632x128xf32, #tpu.memory_space<hbm>>)
      tpu.yield
    }) : () -> ()
    return
  }
}

#map = affine_map<(d0, d1) -> (0, 0, 0)>
#map1 = affine_map<(d0, d1) -> (0, 0)>
module attributes {stable_mosaic.version = 14 : i64} {
  func.func @_deg_body(%arg0: i32, %arg1: i32, %arg2: memref<32x100x100xi32, #tpu.memory_space<hbm>>, %arg3: memref<100x128xf32, #tpu.memory_space<hbm>>, %arg4: memref<10112x128xf32, #tpu.memory_space<hbm>>, %arg5: memref<2x10112x128xf32, #tpu.memory_space<hbm>>, %arg6: memref<10112x128xf32, #tpu.memory_space<vmem_shared>>, %arg7: memref<100x100xi32, #tpu.memory_space<vmem>>, %arg8: memref<100x128xf32, #tpu.memory_space<vmem>>, %arg9: memref<!tpu.dma_semaphore, #tpu.memory_space<semaphore_mem>>) attributes {dimension_semantics = [#tpu.dimension_semantics<core_parallel>, #tpu.dimension_semantics<subcore_parallel>], iteration_bounds = array<i64: 2, 16>, scalar_prefetch = 0 : i64, scratch_operands = 4 : i64, tpu.core_type = #tpu.core_type<sc_vector_subcore>, window_params = [{transform_indices = #map}, {transform_indices = #map1}, {transform_indices = #map1}, {transform_indices = #map}]} {
    %mul3A = arith.constant 2 : i32
    %mul3A_0 = arith.muli %arg1, %mul3A : i32
    %add3A = arith.addi %mul3A_0, %arg0 : i32
    %mul3A_1 = arith.constant 632 : i32
    %mul3A_2 = arith.muli %arg1, %mul3A_1 : i32
    %mul3A_3 = arith.constant 632 : i32
    %mul3A_4 = arith.muli %arg1, %mul3A_3 : i32
    "tpu.region"() ({
      %run_scoped3A = tpu.sem_alloc : memref<!tpu.dma_semaphore, #tpu.memory_space<semaphore_mem>>
      %dma_start3A = arith.constant 0 : i32
      %dma_start3A_15 = tpu.memref_slice %arg6[%mul3A_4, %dma_start3A] : memref<10112x128xf32, #tpu.memory_space<vmem_shared>> -> memref<632x128xf32, #tpu.memory_space<vmem_shared>>
      %dma_start3A_16 = arith.constant 0 : i32
      %dma_start3A_17 = tpu.memref_slice %arg4[%mul3A_2, %dma_start3A_16] : memref<10112x128xf32, #tpu.memory_space<hbm>> -> memref<632x128xf32, #tpu.memory_space<hbm>>
      tpu.enqueue_dma source(%dma_start3A_17 : memref<632x128xf32, #tpu.memory_space<hbm>>) target(%dma_start3A_15 : memref<632x128xf32, #tpu.memory_space<vmem_shared>>) target_semaphore(%run_scoped3A : memref<!tpu.dma_semaphore, #tpu.memory_space<semaphore_mem>>)
      %dma_wait3A = arith.constant 0 : i32
      %dma_wait3A_18 = tpu.memref_slice %arg6[%mul3A_4, %dma_wait3A] : memref<10112x128xf32, #tpu.memory_space<vmem_shared>> -> memref<632x128xf32, #tpu.memory_space<vmem_shared>>
      %dma_wait3A_19 = arith.constant 0 : i32
      %dma_wait3A_20 = tpu.memref_slice %arg4[%mul3A_2, %dma_wait3A_19] : memref<10112x128xf32, #tpu.memory_space<hbm>> -> memref<632x128xf32, #tpu.memory_space<hbm>>
      tpu.wait_dma2 semaphore(%run_scoped3A : memref<!tpu.dma_semaphore, #tpu.memory_space<semaphore_mem>>) src(%dma_wait3A_20 : memref<632x128xf32, #tpu.memory_space<hbm>>) dst(%dma_wait3A_18 : memref<632x128xf32, #tpu.memory_space<vmem_shared>>)
      tpu.yield
    }) : () -> ()
    "tpu.region"() ({
      %run_scoped3A = tpu.sem_alloc : memref<!tpu.dma_semaphore, #tpu.memory_space<semaphore_mem>>
      tpu.enqueue_dma source(%arg3 : memref<100x128xf32, #tpu.memory_space<hbm>>) target(%arg8 : memref<100x128xf32, #tpu.memory_space<vmem>>) target_semaphore(%run_scoped3A : memref<!tpu.dma_semaphore, #tpu.memory_space<semaphore_mem>>)
      tpu.wait_dma2 semaphore(%run_scoped3A : memref<!tpu.dma_semaphore, #tpu.memory_space<semaphore_mem>>) src(%arg3 : memref<100x128xf32, #tpu.memory_space<hbm>>) dst(%arg8 : memref<100x128xf32, #tpu.memory_space<vmem>>)
      tpu.yield
    }) : () -> ()
    "tpu.region"() ({
      %run_scoped3A = tpu.sem_alloc : memref<!tpu.dma_semaphore, #tpu.memory_space<semaphore_mem>>
      %dma_start3A = arith.constant 0 : i32
      %dma_start3A_15 = arith.constant 0 : i32
      %dma_start3A_16 = tpu.memref_slice %arg2[%add3A, %dma_start3A, %dma_start3A_15] : memref<32x100x100xi32, #tpu.memory_space<hbm>> -> memref<1x100x100xi32, #tpu.memory_space<hbm>>
      %dma_start3A_17 = tpu.memref_squeeze %dma_start3A_16 : memref<1x100x100xi32, #tpu.memory_space<hbm>> -> memref<100x100xi32, #tpu.memory_space<hbm>>
      %dma_start3A_18 = arith.constant 0 : i32
      %dma_start3A_19 = arith.constant 0 : i32
      %dma_start3A_20 = tpu.memref_slice %arg2[%add3A, %dma_start3A_18, %dma_start3A_19] : memref<32x100x100xi32, #tpu.memory_space<hbm>> -> memref<1x100x100xi32, #tpu.memory_space<hbm>>
      %dma_start3A_21 = tpu.memref_squeeze %dma_start3A_20 : memref<1x100x100xi32, #tpu.memory_space<hbm>> -> memref<100x100xi32, #tpu.memory_space<hbm>>
      tpu.enqueue_dma source(%dma_start3A_21 : memref<100x100xi32, #tpu.memory_space<hbm>>) target(%arg7 : memref<100x100xi32, #tpu.memory_space<vmem>>) target_semaphore(%run_scoped3A : memref<!tpu.dma_semaphore, #tpu.memory_space<semaphore_mem>>)
      %dma_wait3A = arith.constant 0 : i32
      %dma_wait3A_22 = arith.constant 0 : i32
      %dma_wait3A_23 = tpu.memref_slice %arg2[%add3A, %dma_wait3A, %dma_wait3A_22] : memref<32x100x100xi32, #tpu.memory_space<hbm>> -> memref<1x100x100xi32, #tpu.memory_space<hbm>>
      %dma_wait3A_24 = tpu.memref_squeeze %dma_wait3A_23 : memref<1x100x100xi32, #tpu.memory_space<hbm>> -> memref<100x100xi32, #tpu.memory_space<hbm>>
      %dma_wait3A_25 = arith.constant 0 : i32
      %dma_wait3A_26 = arith.constant 0 : i32
      %dma_wait3A_27 = tpu.memref_slice %arg2[%add3A, %dma_wait3A_25, %dma_wait3A_26] : memref<32x100x100xi32, #tpu.memory_space<hbm>> -> memref<1x100x100xi32, #tpu.memory_space<hbm>>
      %dma_wait3A_28 = tpu.memref_squeeze %dma_wait3A_27 : memref<1x100x100xi32, #tpu.memory_space<hbm>> -> memref<100x100xi32, #tpu.memory_space<hbm>>
      tpu.wait_dma2 semaphore(%run_scoped3A : memref<!tpu.dma_semaphore, #tpu.memory_space<semaphore_mem>>) src(%dma_wait3A_28 : memref<100x100xi32, #tpu.memory_space<hbm>>) dst(%arg7 : memref<100x100xi32, #tpu.memory_space<vmem>>)
      tpu.yield
    }) : () -> ()
    %barrier3A = arith.constant 0 : index
    tpu.barrier barrier_id(%barrier3A)
    %scan3A = arith.constant 0 : i32
    %scan3A_5 = arith.constant 0 : i32
    %scan3A_6 = arith.constant 20 : i32
    %scan3A_7 = arith.addi %scan3A_5, %scan3A_6 : i32
    %scan3A_8 = arith.constant 1 : i32
    scf.for %scan3A_15 = %scan3A_5 to %scan3A_7 step %scan3A_8  : i32 {
      %mul3A_16 = arith.constant 5 : i32
      %mul3A_17 = arith.muli %scan3A_15, %mul3A_16 : i32
      %add3A_18 = arith.constant 0 : i32
      %add3A_19 = arith.addi %mul3A_17, %add3A_18 : i32
      %dma_start3A = arith.constant 0 : i32
      %dma_start3A_20 = tpu.memref_slice %arg7[%add3A_19, %dma_start3A] : memref<100x100xi32, #tpu.memory_space<vmem>> -> memref<1x100xi32, #tpu.memory_space<vmem>>
      %dma_start3A_21 = tpu.memref_squeeze %dma_start3A_20 : memref<1x100xi32, #tpu.memory_space<vmem>> -> memref<100xi32, #tpu.memory_space<vmem>>
      %dma_start3A_22 = arith.constant 0 : i32
      %dma_start3A_23 = arith.constant 0 : i32
      %dma_start3A_24 = tpu.memref_slice %arg6[%dma_start3A_22, %dma_start3A_23] : memref<10112x128xf32, #tpu.memory_space<vmem_shared>> -> memref<10112x128xf32, #tpu.memory_space<vmem_shared>>
      tpu.enqueue_indirect_dma source(%arg8 : memref<100x128xf32, #tpu.memory_space<vmem>>) target(%dma_start3A_24 : memref<10112x128xf32, #tpu.memory_space<vmem_shared>>) offsets(%dma_start3A_21 : memref<100xi32, #tpu.memory_space<vmem>>) semaphore(%arg9 : memref<!tpu.dma_semaphore, #tpu.memory_space<semaphore_mem>>) {add = true}
      %add3A_25 = arith.constant 1 : i32
      %add3A_26 = arith.addi %mul3A_17, %add3A_25 : i32
      %dma_start3A_27 = arith.constant 0 : i32
      %dma_start3A_28 = tpu.memref_slice %arg7[%add3A_26, %dma_start3A_27] : memref<100x100xi32, #tpu.memory_space<vmem>> -> memref<1x100xi32, #tpu.memory_space<vmem>>
      %dma_start3A_29 = tpu.memref_squeeze %dma_start3A_28 : memref<1x100xi32, #tpu.memory_space<vmem>> -> memref<100xi32, #tpu.memory_space<vmem>>
      %dma_start3A_30 = arith.constant 0 : i32
      %dma_start3A_31 = arith.constant 0 : i32
      %dma_start3A_32 = tpu.memref_slice %arg6[%dma_start3A_30, %dma_start3A_31] : memref<10112x128xf32, #tpu.memory_space<vmem_shared>> -> memref<10112x128xf32, #tpu.memory_space<vmem_shared>>
      tpu.enqueue_indirect_dma source(%arg8 : memref<100x128xf32, #tpu.memory_space<vmem>>) target(%dma_start3A_32 : memref<10112x128xf32, #tpu.memory_space<vmem_shared>>) offsets(%dma_start3A_29 : memref<100xi32, #tpu.memory_space<vmem>>) semaphore(%arg9 : memref<!tpu.dma_semaphore, #tpu.memory_space<semaphore_mem>>) {add = true}
      %add3A_33 = arith.constant 2 : i32
      %add3A_34 = arith.addi %mul3A_17, %add3A_33 : i32
      %dma_start3A_35 = arith.constant 0 : i32
      %dma_start3A_36 = tpu.memref_slice %arg7[%add3A_34, %dma_start3A_35] : memref<100x100xi32, #tpu.memory_space<vmem>> -> memref<1x100xi32, #tpu.memory_space<vmem>>
      %dma_start3A_37 = tpu.memref_squeeze %dma_start3A_36 : memref<1x100xi32, #tpu.memory_space<vmem>> -> memref<100xi32, #tpu.memory_space<vmem>>
      %dma_start3A_38 = arith.constant 0 : i32
      %dma_start3A_39 = arith.constant 0 : i32
      %dma_start3A_40 = tpu.memref_slice %arg6[%dma_start3A_38, %dma_start3A_39] : memref<10112x128xf32, #tpu.memory_space<vmem_shared>> -> memref<10112x128xf32, #tpu.memory_space<vmem_shared>>
      tpu.enqueue_indirect_dma source(%arg8 : memref<100x128xf32, #tpu.memory_space<vmem>>) target(%dma_start3A_40 : memref<10112x128xf32, #tpu.memory_space<vmem_shared>>) offsets(%dma_start3A_37 : memref<100xi32, #tpu.memory_space<vmem>>) semaphore(%arg9 : memref<!tpu.dma_semaphore, #tpu.memory_space<semaphore_mem>>) {add = true}
      %add3A_41 = arith.constant 3 : i32
      %add3A_42 = arith.addi %mul3A_17, %add3A_41 : i32
      %dma_start3A_43 = arith.constant 0 : i32
      %dma_start3A_44 = tpu.memref_slice %arg7[%add3A_42, %dma_start3A_43] : memref<100x100xi32, #tpu.memory_space<vmem>> -> memref<1x100xi32, #tpu.memory_space<vmem>>
      %dma_start3A_45 = tpu.memref_squeeze %dma_start3A_44 : memref<1x100xi32, #tpu.memory_space<vmem>> -> memref<100xi32, #tpu.memory_space<vmem>>
      %dma_start3A_46 = arith.constant 0 : i32
      %dma_start3A_47 = arith.constant 0 : i32
      %dma_start3A_48 = tpu.memref_slice %arg6[%dma_start3A_46, %dma_start3A_47] : memref<10112x128xf32, #tpu.memory_space<vmem_shared>> -> memref<10112x128xf32, #tpu.memory_space<vmem_shared>>
      tpu.enqueue_indirect_dma source(%arg8 : memref<100x128xf32, #tpu.memory_space<vmem>>) target(%dma_start3A_48 : memref<10112x128xf32, #tpu.memory_space<vmem_shared>>) offsets(%dma_start3A_45 : memref<100xi32, #tpu.memory_space<vmem>>) semaphore(%arg9 : memref<!tpu.dma_semaphore, #tpu.memory_space<semaphore_mem>>) {add = true}
      %add3A_49 = arith.constant 4 : i32
      %add3A_50 = arith.addi %mul3A_17, %add3A_49 : i32
      %dma_start3A_51 = arith.constant 0 : i32
      %dma_start3A_52 = tpu.memref_slice %arg7[%add3A_50, %dma_start3A_51] : memref<100x100xi32, #tpu.memory_space<vmem>> -> memref<1x100xi32, #tpu.memory_space<vmem>>
      %dma_start3A_53 = tpu.memref_squeeze %dma_start3A_52 : memref<1x100xi32, #tpu.memory_space<vmem>> -> memref<100xi32, #tpu.memory_space<vmem>>
      %dma_start3A_54 = arith.constant 0 : i32
      %dma_start3A_55 = arith.constant 0 : i32
      %dma_start3A_56 = tpu.memref_slice %arg6[%dma_start3A_54, %dma_start3A_55] : memref<10112x128xf32, #tpu.memory_space<vmem_shared>> -> memref<10112x128xf32, #tpu.memory_space<vmem_shared>>
      tpu.enqueue_indirect_dma source(%arg8 : memref<100x128xf32, #tpu.memory_space<vmem>>) target(%dma_start3A_56 : memref<10112x128xf32, #tpu.memory_space<vmem_shared>>) offsets(%dma_start3A_53 : memref<100xi32, #tpu.memory_space<vmem>>) semaphore(%arg9 : memref<!tpu.dma_semaphore, #tpu.memory_space<semaphore_mem>>) {add = true}
      tpu.wait_dma2 semaphore(%arg9 : memref<!tpu.dma_semaphore, #tpu.memory_space<semaphore_mem>>) src(%arg3 : memref<100x128xf32, #tpu.memory_space<hbm>>) dst(%arg8 : memref<100x128xf32, #tpu.memory_space<vmem>>)
      tpu.wait_dma2 semaphore(%arg9 : memref<!tpu.dma_semaphore, #tpu.memory_space<semaphore_mem>>) src(%arg3 : memref<100x128xf32, #tpu.memory_space<hbm>>) dst(%arg8 : memref<100x128xf32, #tpu.memory_space<vmem>>)
      tpu.wait_dma2 semaphore(%arg9 : memref<!tpu.dma_semaphore, #tpu.memory_space<semaphore_mem>>) src(%arg3 : memref<100x128xf32, #tpu.memory_space<hbm>>) dst(%arg8 : memref<100x128xf32, #tpu.memory_space<vmem>>)
      tpu.wait_dma2 semaphore(%arg9 : memref<!tpu.dma_semaphore, #tpu.memory_space<semaphore_mem>>) src(%arg3 : memref<100x128xf32, #tpu.memory_space<hbm>>) dst(%arg8 : memref<100x128xf32, #tpu.memory_space<vmem>>)
      tpu.wait_dma2 semaphore(%arg9 : memref<!tpu.dma_semaphore, #tpu.memory_space<semaphore_mem>>) src(%arg3 : memref<100x128xf32, #tpu.memory_space<hbm>>) dst(%arg8 : memref<100x128xf32, #tpu.memory_space<vmem>>)
    }
    %scan3A_9 = arith.constant 20 : i32
    %barrier3A_10 = arith.constant 0 : index
    tpu.barrier barrier_id(%barrier3A_10)
    %mul3A_11 = arith.constant 632 : i32
    %mul3A_12 = arith.muli %arg1, %mul3A_11 : i32
    %mul3A_13 = arith.constant 632 : i32
    %mul3A_14 = arith.muli %arg1, %mul3A_13 : i32
    "tpu.region"() ({
      %run_scoped3A = tpu.sem_alloc : memref<!tpu.dma_semaphore, #tpu.memory_space<semaphore_mem>>
      %dma_start3A = arith.constant 0 : i32
      %dma_start3A_15 = tpu.memref_slice %arg5[%arg0, %mul3A_14, %dma_start3A] : memref<2x10112x128xf32, #tpu.memory_space<hbm>> -> memref<1x632x128xf32, #tpu.memory_space<hbm>>
      %dma_start3A_16 = tpu.memref_squeeze %dma_start3A_15 : memref<1x632x128xf32, #tpu.memory_space<hbm>> -> memref<632x128xf32, #tpu.memory_space<hbm>>
      %dma_start3A_17 = arith.constant 0 : i32
      %dma_start3A_18 = tpu.memref_slice %arg6[%mul3A_12, %dma_start3A_17] : memref<10112x128xf32, #tpu.memory_space<vmem_shared>> -> memref<632x128xf32, #tpu.memory_space<vmem_shared>>
      tpu.enqueue_dma source(%dma_start3A_18 : memref<632x128xf32, #tpu.memory_space<vmem_shared>>) target(%dma_start3A_16 : memref<632x128xf32, #tpu.memory_space<hbm>>) target_semaphore(%run_scoped3A : memref<!tpu.dma_semaphore, #tpu.memory_space<semaphore_mem>>)
      %dma_wait3A = arith.constant 0 : i32
      %dma_wait3A_19 = tpu.memref_slice %arg5[%arg0, %mul3A_14, %dma_wait3A] : memref<2x10112x128xf32, #tpu.memory_space<hbm>> -> memref<1x632x128xf32, #tpu.memory_space<hbm>>
      %dma_wait3A_20 = tpu.memref_squeeze %dma_wait3A_19 : memref<1x632x128xf32, #tpu.memory_space<hbm>> -> memref<632x128xf32, #tpu.memory_space<hbm>>
      %dma_wait3A_21 = arith.constant 0 : i32
      %dma_wait3A_22 = tpu.memref_slice %arg6[%mul3A_12, %dma_wait3A_21] : memref<10112x128xf32, #tpu.memory_space<vmem_shared>> -> memref<632x128xf32, #tpu.memory_space<vmem_shared>>
      tpu.wait_dma2 semaphore(%run_scoped3A : memref<!tpu.dma_semaphore, #tpu.memory_space<semaphore_mem>>) src(%dma_wait3A_22 : memref<632x128xf32, #tpu.memory_space<vmem_shared>>) dst(%dma_wait3A_20 : memref<632x128xf32, #tpu.memory_space<hbm>>)
      tpu.yield
    }) : () -> ()
    return
  }
}

module attributes {stable_mosaic.version = 14 : i64} {
  func.func @_scale_body(%arg0: i32, %arg1: memref<2x1000x128xf32, #tpu.memory_space<vmem>>, %arg2: memref<1000x128xf32, #tpu.memory_space<vmem>>, %arg3: memref<1000x128xf32, #tpu.memory_space<vmem>>, %arg4: memref<1000x128xf32, #tpu.memory_space<vmem>>) attributes {dimension_semantics = [#tpu.dimension_semantics<arbitrary>], iteration_bounds = array<i64: 10>, scalar_prefetch = 0 : i64, scratch_operands = 0 : i64, tpu.core_type = #tpu.core_type<tc>, window_params = [{transform_indices = @transform_0, window_bounds = array<i64: 2, 1000, 128>}, {transform_indices = @transform_1, window_bounds = array<i64: 1000, 128>}, {transform_indices = @transform_2, window_bounds = array<i64: 1000, 128>}, {transform_indices = @transform_3, window_bounds = array<i64: 1000, 128>}]} {
    %get3A = arith.constant 0 : index
    %get3A_0 = arith.constant 0 : index
    %get3A_1 = arith.constant 0 : index
    %get3A_2 = vector.load %arg1[%get3A, %get3A_0, %get3A_1] : memref<2x1000x128xf32, #tpu.memory_space<vmem>>, vector<1x1000x1xf32>
    %get3A_3 = vector.shape_cast %get3A_2 : vector<1x1000x1xf32> to vector<1000xf32>
    %get3A_4 = arith.constant 1 : index
    %get3A_5 = arith.constant 0 : index
    %get3A_6 = arith.constant 0 : index
    %get3A_7 = vector.load %arg1[%get3A_4, %get3A_5, %get3A_6] : memref<2x1000x128xf32, #tpu.memory_space<vmem>>, vector<1x1000x1xf32>
    %get3A_8 = vector.shape_cast %get3A_7 : vector<1x1000x1xf32> to vector<1000xf32>
    %add3A = arith.addf %get3A_3, %get3A_8 : vector<1000xf32>
    %add3A_9 = arith.constant 1.000000e+00 : f32
    %add3A_10 = vector.broadcast %add3A_9 : f32 to vector<1000xf32>
    %add3A_11 = arith.addf %add3A, %add3A_10 : vector<1000xf32>
    %rsqrt3A = math.rsqrt %add3A_11 : vector<1000xf32>
    %get3A_12 = arith.constant 0 : index
    %get3A_13 = arith.constant 0 : index
    %get3A_14 = vector.load %arg2[%get3A_12, %get3A_13] : memref<1000x128xf32, #tpu.memory_space<vmem>>, vector<1000x128xf32>
    %broadcast_in_dim3A = vector.shape_cast %rsqrt3A : vector<1000xf32> to vector<1000x1xf32>
    %mul3A = vector.broadcast %broadcast_in_dim3A : vector<1000x1xf32> to vector<1000x128xf32>
    %mul3A_15 = arith.mulf %get3A_14, %mul3A : vector<1000x128xf32>
    %swap3A = arith.constant 0 : index
    %swap3A_16 = arith.constant 0 : index
    %swap3A_17 = vector.load %arg3[%swap3A, %swap3A_16] : memref<1000x128xf32, #tpu.memory_space<vmem>>, vector<1000x128xf32>
    tpu.vector_store %arg3[%swap3A, %swap3A_16], %mul3A_15 {strides = array<i32>} : memref<1000x128xf32, #tpu.memory_space<vmem>>, vector<1000x128xf32>,
    %broadcast_in_dim3A_18 = vector.shape_cast %rsqrt3A : vector<1000xf32> to vector<1000x1xf32>
    %broadcast_in_dim3A_19 = vector.shape_cast %broadcast_in_dim3A_18 : vector<1000x1xf32> to vector<1000x1xf32>
    %broadcast_in_dim3A_20 = vector.broadcast %broadcast_in_dim3A_19 : vector<1000x1xf32> to vector<1000x128xf32>
    %swap3A_21 = arith.constant 0 : index
    %swap3A_22 = arith.constant 0 : index
    %swap3A_23 = vector.load %arg4[%swap3A_21, %swap3A_22] : memref<1000x128xf32, #tpu.memory_space<vmem>>, vector<1000x128xf32>
    tpu.vector_store %arg4[%swap3A_21, %swap3A_22], %broadcast_in_dim3A_20 {strides = array<i32>} : memref<1000x128xf32, #tpu.memory_space<vmem>>, vector<1000x128xf32>,
    return
  }
  func.func @transform_0(%arg0: i32) -> (i32, i32, i32) {
    %c0_i32 = arith.constant 0 : i32
    %c0_i32_0 = arith.constant 0 : i32
    %c0_i32_1 = arith.constant 0 : i32
    return %c0_i32, %arg0, %c0_i32_0 : i32, i32, i32
  }
  func.func @transform_1(%arg0: i32) -> (i32, i32) {
    %c0_i32 = arith.constant 0 : i32
    %c0_i32_0 = arith.constant 0 : i32
    return %arg0, %c0_i32 : i32, i32
  }
  func.func @transform_2(%arg0: i32) -> (i32, i32) {
    %c0_i32 = arith.constant 0 : i32
    %c0_i32_0 = arith.constant 0 : i32
    return %arg0, %c0_i32 : i32, i32
  }
  func.func @transform_3(%arg0: i32) -> (i32, i32) {
    %c0_i32 = arith.constant 0 : i32
    %c0_i32_0 = arith.constant 0 : i32
    return %arg0, %c0_i32 : i32, i32
  }
}

module attributes {stable_mosaic.version = 14 : i64} {
  func.func @_dense_body(%arg0: i32, %arg1: memref<2x1000x128xf32, #tpu.memory_space<vmem>>, %arg2: memref<1000x128xf32, #tpu.memory_space<vmem>>, %arg3: memref<1000x128xf32, #tpu.memory_space<vmem>>, %arg4: memref<128x128xf32, #tpu.memory_space<vmem>>, %arg5: memref<1x128xf32, #tpu.memory_space<vmem>>, %arg6: memref<128x16xf32, #tpu.memory_space<vmem>>, %arg7: memref<1x16xf32, #tpu.memory_space<vmem>>, %arg8: memref<1000x16xf32, #tpu.memory_space<vmem>>) attributes {dimension_semantics = [#tpu.dimension_semantics<arbitrary>], iteration_bounds = array<i64: 10>, scalar_prefetch = 0 : i64, scratch_operands = 0 : i64, tpu.core_type = #tpu.core_type<tc>, window_params = [{transform_indices = @transform_0, window_bounds = array<i64: 2, 1000, 128>}, {transform_indices = @transform_1, window_bounds = array<i64: 1000, 128>}, {transform_indices = @transform_2, window_bounds = array<i64: 1000, 128>}, {pipeline_mode = #tpu.pipeline_mode<synchronous>, transform_indices = @transform_3, window_bounds = array<i64: 128, 128>}, {pipeline_mode = #tpu.pipeline_mode<synchronous>, transform_indices = @transform_4, window_bounds = array<i64: 1, 128>}, {pipeline_mode = #tpu.pipeline_mode<synchronous>, transform_indices = @transform_5, window_bounds = array<i64: 128, 16>}, {pipeline_mode = #tpu.pipeline_mode<synchronous>, transform_indices = @transform_6, window_bounds = array<i64: 1, 16>}, {transform_indices = @transform_7, window_bounds = array<i64: 1000, 16>}]} {
    %get3A = arith.constant 0 : index
    %get3A_0 = arith.constant 0 : index
    %get3A_1 = arith.constant 0 : index
    %get3A_2 = vector.load %arg1[%get3A, %get3A_0, %get3A_1] : memref<2x1000x128xf32, #tpu.memory_space<vmem>>, vector<1x1000x128xf32>
    %get3A_3 = vector.shape_cast %get3A_2 : vector<1x1000x128xf32> to vector<1000x128xf32>
    %get3A_4 = arith.constant 1 : index
    %get3A_5 = arith.constant 0 : index
    %get3A_6 = arith.constant 0 : index
    %get3A_7 = vector.load %arg1[%get3A_4, %get3A_5, %get3A_6] : memref<2x1000x128xf32, #tpu.memory_space<vmem>>, vector<1x1000x128xf32>
    %get3A_8 = vector.shape_cast %get3A_7 : vector<1x1000x128xf32> to vector<1000x128xf32>
    %add3A = arith.addf %get3A_3, %get3A_8 : vector<1000x128xf32>
    %get3A_9 = arith.constant 0 : index
    %get3A_10 = arith.constant 0 : index
    %get3A_11 = vector.load %arg2[%get3A_9, %get3A_10] : memref<1000x128xf32, #tpu.memory_space<vmem>>, vector<1000x128xf32>
    %add3A_12 = arith.addf %add3A, %get3A_11 : vector<1000x128xf32>
    %get3A_13 = arith.constant 0 : index
    %get3A_14 = arith.constant 0 : index
    %get3A_15 = vector.load %arg3[%get3A_13, %get3A_14] : memref<1000x128xf32, #tpu.memory_space<vmem>>, vector<1000x1xf32>
    %mul3A = vector.broadcast %get3A_15 : vector<1000x1xf32> to vector<1000x128xf32>
    %mul3A_16 = arith.mulf %add3A_12, %mul3A : vector<1000x128xf32>
    %get3A_17 = arith.constant 0 : index
    %get3A_18 = arith.constant 0 : index
    %get3A_19 = vector.load %arg4[%get3A_17, %get3A_18] : memref<128x128xf32, #tpu.memory_space<vmem>>, vector<128x128xf32>
    %dot_general3A = arith.constant dense<0.000000e+00> : vector<1000x128xf32>
    %dot_general3A_20 = tpu.matmul %mul3A_16, %get3A_19, %dot_general3A {dimension_numbers = #tpu.dot_dimension_numbers<[1], [0], [0], [1], [0, 0, 1, 1], [], []>, transpose_lhs_hint = false} : vector<1000x128xf32>, vector<128x128xf32>, vector<1000x128xf32> -> vector<1000x128xf32>
    %get3A_21 = arith.constant 0 : index
    %get3A_22 = arith.constant 0 : index
    %get3A_23 = vector.load %arg5[%get3A_21, %get3A_22] : memref<1x128xf32, #tpu.memory_space<vmem>>, vector<1x128xf32>
    %add3A_24 = vector.broadcast %get3A_23 : vector<1x128xf32> to vector<1000x128xf32>
    %add3A_25 = arith.addf %dot_general3A_20, %add3A_24 : vector<1000x128xf32>
    %max3A = arith.constant 0.000000e+00 : f32
    %max3A_26 = vector.broadcast %max3A : f32 to vector<1000x128xf32>
    %max3A_27 = arith.maximumf %add3A_25, %max3A_26 : vector<1000x128xf32>
    %get3A_28 = arith.constant 0 : index
    %get3A_29 = arith.constant 0 : index
    %get3A_30 = vector.load %arg6[%get3A_28, %get3A_29] : memref<128x16xf32, #tpu.memory_space<vmem>>, vector<128x16xf32>
    %dot_general3A_31 = arith.constant dense<0.000000e+00> : vector<1000x16xf32>
    %dot_general3A_32 = tpu.matmul %max3A_27, %get3A_30, %dot_general3A_31 {dimension_numbers = #tpu.dot_dimension_numbers<[1], [0], [0], [1], [0, 0, 1, 1], [], []>, transpose_lhs_hint = false} : vector<1000x128xf32>, vector<128x16xf32>, vector<1000x16xf32> -> vector<1000x16xf32>
    %get3A_33 = arith.constant 0 : index
    %get3A_34 = arith.constant 0 : index
    %get3A_35 = vector.load %arg7[%get3A_33, %get3A_34] : memref<1x16xf32, #tpu.memory_space<vmem>>, vector<1x16xf32>
    %add3A_36 = vector.broadcast %get3A_35 : vector<1x16xf32> to vector<1000x16xf32>
    %add3A_37 = arith.addf %dot_general3A_32, %add3A_36 : vector<1000x16xf32>
    %swap3A = arith.constant 0 : index
    %swap3A_38 = arith.constant 0 : index
    %swap3A_39 = vector.load %arg8[%swap3A, %swap3A_38] : memref<1000x16xf32, #tpu.memory_space<vmem>>, vector<1000x16xf32>
    tpu.vector_store %arg8[%swap3A, %swap3A_38], %add3A_37 {strides = array<i32>} : memref<1000x16xf32, #tpu.memory_space<vmem>>, vector<1000x16xf32>,
    return
  }
  func.func @transform_0(%arg0: i32) -> (i32, i32, i32) {
    %c0_i32 = arith.constant 0 : i32
    %c0_i32_0 = arith.constant 0 : i32
    %c0_i32_1 = arith.constant 0 : i32
    return %c0_i32, %arg0, %c0_i32_0 : i32, i32, i32
  }
  func.func @transform_1(%arg0: i32) -> (i32, i32) {
    %c0_i32 = arith.constant 0 : i32
    %c0_i32_0 = arith.constant 0 : i32
    return %arg0, %c0_i32 : i32, i32
  }
  func.func @transform_2(%arg0: i32) -> (i32, i32) {
    %c0_i32 = arith.constant 0 : i32
    %c0_i32_0 = arith.constant 0 : i32
    return %arg0, %c0_i32 : i32, i32
  }
  func.func @transform_3(%arg0: i32) -> (i32, i32) {
    %c0_i32 = arith.constant 0 : i32
    %c0_i32_0 = arith.constant 0 : i32
    %c0_i32_1 = arith.constant 0 : i32
    return %c0_i32, %c0_i32_0 : i32, i32
  }
  func.func @transform_4(%arg0: i32) -> (i32, i32) {
    %c0_i32 = arith.constant 0 : i32
    %c0_i32_0 = arith.constant 0 : i32
    %c0_i32_1 = arith.constant 0 : i32
    return %c0_i32, %c0_i32_0 : i32, i32
  }
  func.func @transform_5(%arg0: i32) -> (i32, i32) {
    %c0_i32 = arith.constant 0 : i32
    %c0_i32_0 = arith.constant 0 : i32
    %c0_i32_1 = arith.constant 0 : i32
    return %c0_i32, %c0_i32_0 : i32, i32
  }
  func.func @transform_6(%arg0: i32) -> (i32, i32) {
    %c0_i32 = arith.constant 0 : i32
    %c0_i32_0 = arith.constant 0 : i32
    %c0_i32_1 = arith.constant 0 : i32
    return %c0_i32, %c0_i32_0 : i32, i32
  }
  func.func @transform_7(%arg0: i32) -> (i32, i32) {
    %c0_i32 = arith.constant 0 : i32
    %c0_i32_0 = arith.constant 0 : i32
    return %arg0, %c0_i32 : i32, i32
  }
}

</mosaic_0001>

<sc_bundles>
// kernel: kernel.6.cloned.1.call-start
scs
__scs_entry_jumppad:
0x0: {  	(pc) =	sbr.rel $0x88, $3  }
0x1: {  	(tag) =	ssettag $0x0;
	lr =	simm.s32 $0x1  }
0x2: {  	[smem:$0x3F9B] =	sst lr;
	_ =	strace $0xD0000000  }
0x3: {  	_ = 	snop  }
0x4: {  	_ = 	snop  }
0x5: {  	_ = 	snop  }
0x6: {  	_ = 	snop  }
0x7: {  	_ = 	snop  }
__scs_overlays_trampoline_lowered:
0x8: {  	[smem:$0x3FAA] =	sst s0  }
0x9: {  	[smem:$0x3FAB] =	sst s1  }
0xa: {  	[smem:$0x3FAC] =	sst s2  }
0xb: {  	[smem:$0x3FAD] =	sst s3  }
0xc: {  	[smem:$0x3FAE] =	sst s4  }
0xd: {  	[smem:$0x3FAF] =	sst s5  }
0xe: {  	[smem:$0x3FB0] =	sst s6  }
0xf: {  	[smem:$0x3FB1] =	sst s7  }
0x10: {  	[smem:$0x3FB2] =	sst s8  }
0x11: {  	[smem:$0x3FB3] =	sst s9;
	s0 =	simm.s32 @!p0 $0x0  }
0x12: {  	s1 =	sld [smem:$0x3F99];
	s0 =	simm.s32 @p0 $0x1  }
0x13: {  	[smem:$0x3FB4] =	sst s0;
	s0 =	simm.s32 @!p1 $0x0  }
0x14: {  	s2 =	sld [smem:$0x3F98];
	s0 =	simm.s32 @p1 $0x1  }
0x15: {  	[smem:$0x3FB5] =	sst s0;
	s0 =	simm.s32 @!p2 $0x0  }
0x16: {  	s3 =	sld [smem:$0x3FDB];
	s0 =	simm.s32 @p2 $0x1  }
0x17: {  	s4 =	simm.s32 $0x1BF5;
	[smem:$0x3FB7] =	sst s0  }
0x18: {  	s0 =	sld [smem:$0x3F9A];
	_ =	swait.ge [sflag:s4], $0x0  }
0x19: {  	s7 =	sld [smem:$0x3F9B]  }
0x1a: {  	s8 =	sadd.s32 $0xFFFFE003, lr  }
0x1b: {  	s9 =	sadd.s32 $0xFFFFFEF7, lr;
	s5 =	simm.s32 $0xFFFFFFFF;
	p2 =	slt.u32 s8, $0xFFFFF086  }
0x1c: {  	p1 =	slt.u32 s9, $0xF7A;
	s5 =	simm.s32 @!p2 $0x0  }
0x1d: {  	s5 =	simm.s32 @p1 $0x1;
	p0 =	seq.s32 s7, s2  }
0x1e: {  	s7 =	smul.u32 @!p0 $0xF7A, s2;
	p2 =	seq.s32 @!p0 s5, $0x0  }
0x1f: {  	s9 =	smul.u32 $0xF7A, s1;
	s8 =	simm.s32 @!p0 $0x1BF5;
	p2 =	por !p2, p0  }
0x20: {  	[sflag:s8] =	ssyncset.s32 @!p0 $0xFFFFF086;
	s6 =	sadd.s32 @!p0 s3, s7;
	s7 =	simm.s32 @!p0 $0x108  }
0x21: {  	s3 =	sadd.s32 s3, s9;
	s6 =	sadd.s32 @!p0 $0x88, s6;
	s7 =	simm.s32 @p2 $0x1082  }
0x22: {  	[simem:s7], [sflag:s8] =	dma.local @!p0 [hbm:s6], $0xF7A  }
0x23: {  	s9 =	sor.u32 $0xD0000000, s2;
	s6 =	simm.s32 $0x108;
	_ =	swait.ge @!p0 [sflag:s8], $0x0  }
0x24: {  	s3 =	sadd.s32 $0x88, s3;
	s6 =	simm.s32 @!p1 $0x1082;
	[sflag:s4] =	ssyncset.s32 $0xFFFFF086  }
0x25: {  	[simem:s6], [sflag:s4] =	dma.local [hbm:s3], $0xF7A  }
0x26: {  	[smem:$0x3F9B] =	sst s1;
	(tag) =	ssettag s2;
	_ =	strace s9  }
0x27: {  	s1 =	sld [smem:$0x3FAB]  }
0x28: {  	s2 =	sld [smem:$0x3FAC]  }
0x29: {  	s4 =	sld [smem:$0x3FAE]  }
0x2a: {  	p0 =	seq.s32 s5, $0x0;
	s5 =	sld [smem:$0x3FAF]  }
0x2b: {  	s6 =	sld [smem:$0x3FB0]  }
0x2c: {  	s7 =	sld [smem:$0x3FB1]  }
0x2d: {  	s3 =	simm.s32 $0x108;
	s8 =	sld [smem:$0x3FB2]  }
0x2e: {  	s3 =	simm.s32 @!p0 $0x1082;
	s9 =	sld [smem:$0x3FB3]  }
0x2f: {  	lr =	sadd.s32 s0, s3;
	s0 =	sld [smem:$0x3FAA]  }
0x30: {  	s3 =	sld [smem:$0x3FAD]  }
0x31: {  	[smem:$0x3FB6] =	sst s10  }
0x32: {  	s10 =	sld [smem:$0x3FB4];
	_ =	sdelay $0x3  }
0x33: {  	p0 =	seq.s32 s10, $0x1;
	s10 =	sld [smem:$0x3FB6];
	_ =	sdelay $0x3  }
0x34: {  	[smem:$0x3FB6] =	sst s10  }
0x35: {  	s10 =	sld [smem:$0x3FB5];
	_ =	sdelay $0x3  }
0x36: {  	p1 =	seq.s32 s10, $0x1;
	s10 =	sld [smem:$0x3FB6];
	_ =	sdelay $0x3  }
0x37: {  	[smem:$0x3FB6] =	sst s10  }
0x38: {  	s10 =	sld [smem:$0x3FB7]  }
0x39: {  	_ = 	snop;
	(pc) =	sbr.ind lr, $3  }
0x3a: {  	_ = 	snop  }
0x3b: {  	_ = 	snop  }
0x3c: {  	p2 =	seq.s32 s10, $0x1;
	s10 =	sld [smem:$0x3FB6]  }
0x3d: {  	_ =	shalt  }
0x3e: {  	_ =	shalt  }
0x3f: {  	_ =	shalt  }
0x40: {  	_ =	shalt  }
0x41: {  	_ =	shalt  }
0x42: {  	_ =	shalt  }
0x43: {  	_ =	shalt  }
0x44: {  	_ =	shalt  }
0x45: {  	_ =	shalt  }
0x46: {  	_ =	shalt  }
0x47: {  	_ =	shalt  }
0x48: {  	_ =	shalt  }
0x49: {  	_ =	shalt  }
0x4a: {  	_ =	shalt  }
0x4b: {  	_ =	shalt  }
0x4c: {  	_ =	shalt  }
0x4d: {  	_ =	shalt  }
0x4e: {  	_ =	shalt  }
0x4f: {  	_ =	shalt  }
0x50: {  	_ =	shalt  }
0x51: {  	_ =	shalt  }
0x52: {  	_ =	shalt  }
0x53: {  	_ =	shalt  }
0x54: {  	_ =	shalt  }
0x55: {  	_ =	shalt  }
0x56: {  	_ =	shalt  }
0x57: {  	_ =	shalt  }
0x58: {  	_ =	shalt  }
0x59: {  	_ =	shalt  }
0x5a: {  	_ =	shalt  }
0x5b: {  	_ =	shalt  }
0x5c: {  	_ =	shalt  }
0x5d: {  	_ =	shalt  }
0x5e: {  	_ =	shalt  }
0x5f: {  	_ =	shalt  }
0x60: {  	_ =	shalt  }
0x61: {  	_ =	shalt  }
0x62: {  	_ =	shalt  }
0x63: {  	_ =	shalt  }
0x64: {  	_ =	shalt  }
0x65: {  	_ =	shalt  }
0x66: {  	_ =	shalt  }
0x67: {  	_ =	shalt  }
0x68: {  	_ =	shalt  }
0x69: {  	_ =	shalt  }
0x6a: {  	_ =	shalt  }
0x6b: {  	_ =	shalt  }
0x6c: {  	_ =	shalt  }
0x6d: {  	_ =	shalt  }
0x6e: {  	_ =	shalt  }
0x6f: {  	_ =	shalt  }
0x70: {  	_ =	shalt  }
0x71: {  	_ =	shalt  }
0x72: {  	_ =	shalt  }
0x73: {  	_ =	shalt  }
0x74: {  	_ =	shalt  }
0x75: {  	_ =	shalt  }
0x76: {  	_ =	shalt  }
0x77: {  	_ =	shalt  }
0x78: {  	_ =	shalt  }
0x79: {  	_ =	shalt  }
0x7a: {  	_ =	shalt  }
0x7b: {  	_ =	shalt  }
0x7c: {  	_ =	shalt  }
0x7d: {  	_ =	shalt  }
0x7e: {  	_ =	shalt  }
0x7f: {  	_ =	shalt  }
0x80: {  	_ =	shalt  }
0x81: {  	_ =	shalt  }
0x82: {  	_ =	shalt  }
0x83: {  	_ =	shalt  }
0x84: {  	_ =	shalt  }
0x85: {  	_ =	shalt  }
0x86: {  	_ =	shalt  }
0x87: {  	_ =	shalt  }
.Lfunc_end0:
.L_simem_size_0:
called_computation_lowered:
.L_overlay_start_0:
0x88: {  	s2 =	sld [smem:$0x3FD9]  }
0x89: {  	s3 =	sld [smem:$0x3FFE];
	_ =	sdelay $0x1  }
0x8a: {  	s1 =	srdreg.scid  }
0x8b: {  	s0 =	sand.u32 $0x1, s1  }
0x8c: {  	s17 =	sshll.u32 s0, $0xA;
	s2 =	sadd.s32 s3, s2  }
0x8d: {  	s2 =	sadd.s32 s2, s17  }
0x8e: {  	[smem:$0x3FC2] =	sst s2  }
0x8f: {  	_ = 	snop  }
0x90: {  	s2 =	sld [smem:$0x3FD0];
	(tm) =	ssettm $0x1  }
0x91: {  	s18 =	sld [smem:$0x3FFB];
	_ =	sdelay $0x3  }
0x92: {  	_ =	strace s18  }
0x93: {  	s3 =	sld [smem:$0x3FFC];
	_ =	sdelay $0x3  }
0x94: {  	_ =	strace s3  }
0x95: {  	s3 =	sld [smem:$0x3FFD];
	_ =	sdelay $0x3  }
0x96: {  	_ =	strace s3  }
0x97: {  	_ =	strace $0x8FFFFFFF  }
0x98: {  	s19 =	sld [smem:$0x3FDB];
	_ =	sdelay $0x1  }
0x99: {  	s4 =	simm.s32 $_scs_section_size  }
0x9a: {  	s5 =	simm.s32 $_size__tile_overlayer_lowered;
	s6 =	simm.s32 $_tile_overlayer_lowered  }
0x9b: {  	s22 =	simm.s32 $0x1BFF;
	s21 =	sshll.u32 s6, $0x1;
	s3 =	sadd.s32 s4, s19  }
0x9c: {  	s7 =	simm.s32 $0x0;
	s20 =	sshll.u32 s5, $0x1;
	s5 =	sadd.s32 s21, s3  }
0x9d: {  	[timem:s7], [sflag:s22] =	dma.local [hbm:s5], s20  }
0x9e: {  	_ =	swait.ge [sflag:s22], s20  }
0x9f: {  	s4 =	ssub.s32 $0x0, s20;
	[sflag:s22] =	ssyncset.done $0x0  }
0xa0: {  	[sflag:s22] =	ssyncadd.s32 s4;
	_ =	sdelay $0x1  }
0xa1: {  	s23 =	simm.s32 $0x1B8B  }
0xa2: {  	_ =	swait.ge [sflag:s23], $0x1  }
0xa3: {  	[sflag:s23] =	ssyncset.done $0x0  }
0xa4: {  	s25 =	simm.s32 $0x1B8E;
	s24 =	sld [smem:$0x3FFE];
	[sflag:s23] =	ssyncadd.s32 $0xFFFFFFFF  }
0xa5: {  	s26 =	simm.s32 $execute0_lowered;
	[smem:$0x3FD2] =	sst s25  }
0xa6: {  	s5 =	sshll.u32 s26, $0x1;
	_ =	strace $0x80000046;
	[dreg:$0x1] =	wrdreg $0xFFFFFFFF  }
0xa7: {  	s28 =	simm.s32 $_size_execute0_lowered;
	s3 =	sadd.s32 s3, s5;
	[dreg:$0x0] =	wrdreg $0x0  }
0xa8: {  	s5 =	sshll.u32 s28, $0x1;
	[dreg:$0x2] =	wrdreg s3  }
0xa9: {  	[dreg:$0x3] =	wrdreg s5  }
0xaa: {  	[dreg:$0x4] =	wrdreg $0xC0  }
0xab: {  	_ =	task [dreg:s7], $0x5FFFF  }
0xac: {  	[dreg:$0x1] =	wrdreg $0xFFFFFFFF  }
0xad: {  	[dreg:$0x0] =	wrdreg $0x60  }
0xae: {  	[dreg:$0x2] =	wrdreg s24  }
0xaf: {  	[dreg:$0x3] =	wrdreg s2  }
0xb0: {  	[dreg:$0x4] =	wrdreg $0x0  }
0xb1: {  	[dreg:$0x5] =	wrdreg $0x9  }
0xb2: {  	_ =	task.clear_ibuf [dreg:s7], $0x6FFFF;
	_ =	strace $0x90000046  }
0xb3: {  	s29 =	simm.s32 $0x9;
	_ =	strace $0x80000048  }
0xb4: {  	_ =	swait.ge [sflag:s29], $0x1  }
0xb5: {  	[sflag:s29] =	ssyncadd.s32 $0xFFFFFFFF  }
0xb6: {  	_ =	strace $0x90000048  }
0xb7: {  	_ =	sfence  }
0xb8: {  	s30 =	sld [smem:$0x0];
	_ =	sdelay $0x2  }
0xb9: {  	s31 =	sshll.u32 s1, $0xD;
	s1 =	sshrl.u32 s1, $0x2  }
0xba: {  	s3 =	sand.u32 $0x4000, s31;
	s1 =	sadd.s32 s1, s30  }
0xbb: {  	s0 =	sor.u32 s3, s0;
	s1 =	sshll.u32 s1, $0x11  }
0xbc: {  	s0 =	sor.u32 s1, s0  }
0xbd: {  	s0 =	sadd.s32 $0x8F2B, s0  }
0xbe: {  	[sflag:s0] =	ssyncadd.remote.s32 $0x1  }
0xbf: {  	_ =	sfence.sel $0xFFFF  }
0xc0: {  	[dreg:$0x0] =	wrdreg $0xFFFFFFFF;
	(pc) =	sbr.abs _section_cstart, $3  }
0xc1: {  	[dreg:$0x1] =	wrdreg $0xFFFFFFFF  }
0xc2: {  	_ =	task.clear_ibuf [dreg:s7], $0x2FFFF;
	_ =	strace $0x9FFFFFFF  }
0xc3: {  	(tm) =	ssettm $0x7FFFFFFF  }
tec
execute0_lowered:
.L_overlay_start_1:
0x0: {  	(tag) =	ssettag $0x1  }
0x1: {  	s1 =	srdreg.scid;
	s5 =	rddreg [dreg:$0x0]  }
0x2: {  	s0 =	stileid.u32;
	s2 =	rddreg [dreg:$0x1]  }
0x3: {  	s3 =	rddreg [dreg:$0x2];
	s4 =	simm.s32 $0x0;
	s13 =	simm.s32 $0x13C00  }
0x4: {  	s14 =	simm.s32 $0x64;
	s15 =	simm.s32 $0x1;
	s16 =	simm.s32 $0x0  }
0x5: {  	s6 =	sand.u32 $0x1, s1;
	s28 =	sshll.u32 s0, $0x1;
	s8 =	smul.u32 $0x13C00, s0  }
0x6: {  	[smem:$0x7FF] =	sst s4;
	s29 =	smul.u32 $0x4F000, s0;
	s31 =	sshll.u32 s0, $0x6  }
0x7: {  	s1 =	sor.u32 s6, s28;
	s9 =	smul.u32 $0x13C000, s6;
	s6 =	ssub.s32 $0x2, s6  }
0x8: {  	s7 =	smul.u32 $0x680, s1;
	s1 =	rddreg [dreg:$0x3];
	_ =	strace $0x80000047  }
0x9: {  	s10 =	sshrl.u32 s8, $0x3;
	s30 =	sshrl.u32 s6, $0x1;
	s8 =	sadd.s32 s8, s9  }
0xa: {  	s10 =	sadd.s32 s10, s5;
	s9 =	sshrl.u32 s29, $0x2;
	s11 =	ssub.s32 s6, s30  }
0xb: {  	s6 =	sor.u32 $0x1C02, s31;
	s7 =	sadd.s32 s7, s5;
	s8 =	sshrl.u32 s8, $0x3  }
0xc: {  	s12 =	sadd.s32 s9, s3;
	s9 =	smax.u32 s11, $0x1;
	s11 =	simm.s32 $0x2  }
0xd: {  	s8 =	sadd.s32 s8, s5;
	s5 =	sadd.s32 $0xE600, s10;
	s7 =	sadd.s32 $0x1600, s7  }
0xe: {  	s10 =	sshrl.u32 s12, $0x3;
	s12 =	simm.s32 $0x17000;
	s8 =	sadd.s32 $0x35E00, s8  }
.LBB2_1:
0xf: {  	[spmem:s10], [sflag:s6] =	dma.local [hbm:s5], $0x2780  }
0x10: {  	_ =	swait.ge [sflag:s11], $0x2780  }
0x11: {  	[sflag:s11] =	ssyncset.done $0x0  }
0x12: {  	[sflag:s11] =	ssyncadd.s32 $0xFFFFD880  }
0x13: {  	[tilespmem:s12], [sflag:$0x2] =	stream.linear.gather [hbm4b:s2+s4], $0x3200, $0x38;
	[tilespmem:$0x1A400] =	vst v63  }
0x14: {  	_ =	swait.ge [sflag:s11], $0x3200  }
0x15: {  	[sflag:s11] =	ssyncset.done $0x0  }
0x16: {  	[sflag:s11] =	ssyncadd.s32 $0xFFFFCE00  }
0x17: {  	[tilespmem:s13], [sflag:$0x2] =	stream.linear.gather [hbm4b:s7+s4], $0x3200, $0x38;
	[tilespmem:$0x1A400] =	vst v63  }
0x18: {  	_ =	swait.ge [sflag:s11], $0x3200  }
0x19: {  	[sflag:s11] =	ssyncset.done $0x0  }
0x1a: {  	[sflag:s11] =	ssyncadd.s32 $0xFFFFCE00  }
0x1b: {  	s17 =	simm.s32 $0x13C00;
	[bflag:$0x0] =	sbarrier.arrive $0xFFFF  }
0x1c: {  	[spmem:s3] =	stream.indirect.scatter.add.f32 [tilespmem:s12], [sflag:$0x1], $0x80, s17, s14, $0xb8;
	[tilespmem:$0x1A400] =	vst v63  }
0x1d: {  	s28 =	simm.s32 $0x13C80  }
0x1e: {  	[spmem:s3] =	stream.indirect.scatter.add.f32 [tilespmem:s12], [sflag:$0x1], $0x80, s28, s14, $0xb8;
	[tilespmem:$0x1A400] =	vst v63  }
0x1f: {  	s29 =	simm.s32 $0x13D00  }
0x20: {  	[spmem:s3] =	stream.indirect.scatter.add.f32 [tilespmem:s12], [sflag:$0x1], $0x80, s29, s14, $0xb8;
	[tilespmem:$0x1A400] =	vst v63  }
0x21: {  	s30 =	simm.s32 $0x13D80  }
0x22: {  	[spmem:s3] =	stream.indirect.scatter.add.f32 [tilespmem:s12], [sflag:$0x1], $0x80, s30, s14, $0xb8;
	[tilespmem:$0x1A400] =	vst v63  }
0x23: {  	s31 =	simm.s32 $0x13E00  }
0x24: {  	[spmem:s3] =	stream.indirect.scatter.add.f32 [tilespmem:s12], [sflag:$0x1], $0x80, s31, s14, $0xb8;
	[tilespmem:$0x1A400] =	vst v63  }
0x25: {  	_ =	swait.ge [sflag:s15], $0x3200  }
0x26: {  	[sflag:s15] =	ssyncset.done $0x0  }
0x27: {  	[sflag:s15] =	ssyncadd.s32 $0xFFFFCE00  }
0x28: {  	_ =	swait.ge [sflag:s15], $0x3200  }
0x29: {  	[sflag:s15] =	ssyncset.done $0x0  }
0x2a: {  	[sflag:s15] =	ssyncadd.s32 $0xFFFFCE00  }
0x2b: {  	_ =	swait.ge [sflag:s15], $0x3200  }
0x2c: {  	[sflag:s15] =	ssyncset.done $0x0  }
0x2d: {  	[sflag:s15] =	ssyncadd.s32 $0xFFFFCE00  }
0x2e: {  	_ =	swait.ge [sflag:s15], $0x3200  }
0x2f: {  	[sflag:s15] =	ssyncset.done $0x0  }
0x30: {  	[sflag:s15] =	ssyncadd.s32 $0xFFFFCE00  }
0x31: {  	_ =	swait.ge [sflag:s15], $0x3200  }
0x32: {  	s18 =	simm.s32 $0x1400;
	s17 =	simm.s32 $0x280;
	[sflag:s15] =	ssyncset.done $0x0  }
.LBB2_2:
0x33: {  	s19 =	sadd.s32 $0x13C00, s17  }
0x34: {  	[sflag:s15] =	ssyncadd.s32 $0xFFFFCE00;
	s20 =	smov.u32 s18;
	s21 =	sadd.s32 $0xA00, s18  }
0x35: {  	[spmem:s3] =	stream.indirect.scatter.add.f32 [tilespmem:s12], [sflag:$0x1], $0x80, s19, s14, $0xb8;
	[tilespmem:$0x1A400] =	vst v63  }
0x36: {  	p0 =	sne.s32 s18, $0xBE00;
	s18 =	sadd.s32 $0x13C80, s17  }
0x37: {  	[spmem:s3] =	stream.indirect.scatter.add.f32 [tilespmem:s12], [sflag:$0x1], $0x80, s18, s14, $0xb8;
	[tilespmem:$0x1A400] =	vst v63  }
0x38: {  	s18 =	sadd.s32 $0x13D00, s17  }
0x39: {  	[spmem:s3] =	stream.indirect.scatter.add.f32 [tilespmem:s12], [sflag:$0x1], $0x80, s18, s14, $0xb8;
	[tilespmem:$0x1A400] =	vst v63  }
0x3a: {  	s18 =	sadd.s32 $0x13D80, s17  }
0x3b: {  	[spmem:s3] =	stream.indirect.scatter.add.f32 [tilespmem:s12], [sflag:$0x1], $0x80, s18, s14, $0xb8;
	[tilespmem:$0x1A400] =	vst v63  }
0x3c: {  	s17 =	sadd.s32 $0x13E00, s17  }
0x3d: {  	[spmem:s3] =	stream.indirect.scatter.add.f32 [tilespmem:s12], [sflag:$0x1], $0x80, s17, s14, $0xb8;
	[tilespmem:$0x1A400] =	vst v63  }
0x3e: {  	_ =	swait.ge [sflag:s15], $0x3200  }
0x3f: {  	[sflag:s15] =	ssyncset.done $0x0  }
0x40: {  	[sflag:s15] =	ssyncadd.s32 $0xFFFFCE00  }
0x41: {  	_ =	swait.ge [sflag:s15], $0x3200  }
0x42: {  	[sflag:s15] =	ssyncset.done $0x0  }
0x43: {  	[sflag:s15] =	ssyncadd.s32 $0xFFFFCE00  }
0x44: {  	_ =	swait.ge [sflag:s15], $0x3200  }
0x45: {  	[sflag:s15] =	ssyncset.done $0x0  }
0x46: {  	[sflag:s15] =	ssyncadd.s32 $0xFFFFCE00  }
.Ltmp0:
0x47: {  	_ =	swait.ge [sflag:s15], $0x3200;
	(pc) =	sbr.rel @p0 .LBB2_2-.Ltmp0, $4  }
0x48: {  	[sflag:s15] =	ssyncset.done $0x0  }
0x49: {  	[sflag:s15] =	ssyncadd.s32 $0xFFFFCE00  }
0x4a: {  	_ =	swait.ge [sflag:s15], $0x3200  }
0x4b: {  	s18 =	smov.u32 s21;
	s17 =	sshra.s32 s20, $0x2;
	[sflag:s15] =	ssyncset.done $0x0  }
0x4c: {  	s18 =	sadd.s32 $0x13C00, s17;
	[sflag:s15] =	ssyncadd.s32 $0xFFFFCE00  }
0x4d: {  	[spmem:s3] =	stream.indirect.scatter.add.f32 [tilespmem:s12], [sflag:$0x1], $0x80, s18, s14, $0xb8;
	[tilespmem:$0x1A400] =	vst v63  }
0x4e: {  	s28 =	sadd.s32 $0x13C80, s17  }
0x4f: {  	[spmem:s3] =	stream.indirect.scatter.add.f32 [tilespmem:s12], [sflag:$0x1], $0x80, s28, s14, $0xb8;
	[tilespmem:$0x1A400] =	vst v63  }
0x50: {  	s29 =	sadd.s32 $0x13D00, s17  }
0x51: {  	[spmem:s3] =	stream.indirect.scatter.add.f32 [tilespmem:s12], [sflag:$0x1], $0x80, s29, s14, $0xb8;
	[tilespmem:$0x1A400] =	vst v63  }
0x52: {  	s30 =	sadd.s32 $0x13D80, s17  }
0x53: {  	[spmem:s3] =	stream.indirect.scatter.add.f32 [tilespmem:s12], [sflag:$0x1], $0x80, s30, s14, $0xb8;
	[tilespmem:$0x1A400] =	vst v63  }
0x54: {  	s31 =	sadd.s32 $0x13E00, s17  }
0x55: {  	[spmem:s3] =	stream.indirect.scatter.add.f32 [tilespmem:s12], [sflag:$0x1], $0x80, s31, s14, $0xb8;
	[tilespmem:$0x1A400] =	vst v63  }
0x56: {  	_ =	swait.ge [sflag:s15], $0x3200  }
0x57: {  	[sflag:s15] =	ssyncset.done $0x0  }
0x58: {  	[sflag:s15] =	ssyncadd.s32 $0xFFFFCE00  }
0x59: {  	_ =	swait.ge [sflag:s15], $0x3200  }
0x5a: {  	[sflag:s15] =	ssyncset.done $0x0  }
0x5b: {  	[sflag:s15] =	ssyncadd.s32 $0xFFFFCE00  }
0x5c: {  	_ =	swait.ge [sflag:s15], $0x3200  }
0x5d: {  	[sflag:s15] =	ssyncset.done $0x0  }
0x5e: {  	[sflag:s15] =	ssyncadd.s32 $0xFFFFCE00  }
0x5f: {  	_ =	swait.ge [sflag:s15], $0x3200  }
0x60: {  	[sflag:s15] =	ssyncset.done $0x0  }
0x61: {  	[sflag:s15] =	ssyncadd.s32 $0xFFFFCE00  }
0x62: {  	_ =	swait.ge [sflag:s15], $0x3200  }
0x63: {  	s16 =	sadd.s32 $0x1, s16;
	[sflag:s15] =	ssyncset.done $0x0  }
0x64: {  	p0 =	sne.s32 s16, s9;
	[sflag:s15] =	ssyncadd.s32 $0xFFFFCE00  }
.Ltmp1:
0x65: {  	[bflag:$0x0] =	sbarrier.arrive $0xFFFF;
	(pc) =	sbr.rel @p0 .LBB2_1-.Ltmp1, $4  }
0x66: {  	[hbm:s8], [sflag:s6] =	dma.local [spmem:s10], $0x2780  }
0x67: {  	_ =	swait.ge [sflag:s11], $0x2780  }
0x68: {  	[sflag:s11] =	ssyncset.done $0x0  }
0x69: {  	[sflag:s11] =	ssyncadd.s32 $0xFFFFD880  }
0x6a: {  	_ =	sfence.sel $0x180000  }
0x6b: {  	[bflag:$0x0] =	sbarrier.arrive $0xFFFF  }
0x6c: {  	p0 =	sne.s32 s0, $0x0;
	_ =	strace $0x90000047  }
0x6d: {  	s0 =	sadd.s32 @!p0 $0x100000, s1;
	[bflag:$0x2] =	sbarrier.arrive $0xFFFF  }
0x6e: {  	[sflag:s0] =	ssyncadd.tile.s32 @!p0 $0x1;
	_ =	shalt  }
.Lfunc_end2:
_tile_overlayer_lowered:
.L_overlay_start_2:
0x6f: {  	(tag) =	ssettag $0x2  }
0x70: {  	s0 =	rddreg [dreg:$0x0];
	s2 =	stileid.u32  }
0x71: {  	s1 =	rddreg [dreg:$0x1];
	p0 =	sne.s32 s2, $0x0  }
0x72: {  	s3 =	rddreg [dreg:$0x2];
	[bflag:$0x3] =	sbarrier.arrive $0xFFFF;
	s2 =	simm.s32 @!p0 $0x1C02  }
0x73: {  	[timem:s3], [sflag:s2] =	dma.local @!p0 [hbm:s0], s1  }
0x74: {  	s0 =	simm.s32 @!p0 $0x2  }
0x75: {  	_ =	swait.ge @!p0 [sflag:s0], s1  }
0x76: {  	s1 =	ssub.s32 @!p0 $0x0, s1;
	[sflag:s0] =	ssyncset.done @!p0 $0x0  }
0x77: {  	[sflag:s0] =	ssyncadd.s32 @!p0 s1  }
0x78: {  	[bflag:$0x3] =	sbarrier.arrive $0xFFFF  }
0x79: {  	_ =	shalt  }

// kernel: kernel.9.cloned.1.call-start
scs
__scs_entry_jumppad:
0x0: {  	(pc) =	sbr.rel $0x88, $3  }
0x1: {  	(tag) =	ssettag $0x0;
	lr =	simm.s32 $0x1  }
0x2: {  	[smem:$0x3F9B] =	sst lr;
	_ =	strace $0xD0000000  }
0x3: {  	_ = 	snop  }
0x4: {  	_ = 	snop  }
0x5: {  	_ = 	snop  }
0x6: {  	_ = 	snop  }
0x7: {  	_ = 	snop  }
__scs_overlays_trampoline_lowered:
0x8: {  	[smem:$0x3FAA] =	sst s0  }
0x9: {  	[smem:$0x3FAB] =	sst s1  }
0xa: {  	[smem:$0x3FAC] =	sst s2  }
0xb: {  	[smem:$0x3FAD] =	sst s3  }
0xc: {  	[smem:$0x3FAE] =	sst s4  }
0xd: {  	[smem:$0x3FAF] =	sst s5  }
0xe: {  	[smem:$0x3FB0] =	sst s6  }
0xf: {  	[smem:$0x3FB1] =	sst s7  }
0x10: {  	[smem:$0x3FB2] =	sst s8  }
0x11: {  	[smem:$0x3FB3] =	sst s9;
	s0 =	simm.s32 @!p0 $0x0  }
0x12: {  	s1 =	sld [smem:$0x3F99];
	s0 =	simm.s32 @p0 $0x1  }
0x13: {  	[smem:$0x3FB4] =	sst s0;
	s0 =	simm.s32 @!p1 $0x0  }
0x14: {  	s2 =	sld [smem:$0x3F98];
	s0 =	simm.s32 @p1 $0x1  }
0x15: {  	[smem:$0x3FB5] =	sst s0;
	s0 =	simm.s32 @!p2 $0x0  }
0x16: {  	s3 =	sld [smem:$0x3FDB];
	s0 =	simm.s32 @p2 $0x1  }
0x17: {  	s4 =	simm.s32 $0x1BF5;
	[smem:$0x3FB7] =	sst s0  }
0x18: {  	s0 =	sld [smem:$0x3F9A];
	_ =	swait.ge [sflag:s4], $0x0  }
0x19: {  	s7 =	sld [smem:$0x3F9B]  }
0x1a: {  	s8 =	sadd.s32 $0xFFFFE003, lr  }
0x1b: {  	s9 =	sadd.s32 $0xFFFFFEF7, lr;
	s5 =	simm.s32 $0xFFFFFFFF;
	p2 =	slt.u32 s8, $0xFFFFF086  }
0x1c: {  	p1 =	slt.u32 s9, $0xF7A;
	s5 =	simm.s32 @!p2 $0x0  }
0x1d: {  	s5 =	simm.s32 @p1 $0x1;
	p0 =	seq.s32 s7, s2  }
0x1e: {  	s7 =	smul.u32 @!p0 $0xF7A, s2;
	p2 =	seq.s32 @!p0 s5, $0x0  }
0x1f: {  	s9 =	smul.u32 $0xF7A, s1;
	s8 =	simm.s32 @!p0 $0x1BF5;
	p2 =	por !p2, p0  }
0x20: {  	[sflag:s8] =	ssyncset.s32 @!p0 $0xFFFFF086;
	s6 =	sadd.s32 @!p0 s3, s7;
	s7 =	simm.s32 @!p0 $0x108  }
0x21: {  	s3 =	sadd.s32 s3, s9;
	s6 =	sadd.s32 @!p0 $0x88, s6;
	s7 =	simm.s32 @p2 $0x1082  }
0x22: {  	[simem:s7], [sflag:s8] =	dma.local @!p0 [hbm:s6], $0xF7A  }
0x23: {  	s9 =	sor.u32 $0xD0000000, s2;
	s6 =	simm.s32 $0x108;
	_ =	swait.ge @!p0 [sflag:s8], $0x0  }
0x24: {  	s3 =	sadd.s32 $0x88, s3;
	s6 =	simm.s32 @!p1 $0x1082;
	[sflag:s4] =	ssyncset.s32 $0xFFFFF086  }
0x25: {  	[simem:s6], [sflag:s4] =	dma.local [hbm:s3], $0xF7A  }
0x26: {  	[smem:$0x3F9B] =	sst s1;
	(tag) =	ssettag s2;
	_ =	strace s9  }
0x27: {  	s1 =	sld [smem:$0x3FAB]  }
0x28: {  	s2 =	sld [smem:$0x3FAC]  }
0x29: {  	s4 =	sld [smem:$0x3FAE]  }
0x2a: {  	p0 =	seq.s32 s5, $0x0;
	s5 =	sld [smem:$0x3FAF]  }
0x2b: {  	s6 =	sld [smem:$0x3FB0]  }
0x2c: {  	s7 =	sld [smem:$0x3FB1]  }
0x2d: {  	s3 =	simm.s32 $0x108;
	s8 =	sld [smem:$0x3FB2]  }
0x2e: {  	s3 =	simm.s32 @!p0 $0x1082;
	s9 =	sld [smem:$0x3FB3]  }
0x2f: {  	lr =	sadd.s32 s0, s3;
	s0 =	sld [smem:$0x3FAA]  }
0x30: {  	s3 =	sld [smem:$0x3FAD]  }
0x31: {  	[smem:$0x3FB6] =	sst s10  }
0x32: {  	s10 =	sld [smem:$0x3FB4];
	_ =	sdelay $0x3  }
0x33: {  	p0 =	seq.s32 s10, $0x1;
	s10 =	sld [smem:$0x3FB6];
	_ =	sdelay $0x3  }
0x34: {  	[smem:$0x3FB6] =	sst s10  }
0x35: {  	s10 =	sld [smem:$0x3FB5];
	_ =	sdelay $0x3  }
0x36: {  	p1 =	seq.s32 s10, $0x1;
	s10 =	sld [smem:$0x3FB6];
	_ =	sdelay $0x3  }
0x37: {  	[smem:$0x3FB6] =	sst s10  }
0x38: {  	s10 =	sld [smem:$0x3FB7]  }
0x39: {  	_ = 	snop;
	(pc) =	sbr.ind lr, $3  }
0x3a: {  	_ = 	snop  }
0x3b: {  	_ = 	snop  }
0x3c: {  	p2 =	seq.s32 s10, $0x1;
	s10 =	sld [smem:$0x3FB6]  }
0x3d: {  	_ =	shalt  }
0x3e: {  	_ =	shalt  }
0x3f: {  	_ =	shalt  }
0x40: {  	_ =	shalt  }
0x41: {  	_ =	shalt  }
0x42: {  	_ =	shalt  }
0x43: {  	_ =	shalt  }
0x44: {  	_ =	shalt  }
0x45: {  	_ =	shalt  }
0x46: {  	_ =	shalt  }
0x47: {  	_ =	shalt  }
0x48: {  	_ =	shalt  }
0x49: {  	_ =	shalt  }
0x4a: {  	_ =	shalt  }
0x4b: {  	_ =	shalt  }
0x4c: {  	_ =	shalt  }
0x4d: {  	_ =	shalt  }
0x4e: {  	_ =	shalt  }
0x4f: {  	_ =	shalt  }
0x50: {  	_ =	shalt  }
0x51: {  	_ =	shalt  }
0x52: {  	_ =	shalt  }
0x53: {  	_ =	shalt  }
0x54: {  	_ =	shalt  }
0x55: {  	_ =	shalt  }
0x56: {  	_ =	shalt  }
0x57: {  	_ =	shalt  }
0x58: {  	_ =	shalt  }
0x59: {  	_ =	shalt  }
0x5a: {  	_ =	shalt  }
0x5b: {  	_ =	shalt  }
0x5c: {  	_ =	shalt  }
0x5d: {  	_ =	shalt  }
0x5e: {  	_ =	shalt  }
0x5f: {  	_ =	shalt  }
0x60: {  	_ =	shalt  }
0x61: {  	_ =	shalt  }
0x62: {  	_ =	shalt  }
0x63: {  	_ =	shalt  }
0x64: {  	_ =	shalt  }
0x65: {  	_ =	shalt  }
0x66: {  	_ =	shalt  }
0x67: {  	_ =	shalt  }
0x68: {  	_ =	shalt  }
0x69: {  	_ =	shalt  }
0x6a: {  	_ =	shalt  }
0x6b: {  	_ =	shalt  }
0x6c: {  	_ =	shalt  }
0x6d: {  	_ =	shalt  }
0x6e: {  	_ =	shalt  }
0x6f: {  	_ =	shalt  }
0x70: {  	_ =	shalt  }
0x71: {  	_ =	shalt  }
0x72: {  	_ =	shalt  }
0x73: {  	_ =	shalt  }
0x74: {  	_ =	shalt  }
0x75: {  	_ =	shalt  }
0x76: {  	_ =	shalt  }
0x77: {  	_ =	shalt  }
0x78: {  	_ =	shalt  }
0x79: {  	_ =	shalt  }
0x7a: {  	_ =	shalt  }
0x7b: {  	_ =	shalt  }
0x7c: {  	_ =	shalt  }
0x7d: {  	_ =	shalt  }
0x7e: {  	_ =	shalt  }
0x7f: {  	_ =	shalt  }
0x80: {  	_ =	shalt  }
0x81: {  	_ =	shalt  }
0x82: {  	_ =	shalt  }
0x83: {  	_ =	shalt  }
0x84: {  	_ =	shalt  }
0x85: {  	_ =	shalt  }
0x86: {  	_ =	shalt  }
0x87: {  	_ =	shalt  }
.Lfunc_end0:
.L_simem_size_0:
called_computation.1_lowered:
.L_overlay_start_0:
0x88: {  	s2 =	sld [smem:$0x3FD9]  }
0x89: {  	s3 =	sld [smem:$0x3FFE];
	_ =	sdelay $0x1  }
0x8a: {  	s1 =	srdreg.scid  }
0x8b: {  	s0 =	sand.u32 $0x1, s1  }
0x8c: {  	s16 =	sshll.u32 s0, $0xA;
	s2 =	sadd.s32 s3, s2  }
0x8d: {  	s2 =	sadd.s32 s2, s16  }
0x8e: {  	[smem:$0x3FC2] =	sst s2  }
0x8f: {  	_ = 	snop  }
0x90: {  	(tm) =	ssettm $0x1  }
0x91: {  	s17 =	sld [smem:$0x3FFB];
	_ =	sdelay $0x3  }
0x92: {  	_ =	strace s17  }
0x93: {  	s2 =	sld [smem:$0x3FFC];
	_ =	sdelay $0x3  }
0x94: {  	_ =	strace s2  }
0x95: {  	s2 =	sld [smem:$0x3FFD];
	_ =	sdelay $0x3  }
0x96: {  	_ =	strace s2  }
0x97: {  	_ =	strace $0x8FFFFFFF  }
0x98: {  	s18 =	sld [smem:$0x3FDB];
	_ =	sdelay $0x1  }
0x99: {  	s19 =	simm.s32 $_scs_section_size  }
0x9a: {  	s4 =	simm.s32 $_size__tile_overlayer_lowered;
	s5 =	simm.s32 $_tile_overlayer_lowered  }
0x9b: {  	s22 =	simm.s32 $0x1BFF;
	s21 =	sshll.u32 s5, $0x1;
	s2 =	sadd.s32 s19, s18  }
0x9c: {  	s6 =	simm.s32 $0x0;
	s20 =	sshll.u32 s4, $0x1;
	s4 =	sadd.s32 s21, s2  }
0x9d: {  	[timem:s6], [sflag:s22] =	dma.local [hbm:s4], s20  }
0x9e: {  	_ =	swait.ge [sflag:s22], s20  }
0x9f: {  	s3 =	ssub.s32 $0x0, s20;
	[sflag:s22] =	ssyncset.done $0x0  }
0xa0: {  	[sflag:s22] =	ssyncadd.s32 s3;
	_ =	sdelay $0x1  }
0xa1: {  	s23 =	simm.s32 $0x1B8B  }
0xa2: {  	_ =	swait.ge [sflag:s23], $0x1  }
0xa3: {  	[sflag:s23] =	ssyncset.done $0x0  }
0xa4: {  	s25 =	simm.s32 $0x1B8E;
	s24 =	sld [smem:$0x3FFE];
	[sflag:s23] =	ssyncadd.s32 $0xFFFFFFFF  }
0xa5: {  	s26 =	simm.s32 $execute0_lowered;
	[smem:$0x3FD2] =	sst s25  }
0xa6: {  	s4 =	sshll.u32 s26, $0x1;
	_ =	strace $0x80000049;
	[dreg:$0x1] =	wrdreg $0xFFFFFFFF  }
0xa7: {  	s28 =	simm.s32 $_size_execute0_lowered;
	s2 =	sadd.s32 s2, s4;
	[dreg:$0x0] =	wrdreg $0x0  }
0xa8: {  	s4 =	sshll.u32 s28, $0x1;
	[dreg:$0x2] =	wrdreg s2  }
0xa9: {  	[dreg:$0x3] =	wrdreg s4  }
0xaa: {  	[dreg:$0x4] =	wrdreg $0xC0  }
0xab: {  	_ =	task [dreg:s6], $0x5FFFF  }
0xac: {  	[dreg:$0x1] =	wrdreg $0xFFFFFFFF  }
0xad: {  	[dreg:$0x0] =	wrdreg $0x60  }
0xae: {  	[dreg:$0x2] =	wrdreg s24  }
0xaf: {  	[dreg:$0x3] =	wrdreg $0x0  }
0xb0: {  	[dreg:$0x4] =	wrdreg $0x9  }
0xb1: {  	_ =	task.clear_ibuf [dreg:s6], $0x5FFFF;
	_ =	strace $0x90000049  }
0xb2: {  	s29 =	simm.s32 $0x9;
	_ =	strace $0x8000004B  }
0xb3: {  	_ =	swait.ge [sflag:s29], $0x1  }
0xb4: {  	[sflag:s29] =	ssyncadd.s32 $0xFFFFFFFF  }
0xb5: {  	_ =	strace $0x9000004B  }
0xb6: {  	_ =	sfence  }
0xb7: {  	s30 =	sld [smem:$0x0];
	_ =	sdelay $0x2  }
0xb8: {  	s31 =	sshll.u32 s1, $0xD;
	s1 =	sshrl.u32 s1, $0x2  }
0xb9: {  	s3 =	sand.u32 $0x4000, s31;
	s1 =	sadd.s32 s1, s30  }
0xba: {  	s0 =	sor.u32 s3, s0;
	s1 =	sshll.u32 s1, $0x11  }
0xbb: {  	s0 =	sor.u32 s1, s0  }
0xbc: {  	s0 =	sadd.s32 $0x8F2B, s0  }
0xbd: {  	[sflag:s0] =	ssyncadd.remote.s32 $0x1  }
0xbe: {  	_ =	sfence.sel $0xFFFF  }
0xbf: {  	[dreg:$0x0] =	wrdreg $0xFFFFFFFF;
	(pc) =	sbr.abs _section_cstart, $3  }
0xc0: {  	[dreg:$0x1] =	wrdreg $0xFFFFFFFF  }
0xc1: {  	_ =	task.clear_ibuf [dreg:s6], $0x2FFFF;
	_ =	strace $0x9FFFFFFF  }
0xc2: {  	(tm) =	ssettm $0x7FFFFFFF  }
0xc3: {  	_ =	shalt  }
tec
execute0_lowered:
.L_overlay_start_1:
0x0: {  	(tag) =	ssettag $0x1  }
0x1: {  	s0 =	srdreg.scid;
	s3 =	rddreg [dreg:$0x0]  }
0x2: {  	s8 =	stileid.u32;
	s2 =	rddreg [dreg:$0x1];
	s4 =	simm.s32 $0x0  }
0x3: {  	s15 =	simm.s32 $0x7;
	s16 =	simm.s32 $0x13C00;
	s17 =	simm.s32 $0x15800  }
0x4: {  	s28 =	simm.s32 $0x1;
	s29 =	simm.s32 $0x2;
	s30 =	simm.s32 $0x3  }
0x5: {  	s31 =	simm.s32 $0x4;
	s9 =	simm.s32 $0x154A8;
	s10 =	simm.s32 $0x6  }
0x6: {  	s11 =	simm.s32 $0x0;
	s0 =	sand.u32 $0x1, s0;
	s1 =	sshll.u32 s8, $0x1  }
0x7: {  	s5 =	smul.u32 $0x13C00, s8;
	[smem:$0x7FF] =	sst s4;
	s4 =	sadd.s32 $0x35E00, s3  }
0x8: {  	s18 =	smul.u32 $0x4F000, s8;
	s21 =	sshll.u32 s8, $0x6;
	s8 =	simm.s32 $0x15428  }
0x9: {  	s1 =	sor.u32 s0, s1;
	s6 =	smul.u32 $0x13C000, s0;
	_ =	strace $0x8000004A  }
0xa: {  	s0 =	ssub.s32 $0x2, s0;
	s1 =	smul.u32 $0x8C00, s1;
	s7 =	sshrl.u32 s5, $0x3  }
0xb: {  	s19 =	sshrl.u32 s0, $0x1;
	s20 =	sshrl.u32 s18, $0x2;
	s18 =	simm.s32 $0x28  }
0xc: {  	s5 =	sadd.s32 s5, s6;
	s7 =	sadd.s32 s7, s3;
	s0 =	ssub.s32 s0, s19  }
0xd: {  	s6 =	sor.u32 $0x1C07, s21;
	s19 =	simm.s32 $0x17400;
	s21 =	simm.s32 $0x18800  }
0xe: {  	s1 =	sshrl.u32 s1, $0x3;
	s5 =	sshrl.u32 s5, $0x3;
	s7 =	sadd.s32 $0xE600, s7  }
0xf: {  	s0 =	smax.u32 s0, $0x1;
	s1 =	sadd.s32 s1, s3;
	[dreg:$0x3] =	wrdreg s7  }
0x10: {  	s3 =	sadd.s32 s5, s3;
	[dreg:$0xa] =	wrdreg s0;
	s22 =	sadd.s32 $0x84E00, s1  }
0x11: {  	s5 =	sadd.s32 s20, s2;
	s23 =	sadd.s32 $0x85180, s1;
	[dreg:$0x4] =	wrdreg s22  }
0x12: {  	s0 =	simm.s32 $0x15480;
	s24 =	sadd.s32 $0x85500, s1;
	[dreg:$0x5] =	wrdreg s23  }
0x13: {  	s7 =	simm.s32 $0x153A8;
	s25 =	sadd.s32 $0x85880, s1;
	[dreg:$0x6] =	wrdreg s24  }
0x14: {  	s1 =	sadd.s32 $0x85C00, s1;
	s26 =	sadd.s32 $0xA7E00, s3;
	[dreg:$0x7] =	wrdreg s25  }
0x15: {  	s14 =	sshrl.u32 s5, $0x3;
	s3 =	simm.s32 $0x152A8;
	[dreg:$0x8] =	wrdreg s1  }
0x16: {  	s5 =	simm.s32 $0x15328;
	[dreg:$0x9] =	wrdreg s26;
	s23 =	simm.s32 $0x19C00  }
0x17: {  	s25 =	simm.s32 $0x1B000;
	s26 =	simm.s32 $0x1C400;
	s1 =	simm.s32 $0x5  }
.LBB2_1:
0x18: {  	s12 =	rddreg [dreg:$0x3]  }
0x19: {  	[spmem:s14], [sflag:s6] =	dma.local [hbm:s12], $0x2780  }
0x1a: {  	_ =	swait.ge [sflag:s15], $0x2780  }
0x1b: {  	[sflag:s15] =	ssyncset.done $0x0  }
0x1c: {  	s20 =	simm.s32 $0x0;
	s13 =	rddreg [dreg:$0x4];
	[sflag:s15] =	ssyncadd.s32 $0xFFFFD880  }
0x1d: {  	[tilespmem:s16], [sflag:$0x7] =	stream.linear.gather [hbm4b:s13+s20], $0x1900, $0x38;
	[tilespmem:$0x1D800] =	vst v63  }
0x1e: {  	_ =	swait.ge [sflag:s15], $0x1900  }
0x1f: {  	[sflag:s15] =	ssyncset.done $0x0  }
0x20: {  	[sflag:s15] =	ssyncadd.s32 $0xFFFFE700  }
0x21: {  	[bflag:$0x0] =	sbarrier.arrive $0xFFFF  }
0x22: {  	s22 =	rddreg [dreg:$0x5]  }
0x23: {  	[tilespmem:s17], [sflag:$0x6] =	stream.linear.gather [hbm4b:s22+s20], $0x1900, $0x38;
	[tilespmem:$0x1D800] =	vst v63  }
0x24: {  	_ = 	snop  }
0x25: {  	[tilespmem:s19], [sflag:$0x1] =	stream.indirect.gather [hbm4b:s4+s18], $0x80, s16, s18, $0xb8;
	[tilespmem:$0x1D800] =	vst v63  }
0x26: {  	s24 =	simm.s32 $0x13C80  }
0x27: {  	[tilespmem:s21], [sflag:$0x2] =	stream.indirect.gather [hbm4b:s4+s18], $0x80, s24, s18, $0xb8;
	[tilespmem:$0x1D800] =	vst v63  }
0x28: {  	s13 =	simm.s32 $0x13D00  }
0x29: {  	[tilespmem:s23], [sflag:$0x3] =	stream.indirect.gather [hbm4b:s4+s18], $0x80, s13, s18, $0xb8;
	[tilespmem:$0x1D800] =	vst v63  }
0x2a: {  	s20 =	simm.s32 $0x13D80  }
0x2b: {  	[tilespmem:s25], [sflag:$0x4] =	stream.indirect.gather [hbm4b:s4+s18], $0x80, s20, s18, $0xb8;
	[tilespmem:$0x1D800] =	vst v63  }
0x2c: {  	s22 =	simm.s32 $0x13E00  }
0x2d: {  	[tilespmem:s26], [sflag:$0x5] =	stream.indirect.gather [hbm4b:s4+s18], $0x80, s22, s18, $0xb8;
	[tilespmem:$0x1D800] =	vst v63  }
0x2e: {  	_ =	swait.ge [sflag:s28], $0x1400  }
0x2f: {  	[sflag:s28] =	ssyncset.done $0x0  }
0x30: {  	s24 =	simm.s32 $0x13C28;
	[sflag:s28] =	ssyncadd.s32 $0xFFFFEC00  }
0x31: {  	[spmem:s2] =	stream.indirect.scatter.add.f32 [tilespmem:s19], [sflag:$0x7], $0x80, s24, s18, $0xb8;
	[tilespmem:$0x1D800] =	vst v63  }
0x32: {  	_ =	swait.ge [sflag:s15], $0x1400  }
0x33: {  	[sflag:s15] =	ssyncset.done $0x0  }
0x34: {  	s13 =	simm.s32 $0x13E80;
	[sflag:s15] =	ssyncadd.s32 $0xFFFFEC00  }
0x35: {  	[tilespmem:s19], [sflag:$0x1] =	stream.indirect.gather [hbm4b:s4+s18], $0x80, s13, s18, $0xb8;
	[tilespmem:$0x1D800] =	vst v63  }
0x36: {  	_ =	swait.ge [sflag:s29], $0x1400  }
0x37: {  	[sflag:s29] =	ssyncset.done $0x0  }
0x38: {  	s20 =	simm.s32 $0x13CA8;
	[sflag:s29] =	ssyncadd.s32 $0xFFFFEC00  }
0x39: {  	[spmem:s2] =	stream.indirect.scatter.add.f32 [tilespmem:s21], [sflag:$0x7], $0x80, s20, s18, $0xb8;
	[tilespmem:$0x1D800] =	vst v63  }
0x3a: {  	_ =	swait.ge [sflag:s15], $0x1400  }
0x3b: {  	[sflag:s15] =	ssyncset.done $0x0  }
0x3c: {  	s22 =	simm.s32 $0x13F00;
	[sflag:s15] =	ssyncadd.s32 $0xFFFFEC00  }
0x3d: {  	[tilespmem:s21], [sflag:$0x2] =	stream.indirect.gather [hbm4b:s4+s18], $0x80, s22, s18, $0xb8;
	[tilespmem:$0x1D800] =	vst v63  }
0x3e: {  	_ =	swait.ge [sflag:s30], $0x1400  }
0x3f: {  	[sflag:s30] =	ssyncset.done $0x0  }
0x40: {  	s24 =	simm.s32 $0x13D28;
	[sflag:s30] =	ssyncadd.s32 $0xFFFFEC00  }
0x41: {  	[spmem:s2] =	stream.indirect.scatter.add.f32 [tilespmem:s23], [sflag:$0x7], $0x80, s24, s18, $0xb8;
	[tilespmem:$0x1D800] =	vst v63  }
0x42: {  	_ =	swait.ge [sflag:s15], $0x1400  }
0x43: {  	[sflag:s15] =	ssyncset.done $0x0  }
0x44: {  	s13 =	simm.s32 $0x13F80;
	[sflag:s15] =	ssyncadd.s32 $0xFFFFEC00  }
0x45: {  	[tilespmem:s23], [sflag:$0x3] =	stream.indirect.gather [hbm4b:s4+s18], $0x80, s13, s18, $0xb8;
	[tilespmem:$0x1D800] =	vst v63  }
0x46: {  	_ =	swait.ge [sflag:s31], $0x1400  }
0x47: {  	[sflag:s31] =	ssyncset.done $0x0  }
0x48: {  	s20 =	simm.s32 $0x13DA8;
	[sflag:s31] =	ssyncadd.s32 $0xFFFFEC00  }
0x49: {  	[spmem:s2] =	stream.indirect.scatter.add.f32 [tilespmem:s25], [sflag:$0x7], $0x80, s20, s18, $0xb8;
	[tilespmem:$0x1D800] =	vst v63  }
0x4a: {  	_ =	swait.ge [sflag:s15], $0x1400  }
0x4b: {  	[sflag:s15] =	ssyncset.done $0x0  }
0x4c: {  	s22 =	simm.s32 $0x14000;
	[sflag:s15] =	ssyncadd.s32 $0xFFFFEC00  }
0x4d: {  	[tilespmem:s25], [sflag:$0x4] =	stream.indirect.gather [hbm4b:s4+s18], $0x80, s22, s18, $0xb8;
	[tilespmem:$0x1D800] =	vst v63  }
0x4e: {  	_ =	swait.ge [sflag:s1], $0x1400  }
0x4f: {  	[sflag:s1] =	ssyncset.done $0x0  }
0x50: {  	s24 =	simm.s32 $0x13E28;
	[sflag:s1] =	ssyncadd.s32 $0xFFFFEC00  }
0x51: {  	[spmem:s2] =	stream.indirect.scatter.add.f32 [tilespmem:s26], [sflag:$0x7], $0x80, s24, s18, $0xb8;
	[tilespmem:$0x1D800] =	vst v63  }
0x52: {  	_ =	swait.ge [sflag:s15], $0x1400  }
0x53: {  	s12 =	simm.s32 $0x280;
	s13 =	simm.s32 $0x1400;
	[sflag:s15] =	ssyncset.done $0x0  }
.LBB2_2:
0x54: {  	s24 =	sadd.s32 $0x13E00, s12  }
0x55: {  	[sflag:s15] =	ssyncadd.s32 $0xFFFFEC00;
	s20 =	smov.u32 s13;
	s22 =	sadd.s32 $0xA00, s13  }
0x56: {  	[tilespmem:s26], [sflag:$0x5] =	stream.indirect.gather [hbm4b:s4+s18], $0x80, s24, s18, $0xb8;
	[tilespmem:$0x1D800] =	vst v63  }
0x57: {  	p0 =	sne.s32 s13, $0x5000;
	_ =	swait.ge [sflag:s28], $0x1400  }
0x58: {  	[sflag:s28] =	ssyncset.done $0x0  }
0x59: {  	s13 =	sadd.s32 $0x13C28, s12;
	[sflag:s28] =	ssyncadd.s32 $0xFFFFEC00  }
0x5a: {  	[spmem:s2] =	stream.indirect.scatter.add.f32 [tilespmem:s19], [sflag:$0x7], $0x80, s13, s18, $0xb8;
	[tilespmem:$0x1D800] =	vst v63  }
0x5b: {  	_ =	swait.ge [sflag:s15], $0x1400  }
0x5c: {  	[sflag:s15] =	ssyncset.done $0x0  }
0x5d: {  	s13 =	sadd.s32 $0x13E80, s12;
	[sflag:s15] =	ssyncadd.s32 $0xFFFFEC00  }
0x5e: {  	[tilespmem:s19], [sflag:$0x1] =	stream.indirect.gather [hbm4b:s4+s18], $0x80, s13, s18, $0xb8;
	[tilespmem:$0x1D800] =	vst v63  }
0x5f: {  	_ =	swait.ge [sflag:s29], $0x1400  }
0x60: {  	[sflag:s29] =	ssyncset.done $0x0  }
0x61: {  	s13 =	sadd.s32 $0x13CA8, s12;
	[sflag:s29] =	ssyncadd.s32 $0xFFFFEC00  }
0x62: {  	[spmem:s2] =	stream.indirect.scatter.add.f32 [tilespmem:s21], [sflag:$0x7], $0x80, s13, s18, $0xb8;
	[tilespmem:$0x1D800] =	vst v63  }
0x63: {  	_ =	swait.ge [sflag:s15], $0x1400  }
0x64: {  	[sflag:s15] =	ssyncset.done $0x0  }
0x65: {  	s13 =	sadd.s32 $0x13F00, s12;
	[sflag:s15] =	ssyncadd.s32 $0xFFFFEC00  }
0x66: {  	[tilespmem:s21], [sflag:$0x2] =	stream.indirect.gather [hbm4b:s4+s18], $0x80, s13, s18, $0xb8;
	[tilespmem:$0x1D800] =	vst v63  }
0x67: {  	_ =	swait.ge [sflag:s30], $0x1400  }
0x68: {  	[sflag:s30] =	ssyncset.done $0x0  }
0x69: {  	s13 =	sadd.s32 $0x13D28, s12;
	[sflag:s30] =	ssyncadd.s32 $0xFFFFEC00  }
0x6a: {  	[spmem:s2] =	stream.indirect.scatter.add.f32 [tilespmem:s23], [sflag:$0x7], $0x80, s13, s18, $0xb8;
	[tilespmem:$0x1D800] =	vst v63  }
0x6b: {  	_ =	swait.ge [sflag:s15], $0x1400  }
0x6c: {  	[sflag:s15] =	ssyncset.done $0x0  }
0x6d: {  	s13 =	sadd.s32 $0x13F80, s12;
	[sflag:s15] =	ssyncadd.s32 $0xFFFFEC00  }
0x6e: {  	[tilespmem:s23], [sflag:$0x3] =	stream.indirect.gather [hbm4b:s4+s18], $0x80, s13, s18, $0xb8;
	[tilespmem:$0x1D800] =	vst v63  }
0x6f: {  	_ =	swait.ge [sflag:s31], $0x1400  }
0x70: {  	[sflag:s31] =	ssyncset.done $0x0  }
0x71: {  	s13 =	sadd.s32 $0x13DA8, s12;
	[sflag:s31] =	ssyncadd.s32 $0xFFFFEC00  }
0x72: {  	[spmem:s2] =	stream.indirect.scatter.add.f32 [tilespmem:s25], [sflag:$0x7], $0x80, s13, s18, $0xb8;
	[tilespmem:$0x1D800] =	vst v63  }
0x73: {  	_ =	swait.ge [sflag:s15], $0x1400  }
0x74: {  	[sflag:s15] =	ssyncset.done $0x0  }
0x75: {  	s13 =	sadd.s32 $0x14000, s12;
	[sflag:s15] =	ssyncadd.s32 $0xFFFFEC00  }
0x76: {  	[tilespmem:s25], [sflag:$0x4] =	stream.indirect.gather [hbm4b:s4+s18], $0x80, s13, s18, $0xb8;
	[tilespmem:$0x1D800] =	vst v63  }
0x77: {  	_ =	swait.ge [sflag:s1], $0x1400  }
.Ltmp0:
0x78: {  	[sflag:s1] =	ssyncset.done $0x0;
	(pc) =	sbr.rel @p0 .LBB2_2-.Ltmp0, $4  }
0x79: {  	s12 =	sadd.s32 $0x13E28, s12;
	[sflag:s1] =	ssyncadd.s32 $0xFFFFEC00  }
0x7a: {  	[spmem:s2] =	stream.indirect.scatter.add.f32 [tilespmem:s26], [sflag:$0x7], $0x80, s12, s18, $0xb8;
	[tilespmem:$0x1D800] =	vst v63  }
0x7b: {  	_ =	swait.ge [sflag:s15], $0x1400  }
0x7c: {  	s13 =	smov.u32 s22;
	s12 =	sshra.s32 s20, $0x2;
	[sflag:s15] =	ssyncset.done $0x0  }
0x7d: {  	s13 =	sadd.s32 $0x13E00, s12;
	[sflag:s15] =	ssyncadd.s32 $0xFFFFEC00  }
0x7e: {  	[tilespmem:s26], [sflag:$0x5] =	stream.indirect.gather [hbm4b:s4+s18], $0x80, s13, s18, $0xb8;
	[tilespmem:$0x1D800] =	vst v63  }
0x7f: {  	_ =	swait.ge [sflag:s28], $0x1400  }
0x80: {  	[sflag:s28] =	ssyncset.done $0x0  }
0x81: {  	s22 =	sadd.s32 $0x13C28, s12;
	[sflag:s28] =	ssyncadd.s32 $0xFFFFEC00  }
0x82: {  	[spmem:s2] =	stream.indirect.scatter.add.f32 [tilespmem:s19], [sflag:$0x7], $0x80, s22, s18, $0xb8;
	[tilespmem:$0x1D800] =	vst v63  }
0x83: {  	_ =	swait.ge [sflag:s15], $0x1400  }
0x84: {  	[sflag:s15] =	ssyncset.done $0x0  }
0x85: {  	s24 =	sadd.s32 $0x13E80, s12;
	[sflag:s15] =	ssyncadd.s32 $0xFFFFEC00  }
0x86: {  	[tilespmem:s19], [sflag:$0x1] =	stream.indirect.gather [hbm4b:s4+s18], $0x80, s24, s18, $0xb8;
	[tilespmem:$0x1D800] =	vst v63  }
0x87: {  	_ =	swait.ge [sflag:s29], $0x1400  }
0x88: {  	[sflag:s29] =	ssyncset.done $0x0  }
0x89: {  	s20 =	sadd.s32 $0x13CA8, s12;
	[sflag:s29] =	ssyncadd.s32 $0xFFFFEC00  }
0x8a: {  	[spmem:s2] =	stream.indirect.scatter.add.f32 [tilespmem:s21], [sflag:$0x7], $0x80, s20, s18, $0xb8;
	[tilespmem:$0x1D800] =	vst v63  }
0x8b: {  	_ =	swait.ge [sflag:s15], $0x1400  }
0x8c: {  	[sflag:s15] =	ssyncset.done $0x0  }
0x8d: {  	s22 =	sadd.s32 $0x13F00, s12;
	[sflag:s15] =	ssyncadd.s32 $0xFFFFEC00  }
0x8e: {  	[tilespmem:s21], [sflag:$0x2] =	stream.indirect.gather [hbm4b:s4+s18], $0x80, s22, s18, $0xb8;
	[tilespmem:$0x1D800] =	vst v63  }
0x8f: {  	_ =	swait.ge [sflag:s30], $0x1400  }
0x90: {  	[sflag:s30] =	ssyncset.done $0x0  }
0x91: {  	s24 =	sadd.s32 $0x13D28, s12;
	[sflag:s30] =	ssyncadd.s32 $0xFFFFEC00  }
0x92: {  	[spmem:s2] =	stream.indirect.scatter.add.f32 [tilespmem:s23], [sflag:$0x7], $0x80, s24, s18, $0xb8;
	[tilespmem:$0x1D800] =	vst v63  }
0x93: {  	_ =	swait.ge [sflag:s15], $0x1400  }
0x94: {  	[sflag:s15] =	ssyncset.done $0x0  }
0x95: {  	s20 =	sadd.s32 $0x13F80, s12;
	[sflag:s15] =	ssyncadd.s32 $0xFFFFEC00  }
0x96: {  	[tilespmem:s23], [sflag:$0x3] =	stream.indirect.gather [hbm4b:s4+s18], $0x80, s20, s18, $0xb8;
	[tilespmem:$0x1D800] =	vst v63  }
0x97: {  	_ =	swait.ge [sflag:s31], $0x1400  }
0x98: {  	[sflag:s31] =	ssyncset.done $0x0  }
0x99: {  	s22 =	sadd.s32 $0x13DA8, s12;
	[sflag:s31] =	ssyncadd.s32 $0xFFFFEC00  }
0x9a: {  	[spmem:s2] =	stream.indirect.scatter.add.f32 [tilespmem:s25], [sflag:$0x7], $0x80, s22, s18, $0xb8;
	[tilespmem:$0x1D800] =	vst v63  }
0x9b: {  	_ =	swait.ge [sflag:s15], $0x1400  }
0x9c: {  	[sflag:s15] =	ssyncset.done $0x0  }
0x9d: {  	s24 =	sadd.s32 $0x14000, s12;
	[sflag:s15] =	ssyncadd.s32 $0xFFFFEC00  }
0x9e: {  	[tilespmem:s25], [sflag:$0x4] =	stream.indirect.gather [hbm4b:s4+s18], $0x80, s24, s18, $0xb8;
	[tilespmem:$0x1D800] =	vst v63  }
0x9f: {  	_ =	swait.ge [sflag:s1], $0x1400  }
0xa0: {  	[sflag:s1] =	ssyncset.done $0x0  }
0xa1: {  	s13 =	sadd.s32 $0x13E28, s12;
	[sflag:s1] =	ssyncadd.s32 $0xFFFFEC00  }
0xa2: {  	[spmem:s2] =	stream.indirect.scatter.add.f32 [tilespmem:s26], [sflag:$0x7], $0x80, s13, s18, $0xb8;
	[tilespmem:$0x1D800] =	vst v63  }
0xa3: {  	_ =	swait.ge [sflag:s15], $0x1400  }
0xa4: {  	[sflag:s15] =	ssyncset.done $0x0  }
0xa5: {  	[sflag:s15] =	ssyncadd.s32 $0xFFFFEC00  }
0xa6: {  	[tilespmem:s26], [sflag:$0x5] =	stream.indirect.gather [hbm4b:s4+s18], $0x80, s0, s18, $0xb8;
	[tilespmem:$0x1D800] =	vst v63  }
0xa7: {  	_ =	swait.ge [sflag:s28], $0x1400  }
0xa8: {  	[sflag:s28] =	ssyncset.done $0x0  }
0xa9: {  	[sflag:s28] =	ssyncadd.s32 $0xFFFFEC00  }
0xaa: {  	[spmem:s2] =	stream.indirect.scatter.add.f32 [tilespmem:s19], [sflag:$0x7], $0x80, s3, s18, $0xb8;
	[tilespmem:$0x1D800] =	vst v63  }
0xab: {  	_ =	swait.ge [sflag:s15], $0x1400  }
0xac: {  	[sflag:s15] =	ssyncset.done $0x0  }
0xad: {  	[sflag:s15] =	ssyncadd.s32 $0xFFFFEC00  }
0xae: {  	_ =	swait.ge [sflag:s29], $0x1400  }
0xaf: {  	[sflag:s29] =	ssyncset.done $0x0  }
0xb0: {  	[sflag:s29] =	ssyncadd.s32 $0xFFFFEC00  }
0xb1: {  	[spmem:s2] =	stream.indirect.scatter.add.f32 [tilespmem:s21], [sflag:$0x7], $0x80, s5, s18, $0xb8;
	[tilespmem:$0x1D800] =	vst v63  }
0xb2: {  	_ =	swait.ge [sflag:s15], $0x1400  }
0xb3: {  	[sflag:s15] =	ssyncset.done $0x0  }
0xb4: {  	[sflag:s15] =	ssyncadd.s32 $0xFFFFEC00  }
0xb5: {  	_ =	swait.ge [sflag:s30], $0x1400  }
0xb6: {  	[sflag:s30] =	ssyncset.done $0x0  }
0xb7: {  	[sflag:s30] =	ssyncadd.s32 $0xFFFFEC00  }
0xb8: {  	[spmem:s2] =	stream.indirect.scatter.add.f32 [tilespmem:s23], [sflag:$0x7], $0x80, s7, s18, $0xb8;
	[tilespmem:$0x1D800] =	vst v63  }
0xb9: {  	_ =	swait.ge [sflag:s15], $0x1400  }
0xba: {  	[sflag:s15] =	ssyncset.done $0x0  }
0xbb: {  	[sflag:s15] =	ssyncadd.s32 $0xFFFFEC00  }
0xbc: {  	_ =	swait.ge [sflag:s31], $0x1400  }
0xbd: {  	[sflag:s31] =	ssyncset.done $0x0  }
0xbe: {  	[sflag:s31] =	ssyncadd.s32 $0xFFFFEC00  }
0xbf: {  	[spmem:s2] =	stream.indirect.scatter.add.f32 [tilespmem:s25], [sflag:$0x7], $0x80, s8, s18, $0xb8;
	[tilespmem:$0x1D800] =	vst v63  }
0xc0: {  	_ =	swait.ge [sflag:s15], $0x1400  }
0xc1: {  	[sflag:s15] =	ssyncset.done $0x0  }
0xc2: {  	[sflag:s15] =	ssyncadd.s32 $0xFFFFEC00  }
0xc3: {  	_ =	swait.ge [sflag:s1], $0x1400  }
0xc4: {  	[sflag:s1] =	ssyncset.done $0x0  }
0xc5: {  	[sflag:s1] =	ssyncadd.s32 $0xFFFFEC00  }
0xc6: {  	[spmem:s2] =	stream.indirect.scatter.add.f32 [tilespmem:s26], [sflag:$0x7], $0x80, s9, s18, $0xb8;
	[tilespmem:$0x1D800] =	vst v63  }
0xc7: {  	_ =	swait.ge [sflag:s15], $0x1400  }
0xc8: {  	[sflag:s15] =	ssyncset.done $0x0  }
0xc9: {  	[sflag:s15] =	ssyncadd.s32 $0xFFFFEC00  }
0xca: {  	_ =	swait.ge [sflag:s10], $0x1900  }
0xcb: {  	[sflag:s10] =	ssyncset.done $0x0  }
0xcc: {  	s20 =	simm.s32 $0x0;
	s22 =	rddreg [dreg:$0x6];
	[sflag:s10] =	ssyncadd.s32 $0xFFFFE700  }
0xcd: {  	[tilespmem:s16], [sflag:$0x6] =	stream.linear.gather [hbm4b:s22+s20], $0x1900, $0x38;
	[tilespmem:$0x1D800] =	vst v63  }
0xce: {  	_ = 	snop  }
0xcf: {  	[tilespmem:s19], [sflag:$0x1] =	stream.indirect.gather [hbm4b:s4+s18], $0x80, s17, s18, $0xb8;
	[tilespmem:$0x1D800] =	vst v63  }
0xd0: {  	s24 =	simm.s32 $0x15880  }
0xd1: {  	[tilespmem:s21], [sflag:$0x2] =	stream.indirect.gather [hbm4b:s4+s18], $0x80, s24, s18, $0xb8;
	[tilespmem:$0x1D800] =	vst v63  }
0xd2: {  	s13 =	simm.s32 $0x15900  }
0xd3: {  	[tilespmem:s23], [sflag:$0x3] =	stream.indirect.gather [hbm4b:s4+s18], $0x80, s13, s18, $0xb8;
	[tilespmem:$0x1D800] =	vst v63  }
0xd4: {  	s20 =	simm.s32 $0x15980  }
0xd5: {  	[tilespmem:s25], [sflag:$0x4] =	stream.indirect.gather [hbm4b:s4+s18], $0x80, s20, s18, $0xb8;
	[tilespmem:$0x1D800] =	vst v63  }
0xd6: {  	s22 =	simm.s32 $0x15A00  }
0xd7: {  	[tilespmem:s26], [sflag:$0x5] =	stream.indirect.gather [hbm4b:s4+s18], $0x80, s22, s18, $0xb8;
	[tilespmem:$0x1D800] =	vst v63  }
0xd8: {  	_ =	swait.ge [sflag:s28], $0x1400  }
0xd9: {  	[sflag:s28] =	ssyncset.done $0x0  }
0xda: {  	s24 =	simm.s32 $0x15828;
	[sflag:s28] =	ssyncadd.s32 $0xFFFFEC00  }
0xdb: {  	[spmem:s2] =	stream.indirect.scatter.add.f32 [tilespmem:s19], [sflag:$0x7], $0x80, s24, s18, $0xb8;
	[tilespmem:$0x1D800] =	vst v63  }
0xdc: {  	_ =	swait.ge [sflag:s15], $0x1400  }
0xdd: {  	[sflag:s15] =	ssyncset.done $0x0  }
0xde: {  	s13 =	simm.s32 $0x15A80;
	[sflag:s15] =	ssyncadd.s32 $0xFFFFEC00  }
0xdf: {  	[tilespmem:s19], [sflag:$0x1] =	stream.indirect.gather [hbm4b:s4+s18], $0x80, s13, s18, $0xb8;
	[tilespmem:$0x1D800] =	vst v63  }
0xe0: {  	_ =	swait.ge [sflag:s29], $0x1400  }
0xe1: {  	[sflag:s29] =	ssyncset.done $0x0  }
0xe2: {  	s20 =	simm.s32 $0x158A8;
	[sflag:s29] =	ssyncadd.s32 $0xFFFFEC00  }
0xe3: {  	[spmem:s2] =	stream.indirect.scatter.add.f32 [tilespmem:s21], [sflag:$0x7], $0x80, s20, s18, $0xb8;
	[tilespmem:$0x1D800] =	vst v63  }
0xe4: {  	_ =	swait.ge [sflag:s15], $0x1400  }
0xe5: {  	[sflag:s15] =	ssyncset.done $0x0  }
0xe6: {  	s22 =	simm.s32 $0x15B00;
	[sflag:s15] =	ssyncadd.s32 $0xFFFFEC00  }
0xe7: {  	[tilespmem:s21], [sflag:$0x2] =	stream.indirect.gather [hbm4b:s4+s18], $0x80, s22, s18, $0xb8;
	[tilespmem:$0x1D800] =	vst v63  }
0xe8: {  	_ =	swait.ge [sflag:s30], $0x1400  }
0xe9: {  	[sflag:s30] =	ssyncset.done $0x0  }
0xea: {  	s24 =	simm.s32 $0x15928;
	[sflag:s30] =	ssyncadd.s32 $0xFFFFEC00  }
0xeb: {  	[spmem:s2] =	stream.indirect.scatter.add.f32 [tilespmem:s23], [sflag:$0x7], $0x80, s24, s18, $0xb8;
	[tilespmem:$0x1D800] =	vst v63  }
0xec: {  	_ =	swait.ge [sflag:s15], $0x1400  }
0xed: {  	[sflag:s15] =	ssyncset.done $0x0  }
0xee: {  	s13 =	simm.s32 $0x15B80;
	[sflag:s15] =	ssyncadd.s32 $0xFFFFEC00  }
0xef: {  	[tilespmem:s23], [sflag:$0x3] =	stream.indirect.gather [hbm4b:s4+s18], $0x80, s13, s18, $0xb8;
	[tilespmem:$0x1D800] =	vst v63  }
0xf0: {  	_ =	swait.ge [sflag:s31], $0x1400  }
0xf1: {  	[sflag:s31] =	ssyncset.done $0x0  }
0xf2: {  	s20 =	simm.s32 $0x159A8;
	[sflag:s31] =	ssyncadd.s32 $0xFFFFEC00  }
0xf3: {  	[spmem:s2] =	stream.indirect.scatter.add.f32 [tilespmem:s25], [sflag:$0x7], $0x80, s20, s18, $0xb8;
	[tilespmem:$0x1D800] =	vst v63  }
0xf4: {  	_ =	swait.ge [sflag:s15], $0x1400  }
0xf5: {  	[sflag:s15] =	ssyncset.done $0x0  }
0xf6: {  	s22 =	simm.s32 $0x15C00;
	[sflag:s15] =	ssyncadd.s32 $0xFFFFEC00  }
0xf7: {  	[tilespmem:s25], [sflag:$0x4] =	stream.indirect.gather [hbm4b:s4+s18], $0x80, s22, s18, $0xb8;
	[tilespmem:$0x1D800] =	vst v63  }
0xf8: {  	_ =	swait.ge [sflag:s1], $0x1400  }
0xf9: {  	[sflag:s1] =	ssyncset.done $0x0  }
0xfa: {  	s24 =	simm.s32 $0x15A28;
	[sflag:s1] =	ssyncadd.s32 $0xFFFFEC00  }
0xfb: {  	[spmem:s2] =	stream.indirect.scatter.add.f32 [tilespmem:s26], [sflag:$0x7], $0x80, s24, s18, $0xb8;
	[tilespmem:$0x1D800] =	vst v63  }
0xfc: {  	_ =	swait.ge [sflag:s15], $0x1400  }
0xfd: {  	s12 =	simm.s32 $0x280;
	s22 =	simm.s32 $0x1400;
	[sflag:s15] =	ssyncset.done $0x0  }
.LBB2_4:
0xfe: {  	s24 =	sadd.s32 $0x15A00, s12  }
0xff: {  	[sflag:s15] =	ssyncadd.s32 $0xFFFFEC00;
	s20 =	smov.u32 s22;
	s13 =	sadd.s32 $0xA00, s22  }
0x100: {  	[tilespmem:s26], [sflag:$0x5] =	stream.indirect.gather [hbm4b:s4+s18], $0x80, s24, s18, $0xb8;
	[tilespmem:$0x1D800] =	vst v63  }
0x101: {  	p0 =	sne.s32 s22, $0x5000;
	_ =	swait.ge [sflag:s28], $0x1400  }
0x102: {  	[sflag:s28] =	ssyncset.done $0x0  }
0x103: {  	s22 =	sadd.s32 $0x15828, s12;
	[sflag:s28] =	ssyncadd.s32 $0xFFFFEC00  }
0x104: {  	[spmem:s2] =	stream.indirect.scatter.add.f32 [tilespmem:s19], [sflag:$0x7], $0x80, s22, s18, $0xb8;
	[tilespmem:$0x1D800] =	vst v63  }
0x105: {  	_ =	swait.ge [sflag:s15], $0x1400  }
0x106: {  	[sflag:s15] =	ssyncset.done $0x0  }
0x107: {  	s22 =	sadd.s32 $0x15A80, s12;
	[sflag:s15] =	ssyncadd.s32 $0xFFFFEC00  }
0x108: {  	[tilespmem:s19], [sflag:$0x1] =	stream.indirect.gather [hbm4b:s4+s18], $0x80, s22, s18, $0xb8;
	[tilespmem:$0x1D800] =	vst v63  }
0x109: {  	_ =	swait.ge [sflag:s29], $0x1400  }
0x10a: {  	[sflag:s29] =	ssyncset.done $0x0  }
0x10b: {  	s22 =	sadd.s32 $0x158A8, s12;
	[sflag:s29] =	ssyncadd.s32 $0xFFFFEC00  }
0x10c: {  	[spmem:s2] =	stream.indirect.scatter.add.f32 [tilespmem:s21], [sflag:$0x7], $0x80, s22, s18, $0xb8;
	[tilespmem:$0x1D800] =	vst v63  }
0x10d: {  	_ =	swait.ge [sflag:s15], $0x1400  }
0x10e: {  	[sflag:s15] =	ssyncset.done $0x0  }
0x10f: {  	s22 =	sadd.s32 $0x15B00, s12;
	[sflag:s15] =	ssyncadd.s32 $0xFFFFEC00  }
0x110: {  	[tilespmem:s21], [sflag:$0x2] =	stream.indirect.gather [hbm4b:s4+s18], $0x80, s22, s18, $0xb8;
	[tilespmem:$0x1D800] =	vst v63  }
0x111: {  	_ =	swait.ge [sflag:s30], $0x1400  }
0x112: {  	[sflag:s30] =	ssyncset.done $0x0  }
0x113: {  	s22 =	sadd.s32 $0x15928, s12;
	[sflag:s30] =	ssyncadd.s32 $0xFFFFEC00  }
0x114: {  	[spmem:s2] =	stream.indirect.scatter.add.f32 [tilespmem:s23], [sflag:$0x7], $0x80, s22, s18, $0xb8;
	[tilespmem:$0x1D800] =	vst v63  }
0x115: {  	_ =	swait.ge [sflag:s15], $0x1400  }
0x116: {  	[sflag:s15] =	ssyncset.done $0x0  }
0x117: {  	s22 =	sadd.s32 $0x15B80, s12;
	[sflag:s15] =	ssyncadd.s32 $0xFFFFEC00  }
0x118: {  	[tilespmem:s23], [sflag:$0x3] =	stream.indirect.gather [hbm4b:s4+s18], $0x80, s22, s18, $0xb8;
	[tilespmem:$0x1D800] =	vst v63  }
0x119: {  	_ =	swait.ge [sflag:s31], $0x1400  }
0x11a: {  	[sflag:s31] =	ssyncset.done $0x0  }
0x11b: {  	s22 =	sadd.s32 $0x159A8, s12;
	[sflag:s31] =	ssyncadd.s32 $0xFFFFEC00  }
0x11c: {  	[spmem:s2] =	stream.indirect.scatter.add.f32 [tilespmem:s25], [sflag:$0x7], $0x80, s22, s18, $0xb8;
	[tilespmem:$0x1D800] =	vst v63  }
0x11d: {  	_ =	swait.ge [sflag:s15], $0x1400  }
0x11e: {  	[sflag:s15] =	ssyncset.done $0x0  }
0x11f: {  	s22 =	sadd.s32 $0x15C00, s12;
	[sflag:s15] =	ssyncadd.s32 $0xFFFFEC00  }
0x120: {  	[tilespmem:s25], [sflag:$0x4] =	stream.indirect.gather [hbm4b:s4+s18], $0x80, s22, s18, $0xb8;
	[tilespmem:$0x1D800] =	vst v63  }
0x121: {  	_ =	swait.ge [sflag:s1], $0x1400  }
.Ltmp1:
0x122: {  	[sflag:s1] =	ssyncset.done $0x0;
	(pc) =	sbr.rel @p0 .LBB2_4-.Ltmp1, $4  }
0x123: {  	s12 =	sadd.s32 $0x15A28, s12;
	[sflag:s1] =	ssyncadd.s32 $0xFFFFEC00  }
0x124: {  	[spmem:s2] =	stream.indirect.scatter.add.f32 [tilespmem:s26], [sflag:$0x7], $0x80, s12, s18, $0xb8;
	[tilespmem:$0x1D800] =	vst v63  }
0x125: {  	_ =	swait.ge [sflag:s15], $0x1400  }
0x126: {  	s22 =	smov.u32 s13;
	s12 =	sshra.s32 s20, $0x2;
	[sflag:s15] =	ssyncset.done $0x0  }
0x127: {  	s13 =	sadd.s32 $0x15A00, s12;
	[sflag:s15] =	ssyncadd.s32 $0xFFFFEC00  }
0x128: {  	[tilespmem:s26], [sflag:$0x5] =	stream.indirect.gather [hbm4b:s4+s18], $0x80, s13, s18, $0xb8;
	[tilespmem:$0x1D800] =	vst v63  }
0x129: {  	_ =	swait.ge [sflag:s28], $0x1400  }
0x12a: {  	[sflag:s28] =	ssyncset.done $0x0  }
0x12b: {  	s24 =	sadd.s32 $0x15828, s12;
	[sflag:s28] =	ssyncadd.s32 $0xFFFFEC00  }
0x12c: {  	[spmem:s2] =	stream.indirect.scatter.add.f32 [tilespmem:s19], [sflag:$0x7], $0x80, s24, s18, $0xb8;
	[tilespmem:$0x1D800] =	vst v63  }
0x12d: {  	_ =	swait.ge [sflag:s15], $0x1400  }
0x12e: {  	[sflag:s15] =	ssyncset.done $0x0  }
0x12f: {  	s20 =	sadd.s32 $0x15A80, s12;
	[sflag:s15] =	ssyncadd.s32 $0xFFFFEC00  }
0x130: {  	[tilespmem:s19], [sflag:$0x1] =	stream.indirect.gather [hbm4b:s4+s18], $0x80, s20, s18, $0xb8;
	[tilespmem:$0x1D800] =	vst v63  }
0x131: {  	_ =	swait.ge [sflag:s29], $0x1400  }
0x132: {  	[sflag:s29] =	ssyncset.done $0x0  }
0x133: {  	s22 =	sadd.s32 $0x158A8, s12;
	[sflag:s29] =	ssyncadd.s32 $0xFFFFEC00  }
0x134: {  	[spmem:s2] =	stream.indirect.scatter.add.f32 [tilespmem:s21], [sflag:$0x7], $0x80, s22, s18, $0xb8;
	[tilespmem:$0x1D800] =	vst v63  }
0x135: {  	_ =	swait.ge [sflag:s15], $0x1400  }
0x136: {  	[sflag:s15] =	ssyncset.done $0x0  }
0x137: {  	s24 =	sadd.s32 $0x15B00, s12;
	[sflag:s15] =	ssyncadd.s32 $0xFFFFEC00  }
0x138: {  	[tilespmem:s21], [sflag:$0x2] =	stream.indirect.gather [hbm4b:s4+s18], $0x80, s24, s18, $0xb8;
	[tilespmem:$0x1D800] =	vst v63  }
0x139: {  	_ =	swait.ge [sflag:s30], $0x1400  }
0x13a: {  	[sflag:s30] =	ssyncset.done $0x0  }
0x13b: {  	s20 =	sadd.s32 $0x15928, s12;
	[sflag:s30] =	ssyncadd.s32 $0xFFFFEC00  }
0x13c: {  	[spmem:s2] =	stream.indirect.scatter.add.f32 [tilespmem:s23], [sflag:$0x7], $0x80, s20, s18, $0xb8;
	[tilespmem:$0x1D800] =	vst v63  }
0x13d: {  	_ =	swait.ge [sflag:s15], $0x1400  }
0x13e: {  	[sflag:s15] =	ssyncset.done $0x0  }
0x13f: {  	s22 =	sadd.s32 $0x15B80, s12;
	[sflag:s15] =	ssyncadd.s32 $0xFFFFEC00  }
0x140: {  	[tilespmem:s23], [sflag:$0x3] =	stream.indirect.gather [hbm4b:s4+s18], $0x80, s22, s18, $0xb8;
	[tilespmem:$0x1D800] =	vst v63  }
0x141: {  	_ =	swait.ge [sflag:s31], $0x1400  }
0x142: {  	[sflag:s31] =	ssyncset.done $0x0  }
0x143: {  	s24 =	sadd.s32 $0x159A8, s12;
	[sflag:s31] =	ssyncadd.s32 $0xFFFFEC00  }
0x144: {  	[spmem:s2] =	stream.indirect.scatter.add.f32 [tilespmem:s25], [sflag:$0x7], $0x80, s24, s18, $0xb8;
	[tilespmem:$0x1D800] =	vst v63  }
0x145: {  	_ =	swait.ge [sflag:s15], $0x1400  }
0x146: {  	[sflag:s15] =	ssyncset.done $0x0  }
0x147: {  	s20 =	sadd.s32 $0x15C00, s12;
	[sflag:s15] =	ssyncadd.s32 $0xFFFFEC00  }
0x148: {  	[tilespmem:s25], [sflag:$0x4] =	stream.indirect.gather [hbm4b:s4+s18], $0x80, s20, s18, $0xb8;
	[tilespmem:$0x1D800] =	vst v63  }
0x149: {  	_ =	swait.ge [sflag:s1], $0x1400  }
0x14a: {  	[sflag:s1] =	ssyncset.done $0x0  }
0x14b: {  	s22 =	sadd.s32 $0x15A28, s12;
	[sflag:s1] =	ssyncadd.s32 $0xFFFFEC00  }
0x14c: {  	[spmem:s2] =	stream.indirect.scatter.add.f32 [tilespmem:s26], [sflag:$0x7], $0x80, s22, s18, $0xb8;
	[tilespmem:$0x1D800] =	vst v63  }
0x14d: {  	_ =	swait.ge [sflag:s15], $0x1400  }
0x14e: {  	[sflag:s15] =	ssyncset.done $0x0  }
0x14f: {  	s24 =	simm.s32 $0x17080;
	[sflag:s15] =	ssyncadd.s32 $0xFFFFEC00  }
0x150: {  	[tilespmem:s26], [sflag:$0x5] =	stream.indirect.gather [hbm4b:s4+s18], $0x80, s24, s18, $0xb8;
	[tilespmem:$0x1D800] =	vst v63  }
0x151: {  	_ =	swait.ge [sflag:s28], $0x1400  }
0x152: {  	[sflag:s28] =	ssyncset.done $0x0  }
0x153: {  	s13 =	simm.s32 $0x16EA8;
	[sflag:s28] =	ssyncadd.s32 $0xFFFFEC00  }
0x154: {  	[spmem:s2] =	stream.indirect.scatter.add.f32 [tilespmem:s19], [sflag:$0x7], $0x80, s13, s18, $0xb8;
	[tilespmem:$0x1D800] =	vst v63  }
0x155: {  	_ =	swait.ge [sflag:s15], $0x1400  }
0x156: {  	[sflag:s15] =	ssyncset.done $0x0  }
0x157: {  	[sflag:s15] =	ssyncadd.s32 $0xFFFFEC00  }
0x158: {  	_ =	swait.ge [sflag:s29], $0x1400  }
0x159: {  	[sflag:s29] =	ssyncset.done $0x0  }
0x15a: {  	s20 =	simm.s32 $0x16F28;
	[sflag:s29] =	ssyncadd.s32 $0xFFFFEC00  }
0x15b: {  	[spmem:s2] =	stream.indirect.scatter.add.f32 [tilespmem:s21], [sflag:$0x7], $0x80, s20, s18, $0xb8;
	[tilespmem:$0x1D800] =	vst v63  }
0x15c: {  	_ =	swait.ge [sflag:s15], $0x1400  }
0x15d: {  	[sflag:s15] =	ssyncset.done $0x0  }
0x15e: {  	[sflag:s15] =	ssyncadd.s32 $0xFFFFEC00  }
0x15f: {  	_ =	swait.ge [sflag:s30], $0x1400  }
0x160: {  	[sflag:s30] =	ssyncset.done $0x0  }
0x161: {  	s22 =	simm.s32 $0x16FA8;
	[sflag:s30] =	ssyncadd.s32 $0xFFFFEC00  }
0x162: {  	[spmem:s2] =	stream.indirect.scatter.add.f32 [tilespmem:s23], [sflag:$0x7], $0x80, s22, s18, $0xb8;
	[tilespmem:$0x1D800] =	vst v63  }
0x163: {  	_ =	swait.ge [sflag:s15], $0x1400  }
0x164: {  	[sflag:s15] =	ssyncset.done $0x0  }
0x165: {  	[sflag:s15] =	ssyncadd.s32 $0xFFFFEC00  }
0x166: {  	_ =	swait.ge [sflag:s31], $0x1400  }
0x167: {  	[sflag:s31] =	ssyncset.done $0x0  }
0x168: {  	s24 =	simm.s32 $0x17028;
	[sflag:s31] =	ssyncadd.s32 $0xFFFFEC00  }
0x169: {  	[spmem:s2] =	stream.indirect.scatter.add.f32 [tilespmem:s25], [sflag:$0x7], $0x80, s24, s18, $0xb8;
	[tilespmem:$0x1D800] =	vst v63  }
0x16a: {  	_ =	swait.ge [sflag:s15], $0x1400  }
0x16b: {  	[sflag:s15] =	ssyncset.done $0x0  }
0x16c: {  	[sflag:s15] =	ssyncadd.s32 $0xFFFFEC00  }
0x16d: {  	_ =	swait.ge [sflag:s1], $0x1400  }
0x16e: {  	[sflag:s1] =	ssyncset.done $0x0  }
0x16f: {  	s13 =	simm.s32 $0x170A8;
	[sflag:s1] =	ssyncadd.s32 $0xFFFFEC00  }
0x170: {  	[spmem:s2] =	stream.indirect.scatter.add.f32 [tilespmem:s26], [sflag:$0x7], $0x80, s13, s18, $0xb8;
	[tilespmem:$0x1D800] =	vst v63  }
0x171: {  	_ =	swait.ge [sflag:s15], $0x1400  }
0x172: {  	[sflag:s15] =	ssyncset.done $0x0  }
0x173: {  	[sflag:s15] =	ssyncadd.s32 $0xFFFFEC00  }
0x174: {  	_ =	swait.ge [sflag:s10], $0x1900  }
0x175: {  	[sflag:s10] =	ssyncset.done $0x0  }
0x176: {  	s20 =	simm.s32 $0x0;
	s22 =	rddreg [dreg:$0x7];
	[sflag:s10] =	ssyncadd.s32 $0xFFFFE700  }
0x177: {  	[tilespmem:s17], [sflag:$0x6] =	stream.linear.gather [hbm4b:s22+s20], $0x1900, $0x38;
	[tilespmem:$0x1D800] =	vst v63  }
0x178: {  	_ = 	snop  }
0x179: {  	[tilespmem:s19], [sflag:$0x1] =	stream.indirect.gather [hbm4b:s4+s18], $0x80, s16, s18, $0xb8;
	[tilespmem:$0x1D800] =	vst v63  }
0x17a: {  	s24 =	simm.s32 $0x13C80  }
0x17b: {  	[tilespmem:s21], [sflag:$0x2] =	stream.indirect.gather [hbm4b:s4+s18], $0x80, s24, s18, $0xb8;
	[tilespmem:$0x1D800] =	vst v63  }
0x17c: {  	s13 =	simm.s32 $0x13D00  }
0x17d: {  	[tilespmem:s23], [sflag:$0x3] =	stream.indirect.gather [hbm4b:s4+s18], $0x80, s13, s18, $0xb8;
	[tilespmem:$0x1D800] =	vst v63  }
0x17e: {  	s20 =	simm.s32 $0x13D80  }
0x17f: {  	[tilespmem:s25], [sflag:$0x4] =	stream.indirect.gather [hbm4b:s4+s18], $0x80, s20, s18, $0xb8;
	[tilespmem:$0x1D800] =	vst v63  }
0x180: {  	s22 =	simm.s32 $0x13E00  }
0x181: {  	[tilespmem:s26], [sflag:$0x5] =	stream.indirect.gather [hbm4b:s4+s18], $0x80, s22, s18, $0xb8;
	[tilespmem:$0x1D800] =	vst v63  }
0x182: {  	_ =	swait.ge [sflag:s28], $0x1400  }
0x183: {  	[sflag:s28] =	ssyncset.done $0x0  }
0x184: {  	s24 =	simm.s32 $0x13C28;
	[sflag:s28] =	ssyncadd.s32 $0xFFFFEC00  }
0x185: {  	[spmem:s2] =	stream.indirect.scatter.add.f32 [tilespmem:s19], [sflag:$0x7], $0x80, s24, s18, $0xb8;
	[tilespmem:$0x1D800] =	vst v63  }
0x186: {  	_ =	swait.ge [sflag:s15], $0x1400  }
0x187: {  	[sflag:s15] =	ssyncset.done $0x0  }
0x188: {  	s13 =	simm.s32 $0x13E80;
	[sflag:s15] =	ssyncadd.s32 $0xFFFFEC00  }
0x189: {  	[tilespmem:s19], [sflag:$0x1] =	stream.indirect.gather [hbm4b:s4+s18], $0x80, s13, s18, $0xb8;
	[tilespmem:$0x1D800] =	vst v63  }
0x18a: {  	_ =	swait.ge [sflag:s29], $0x1400  }
0x18b: {  	[sflag:s29] =	ssyncset.done $0x0  }
0x18c: {  	s20 =	simm.s32 $0x13CA8;
	[sflag:s29] =	ssyncadd.s32 $0xFFFFEC00  }
0x18d: {  	[spmem:s2] =	stream.indirect.scatter.add.f32 [tilespmem:s21], [sflag:$0x7], $0x80, s20, s18, $0xb8;
	[tilespmem:$0x1D800] =	vst v63  }
0x18e: {  	_ =	swait.ge [sflag:s15], $0x1400  }
0x18f: {  	[sflag:s15] =	ssyncset.done $0x0  }
0x190: {  	s22 =	simm.s32 $0x13F00;
	[sflag:s15] =	ssyncadd.s32 $0xFFFFEC00  }
0x191: {  	[tilespmem:s21], [sflag:$0x2] =	stream.indirect.gather [hbm4b:s4+s18], $0x80, s22, s18, $0xb8;
	[tilespmem:$0x1D800] =	vst v63  }
0x192: {  	_ =	swait.ge [sflag:s30], $0x1400  }
0x193: {  	[sflag:s30] =	ssyncset.done $0x0  }
0x194: {  	s24 =	simm.s32 $0x13D28;
	[sflag:s30] =	ssyncadd.s32 $0xFFFFEC00  }
0x195: {  	[spmem:s2] =	stream.indirect.scatter.add.f32 [tilespmem:s23], [sflag:$0x7], $0x80, s24, s18, $0xb8;
	[tilespmem:$0x1D800] =	vst v63  }
0x196: {  	_ =	swait.ge [sflag:s15], $0x1400  }
0x197: {  	[sflag:s15] =	ssyncset.done $0x0  }
0x198: {  	s13 =	simm.s32 $0x13F80;
	[sflag:s15] =	ssyncadd.s32 $0xFFFFEC00  }
0x199: {  	[tilespmem:s23], [sflag:$0x3] =	stream.indirect.gather [hbm4b:s4+s18], $0x80, s13, s18, $0xb8;
	[tilespmem:$0x1D800] =	vst v63  }
0x19a: {  	_ =	swait.ge [sflag:s31], $0x1400  }
0x19b: {  	[sflag:s31] =	ssyncset.done $0x0  }
0x19c: {  	s20 =	simm.s32 $0x13DA8;
	[sflag:s31] =	ssyncadd.s32 $0xFFFFEC00  }
0x19d: {  	[spmem:s2] =	stream.indirect.scatter.add.f32 [tilespmem:s25], [sflag:$0x7], $0x80, s20, s18, $0xb8;
	[tilespmem:$0x1D800] =	vst v63  }
0x19e: {  	_ =	swait.ge [sflag:s15], $0x1400  }
0x19f: {  	[sflag:s15] =	ssyncset.done $0x0  }
0x1a0: {  	s22 =	simm.s32 $0x14000;
	[sflag:s15] =	ssyncadd.s32 $0xFFFFEC00  }
0x1a1: {  	[tilespmem:s25], [sflag:$0x4] =	stream.indirect.gather [hbm4b:s4+s18], $0x80, s22, s18, $0xb8;
	[tilespmem:$0x1D800] =	vst v63  }
0x1a2: {  	_ =	swait.ge [sflag:s1], $0x1400  }
0x1a3: {  	[sflag:s1] =	ssyncset.done $0x0  }
0x1a4: {  	s24 =	simm.s32 $0x13E28;
	[sflag:s1] =	ssyncadd.s32 $0xFFFFEC00  }
0x1a5: {  	[spmem:s2] =	stream.indirect.scatter.add.f32 [tilespmem:s26], [sflag:$0x7], $0x80, s24, s18, $0xb8;
	[tilespmem:$0x1D800] =	vst v63  }
0x1a6: {  	_ =	swait.ge [sflag:s15], $0x1400  }
0x1a7: {  	s12 =	simm.s32 $0x280;
	s22 =	simm.s32 $0x1400;
	[sflag:s15] =	ssyncset.done $0x0  }
.LBB2_6:
0x1a8: {  	s24 =	sadd.s32 $0x13E00, s12  }
0x1a9: {  	[sflag:s15] =	ssyncadd.s32 $0xFFFFEC00;
	s20 =	smov.u32 s22;
	s13 =	sadd.s32 $0xA00, s22  }
0x1aa: {  	[tilespmem:s26], [sflag:$0x5] =	stream.indirect.gather [hbm4b:s4+s18], $0x80, s24, s18, $0xb8;
	[tilespmem:$0x1D800] =	vst v63  }
0x1ab: {  	p0 =	sne.s32 s22, $0x5000;
	_ =	swait.ge [sflag:s28], $0x1400  }
0x1ac: {  	[sflag:s28] =	ssyncset.done $0x0  }
0x1ad: {  	s22 =	sadd.s32 $0x13C28, s12;
	[sflag:s28] =	ssyncadd.s32 $0xFFFFEC00  }
0x1ae: {  	[spmem:s2] =	stream.indirect.scatter.add.f32 [tilespmem:s19], [sflag:$0x7], $0x80, s22, s18, $0xb8;
	[tilespmem:$0x1D800] =	vst v63  }
0x1af: {  	_ =	swait.ge [sflag:s15], $0x1400  }
0x1b0: {  	[sflag:s15] =	ssyncset.done $0x0  }
0x1b1: {  	s22 =	sadd.s32 $0x13E80, s12;
	[sflag:s15] =	ssyncadd.s32 $0xFFFFEC00  }
0x1b2: {  	[tilespmem:s19], [sflag:$0x1] =	stream.indirect.gather [hbm4b:s4+s18], $0x80, s22, s18, $0xb8;
	[tilespmem:$0x1D800] =	vst v63  }
0x1b3: {  	_ =	swait.ge [sflag:s29], $0x1400  }
0x1b4: {  	[sflag:s29] =	ssyncset.done $0x0  }
0x1b5: {  	s22 =	sadd.s32 $0x13CA8, s12;
	[sflag:s29] =	ssyncadd.s32 $0xFFFFEC00  }
0x1b6: {  	[spmem:s2] =	stream.indirect.scatter.add.f32 [tilespmem:s21], [sflag:$0x7], $0x80, s22, s18, $0xb8;
	[tilespmem:$0x1D800] =	vst v63  }
0x1b7: {  	_ =	swait.ge [sflag:s15], $0x1400  }
0x1b8: {  	[sflag:s15] =	ssyncset.done $0x0  }
0x1b9: {  	s22 =	sadd.s32 $0x13F00, s12;
	[sflag:s15] =	ssyncadd.s32 $0xFFFFEC00  }
0x1ba: {  	[tilespmem:s21], [sflag:$0x2] =	stream.indirect.gather [hbm4b:s4+s18], $0x80, s22, s18, $0xb8;
	[tilespmem:$0x1D800] =	vst v63  }
0x1bb: {  	_ =	swait.ge [sflag:s30], $0x1400  }
0x1bc: {  	[sflag:s30] =	ssyncset.done $0x0  }
0x1bd: {  	s22 =	sadd.s32 $0x13D28, s12;
	[sflag:s30] =	ssyncadd.s32 $0xFFFFEC00  }
0x1be: {  	[spmem:s2] =	stream.indirect.scatter.add.f32 [tilespmem:s23], [sflag:$0x7], $0x80, s22, s18, $0xb8;
	[tilespmem:$0x1D800] =	vst v63  }
0x1bf: {  	_ =	swait.ge [sflag:s15], $0x1400  }
0x1c0: {  	[sflag:s15] =	ssyncset.done $0x0  }
0x1c1: {  	s22 =	sadd.s32 $0x13F80, s12;
	[sflag:s15] =	ssyncadd.s32 $0xFFFFEC00  }
0x1c2: {  	[tilespmem:s23], [sflag:$0x3] =	stream.indirect.gather [hbm4b:s4+s18], $0x80, s22, s18, $0xb8;
	[tilespmem:$0x1D800] =	vst v63  }
0x1c3: {  	_ =	swait.ge [sflag:s31], $0x1400  }
0x1c4: {  	[sflag:s31] =	ssyncset.done $0x0  }
0x1c5: {  	s22 =	sadd.s32 $0x13DA8, s12;
	[sflag:s31] =	ssyncadd.s32 $0xFFFFEC00  }
0x1c6: {  	[spmem:s2] =	stream.indirect.scatter.add.f32 [tilespmem:s25], [sflag:$0x7], $0x80, s22, s18, $0xb8;
	[tilespmem:$0x1D800] =	vst v63  }
0x1c7: {  	_ =	swait.ge [sflag:s15], $0x1400  }
0x1c8: {  	[sflag:s15] =	ssyncset.done $0x0  }
0x1c9: {  	s22 =	sadd.s32 $0x14000, s12;
	[sflag:s15] =	ssyncadd.s32 $0xFFFFEC00  }
0x1ca: {  	[tilespmem:s25], [sflag:$0x4] =	stream.indirect.gather [hbm4b:s4+s18], $0x80, s22, s18, $0xb8;
	[tilespmem:$0x1D800] =	vst v63  }
0x1cb: {  	_ =	swait.ge [sflag:s1], $0x1400  }
.Ltmp2:
0x1cc: {  	[sflag:s1] =	ssyncset.done $0x0;
	(pc) =	sbr.rel @p0 .LBB2_6-.Ltmp2, $4  }
0x1cd: {  	s12 =	sadd.s32 $0x13E28, s12;
	[sflag:s1] =	ssyncadd.s32 $0xFFFFEC00  }
0x1ce: {  	[spmem:s2] =	stream.indirect.scatter.add.f32 [tilespmem:s26], [sflag:$0x7], $0x80, s12, s18, $0xb8;
	[tilespmem:$0x1D800] =	vst v63  }
0x1cf: {  	_ =	swait.ge [sflag:s15], $0x1400  }
0x1d0: {  	s22 =	smov.u32 s13;
	s12 =	sshra.s32 s20, $0x2;
	[sflag:s15] =	ssyncset.done $0x0  }
0x1d1: {  	s13 =	sadd.s32 $0x13E00, s12;
	[sflag:s15] =	ssyncadd.s32 $0xFFFFEC00  }
0x1d2: {  	[tilespmem:s26], [sflag:$0x5] =	stream.indirect.gather [hbm4b:s4+s18], $0x80, s13, s18, $0xb8;
	[tilespmem:$0x1D800] =	vst v63  }
0x1d3: {  	_ =	swait.ge [sflag:s28], $0x1400  }
0x1d4: {  	[sflag:s28] =	ssyncset.done $0x0  }
0x1d5: {  	s22 =	sadd.s32 $0x13C28, s12;
	[sflag:s28] =	ssyncadd.s32 $0xFFFFEC00  }
0x1d6: {  	[spmem:s2] =	stream.indirect.scatter.add.f32 [tilespmem:s19], [sflag:$0x7], $0x80, s22, s18, $0xb8;
	[tilespmem:$0x1D800] =	vst v63  }
0x1d7: {  	_ =	swait.ge [sflag:s15], $0x1400  }
0x1d8: {  	[sflag:s15] =	ssyncset.done $0x0  }
0x1d9: {  	s24 =	sadd.s32 $0x13E80, s12;
	[sflag:s15] =	ssyncadd.s32 $0xFFFFEC00  }
0x1da: {  	[tilespmem:s19], [sflag:$0x1] =	stream.indirect.gather [hbm4b:s4+s18], $0x80, s24, s18, $0xb8;
	[tilespmem:$0x1D800] =	vst v63  }
0x1db: {  	_ =	swait.ge [sflag:s29], $0x1400  }
0x1dc: {  	[sflag:s29] =	ssyncset.done $0x0  }
0x1dd: {  	s20 =	sadd.s32 $0x13CA8, s12;
	[sflag:s29] =	ssyncadd.s32 $0xFFFFEC00  }
0x1de: {  	[spmem:s2] =	stream.indirect.scatter.add.f32 [tilespmem:s21], [sflag:$0x7], $0x80, s20, s18, $0xb8;
	[tilespmem:$0x1D800] =	vst v63  }
0x1df: {  	_ =	swait.ge [sflag:s15], $0x1400  }
0x1e0: {  	[sflag:s15] =	ssyncset.done $0x0  }
0x1e1: {  	s22 =	sadd.s32 $0x13F00, s12;
	[sflag:s15] =	ssyncadd.s32 $0xFFFFEC00  }
0x1e2: {  	[tilespmem:s21], [sflag:$0x2] =	stream.indirect.gather [hbm4b:s4+s18], $0x80, s22, s18, $0xb8;
	[tilespmem:$0x1D800] =	vst v63  }
0x1e3: {  	_ =	swait.ge [sflag:s30], $0x1400  }
0x1e4: {  	[sflag:s30] =	ssyncset.done $0x0  }
0x1e5: {  	s24 =	sadd.s32 $0x13D28, s12;
	[sflag:s30] =	ssyncadd.s32 $0xFFFFEC00  }
0x1e6: {  	[spmem:s2] =	stream.indirect.scatter.add.f32 [tilespmem:s23], [sflag:$0x7], $0x80, s24, s18, $0xb8;
	[tilespmem:$0x1D800] =	vst v63  }
0x1e7: {  	_ =	swait.ge [sflag:s15], $0x1400  }
0x1e8: {  	[sflag:s15] =	ssyncset.done $0x0  }
0x1e9: {  	s20 =	sadd.s32 $0x13F80, s12;
	[sflag:s15] =	ssyncadd.s32 $0xFFFFEC00  }
0x1ea: {  	[tilespmem:s23], [sflag:$0x3] =	stream.indirect.gather [hbm4b:s4+s18], $0x80, s20, s18, $0xb8;
	[tilespmem:$0x1D800] =	vst v63  }
0x1eb: {  	_ =	swait.ge [sflag:s31], $0x1400  }
0x1ec: {  	[sflag:s31] =	ssyncset.done $0x0  }
0x1ed: {  	s22 =	sadd.s32 $0x13DA8, s12;
	[sflag:s31] =	ssyncadd.s32 $0xFFFFEC00  }
0x1ee: {  	[spmem:s2] =	stream.indirect.scatter.add.f32 [tilespmem:s25], [sflag:$0x7], $0x80, s22, s18, $0xb8;
	[tilespmem:$0x1D800] =	vst v63  }
0x1ef: {  	_ =	swait.ge [sflag:s15], $0x1400  }
0x1f0: {  	[sflag:s15] =	ssyncset.done $0x0  }
0x1f1: {  	s24 =	sadd.s32 $0x14000, s12;
	[sflag:s15] =	ssyncadd.s32 $0xFFFFEC00  }
0x1f2: {  	[tilespmem:s25], [sflag:$0x4] =	stream.indirect.gather [hbm4b:s4+s18], $0x80, s24, s18, $0xb8;
	[tilespmem:$0x1D800] =	vst v63  }
0x1f3: {  	_ =	swait.ge [sflag:s1], $0x1400  }
0x1f4: {  	[sflag:s1] =	ssyncset.done $0x0  }
0x1f5: {  	s13 =	sadd.s32 $0x13E28, s12;
	[sflag:s1] =	ssyncadd.s32 $0xFFFFEC00  }
0x1f6: {  	[spmem:s2] =	stream.indirect.scatter.add.f32 [tilespmem:s26], [sflag:$0x7], $0x80, s13, s18, $0xb8;
	[tilespmem:$0x1D800] =	vst v63  }
0x1f7: {  	_ =	swait.ge [sflag:s15], $0x1400  }
0x1f8: {  	[sflag:s15] =	ssyncset.done $0x0  }
0x1f9: {  	[sflag:s15] =	ssyncadd.s32 $0xFFFFEC00  }
0x1fa: {  	[tilespmem:s26], [sflag:$0x5] =	stream.indirect.gather [hbm4b:s4+s18], $0x80, s0, s18, $0xb8;
	[tilespmem:$0x1D800] =	vst v63  }
0x1fb: {  	_ =	swait.ge [sflag:s28], $0x1400  }
0x1fc: {  	[sflag:s28] =	ssyncset.done $0x0  }
0x1fd: {  	[sflag:s28] =	ssyncadd.s32 $0xFFFFEC00  }
0x1fe: {  	[spmem:s2] =	stream.indirect.scatter.add.f32 [tilespmem:s19], [sflag:$0x7], $0x80, s3, s18, $0xb8;
	[tilespmem:$0x1D800] =	vst v63  }
0x1ff: {  	_ =	swait.ge [sflag:s15], $0x1400  }
0x200: {  	[sflag:s15] =	ssyncset.done $0x0  }
0x201: {  	[sflag:s15] =	ssyncadd.s32 $0xFFFFEC00  }
0x202: {  	_ =	swait.ge [sflag:s29], $0x1400  }
0x203: {  	[sflag:s29] =	ssyncset.done $0x0  }
0x204: {  	[sflag:s29] =	ssyncadd.s32 $0xFFFFEC00  }
0x205: {  	[spmem:s2] =	stream.indirect.scatter.add.f32 [tilespmem:s21], [sflag:$0x7], $0x80, s5, s18, $0xb8;
	[tilespmem:$0x1D800] =	vst v63  }
0x206: {  	_ =	swait.ge [sflag:s15], $0x1400  }
0x207: {  	[sflag:s15] =	ssyncset.done $0x0  }
0x208: {  	[sflag:s15] =	ssyncadd.s32 $0xFFFFEC00  }
0x209: {  	_ =	swait.ge [sflag:s30], $0x1400  }
0x20a: {  	[sflag:s30] =	ssyncset.done $0x0  }
0x20b: {  	[sflag:s30] =	ssyncadd.s32 $0xFFFFEC00  }
0x20c: {  	[spmem:s2] =	stream.indirect.scatter.add.f32 [tilespmem:s23], [sflag:$0x7], $0x80, s7, s18, $0xb8;
	[tilespmem:$0x1D800] =	vst v63  }
0x20d: {  	_ =	swait.ge [sflag:s15], $0x1400  }
0x20e: {  	[sflag:s15] =	ssyncset.done $0x0  }
0x20f: {  	[sflag:s15] =	ssyncadd.s32 $0xFFFFEC00  }
0x210: {  	_ =	swait.ge [sflag:s31], $0x1400  }
0x211: {  	[sflag:s31] =	ssyncset.done $0x0  }
0x212: {  	[sflag:s31] =	ssyncadd.s32 $0xFFFFEC00  }
0x213: {  	[spmem:s2] =	stream.indirect.scatter.add.f32 [tilespmem:s25], [sflag:$0x7], $0x80, s8, s18, $0xb8;
	[tilespmem:$0x1D800] =	vst v63  }
0x214: {  	_ =	swait.ge [sflag:s15], $0x1400  }
0x215: {  	[sflag:s15] =	ssyncset.done $0x0  }
0x216: {  	[sflag:s15] =	ssyncadd.s32 $0xFFFFEC00  }
0x217: {  	_ =	swait.ge [sflag:s1], $0x1400  }
0x218: {  	[sflag:s1] =	ssyncset.done $0x0  }
0x219: {  	[sflag:s1] =	ssyncadd.s32 $0xFFFFEC00  }
0x21a: {  	[spmem:s2] =	stream.indirect.scatter.add.f32 [tilespmem:s26], [sflag:$0x7], $0x80, s9, s18, $0xb8;
	[tilespmem:$0x1D800] =	vst v63  }
0x21b: {  	_ =	swait.ge [sflag:s15], $0x1400  }
0x21c: {  	[sflag:s15] =	ssyncset.done $0x0  }
0x21d: {  	[sflag:s15] =	ssyncadd.s32 $0xFFFFEC00  }
0x21e: {  	_ =	swait.ge [sflag:s10], $0x1900  }
0x21f: {  	[sflag:s10] =	ssyncset.done $0x0  }
0x220: {  	s20 =	simm.s32 $0x0;
	s22 =	rddreg [dreg:$0x8];
	[sflag:s10] =	ssyncadd.s32 $0xFFFFE700  }
0x221: {  	[tilespmem:s16], [sflag:$0x6] =	stream.linear.gather [hbm4b:s22+s20], $0x1900, $0x38;
	[tilespmem:$0x1D800] =	vst v63  }
0x222: {  	_ = 	snop  }
0x223: {  	[tilespmem:s19], [sflag:$0x1] =	stream.indirect.gather [hbm4b:s4+s18], $0x80, s17, s18, $0xb8;
	[tilespmem:$0x1D800] =	vst v63  }
0x224: {  	s24 =	simm.s32 $0x15880  }
0x225: {  	[tilespmem:s21], [sflag:$0x2] =	stream.indirect.gather [hbm4b:s4+s18], $0x80, s24, s18, $0xb8;
	[tilespmem:$0x1D800] =	vst v63  }
0x226: {  	s13 =	simm.s32 $0x15900  }
0x227: {  	[tilespmem:s23], [sflag:$0x3] =	stream.indirect.gather [hbm4b:s4+s18], $0x80, s13, s18, $0xb8;
	[tilespmem:$0x1D800] =	vst v63  }
0x228: {  	s20 =	simm.s32 $0x15980  }
0x229: {  	[tilespmem:s25], [sflag:$0x4] =	stream.indirect.gather [hbm4b:s4+s18], $0x80, s20, s18, $0xb8;
	[tilespmem:$0x1D800] =	vst v63  }
0x22a: {  	s22 =	simm.s32 $0x15A00  }
0x22b: {  	[tilespmem:s26], [sflag:$0x5] =	stream.indirect.gather [hbm4b:s4+s18], $0x80, s22, s18, $0xb8;
	[tilespmem:$0x1D800] =	vst v63  }
0x22c: {  	_ =	swait.ge [sflag:s28], $0x1400  }
0x22d: {  	[sflag:s28] =	ssyncset.done $0x0  }
0x22e: {  	s24 =	simm.s32 $0x15828;
	[sflag:s28] =	ssyncadd.s32 $0xFFFFEC00  }
0x22f: {  	[spmem:s2] =	stream.indirect.scatter.add.f32 [tilespmem:s19], [sflag:$0x7], $0x80, s24, s18, $0xb8;
	[tilespmem:$0x1D800] =	vst v63  }
0x230: {  	_ =	swait.ge [sflag:s15], $0x1400  }
0x231: {  	[sflag:s15] =	ssyncset.done $0x0  }
0x232: {  	s13 =	simm.s32 $0x15A80;
	[sflag:s15] =	ssyncadd.s32 $0xFFFFEC00  }
0x233: {  	[tilespmem:s19], [sflag:$0x1] =	stream.indirect.gather [hbm4b:s4+s18], $0x80, s13, s18, $0xb8;
	[tilespmem:$0x1D800] =	vst v63  }
0x234: {  	_ =	swait.ge [sflag:s29], $0x1400  }
0x235: {  	[sflag:s29] =	ssyncset.done $0x0  }
0x236: {  	s20 =	simm.s32 $0x158A8;
	[sflag:s29] =	ssyncadd.s32 $0xFFFFEC00  }
0x237: {  	[spmem:s2] =	stream.indirect.scatter.add.f32 [tilespmem:s21], [sflag:$0x7], $0x80, s20, s18, $0xb8;
	[tilespmem:$0x1D800] =	vst v63  }
0x238: {  	_ =	swait.ge [sflag:s15], $0x1400  }
0x239: {  	[sflag:s15] =	ssyncset.done $0x0  }
0x23a: {  	s22 =	simm.s32 $0x15B00;
	[sflag:s15] =	ssyncadd.s32 $0xFFFFEC00  }
0x23b: {  	[tilespmem:s21], [sflag:$0x2] =	stream.indirect.gather [hbm4b:s4+s18], $0x80, s22, s18, $0xb8;
	[tilespmem:$0x1D800] =	vst v63  }
0x23c: {  	_ =	swait.ge [sflag:s30], $0x1400  }
0x23d: {  	[sflag:s30] =	ssyncset.done $0x0  }
0x23e: {  	s24 =	simm.s32 $0x15928;
	[sflag:s30] =	ssyncadd.s32 $0xFFFFEC00  }
0x23f: {  	[spmem:s2] =	stream.indirect.scatter.add.f32 [tilespmem:s23], [sflag:$0x7], $0x80, s24, s18, $0xb8;
	[tilespmem:$0x1D800] =	vst v63  }
0x240: {  	_ =	swait.ge [sflag:s15], $0x1400  }
0x241: {  	[sflag:s15] =	ssyncset.done $0x0  }
0x242: {  	s13 =	simm.s32 $0x15B80;
	[sflag:s15] =	ssyncadd.s32 $0xFFFFEC00  }
0x243: {  	[tilespmem:s23], [sflag:$0x3] =	stream.indirect.gather [hbm4b:s4+s18], $0x80, s13, s18, $0xb8;
	[tilespmem:$0x1D800] =	vst v63  }
0x244: {  	_ =	swait.ge [sflag:s31], $0x1400  }
0x245: {  	[sflag:s31] =	ssyncset.done $0x0  }
0x246: {  	s20 =	simm.s32 $0x159A8;
	[sflag:s31] =	ssyncadd.s32 $0xFFFFEC00  }
0x247: {  	[spmem:s2] =	stream.indirect.scatter.add.f32 [tilespmem:s25], [sflag:$0x7], $0x80, s20, s18, $0xb8;
	[tilespmem:$0x1D800] =	vst v63  }
0x248: {  	_ =	swait.ge [sflag:s15], $0x1400  }
0x249: {  	[sflag:s15] =	ssyncset.done $0x0  }
0x24a: {  	s22 =	simm.s32 $0x15C00;
	[sflag:s15] =	ssyncadd.s32 $0xFFFFEC00  }
0x24b: {  	[tilespmem:s25], [sflag:$0x4] =	stream.indirect.gather [hbm4b:s4+s18], $0x80, s22, s18, $0xb8;
	[tilespmem:$0x1D800] =	vst v63  }
0x24c: {  	_ =	swait.ge [sflag:s1], $0x1400  }
0x24d: {  	[sflag:s1] =	ssyncset.done $0x0  }
0x24e: {  	s24 =	simm.s32 $0x15A28;
	[sflag:s1] =	ssyncadd.s32 $0xFFFFEC00  }
0x24f: {  	[spmem:s2] =	stream.indirect.scatter.add.f32 [tilespmem:s26], [sflag:$0x7], $0x80, s24, s18, $0xb8;
	[tilespmem:$0x1D800] =	vst v63  }
0x250: {  	_ =	swait.ge [sflag:s15], $0x1400  }
0x251: {  	s12 =	simm.s32 $0x280;
	s22 =	simm.s32 $0x1400;
	[sflag:s15] =	ssyncset.done $0x0  }
.LBB2_8:
0x252: {  	s24 =	sadd.s32 $0x15A00, s12  }
0x253: {  	[sflag:s15] =	ssyncadd.s32 $0xFFFFEC00;
	s20 =	smov.u32 s22;
	s13 =	sadd.s32 $0xA00, s22  }
0x254: {  	[tilespmem:s26], [sflag:$0x5] =	stream.indirect.gather [hbm4b:s4+s18], $0x80, s24, s18, $0xb8;
	[tilespmem:$0x1D800] =	vst v63  }
0x255: {  	p0 =	sne.s32 s22, $0x5000;
	_ =	swait.ge [sflag:s28], $0x1400  }
0x256: {  	[sflag:s28] =	ssyncset.done $0x0  }
0x257: {  	s22 =	sadd.s32 $0x15828, s12;
	[sflag:s28] =	ssyncadd.s32 $0xFFFFEC00  }
0x258: {  	[spmem:s2] =	stream.indirect.scatter.add.f32 [tilespmem:s19], [sflag:$0x7], $0x80, s22, s18, $0xb8;
	[tilespmem:$0x1D800] =	vst v63  }
0x259: {  	_ =	swait.ge [sflag:s15], $0x1400  }
0x25a: {  	[sflag:s15] =	ssyncset.done $0x0  }
0x25b: {  	s22 =	sadd.s32 $0x15A80, s12;
	[sflag:s15] =	ssyncadd.s32 $0xFFFFEC00  }
0x25c: {  	[tilespmem:s19], [sflag:$0x1] =	stream.indirect.gather [hbm4b:s4+s18], $0x80, s22, s18, $0xb8;
	[tilespmem:$0x1D800] =	vst v63  }
0x25d: {  	_ =	swait.ge [sflag:s29], $0x1400  }
0x25e: {  	[sflag:s29] =	ssyncset.done $0x0  }
0x25f: {  	s22 =	sadd.s32 $0x158A8, s12;
	[sflag:s29] =	ssyncadd.s32 $0xFFFFEC00  }
0x260: {  	[spmem:s2] =	stream.indirect.scatter.add.f32 [tilespmem:s21], [sflag:$0x7], $0x80, s22, s18, $0xb8;
	[tilespmem:$0x1D800] =	vst v63  }
0x261: {  	_ =	swait.ge [sflag:s15], $0x1400  }
0x262: {  	[sflag:s15] =	ssyncset.done $0x0  }
0x263: {  	s22 =	sadd.s32 $0x15B00, s12;
	[sflag:s15] =	ssyncadd.s32 $0xFFFFEC00  }
0x264: {  	[tilespmem:s21], [sflag:$0x2] =	stream.indirect.gather [hbm4b:s4+s18], $0x80, s22, s18, $0xb8;
	[tilespmem:$0x1D800] =	vst v63  }
0x265: {  	_ =	swait.ge [sflag:s30], $0x1400  }
0x266: {  	[sflag:s30] =	ssyncset.done $0x0  }
0x267: {  	s22 =	sadd.s32 $0x15928, s12;
	[sflag:s30] =	ssyncadd.s32 $0xFFFFEC00  }
0x268: {  	[spmem:s2] =	stream.indirect.scatter.add.f32 [tilespmem:s23], [sflag:$0x7], $0x80, s22, s18, $0xb8;
	[tilespmem:$0x1D800] =	vst v63  }
0x269: {  	_ =	swait.ge [sflag:s15], $0x1400  }
0x26a: {  	[sflag:s15] =	ssyncset.done $0x0  }
0x26b: {  	s22 =	sadd.s32 $0x15B80, s12;
	[sflag:s15] =	ssyncadd.s32 $0xFFFFEC00  }
0x26c: {  	[tilespmem:s23], [sflag:$0x3] =	stream.indirect.gather [hbm4b:s4+s18], $0x80, s22, s18, $0xb8;
	[tilespmem:$0x1D800] =	vst v63  }
0x26d: {  	_ =	swait.ge [sflag:s31], $0x1400  }
0x26e: {  	[sflag:s31] =	ssyncset.done $0x0  }
0x26f: {  	s22 =	sadd.s32 $0x159A8, s12;
	[sflag:s31] =	ssyncadd.s32 $0xFFFFEC00  }
0x270: {  	[spmem:s2] =	stream.indirect.scatter.add.f32 [tilespmem:s25], [sflag:$0x7], $0x80, s22, s18, $0xb8;
	[tilespmem:$0x1D800] =	vst v63  }
0x271: {  	_ =	swait.ge [sflag:s15], $0x1400  }
0x272: {  	[sflag:s15] =	ssyncset.done $0x0  }
0x273: {  	s22 =	sadd.s32 $0x15C00, s12;
	[sflag:s15] =	ssyncadd.s32 $0xFFFFEC00  }
0x274: {  	[tilespmem:s25], [sflag:$0x4] =	stream.indirect.gather [hbm4b:s4+s18], $0x80, s22, s18, $0xb8;
	[tilespmem:$0x1D800] =	vst v63  }
0x275: {  	_ =	swait.ge [sflag:s1], $0x1400  }
.Ltmp3:
0x276: {  	[sflag:s1] =	ssyncset.done $0x0;
	(pc) =	sbr.rel @p0 .LBB2_8-.Ltmp3, $4  }
0x277: {  	s12 =	sadd.s32 $0x15A28, s12;
	[sflag:s1] =	ssyncadd.s32 $0xFFFFEC00  }
0x278: {  	[spmem:s2] =	stream.indirect.scatter.add.f32 [tilespmem:s26], [sflag:$0x7], $0x80, s12, s18, $0xb8;
	[tilespmem:$0x1D800] =	vst v63  }
0x279: {  	_ =	swait.ge [sflag:s15], $0x1400  }
0x27a: {  	s22 =	smov.u32 s13;
	s12 =	sshra.s32 s20, $0x2;
	[sflag:s15] =	ssyncset.done $0x0  }
0x27b: {  	s13 =	sadd.s32 $0x15A00, s12;
	[sflag:s15] =	ssyncadd.s32 $0xFFFFEC00  }
0x27c: {  	[tilespmem:s26], [sflag:$0x5] =	stream.indirect.gather [hbm4b:s4+s18], $0x80, s13, s18, $0xb8;
	[tilespmem:$0x1D800] =	vst v63  }
0x27d: {  	_ =	swait.ge [sflag:s28], $0x1400  }
0x27e: {  	[sflag:s28] =	ssyncset.done $0x0  }
0x27f: {  	s22 =	sadd.s32 $0x15828, s12;
	[sflag:s28] =	ssyncadd.s32 $0xFFFFEC00  }
0x280: {  	[spmem:s2] =	stream.indirect.scatter.add.f32 [tilespmem:s19], [sflag:$0x7], $0x80, s22, s18, $0xb8;
	[tilespmem:$0x1D800] =	vst v63  }
0x281: {  	_ =	swait.ge [sflag:s15], $0x1400  }
0x282: {  	[sflag:s15] =	ssyncset.done $0x0  }
0x283: {  	s24 =	sadd.s32 $0x15A80, s12;
	[sflag:s15] =	ssyncadd.s32 $0xFFFFEC00  }
0x284: {  	[tilespmem:s19], [sflag:$0x1] =	stream.indirect.gather [hbm4b:s4+s18], $0x80, s24, s18, $0xb8;
	[tilespmem:$0x1D800] =	vst v63  }
0x285: {  	_ =	swait.ge [sflag:s29], $0x1400  }
0x286: {  	[sflag:s29] =	ssyncset.done $0x0  }
0x287: {  	s20 =	sadd.s32 $0x158A8, s12;
	[sflag:s29] =	ssyncadd.s32 $0xFFFFEC00  }
0x288: {  	[spmem:s2] =	stream.indirect.scatter.add.f32 [tilespmem:s21], [sflag:$0x7], $0x80, s20, s18, $0xb8;
	[tilespmem:$0x1D800] =	vst v63  }
0x289: {  	_ =	swait.ge [sflag:s15], $0x1400  }
0x28a: {  	[sflag:s15] =	ssyncset.done $0x0  }
0x28b: {  	s22 =	sadd.s32 $0x15B00, s12;
	[sflag:s15] =	ssyncadd.s32 $0xFFFFEC00  }
0x28c: {  	[tilespmem:s21], [sflag:$0x2] =	stream.indirect.gather [hbm4b:s4+s18], $0x80, s22, s18, $0xb8;
	[tilespmem:$0x1D800] =	vst v63  }
0x28d: {  	_ =	swait.ge [sflag:s30], $0x1400  }
0x28e: {  	[sflag:s30] =	ssyncset.done $0x0  }
0x28f: {  	s24 =	sadd.s32 $0x15928, s12;
	[sflag:s30] =	ssyncadd.s32 $0xFFFFEC00  }
0x290: {  	[spmem:s2] =	stream.indirect.scatter.add.f32 [tilespmem:s23], [sflag:$0x7], $0x80, s24, s18, $0xb8;
	[tilespmem:$0x1D800] =	vst v63  }
0x291: {  	_ =	swait.ge [sflag:s15], $0x1400  }
0x292: {  	[sflag:s15] =	ssyncset.done $0x0  }
0x293: {  	s20 =	sadd.s32 $0x15B80, s12;
	[sflag:s15] =	ssyncadd.s32 $0xFFFFEC00  }
0x294: {  	[tilespmem:s23], [sflag:$0x3] =	stream.indirect.gather [hbm4b:s4+s18], $0x80, s20, s18, $0xb8;
	[tilespmem:$0x1D800] =	vst v63  }
0x295: {  	_ =	swait.ge [sflag:s31], $0x1400  }
0x296: {  	[sflag:s31] =	ssyncset.done $0x0  }
0x297: {  	s22 =	sadd.s32 $0x159A8, s12;
	[sflag:s31] =	ssyncadd.s32 $0xFFFFEC00  }
0x298: {  	[spmem:s2] =	stream.indirect.scatter.add.f32 [tilespmem:s25], [sflag:$0x7], $0x80, s22, s18, $0xb8;
	[tilespmem:$0x1D800] =	vst v63  }
0x299: {  	_ =	swait.ge [sflag:s15], $0x1400  }
0x29a: {  	[sflag:s15] =	ssyncset.done $0x0  }
0x29b: {  	s24 =	sadd.s32 $0x15C00, s12;
	[sflag:s15] =	ssyncadd.s32 $0xFFFFEC00  }
0x29c: {  	[tilespmem:s25], [sflag:$0x4] =	stream.indirect.gather [hbm4b:s4+s18], $0x80, s24, s18, $0xb8;
	[tilespmem:$0x1D800] =	vst v63  }
0x29d: {  	_ =	swait.ge [sflag:s1], $0x1400  }
0x29e: {  	[sflag:s1] =	ssyncset.done $0x0  }
0x29f: {  	s13 =	sadd.s32 $0x15A28, s12;
	[sflag:s1] =	ssyncadd.s32 $0xFFFFEC00  }
0x2a0: {  	[spmem:s2] =	stream.indirect.scatter.add.f32 [tilespmem:s26], [sflag:$0x7], $0x80, s13, s18, $0xb8;
	[tilespmem:$0x1D800] =	vst v63  }
0x2a1: {  	_ =	swait.ge [sflag:s15], $0x1400  }
0x2a2: {  	[sflag:s15] =	ssyncset.done $0x0  }
0x2a3: {  	s20 =	simm.s32 $0x17080;
	[sflag:s15] =	ssyncadd.s32 $0xFFFFEC00  }
0x2a4: {  	[tilespmem:s26], [sflag:$0x5] =	stream.indirect.gather [hbm4b:s4+s18], $0x80, s20, s18, $0xb8;
	[tilespmem:$0x1D800] =	vst v63  }
0x2a5: {  	_ =	swait.ge [sflag:s28], $0x1400  }
0x2a6: {  	[sflag:s28] =	ssyncset.done $0x0  }
0x2a7: {  	s22 =	simm.s32 $0x16EA8;
	[sflag:s28] =	ssyncadd.s32 $0xFFFFEC00  }
0x2a8: {  	[spmem:s2] =	stream.indirect.scatter.add.f32 [tilespmem:s19], [sflag:$0x7], $0x80, s22, s18, $0xb8;
	[tilespmem:$0x1D800] =	vst v63  }
0x2a9: {  	_ =	swait.ge [sflag:s15], $0x1400  }
0x2aa: {  	[sflag:s15] =	ssyncset.done $0x0  }
0x2ab: {  	[sflag:s15] =	ssyncadd.s32 $0xFFFFEC00  }
0x2ac: {  	_ =	swait.ge [sflag:s29], $0x1400  }
0x2ad: {  	[sflag:s29] =	ssyncset.done $0x0  }
0x2ae: {  	s24 =	simm.s32 $0x16F28;
	[sflag:s29] =	ssyncadd.s32 $0xFFFFEC00  }
0x2af: {  	[spmem:s2] =	stream.indirect.scatter.add.f32 [tilespmem:s21], [sflag:$0x7], $0x80, s24, s18, $0xb8;
	[tilespmem:$0x1D800] =	vst v63  }
0x2b0: {  	_ =	swait.ge [sflag:s15], $0x1400  }
0x2b1: {  	[sflag:s15] =	ssyncset.done $0x0  }
0x2b2: {  	[sflag:s15] =	ssyncadd.s32 $0xFFFFEC00  }
0x2b3: {  	_ =	swait.ge [sflag:s30], $0x1400  }
0x2b4: {  	[sflag:s30] =	ssyncset.done $0x0  }
0x2b5: {  	s13 =	simm.s32 $0x16FA8;
	[sflag:s30] =	ssyncadd.s32 $0xFFFFEC00  }
0x2b6: {  	[spmem:s2] =	stream.indirect.scatter.add.f32 [tilespmem:s23], [sflag:$0x7], $0x80, s13, s18, $0xb8;
	[tilespmem:$0x1D800] =	vst v63  }
0x2b7: {  	_ =	swait.ge [sflag:s15], $0x1400  }
0x2b8: {  	[sflag:s15] =	ssyncset.done $0x0  }
0x2b9: {  	[sflag:s15] =	ssyncadd.s32 $0xFFFFEC00  }
0x2ba: {  	_ =	swait.ge [sflag:s31], $0x1400  }
0x2bb: {  	[sflag:s31] =	ssyncset.done $0x0  }
0x2bc: {  	s20 =	simm.s32 $0x17028;
	[sflag:s31] =	ssyncadd.s32 $0xFFFFEC00  }
0x2bd: {  	[spmem:s2] =	stream.indirect.scatter.add.f32 [tilespmem:s25], [sflag:$0x7], $0x80, s20, s18, $0xb8;
	[tilespmem:$0x1D800] =	vst v63  }
0x2be: {  	_ =	swait.ge [sflag:s15], $0x1400  }
0x2bf: {  	[sflag:s15] =	ssyncset.done $0x0  }
0x2c0: {  	[sflag:s15] =	ssyncadd.s32 $0xFFFFEC00  }
0x2c1: {  	_ =	swait.ge [sflag:s1], $0x1400  }
0x2c2: {  	[sflag:s1] =	ssyncset.done $0x0  }
0x2c3: {  	s22 =	simm.s32 $0x170A8;
	[sflag:s1] =	ssyncadd.s32 $0xFFFFEC00  }
0x2c4: {  	[spmem:s2] =	stream.indirect.scatter.add.f32 [tilespmem:s26], [sflag:$0x7], $0x80, s22, s18, $0xb8;
	[tilespmem:$0x1D800] =	vst v63  }
0x2c5: {  	_ =	swait.ge [sflag:s15], $0x1400  }
0x2c6: {  	[sflag:s15] =	ssyncset.done $0x0  }
0x2c7: {  	[sflag:s15] =	ssyncadd.s32 $0xFFFFEC00  }
0x2c8: {  	_ =	swait.ge [sflag:s10], $0x1900  }
0x2c9: {  	[sflag:s10] =	ssyncset.done $0x0  }
0x2ca: {  	[sflag:s10] =	ssyncadd.s32 $0xFFFFE700  }
0x2cb: {  	[tilespmem:s19], [sflag:$0x1] =	stream.indirect.gather [hbm4b:s4+s18], $0x80, s16, s18, $0xb8;
	[tilespmem:$0x1D800] =	vst v63  }
0x2cc: {  	s24 =	simm.s32 $0x13C80  }
0x2cd: {  	[tilespmem:s21], [sflag:$0x2] =	stream.indirect.gather [hbm4b:s4+s18], $0x80, s24, s18, $0xb8;
	[tilespmem:$0x1D800] =	vst v63  }
0x2ce: {  	s13 =	simm.s32 $0x13D00  }
0x2cf: {  	[tilespmem:s23], [sflag:$0x3] =	stream.indirect.gather [hbm4b:s4+s18], $0x80, s13, s18, $0xb8;
	[tilespmem:$0x1D800] =	vst v63  }
0x2d0: {  	s20 =	simm.s32 $0x13D80  }
0x2d1: {  	[tilespmem:s25], [sflag:$0x4] =	stream.indirect.gather [hbm4b:s4+s18], $0x80, s20, s18, $0xb8;
	[tilespmem:$0x1D800] =	vst v63  }
0x2d2: {  	s22 =	simm.s32 $0x13E00  }
0x2d3: {  	[tilespmem:s26], [sflag:$0x5] =	stream.indirect.gather [hbm4b:s4+s18], $0x80, s22, s18, $0xb8;
	[tilespmem:$0x1D800] =	vst v63  }
0x2d4: {  	_ =	swait.ge [sflag:s28], $0x1400  }
0x2d5: {  	[sflag:s28] =	ssyncset.done $0x0  }
0x2d6: {  	s24 =	simm.s32 $0x13C28;
	[sflag:s28] =	ssyncadd.s32 $0xFFFFEC00  }
0x2d7: {  	[spmem:s2] =	stream.indirect.scatter.add.f32 [tilespmem:s19], [sflag:$0x7], $0x80, s24, s18, $0xb8;
	[tilespmem:$0x1D800] =	vst v63  }
0x2d8: {  	_ =	swait.ge [sflag:s15], $0x1400  }
0x2d9: {  	[sflag:s15] =	ssyncset.done $0x0  }
0x2da: {  	s13 =	simm.s32 $0x13E80;
	[sflag:s15] =	ssyncadd.s32 $0xFFFFEC00  }
0x2db: {  	[tilespmem:s19], [sflag:$0x1] =	stream.indirect.gather [hbm4b:s4+s18], $0x80, s13, s18, $0xb8;
	[tilespmem:$0x1D800] =	vst v63  }
0x2dc: {  	_ =	swait.ge [sflag:s29], $0x1400  }
0x2dd: {  	[sflag:s29] =	ssyncset.done $0x0  }
0x2de: {  	s20 =	simm.s32 $0x13CA8;
	[sflag:s29] =	ssyncadd.s32 $0xFFFFEC00  }
0x2df: {  	[spmem:s2] =	stream.indirect.scatter.add.f32 [tilespmem:s21], [sflag:$0x7], $0x80, s20, s18, $0xb8;
	[tilespmem:$0x1D800] =	vst v63  }
0x2e0: {  	_ =	swait.ge [sflag:s15], $0x1400  }
0x2e1: {  	[sflag:s15] =	ssyncset.done $0x0  }
0x2e2: {  	s22 =	simm.s32 $0x13F00;
	[sflag:s15] =	ssyncadd.s32 $0xFFFFEC00  }
0x2e3: {  	[tilespmem:s21], [sflag:$0x2] =	stream.indirect.gather [hbm4b:s4+s18], $0x80, s22, s18, $0xb8;
	[tilespmem:$0x1D800] =	vst v63  }
0x2e4: {  	_ =	swait.ge [sflag:s30], $0x1400  }
0x2e5: {  	[sflag:s30] =	ssyncset.done $0x0  }
0x2e6: {  	s24 =	simm.s32 $0x13D28;
	[sflag:s30] =	ssyncadd.s32 $0xFFFFEC00  }
0x2e7: {  	[spmem:s2] =	stream.indirect.scatter.add.f32 [tilespmem:s23], [sflag:$0x7], $0x80, s24, s18, $0xb8;
	[tilespmem:$0x1D800] =	vst v63  }
0x2e8: {  	_ =	swait.ge [sflag:s15], $0x1400  }
0x2e9: {  	[sflag:s15] =	ssyncset.done $0x0  }
0x2ea: {  	s13 =	simm.s32 $0x13F80;
	[sflag:s15] =	ssyncadd.s32 $0xFFFFEC00  }
0x2eb: {  	[tilespmem:s23], [sflag:$0x3] =	stream.indirect.gather [hbm4b:s4+s18], $0x80, s13, s18, $0xb8;
	[tilespmem:$0x1D800] =	vst v63  }
0x2ec: {  	_ =	swait.ge [sflag:s31], $0x1400  }
0x2ed: {  	[sflag:s31] =	ssyncset.done $0x0  }
0x2ee: {  	s20 =	simm.s32 $0x13DA8;
	[sflag:s31] =	ssyncadd.s32 $0xFFFFEC00  }
0x2ef: {  	[spmem:s2] =	stream.indirect.scatter.add.f32 [tilespmem:s25], [sflag:$0x7], $0x80, s20, s18, $0xb8;
	[tilespmem:$0x1D800] =	vst v63  }
0x2f0: {  	_ =	swait.ge [sflag:s15], $0x1400  }
0x2f1: {  	[sflag:s15] =	ssyncset.done $0x0  }
0x2f2: {  	s22 =	simm.s32 $0x14000;
	[sflag:s15] =	ssyncadd.s32 $0xFFFFEC00  }
0x2f3: {  	[tilespmem:s25], [sflag:$0x4] =	stream.indirect.gather [hbm4b:s4+s18], $0x80, s22, s18, $0xb8;
	[tilespmem:$0x1D800] =	vst v63  }
0x2f4: {  	_ =	swait.ge [sflag:s1], $0x1400  }
0x2f5: {  	[sflag:s1] =	ssyncset.done $0x0  }
0x2f6: {  	s24 =	simm.s32 $0x13E28;
	[sflag:s1] =	ssyncadd.s32 $0xFFFFEC00  }
0x2f7: {  	[spmem:s2] =	stream.indirect.scatter.add.f32 [tilespmem:s26], [sflag:$0x7], $0x80, s24, s18, $0xb8;
	[tilespmem:$0x1D800] =	vst v63  }
0x2f8: {  	_ =	swait.ge [sflag:s15], $0x1400  }
0x2f9: {  	s12 =	simm.s32 $0x280;
	s22 =	simm.s32 $0x1400;
	[sflag:s15] =	ssyncset.done $0x0  }
.LBB2_10:
0x2fa: {  	s24 =	sadd.s32 $0x13E00, s12  }
0x2fb: {  	[sflag:s15] =	ssyncadd.s32 $0xFFFFEC00;
	s20 =	smov.u32 s22;
	s13 =	sadd.s32 $0xA00, s22  }
0x2fc: {  	[tilespmem:s26], [sflag:$0x5] =	stream.indirect.gather [hbm4b:s4+s18], $0x80, s24, s18, $0xb8;
	[tilespmem:$0x1D800] =	vst v63  }
0x2fd: {  	p0 =	sne.s32 s22, $0x5000;
	_ =	swait.ge [sflag:s28], $0x1400  }
0x2fe: {  	[sflag:s28] =	ssyncset.done $0x0  }
0x2ff: {  	s22 =	sadd.s32 $0x13C28, s12;
	[sflag:s28] =	ssyncadd.s32 $0xFFFFEC00  }
0x300: {  	[spmem:s2] =	stream.indirect.scatter.add.f32 [tilespmem:s19], [sflag:$0x7], $0x80, s22, s18, $0xb8;
	[tilespmem:$0x1D800] =	vst v63  }
0x301: {  	_ =	swait.ge [sflag:s15], $0x1400  }
0x302: {  	[sflag:s15] =	ssyncset.done $0x0  }
0x303: {  	s22 =	sadd.s32 $0x13E80, s12;
	[sflag:s15] =	ssyncadd.s32 $0xFFFFEC00  }
0x304: {  	[tilespmem:s19], [sflag:$0x1] =	stream.indirect.gather [hbm4b:s4+s18], $0x80, s22, s18, $0xb8;
	[tilespmem:$0x1D800] =	vst v63  }
0x305: {  	_ =	swait.ge [sflag:s29], $0x1400  }
0x306: {  	[sflag:s29] =	ssyncset.done $0x0  }
0x307: {  	s22 =	sadd.s32 $0x13CA8, s12;
	[sflag:s29] =	ssyncadd.s32 $0xFFFFEC00  }
0x308: {  	[spmem:s2] =	stream.indirect.scatter.add.f32 [tilespmem:s21], [sflag:$0x7], $0x80, s22, s18, $0xb8;
	[tilespmem:$0x1D800] =	vst v63  }
0x309: {  	_ =	swait.ge [sflag:s15], $0x1400  }
0x30a: {  	[sflag:s15] =	ssyncset.done $0x0  }
0x30b: {  	s22 =	sadd.s32 $0x13F00, s12;
	[sflag:s15] =	ssyncadd.s32 $0xFFFFEC00  }
0x30c: {  	[tilespmem:s21], [sflag:$0x2] =	stream.indirect.gather [hbm4b:s4+s18], $0x80, s22, s18, $0xb8;
	[tilespmem:$0x1D800] =	vst v63  }
0x30d: {  	_ =	swait.ge [sflag:s30], $0x1400  }
0x30e: {  	[sflag:s30] =	ssyncset.done $0x0  }
0x30f: {  	s22 =	sadd.s32 $0x13D28, s12;
	[sflag:s30] =	ssyncadd.s32 $0xFFFFEC00  }
0x310: {  	[spmem:s2] =	stream.indirect.scatter.add.f32 [tilespmem:s23], [sflag:$0x7], $0x80, s22, s18, $0xb8;
	[tilespmem:$0x1D800] =	vst v63  }
0x311: {  	_ =	swait.ge [sflag:s15], $0x1400  }
0x312: {  	[sflag:s15] =	ssyncset.done $0x0  }
0x313: {  	s22 =	sadd.s32 $0x13F80, s12;
	[sflag:s15] =	ssyncadd.s32 $0xFFFFEC00  }
0x314: {  	[tilespmem:s23], [sflag:$0x3] =	stream.indirect.gather [hbm4b:s4+s18], $0x80, s22, s18, $0xb8;
	[tilespmem:$0x1D800] =	vst v63  }
0x315: {  	_ =	swait.ge [sflag:s31], $0x1400  }
0x316: {  	[sflag:s31] =	ssyncset.done $0x0  }
0x317: {  	s22 =	sadd.s32 $0x13DA8, s12;
	[sflag:s31] =	ssyncadd.s32 $0xFFFFEC00  }
0x318: {  	[spmem:s2] =	stream.indirect.scatter.add.f32 [tilespmem:s25], [sflag:$0x7], $0x80, s22, s18, $0xb8;
	[tilespmem:$0x1D800] =	vst v63  }
0x319: {  	_ =	swait.ge [sflag:s15], $0x1400  }
0x31a: {  	[sflag:s15] =	ssyncset.done $0x0  }
0x31b: {  	s22 =	sadd.s32 $0x14000, s12;
	[sflag:s15] =	ssyncadd.s32 $0xFFFFEC00  }
0x31c: {  	[tilespmem:s25], [sflag:$0x4] =	stream.indirect.gather [hbm4b:s4+s18], $0x80, s22, s18, $0xb8;
	[tilespmem:$0x1D800] =	vst v63  }
0x31d: {  	_ =	swait.ge [sflag:s1], $0x1400  }
.Ltmp4:
0x31e: {  	[sflag:s1] =	ssyncset.done $0x0;
	(pc) =	sbr.rel @p0 .LBB2_10-.Ltmp4, $4  }
0x31f: {  	s12 =	sadd.s32 $0x13E28, s12;
	[sflag:s1] =	ssyncadd.s32 $0xFFFFEC00  }
0x320: {  	[spmem:s2] =	stream.indirect.scatter.add.f32 [tilespmem:s26], [sflag:$0x7], $0x80, s12, s18, $0xb8;
	[tilespmem:$0x1D800] =	vst v63  }
0x321: {  	_ =	swait.ge [sflag:s15], $0x1400  }
0x322: {  	s22 =	smov.u32 s13;
	s12 =	sshra.s32 s20, $0x2;
	[sflag:s15] =	ssyncset.done $0x0  }
0x323: {  	s13 =	sadd.s32 $0x13E00, s12;
	[sflag:s15] =	ssyncadd.s32 $0xFFFFEC00  }
0x324: {  	[tilespmem:s26], [sflag:$0x5] =	stream.indirect.gather [hbm4b:s4+s18], $0x80, s13, s18, $0xb8;
	[tilespmem:$0x1D800] =	vst v63  }
0x325: {  	_ =	swait.ge [sflag:s28], $0x1400  }
0x326: {  	[sflag:s28] =	ssyncset.done $0x0  }
0x327: {  	s22 =	sadd.s32 $0x13C28, s12;
	[sflag:s28] =	ssyncadd.s32 $0xFFFFEC00  }
0x328: {  	[spmem:s2] =	stream.indirect.scatter.add.f32 [tilespmem:s19], [sflag:$0x7], $0x80, s22, s18, $0xb8;
	[tilespmem:$0x1D800] =	vst v63  }
0x329: {  	_ =	swait.ge [sflag:s15], $0x1400  }
0x32a: {  	[sflag:s15] =	ssyncset.done $0x0  }
0x32b: {  	s24 =	sadd.s32 $0x13E80, s12;
	[sflag:s15] =	ssyncadd.s32 $0xFFFFEC00  }
0x32c: {  	[tilespmem:s19], [sflag:$0x1] =	stream.indirect.gather [hbm4b:s4+s18], $0x80, s24, s18, $0xb8;
	[tilespmem:$0x1D800] =	vst v63  }
0x32d: {  	_ =	swait.ge [sflag:s29], $0x1400  }
0x32e: {  	[sflag:s29] =	ssyncset.done $0x0  }
0x32f: {  	s20 =	sadd.s32 $0x13CA8, s12;
	[sflag:s29] =	ssyncadd.s32 $0xFFFFEC00  }
0x330: {  	[spmem:s2] =	stream.indirect.scatter.add.f32 [tilespmem:s21], [sflag:$0x7], $0x80, s20, s18, $0xb8;
	[tilespmem:$0x1D800] =	vst v63  }
0x331: {  	_ =	swait.ge [sflag:s15], $0x1400  }
0x332: {  	[sflag:s15] =	ssyncset.done $0x0  }
0x333: {  	s22 =	sadd.s32 $0x13F00, s12;
	[sflag:s15] =	ssyncadd.s32 $0xFFFFEC00  }
0x334: {  	[tilespmem:s21], [sflag:$0x2] =	stream.indirect.gather [hbm4b:s4+s18], $0x80, s22, s18, $0xb8;
	[tilespmem:$0x1D800] =	vst v63  }
0x335: {  	_ =	swait.ge [sflag:s30], $0x1400  }
0x336: {  	[sflag:s30] =	ssyncset.done $0x0  }
0x337: {  	s24 =	sadd.s32 $0x13D28, s12;
	[sflag:s30] =	ssyncadd.s32 $0xFFFFEC00  }
0x338: {  	[spmem:s2] =	stream.indirect.scatter.add.f32 [tilespmem:s23], [sflag:$0x7], $0x80, s24, s18, $0xb8;
	[tilespmem:$0x1D800] =	vst v63  }
0x339: {  	_ =	swait.ge [sflag:s15], $0x1400  }
0x33a: {  	[sflag:s15] =	ssyncset.done $0x0  }
0x33b: {  	s20 =	sadd.s32 $0x13F80, s12;
	[sflag:s15] =	ssyncadd.s32 $0xFFFFEC00  }
0x33c: {  	[tilespmem:s23], [sflag:$0x3] =	stream.indirect.gather [hbm4b:s4+s18], $0x80, s20, s18, $0xb8;
	[tilespmem:$0x1D800] =	vst v63  }
0x33d: {  	_ =	swait.ge [sflag:s31], $0x1400  }
0x33e: {  	[sflag:s31] =	ssyncset.done $0x0  }
0x33f: {  	s22 =	sadd.s32 $0x13DA8, s12;
	[sflag:s31] =	ssyncadd.s32 $0xFFFFEC00  }
0x340: {  	[spmem:s2] =	stream.indirect.scatter.add.f32 [tilespmem:s25], [sflag:$0x7], $0x80, s22, s18, $0xb8;
	[tilespmem:$0x1D800] =	vst v63  }
0x341: {  	_ =	swait.ge [sflag:s15], $0x1400  }
0x342: {  	[sflag:s15] =	ssyncset.done $0x0  }
0x343: {  	s24 =	sadd.s32 $0x14000, s12;
	[sflag:s15] =	ssyncadd.s32 $0xFFFFEC00  }
0x344: {  	[tilespmem:s25], [sflag:$0x4] =	stream.indirect.gather [hbm4b:s4+s18], $0x80, s24, s18, $0xb8;
	[tilespmem:$0x1D800] =	vst v63  }
0x345: {  	_ =	swait.ge [sflag:s1], $0x1400  }
0x346: {  	[sflag:s1] =	ssyncset.done $0x0  }
0x347: {  	s20 =	sadd.s32 $0x13E28, s12;
	[sflag:s1] =	ssyncadd.s32 $0xFFFFEC00  }
0x348: {  	[spmem:s2] =	stream.indirect.scatter.add.f32 [tilespmem:s26], [sflag:$0x7], $0x80, s20, s18, $0xb8;
	[tilespmem:$0x1D800] =	vst v63  }
0x349: {  	_ =	swait.ge [sflag:s15], $0x1400  }
0x34a: {  	[sflag:s15] =	ssyncset.done $0x0  }
0x34b: {  	[sflag:s15] =	ssyncadd.s32 $0xFFFFEC00  }
0x34c: {  	[tilespmem:s26], [sflag:$0x5] =	stream.indirect.gather [hbm4b:s4+s18], $0x80, s0, s18, $0xb8;
	[tilespmem:$0x1D800] =	vst v63  }
0x34d: {  	_ =	swait.ge [sflag:s28], $0x1400  }
0x34e: {  	[sflag:s28] =	ssyncset.done $0x0  }
0x34f: {  	[sflag:s28] =	ssyncadd.s32 $0xFFFFEC00  }
0x350: {  	[spmem:s2] =	stream.indirect.scatter.add.f32 [tilespmem:s19], [sflag:$0x7], $0x80, s3, s18, $0xb8;
	[tilespmem:$0x1D800] =	vst v63  }
0x351: {  	_ =	swait.ge [sflag:s15], $0x1400  }
0x352: {  	[sflag:s15] =	ssyncset.done $0x0  }
0x353: {  	[sflag:s15] =	ssyncadd.s32 $0xFFFFEC00  }
0x354: {  	_ =	swait.ge [sflag:s29], $0x1400  }
0x355: {  	[sflag:s29] =	ssyncset.done $0x0  }
0x356: {  	[sflag:s29] =	ssyncadd.s32 $0xFFFFEC00  }
0x357: {  	[spmem:s2] =	stream.indirect.scatter.add.f32 [tilespmem:s21], [sflag:$0x7], $0x80, s5, s18, $0xb8;
	[tilespmem:$0x1D800] =	vst v63  }
0x358: {  	_ =	swait.ge [sflag:s15], $0x1400  }
0x359: {  	[sflag:s15] =	ssyncset.done $0x0  }
0x35a: {  	[sflag:s15] =	ssyncadd.s32 $0xFFFFEC00  }
0x35b: {  	_ =	swait.ge [sflag:s30], $0x1400  }
0x35c: {  	[sflag:s30] =	ssyncset.done $0x0  }
0x35d: {  	[sflag:s30] =	ssyncadd.s32 $0xFFFFEC00  }
0x35e: {  	[spmem:s2] =	stream.indirect.scatter.add.f32 [tilespmem:s23], [sflag:$0x7], $0x80, s7, s18, $0xb8;
	[tilespmem:$0x1D800] =	vst v63  }
0x35f: {  	_ =	swait.ge [sflag:s15], $0x1400  }
0x360: {  	[sflag:s15] =	ssyncset.done $0x0  }
0x361: {  	[sflag:s15] =	ssyncadd.s32 $0xFFFFEC00  }
0x362: {  	_ =	swait.ge [sflag:s31], $0x1400  }
0x363: {  	[sflag:s31] =	ssyncset.done $0x0  }
0x364: {  	[sflag:s31] =	ssyncadd.s32 $0xFFFFEC00  }
0x365: {  	[spmem:s2] =	stream.indirect.scatter.add.f32 [tilespmem:s25], [sflag:$0x7], $0x80, s8, s18, $0xb8;
	[tilespmem:$0x1D800] =	vst v63  }
0x366: {  	_ =	swait.ge [sflag:s15], $0x1400  }
0x367: {  	[sflag:s15] =	ssyncset.done $0x0  }
0x368: {  	[sflag:s15] =	ssyncadd.s32 $0xFFFFEC00  }
0x369: {  	_ =	swait.ge [sflag:s1], $0x1400  }
0x36a: {  	[sflag:s1] =	ssyncset.done $0x0  }
0x36b: {  	[sflag:s1] =	ssyncadd.s32 $0xFFFFEC00  }
0x36c: {  	[spmem:s2] =	stream.indirect.scatter.add.f32 [tilespmem:s26], [sflag:$0x7], $0x80, s9, s18, $0xb8;
	[tilespmem:$0x1D800] =	vst v63  }
0x36d: {  	_ =	swait.ge [sflag:s15], $0x1400  }
0x36e: {  	[sflag:s15] =	ssyncset.done $0x0  }
0x36f: {  	[sflag:s15] =	ssyncadd.s32 $0xFFFFEC00  }
0x370: {  	[bflag:$0x0] =	sbarrier.arrive $0xFFFF  }
0x371: {  	s22 =	rddreg [dreg:$0x9]  }
0x372: {  	[hbm:s22], [sflag:s6] =	dma.local [spmem:s14], $0x2780  }
0x373: {  	_ =	swait.ge [sflag:s15], $0x2780  }
0x374: {  	s11 =	sadd.s32 $0x1, s11;
	s24 =	rddreg [dreg:$0xa]  }
0x375: {  	p0 =	sne.s32 s11, s24  }
.Ltmp5:
0x376: {  	_ = 	snop;
	(pc) =	sbr.rel @p0 .LBB2_1-.Ltmp5, $3  }
0x377: {  	_ =	sdelay $0x1  }
0x378: {  	[sflag:s15] =	ssyncset.done $0x0  }
0x379: {  	[sflag:s15] =	ssyncadd.s32 $0xFFFFD880  }
0x37a: {  	_ =	sfence.sel $0x180000  }
0x37b: {  	[bflag:$0x0] =	sbarrier.arrive $0xFFFF  }
0x37c: {  	_ =	strace $0x9000004A  }
0x37d: {  	s0 =	stileid.u32;
	[bflag:$0x2] =	sbarrier.arrive $0xFFFF  }
0x37e: {  	p0 =	sne.s32 s0, $0x0;
	s0 =	rddreg [dreg:$0x2]  }
0x37f: {  	s0 =	sadd.s32 @!p0 $0x100000, s0  }
0x380: {  	[sflag:s0] =	ssyncadd.tile.s32 @!p0 $0x1;
	_ =	shalt  }
.Lfunc_end2:
_tile_overlayer_lowered:
.L_overlay_start_2:
0x381: {  	(tag) =	ssettag $0x2  }
0x382: {  	s0 =	rddreg [dreg:$0x0];
	s2 =	stileid.u32  }
0x383: {  	s1 =	rddreg [dreg:$0x1];
	p0 =	sne.s32 s2, $0x0  }
0x384: {  	s3 =	rddreg [dreg:$0x2];
	[bflag:$0x3] =	sbarrier.arrive $0xFFFF;
	s2 =	simm.s32 @!p0 $0x1C07  }
0x385: {  	[timem:s3], [sflag:s2] =	dma.local @!p0 [hbm:s0], s1  }
0x386: {  	s0 =	simm.s32 @!p0 $0x7  }
0x387: {  	_ =	swait.ge @!p0 [sflag:s0], s1  }
0x388: {  	s1 =	ssub.s32 @!p0 $0x0, s1;
	[sflag:s0] =	ssyncset.done @!p0 $0x0  }
0x389: {  	[sflag:s0] =	ssyncadd.s32 @!p0 s1  }
0x38a: {  	[bflag:$0x3] =	sbarrier.arrive $0xFFFF  }
0x38b: {  	_ =	shalt  }

</sc_bundles>
